<compile_context>
chip_gen: v7x
topology: tpu7x:2x2x1
jax: 0.10.2.dev20260603
libtpu: 0.0.44.dev20260713+nightly
codegen_flags: <defaults>
</compile_context>

<pallas_src>
import functools

import jax
import jax.numpy as jnp
from jax import lax
from jax.experimental import pallas as pl
from jax.experimental.pallas import tpu as pltpu
from jax.experimental.pallas import tpu_sc as plsc

R = 128
N = 32768
K = 512
L = 16
NC = 2
NS = 16
NW = NC * NS
ROWS_PER_W = R // NW

SAMPLE_STRIDE = 16
NSAMP = N // L // SAMPLE_STRIDE
KK_SAMP = 64
KEY_NEG_INF = -2139095041

_I32 = jnp.int32
_MAXPOS = 0x7FFFFFFF


def _lanes():
    return lax.iota(_I32, L)


def _scalar(v, i=0):
    return jax.lax.squeeze(jax.lax.slice(v, (i,), (i + 1,)), (0,))


def _popcnt(mask):
    return _scalar(plsc.all_reduce_population_count(mask))


def _bits_to_key(u):
    return jnp.where(u < 0, u ^ _MAXPOS, u)


def _to_key(x_f32):
    return _bits_to_key(plsc.bitcast(x_f32, _I32))


def _from_key(s):
    u = jnp.where(s < 0, s ^ _MAXPOS, s)
    return plsc.bitcast(u, jnp.float32)


def _zero_range(ref, nbins):
    @plsc.parallel_loop(0, nbins // L, step=1, unroll=8)
    def _(i):
        ref[pl.ds(i * L, L)] = jnp.zeros((L,), _I32)


def _find_bin(hist, nbins, kk, start_bin):
    lanes = _lanes()
    j0 = (nbins - 1 - start_bin) // L

    def cond(carry):
        j, found, bsel, nab, tot = carry
        return (found == 0) & (j < nbins // L)

    def body(carry):
        j, found, bsel, nab, tot = carry
        base = nbins - (j + 1) * L
        h = hist[pl.ds(base, L)]
        hr = lax.rev(h, (0,))
        c = plsc.cumsum(hr)
        cross = (tot + c) >= kk
        anyc = _popcnt(cross)
        lane = _scalar(plsc.all_reduce_ffs(cross))
        exl = c - hr
        nab_c = tot + jnp.sum(jnp.where(lanes == lane, exl, 0))
        bin_at = base + (L - 1) - lane
        upd = anyc > 0
        bsel = jnp.where(upd, bin_at, bsel)
        nab = jnp.where(upd, nab_c, nab)
        found = jnp.where(upd, 1, 0)
        tot = tot + _scalar(c, L - 1)
        return (j + 1, found, bsel, nab, tot)

    init = (j0, jnp.int32(0), jnp.int32(0), jnp.int32(0), jnp.int32(0))
    _, _, bsel, nab, _ = lax.while_loop(cond, body, init)
    return bsel, nab


def _hist_pass(src, hist, m, shift, mask_bits, convert, bias=0):
    lanes = _lanes()
    nv = (m + (L - 1)) // L

    def body(i, dmax):
        s = src[pl.ds(i * L, L)]
        if convert:
            s = _bits_to_key(s)
        valid = (i * L + lanes) < m
        if bias != 0:
            d = jnp.right_shift(s, shift) + bias
        elif shift != 0:
            d = jnp.right_shift(s, shift) & mask_bits
        else:
            d = s & mask_bits
        cnt, last = plsc.scan_count(d, mask=valid)
        plsc.addupdate_scatter(hist, [d], cnt, mask=last)
        return jnp.maximum(dmax, jnp.where(valid, d, 0))

    dmax = lax.fori_loop(0, nv, body, jnp.zeros((L,), _I32))
    return jnp.max(dmax)


def _split(buf, dbuf, m, d_off, shift, mask_bits, bsel, convert):
    lanes = _lanes()
    nv = (m + (L - 1)) // L

    @plsc.parallel_loop(0, nv, step=1, unroll=4,
                        carry=(d_off, jnp.int32(0)))
    def body(i, carry):
        doff, toff = carry
        s = buf[pl.ds(i * L, L)]
        if convert:
            s = _bits_to_key(s)
        valid = (i * L + lanes) < m
        if mask_bits is None:
            d = jnp.right_shift(s, shift)
        elif shift == 0:
            d = s & mask_bits
        else:
            d = jnp.right_shift(s, shift) & mask_bits
        m_gt = valid & (d > bsel)
        m_eq = valid & (d == bsel)
        plsc.store_compressed(dbuf.at[pl.ds(doff, L)], s, mask=m_gt)
        plsc.store_compressed(buf.at[pl.ds(toff, L)], s, mask=m_eq)
        return (doff + _popcnt(m_gt), toff + _popcnt(m_eq))

    d_off, n_eq = body
    return d_off, n_eq


def _make_kernel():
    mesh = plsc.VectorSubcoreMesh(core_axis_name="c", subcore_axis_name="s",
                                  num_cores=NC, num_subcores=NS)

    @functools.partial(
        pl.kernel,
        out_type=jax.ShapeDtypeStruct((R, K), jnp.float32),
        mesh=mesh,
        scratch_types=[
            pltpu.VMEM((N,), jnp.float32),
            pltpu.VMEM((N + L,), _I32),
            pltpu.VMEM((2048,), _I32),
            pltpu.VMEM((4 * 256,), _I32),
            pltpu.VMEM((4 * (K + L),), _I32),
            pltpu.VMEM((4 * (K + L),), _I32),
            pltpu.VMEM((4 * K,), jnp.float32),
        ],
        compiler_params=pltpu.CompilerParams(needs_layout_passes=False),
    )
    def topk_kernel(in_hbm, out_hbm, row_v, bufF, hist, offs, dD, dD2, out_f):
        wid = lax.axis_index("c") * NS + lax.axis_index("s")
        lanes = _lanes()

        DSTRIDE = K + L

        def do_row(rr, carry):
            r = wid * ROWS_PER_W + rr
            d_base = rr * DSTRIDE
            pltpu.sync_copy(in_hbm.at[r], row_v)

            _zero_range(hist, 2048)

            def samp(i, smax):
                x = row_v[pl.ds(i * (L * SAMPLE_STRIDE) + (i & 15) * L, L)]
                s = _to_key(x)
                b = jnp.right_shift(s, 21) + 1024
                cnt, last = plsc.scan_count(b)
                plsc.addupdate_scatter(hist, [b], cnt, mask=last)
                return jnp.maximum(smax, s)

            smax = lax.fori_loop(0, NSAMP, samp,
                                 jnp.full((L,), -0x80000000, _I32), unroll=8)
            maxbin = jnp.right_shift(jnp.max(smax), 21) + 1024
            bs, _ = _find_bin(hist, 2048, jnp.int32(KK_SAMP), maxbin)
            losel = jnp.maximum(lax.shift_left(bs - 1024, 21),
                                jnp.int32(KEY_NEG_INF))
            pivot = _from_key(jnp.full((L,), 1, _I32) * losel)

            @plsc.parallel_loop(0, N // L, step=1, unroll=8,
                                carry=jnp.int32(0))
            def ext(i, off):
                x = row_v[pl.ds(i * L, L)]
                msk = x >= pivot
                plsc.store_compressed(bufF.at[pl.ds(off, L)],
                                      plsc.bitcast(x, _I32), mask=msk)
                return off + _popcnt(msk)

            m1 = ext

            @pl.when(m1 < K)
            def _():
                @plsc.parallel_loop(0, N // L, step=1, unroll=8)
                def _(i):
                    bufF[pl.ds(i * L, L)] = plsc.bitcast(
                        row_v[pl.ds(i * L, L)], _I32)

            m1 = jnp.where(m1 < K, jnp.int32(N), m1)

            _zero_range(hist, 2048)
            dmax1 = _hist_pass(bufF, hist, m1, 21, None, True, bias=1024)
            b1, _ = _find_bin(hist, 2048, jnp.int32(K), dmax1)
            d_off, mt2 = _split(bufF, dD, m1, d_base, 21, None,
                                b1 - 1024, True)

            k2 = jnp.int32(K) - (d_off - d_base)
            _zero_range(hist, 2048)
            dmax2 = _hist_pass(bufF, hist, mt2, 10, 0x7FF, False)
            b2, _ = _find_bin(hist, 2048, k2, dmax2)
            d_off, mt3 = _split(bufF, dD, mt2, d_off, 10, 0x7FF, b2, False)

            k3 = jnp.int32(K) - (d_off - d_base)
            _zero_range(hist, 1024)
            dmax3 = _hist_pass(bufF, hist, mt3, 0, 0x3FF, False)
            b3, _ = _find_bin(hist, 1024, k3, dmax3)
            d_off, _ = _split(bufF, dD, mt3, d_off, 0, 0x3FF, b3, False)

            k4 = jnp.int32(K) - (d_off - d_base)
            tied = jnp.broadcast_to(_scalar(bufF[pl.ds(0, L)]), (L,))

            def fill(j, off):
                mfill = lanes < (k4 - j * L)
                plsc.store_compressed(dD.at[pl.ds(off, L)], tied, mask=mfill)
                return off + _popcnt(mfill)

            lax.fori_loop(0, (k4 + (L - 1)) // L, fill, d_off)
            return carry

        lax.fori_loop(0, ROWS_PER_W, do_row, 0)

        def radix_pass(src, dst, shift, signed_top):
            _zero_range(hist, 4 * 256)

            def digit(s):
                if signed_top:
                    return jnp.right_shift(s, shift) + 128
                return jnp.right_shift(s, shift) & 0xFF

            def hb(i, c):
                for rr in range(ROWS_PER_W):
                    s = src[pl.ds(rr * DSTRIDE + i * L, L)]
                    d = digit(s) + rr * 256
                    cnt, last = plsc.scan_count(d)
                    plsc.addupdate_scatter(hist, [d], cnt, mask=last)
                return c

            lax.fori_loop(0, K // L, hb, 0, unroll=2)

            def sb(j, tots):
                new = []
                for rr in range(ROWS_PER_W):
                    base = rr * 256 + 256 - (j + 1) * L
                    h = hist[pl.ds(base, L)]
                    hr = lax.rev(h, (0,))
                    exl = tots[rr] + plsc.cumsum(hr) - hr
                    offs[pl.ds(base, L)] = lax.rev(exl, (0,)) + rr * DSTRIDE
                    new.append(tots[rr] + jnp.sum(h))
                return tuple(new)

            lax.fori_loop(0, 256 // L, sb, (jnp.int32(0),) * ROWS_PER_W)

            def pb(i, c):
                for rr in range(ROWS_PER_W):
                    s = src[pl.ds(rr * DSTRIDE + i * L, L)]
                    d = digit(s) + rr * 256
                    cnt, last = plsc.scan_count(d)
                    base = plsc.load_gather(offs, [d])
                    pos = base + cnt - 1
                    plsc.store_scatter(dst, [pos], s)
                    plsc.addupdate_scatter(offs, [d], cnt, mask=last)
                return c

            lax.fori_loop(0, K // L, pb, 0, unroll=2)

        radix_pass(dD, dD2, 0, False)
        radix_pass(dD2, dD, 8, False)
        radix_pass(dD, dD2, 16, False)
        radix_pass(dD2, dD, 24, True)

        @plsc.parallel_loop(0, ROWS_PER_W * (K // L), step=1, unroll=8)
        def _(i):
            src_off = (i + i // (K // L)) * L
            out_f[pl.ds(i * L, L)] = _from_key(dD[pl.ds(src_off, L)])

        for rr in range(ROWS_PER_W):
            pltpu.sync_copy(out_f.at[pl.ds(rr * K, K)],
                            out_hbm.at[wid * ROWS_PER_W + rr])

    return topk_kernel


def kernel(input):
    return _make_kernel()(input)

# --- scband reference (transcript-rebuilt; emitter-appended) ---
"""Pipeline reference for scband-kmax-pooling-54382875902078 (READ-ONLY COPY).

The authoritative reference and input builder live on the scoring server;
editing this copy changes nothing except your own understanding.
"""

import jax, jax.numpy as jnp
import numpy as np

K = 512
AXIS = 1

def setup_inputs(seed: int = 0) -> dict:
    key = jax.random.key(seed)
    x = jax.random.normal(key, (128, 32768), dtype=jnp.float32)
    return {"input": x}

def reference(input):
    # torch.topk(input, k=K, dim=AXIS, sorted=True)[0]
    # AXIS=1 is the last axis for this 2D input, so lax.top_k applies directly.
    vals, _ = jax.lax.top_k(input, K)
    return vals

if __name__ == "__main__":
    import jax
    _d = setup_inputs()
    print(jax.jit(kernel)(*tuple(_d.values())))

</pallas_src>

<mosaic_0001>
#map = affine_map<(d0, d1) -> (0, 0)>
module attributes {stable_mosaic.version = 14 : i64} {
  func.func @topk_kernel(%arg0: i32, %arg1: i32, %arg2: memref<128x32768xf32, #tpu.memory_space<hbm>>, %arg3: memref<128x512xf32, #tpu.memory_space<hbm>>, %arg4: memref<32768xf32, #tpu.memory_space<vmem>>, %arg5: memref<32784xi32, #tpu.memory_space<vmem>>, %arg6: memref<2048xi32, #tpu.memory_space<vmem>>, %arg7: memref<1024xi32, #tpu.memory_space<vmem>>, %arg8: memref<2112xi32, #tpu.memory_space<vmem>>, %arg9: memref<2112xi32, #tpu.memory_space<vmem>>, %arg10: memref<2048xf32, #tpu.memory_space<vmem>>) attributes {dimension_semantics = [#tpu.dimension_semantics<core_parallel>, #tpu.dimension_semantics<subcore_parallel>], iteration_bounds = array<i64: 2, 16>, scalar_prefetch = 0 : i64, scratch_operands = 7 : i64, tpu.core_type = #tpu.core_type<sc_vector_subcore>, window_params = [{transform_indices = #map}, {transform_indices = #map}]} {
    %mul3A = arith.constant 16 : i32
    %mul3A_0 = arith.muli %arg0, %mul3A : i32
    %add3A = arith.addi %mul3A_0, %arg1 : i32
    %iota3A = tpu.iota {dimensions = array<i32: 0>} : vector<16xi32>
    %scan3A = arith.constant 0 : i32
    %scan3A_1 = arith.constant 0 : i32
    %scan3A_2 = arith.constant 4 : i32
    %scan3A_3 = arith.addi %scan3A_1, %scan3A_2 : i32
    %scan3A_4 = arith.constant 1 : i32
    scf.for %scan3A_124 = %scan3A_1 to %scan3A_3 step %scan3A_4  : i32 {
      %mul3A_125 = arith.constant 4 : i32
      %mul3A_126 = arith.muli %add3A, %mul3A_125 : i32
      %add3A_127 = arith.addi %mul3A_126, %scan3A_124 : i32
      %mul3A_128 = arith.constant 528 : i32
      %mul3A_129 = arith.muli %scan3A_124, %mul3A_128 : i32
      "tpu.region"() ({
        %run_scoped3A = tpu.sem_alloc : memref<!tpu.dma_semaphore, #tpu.memory_space<semaphore_mem>>
        %dma_start3A = arith.constant 0 : i32
        %dma_start3A_592 = tpu.memref_slice %arg2[%add3A_127, %dma_start3A] : memref<128x32768xf32, #tpu.memory_space<hbm>> -> memref<1x32768xf32, #tpu.memory_space<hbm>>
        %dma_start3A_593 = tpu.memref_squeeze %dma_start3A_592 : memref<1x32768xf32, #tpu.memory_space<hbm>> -> memref<32768xf32, #tpu.memory_space<hbm>>
        %dma_start3A_594 = arith.constant 0 : i32
        %dma_start3A_595 = tpu.memref_slice %arg2[%add3A_127, %dma_start3A_594] : memref<128x32768xf32, #tpu.memory_space<hbm>> -> memref<1x32768xf32, #tpu.memory_space<hbm>>
        %dma_start3A_596 = tpu.memref_squeeze %dma_start3A_595 : memref<1x32768xf32, #tpu.memory_space<hbm>> -> memref<32768xf32, #tpu.memory_space<hbm>>
        tpu.enqueue_dma source(%dma_start3A_596 : memref<32768xf32, #tpu.memory_space<hbm>>) target(%arg4 : memref<32768xf32, #tpu.memory_space<vmem>>) target_semaphore(%run_scoped3A : memref<!tpu.dma_semaphore, #tpu.memory_space<semaphore_mem>>)
        %dma_wait3A = arith.constant 0 : i32
        %dma_wait3A_597 = tpu.memref_slice %arg2[%add3A_127, %dma_wait3A] : memref<128x32768xf32, #tpu.memory_space<hbm>> -> memref<1x32768xf32, #tpu.memory_space<hbm>>
        %dma_wait3A_598 = tpu.memref_squeeze %dma_wait3A_597 : memref<1x32768xf32, #tpu.memory_space<hbm>> -> memref<32768xf32, #tpu.memory_space<hbm>>
        %dma_wait3A_599 = arith.constant 0 : i32
        %dma_wait3A_600 = tpu.memref_slice %arg2[%add3A_127, %dma_wait3A_599] : memref<128x32768xf32, #tpu.memory_space<hbm>> -> memref<1x32768xf32, #tpu.memory_space<hbm>>
        %dma_wait3A_601 = tpu.memref_squeeze %dma_wait3A_600 : memref<1x32768xf32, #tpu.memory_space<hbm>> -> memref<32768xf32, #tpu.memory_space<hbm>>
        tpu.wait_dma2 semaphore(%run_scoped3A : memref<!tpu.dma_semaphore, #tpu.memory_space<semaphore_mem>>) src(%dma_wait3A_601 : memref<32768xf32, #tpu.memory_space<hbm>>) dst(%arg4 : memref<32768xf32, #tpu.memory_space<vmem>>)
        tpu.yield
      }) : () -> ()
      %parallel_loop3A_130 = arith.constant 0 : i32
      %parallel_loop3A_131 = arith.constant 128 : i32
      %parallel_loop3A_132 = arith.constant 1 : i32
      scf.for %parallel_loop3A_592 = %parallel_loop3A_130 to %parallel_loop3A_131 step %parallel_loop3A_132  : i32 {
        %parallel_loop3A_593 = arith.constant 0 : i32
        %parallel_loop3A_594 = vector.broadcast %parallel_loop3A_593 : i32 to vector<16xi32>
        %parallel_loop3A_595 = arith.constant 16 : i32
        %parallel_loop3A_596 = arith.muli %parallel_loop3A_592, %parallel_loop3A_595 : i32
        %parallel_loop3A_597 = arith.index_cast %parallel_loop3A_596 : i32 to index
        %parallel_loop3A_598 = tpu.vector_load %arg6[%parallel_loop3A_597] {strides = array<i32>} : memref<2048xi32, #tpu.memory_space<vmem>>, vector<16xi32>,
        tpu.vector_store %arg6[%parallel_loop3A_597], %parallel_loop3A_594 {strides = array<i32>} : memref<2048xi32, #tpu.memory_space<vmem>>, vector<16xi32>,
      } {sc.loop_unroll_factor = 8 : i64, sc.parallel_access}
      %broadcast_in_dim3A = arith.constant -2147483648 : i32
      %broadcast_in_dim3A_133 = vector.broadcast %broadcast_in_dim3A : i32 to vector<16xi32>
      %scan3A_134 = arith.constant 0 : i32
      %scan3A_135 = arith.constant 128 : i32
      %scan3A_136 = arith.addi %scan3A_134, %scan3A_135 : i32
      %scan3A_137 = arith.constant 8 : i32
      %scan3A_138 = scf.for %scan3A_592 = %scan3A_134 to %scan3A_136 step %scan3A_137 iter_args(%scan3A_593 = %broadcast_in_dim3A_133) -> (vector<16xi32>)  : i32 {
        %mul3A_594 = arith.constant 256 : i32
        %mul3A_595 = arith.muli %scan3A_592, %mul3A_594 : i32
        %and3A_596 = arith.constant 15 : i32
        %and3A_597 = arith.andi %scan3A_592, %and3A_596 : i32
        %mul3A_598 = arith.constant 16 : i32
        %mul3A_599 = arith.muli %and3A_597, %mul3A_598 : i32
        %add3A_600 = arith.addi %mul3A_595, %mul3A_599 : i32
        %get3A_601 = arith.index_cast %add3A_600 : i32 to index
        %get3A_602 = tpu.vector_load %arg4[%get3A_601] {strides = array<i32>} : memref<32768xf32, #tpu.memory_space<vmem>>, vector<16xf32>,
        %bitcast3A_603 = vector.bitcast %get3A_602 : vector<16xf32> to vector<16xi32>
        %lt3A_604 = arith.constant 0 : i32
        %lt3A_605 = vector.broadcast %lt3A_604 : i32 to vector<16xi32>
        %lt3A_606 = arith.cmpi slt, %bitcast3A_603, %lt3A_605 : vector<16xi32>
        %xor3A_607 = arith.constant 2147483647 : i32
        %xor3A_608 = vector.broadcast %xor3A_607 : i32 to vector<16xi32>
        %xor3A_609 = arith.xori %bitcast3A_603, %xor3A_608 : vector<16xi32>
        %select_n3A_610 = arith.select %lt3A_606, %xor3A_609, %bitcast3A_603 : vector<16xi1>, vector<16xi32>
        %shift_right_arithmetic3A_611 = arith.constant 21 : i32
        %shift_right_arithmetic3A_612 = vector.broadcast %shift_right_arithmetic3A_611 : i32 to vector<16xi32>
        %shift_right_arithmetic3A_613 = arith.shrsi %select_n3A_610, %shift_right_arithmetic3A_612 : vector<16xi32>
        %add3A_614 = arith.constant 1024 : i32
        %add3A_615 = vector.broadcast %add3A_614 : i32 to vector<16xi32>
        %add3A_616 = arith.addi %shift_right_arithmetic3A_613, %add3A_615 : vector<16xi32>
        %broadcast_in_dim3A_617 = arith.constant true
        %broadcast_in_dim3A_618 = vector.broadcast %broadcast_in_dim3A_617 : i1 to vector<16xi1>
        %unique3A, %unique3A_619 = tpu.scan_count mask(%broadcast_in_dim3A_618 : vector<16xi1>) value(%add3A_616 : vector<16xi32>) : vector<16xi1>, vector<16xi32>
        tpu.vector_store_idx %arg6[%add3A_616], %unique3A_619 masked %unique3A {add = true} : memref<2048xi32, #tpu.memory_space<vmem>>[vector<16xi32>], vector<16xi32>, vector<16xi1>
        %max3A_620 = arith.maxsi %scan3A_593, %select_n3A_610 : vector<16xi32>
        %scan3A_621 = arith.constant 1 : i32
        %scan3A_622 = arith.addi %scan3A_592, %scan3A_621 : i32
        %mul3A_623 = arith.constant 256 : i32
        %mul3A_624 = arith.muli %scan3A_622, %mul3A_623 : i32
        %and3A_625 = arith.constant 15 : i32
        %and3A_626 = arith.andi %scan3A_622, %and3A_625 : i32
        %mul3A_627 = arith.constant 16 : i32
        %mul3A_628 = arith.muli %and3A_626, %mul3A_627 : i32
        %add3A_629 = arith.addi %mul3A_624, %mul3A_628 : i32
        %get3A_630 = arith.index_cast %add3A_629 : i32 to index
        %get3A_631 = tpu.vector_load %arg4[%get3A_630] {strides = array<i32>} : memref<32768xf32, #tpu.memory_space<vmem>>, vector<16xf32>,
        %bitcast3A_632 = vector.bitcast %get3A_631 : vector<16xf32> to vector<16xi32>
        %lt3A_633 = arith.constant 0 : i32
        %lt3A_634 = vector.broadcast %lt3A_633 : i32 to vector<16xi32>
        %lt3A_635 = arith.cmpi slt, %bitcast3A_632, %lt3A_634 : vector<16xi32>
        %xor3A_636 = arith.constant 2147483647 : i32
        %xor3A_637 = vector.broadcast %xor3A_636 : i32 to vector<16xi32>
        %xor3A_638 = arith.xori %bitcast3A_632, %xor3A_637 : vector<16xi32>
        %select_n3A_639 = arith.select %lt3A_635, %xor3A_638, %bitcast3A_632 : vector<16xi1>, vector<16xi32>
        %shift_right_arithmetic3A_640 = arith.constant 21 : i32
        %shift_right_arithmetic3A_641 = vector.broadcast %shift_right_arithmetic3A_640 : i32 to vector<16xi32>
        %shift_right_arithmetic3A_642 = arith.shrsi %select_n3A_639, %shift_right_arithmetic3A_641 : vector<16xi32>
        %add3A_643 = arith.constant 1024 : i32
        %add3A_644 = vector.broadcast %add3A_643 : i32 to vector<16xi32>
        %add3A_645 = arith.addi %shift_right_arithmetic3A_642, %add3A_644 : vector<16xi32>
        %broadcast_in_dim3A_646 = arith.constant true
        %broadcast_in_dim3A_647 = vector.broadcast %broadcast_in_dim3A_646 : i1 to vector<16xi1>
        %unique3A_648, %unique3A_649 = tpu.scan_count mask(%broadcast_in_dim3A_647 : vector<16xi1>) value(%add3A_645 : vector<16xi32>) : vector<16xi1>, vector<16xi32>
        tpu.vector_store_idx %arg6[%add3A_645], %unique3A_649 masked %unique3A_648 {add = true} : memref<2048xi32, #tpu.memory_space<vmem>>[vector<16xi32>], vector<16xi32>, vector<16xi1>
        %max3A_650 = arith.maxsi %max3A_620, %select_n3A_639 : vector<16xi32>
        %scan3A_651 = arith.constant 2 : i32
        %scan3A_652 = arith.addi %scan3A_592, %scan3A_651 : i32
        %mul3A_653 = arith.constant 256 : i32
        %mul3A_654 = arith.muli %scan3A_652, %mul3A_653 : i32
        %and3A_655 = arith.constant 15 : i32
        %and3A_656 = arith.andi %scan3A_652, %and3A_655 : i32
        %mul3A_657 = arith.constant 16 : i32
        %mul3A_658 = arith.muli %and3A_656, %mul3A_657 : i32
        %add3A_659 = arith.addi %mul3A_654, %mul3A_658 : i32
        %get3A_660 = arith.index_cast %add3A_659 : i32 to index
        %get3A_661 = tpu.vector_load %arg4[%get3A_660] {strides = array<i32>} : memref<32768xf32, #tpu.memory_space<vmem>>, vector<16xf32>,
        %bitcast3A_662 = vector.bitcast %get3A_661 : vector<16xf32> to vector<16xi32>
        %lt3A_663 = arith.constant 0 : i32
        %lt3A_664 = vector.broadcast %lt3A_663 : i32 to vector<16xi32>
        %lt3A_665 = arith.cmpi slt, %bitcast3A_662, %lt3A_664 : vector<16xi32>
        %xor3A_666 = arith.constant 2147483647 : i32
        %xor3A_667 = vector.broadcast %xor3A_666 : i32 to vector<16xi32>
        %xor3A_668 = arith.xori %bitcast3A_662, %xor3A_667 : vector<16xi32>
        %select_n3A_669 = arith.select %lt3A_665, %xor3A_668, %bitcast3A_662 : vector<16xi1>, vector<16xi32>
        %shift_right_arithmetic3A_670 = arith.constant 21 : i32
        %shift_right_arithmetic3A_671 = vector.broadcast %shift_right_arithmetic3A_670 : i32 to vector<16xi32>
        %shift_right_arithmetic3A_672 = arith.shrsi %select_n3A_669, %shift_right_arithmetic3A_671 : vector<16xi32>
        %add3A_673 = arith.constant 1024 : i32
        %add3A_674 = vector.broadcast %add3A_673 : i32 to vector<16xi32>
        %add3A_675 = arith.addi %shift_right_arithmetic3A_672, %add3A_674 : vector<16xi32>
        %broadcast_in_dim3A_676 = arith.constant true
        %broadcast_in_dim3A_677 = vector.broadcast %broadcast_in_dim3A_676 : i1 to vector<16xi1>
        %unique3A_678, %unique3A_679 = tpu.scan_count mask(%broadcast_in_dim3A_677 : vector<16xi1>) value(%add3A_675 : vector<16xi32>) : vector<16xi1>, vector<16xi32>
        tpu.vector_store_idx %arg6[%add3A_675], %unique3A_679 masked %unique3A_678 {add = true} : memref<2048xi32, #tpu.memory_space<vmem>>[vector<16xi32>], vector<16xi32>, vector<16xi1>
        %max3A_680 = arith.maxsi %max3A_650, %select_n3A_669 : vector<16xi32>
        %scan3A_681 = arith.constant 3 : i32
        %scan3A_682 = arith.addi %scan3A_592, %scan3A_681 : i32
        %mul3A_683 = arith.constant 256 : i32
        %mul3A_684 = arith.muli %scan3A_682, %mul3A_683 : i32
        %and3A_685 = arith.constant 15 : i32
        %and3A_686 = arith.andi %scan3A_682, %and3A_685 : i32
        %mul3A_687 = arith.constant 16 : i32
        %mul3A_688 = arith.muli %and3A_686, %mul3A_687 : i32
        %add3A_689 = arith.addi %mul3A_684, %mul3A_688 : i32
        %get3A_690 = arith.index_cast %add3A_689 : i32 to index
        %get3A_691 = tpu.vector_load %arg4[%get3A_690] {strides = array<i32>} : memref<32768xf32, #tpu.memory_space<vmem>>, vector<16xf32>,
        %bitcast3A_692 = vector.bitcast %get3A_691 : vector<16xf32> to vector<16xi32>
        %lt3A_693 = arith.constant 0 : i32
        %lt3A_694 = vector.broadcast %lt3A_693 : i32 to vector<16xi32>
        %lt3A_695 = arith.cmpi slt, %bitcast3A_692, %lt3A_694 : vector<16xi32>
        %xor3A_696 = arith.constant 2147483647 : i32
        %xor3A_697 = vector.broadcast %xor3A_696 : i32 to vector<16xi32>
        %xor3A_698 = arith.xori %bitcast3A_692, %xor3A_697 : vector<16xi32>
        %select_n3A_699 = arith.select %lt3A_695, %xor3A_698, %bitcast3A_692 : vector<16xi1>, vector<16xi32>
        %shift_right_arithmetic3A_700 = arith.constant 21 : i32
        %shift_right_arithmetic3A_701 = vector.broadcast %shift_right_arithmetic3A_700 : i32 to vector<16xi32>
        %shift_right_arithmetic3A_702 = arith.shrsi %select_n3A_699, %shift_right_arithmetic3A_701 : vector<16xi32>
        %add3A_703 = arith.constant 1024 : i32
        %add3A_704 = vector.broadcast %add3A_703 : i32 to vector<16xi32>
        %add3A_705 = arith.addi %shift_right_arithmetic3A_702, %add3A_704 : vector<16xi32>
        %broadcast_in_dim3A_706 = arith.constant true
        %broadcast_in_dim3A_707 = vector.broadcast %broadcast_in_dim3A_706 : i1 to vector<16xi1>
        %unique3A_708, %unique3A_709 = tpu.scan_count mask(%broadcast_in_dim3A_707 : vector<16xi1>) value(%add3A_705 : vector<16xi32>) : vector<16xi1>, vector<16xi32>
        tpu.vector_store_idx %arg6[%add3A_705], %unique3A_709 masked %unique3A_708 {add = true} : memref<2048xi32, #tpu.memory_space<vmem>>[vector<16xi32>], vector<16xi32>, vector<16xi1>
        %max3A_710 = arith.maxsi %max3A_680, %select_n3A_699 : vector<16xi32>
        %scan3A_711 = arith.constant 4 : i32
        %scan3A_712 = arith.addi %scan3A_592, %scan3A_711 : i32
        %mul3A_713 = arith.constant 256 : i32
        %mul3A_714 = arith.muli %scan3A_712, %mul3A_713 : i32
        %and3A_715 = arith.constant 15 : i32
        %and3A_716 = arith.andi %scan3A_712, %and3A_715 : i32
        %mul3A_717 = arith.constant 16 : i32
        %mul3A_718 = arith.muli %and3A_716, %mul3A_717 : i32
        %add3A_719 = arith.addi %mul3A_714, %mul3A_718 : i32
        %get3A_720 = arith.index_cast %add3A_719 : i32 to index
        %get3A_721 = tpu.vector_load %arg4[%get3A_720] {strides = array<i32>} : memref<32768xf32, #tpu.memory_space<vmem>>, vector<16xf32>,
        %bitcast3A_722 = vector.bitcast %get3A_721 : vector<16xf32> to vector<16xi32>
        %lt3A_723 = arith.constant 0 : i32
        %lt3A_724 = vector.broadcast %lt3A_723 : i32 to vector<16xi32>
        %lt3A_725 = arith.cmpi slt, %bitcast3A_722, %lt3A_724 : vector<16xi32>
        %xor3A_726 = arith.constant 2147483647 : i32
        %xor3A_727 = vector.broadcast %xor3A_726 : i32 to vector<16xi32>
        %xor3A_728 = arith.xori %bitcast3A_722, %xor3A_727 : vector<16xi32>
        %select_n3A_729 = arith.select %lt3A_725, %xor3A_728, %bitcast3A_722 : vector<16xi1>, vector<16xi32>
        %shift_right_arithmetic3A_730 = arith.constant 21 : i32
        %shift_right_arithmetic3A_731 = vector.broadcast %shift_right_arithmetic3A_730 : i32 to vector<16xi32>
        %shift_right_arithmetic3A_732 = arith.shrsi %select_n3A_729, %shift_right_arithmetic3A_731 : vector<16xi32>
        %add3A_733 = arith.constant 1024 : i32
        %add3A_734 = vector.broadcast %add3A_733 : i32 to vector<16xi32>
        %add3A_735 = arith.addi %shift_right_arithmetic3A_732, %add3A_734 : vector<16xi32>
        %broadcast_in_dim3A_736 = arith.constant true
        %broadcast_in_dim3A_737 = vector.broadcast %broadcast_in_dim3A_736 : i1 to vector<16xi1>
        %unique3A_738, %unique3A_739 = tpu.scan_count mask(%broadcast_in_dim3A_737 : vector<16xi1>) value(%add3A_735 : vector<16xi32>) : vector<16xi1>, vector<16xi32>
        tpu.vector_store_idx %arg6[%add3A_735], %unique3A_739 masked %unique3A_738 {add = true} : memref<2048xi32, #tpu.memory_space<vmem>>[vector<16xi32>], vector<16xi32>, vector<16xi1>
        %max3A_740 = arith.maxsi %max3A_710, %select_n3A_729 : vector<16xi32>
        %scan3A_741 = arith.constant 5 : i32
        %scan3A_742 = arith.addi %scan3A_592, %scan3A_741 : i32
        %mul3A_743 = arith.constant 256 : i32
        %mul3A_744 = arith.muli %scan3A_742, %mul3A_743 : i32
        %and3A_745 = arith.constant 15 : i32
        %and3A_746 = arith.andi %scan3A_742, %and3A_745 : i32
        %mul3A_747 = arith.constant 16 : i32
        %mul3A_748 = arith.muli %and3A_746, %mul3A_747 : i32
        %add3A_749 = arith.addi %mul3A_744, %mul3A_748 : i32
        %get3A_750 = arith.index_cast %add3A_749 : i32 to index
        %get3A_751 = tpu.vector_load %arg4[%get3A_750] {strides = array<i32>} : memref<32768xf32, #tpu.memory_space<vmem>>, vector<16xf32>,
        %bitcast3A_752 = vector.bitcast %get3A_751 : vector<16xf32> to vector<16xi32>
        %lt3A_753 = arith.constant 0 : i32
        %lt3A_754 = vector.broadcast %lt3A_753 : i32 to vector<16xi32>
        %lt3A_755 = arith.cmpi slt, %bitcast3A_752, %lt3A_754 : vector<16xi32>
        %xor3A_756 = arith.constant 2147483647 : i32
        %xor3A_757 = vector.broadcast %xor3A_756 : i32 to vector<16xi32>
        %xor3A_758 = arith.xori %bitcast3A_752, %xor3A_757 : vector<16xi32>
        %select_n3A_759 = arith.select %lt3A_755, %xor3A_758, %bitcast3A_752 : vector<16xi1>, vector<16xi32>
        %shift_right_arithmetic3A_760 = arith.constant 21 : i32
        %shift_right_arithmetic3A_761 = vector.broadcast %shift_right_arithmetic3A_760 : i32 to vector<16xi32>
        %shift_right_arithmetic3A_762 = arith.shrsi %select_n3A_759, %shift_right_arithmetic3A_761 : vector<16xi32>
        %add3A_763 = arith.constant 1024 : i32
        %add3A_764 = vector.broadcast %add3A_763 : i32 to vector<16xi32>
        %add3A_765 = arith.addi %shift_right_arithmetic3A_762, %add3A_764 : vector<16xi32>
        %broadcast_in_dim3A_766 = arith.constant true
        %broadcast_in_dim3A_767 = vector.broadcast %broadcast_in_dim3A_766 : i1 to vector<16xi1>
        %unique3A_768, %unique3A_769 = tpu.scan_count mask(%broadcast_in_dim3A_767 : vector<16xi1>) value(%add3A_765 : vector<16xi32>) : vector<16xi1>, vector<16xi32>
        tpu.vector_store_idx %arg6[%add3A_765], %unique3A_769 masked %unique3A_768 {add = true} : memref<2048xi32, #tpu.memory_space<vmem>>[vector<16xi32>], vector<16xi32>, vector<16xi1>
        %max3A_770 = arith.maxsi %max3A_740, %select_n3A_759 : vector<16xi32>
        %scan3A_771 = arith.constant 6 : i32
        %scan3A_772 = arith.addi %scan3A_592, %scan3A_771 : i32
        %mul3A_773 = arith.constant 256 : i32
        %mul3A_774 = arith.muli %scan3A_772, %mul3A_773 : i32
        %and3A_775 = arith.constant 15 : i32
        %and3A_776 = arith.andi %scan3A_772, %and3A_775 : i32
        %mul3A_777 = arith.constant 16 : i32
        %mul3A_778 = arith.muli %and3A_776, %mul3A_777 : i32
        %add3A_779 = arith.addi %mul3A_774, %mul3A_778 : i32
        %get3A_780 = arith.index_cast %add3A_779 : i32 to index
        %get3A_781 = tpu.vector_load %arg4[%get3A_780] {strides = array<i32>} : memref<32768xf32, #tpu.memory_space<vmem>>, vector<16xf32>,
        %bitcast3A_782 = vector.bitcast %get3A_781 : vector<16xf32> to vector<16xi32>
        %lt3A_783 = arith.constant 0 : i32
        %lt3A_784 = vector.broadcast %lt3A_783 : i32 to vector<16xi32>
        %lt3A_785 = arith.cmpi slt, %bitcast3A_782, %lt3A_784 : vector<16xi32>
        %xor3A_786 = arith.constant 2147483647 : i32
        %xor3A_787 = vector.broadcast %xor3A_786 : i32 to vector<16xi32>
        %xor3A_788 = arith.xori %bitcast3A_782, %xor3A_787 : vector<16xi32>
        %select_n3A_789 = arith.select %lt3A_785, %xor3A_788, %bitcast3A_782 : vector<16xi1>, vector<16xi32>
        %shift_right_arithmetic3A_790 = arith.constant 21 : i32
        %shift_right_arithmetic3A_791 = vector.broadcast %shift_right_arithmetic3A_790 : i32 to vector<16xi32>
        %shift_right_arithmetic3A_792 = arith.shrsi %select_n3A_789, %shift_right_arithmetic3A_791 : vector<16xi32>
        %add3A_793 = arith.constant 1024 : i32
        %add3A_794 = vector.broadcast %add3A_793 : i32 to vector<16xi32>
        %add3A_795 = arith.addi %shift_right_arithmetic3A_792, %add3A_794 : vector<16xi32>
        %broadcast_in_dim3A_796 = arith.constant true
        %broadcast_in_dim3A_797 = vector.broadcast %broadcast_in_dim3A_796 : i1 to vector<16xi1>
        %unique3A_798, %unique3A_799 = tpu.scan_count mask(%broadcast_in_dim3A_797 : vector<16xi1>) value(%add3A_795 : vector<16xi32>) : vector<16xi1>, vector<16xi32>
        tpu.vector_store_idx %arg6[%add3A_795], %unique3A_799 masked %unique3A_798 {add = true} : memref<2048xi32, #tpu.memory_space<vmem>>[vector<16xi32>], vector<16xi32>, vector<16xi1>
        %max3A_800 = arith.maxsi %max3A_770, %select_n3A_789 : vector<16xi32>
        %scan3A_801 = arith.constant 7 : i32
        %scan3A_802 = arith.addi %scan3A_592, %scan3A_801 : i32
        %mul3A_803 = arith.constant 256 : i32
        %mul3A_804 = arith.muli %scan3A_802, %mul3A_803 : i32
        %and3A_805 = arith.constant 15 : i32
        %and3A_806 = arith.andi %scan3A_802, %and3A_805 : i32
        %mul3A_807 = arith.constant 16 : i32
        %mul3A_808 = arith.muli %and3A_806, %mul3A_807 : i32
        %add3A_809 = arith.addi %mul3A_804, %mul3A_808 : i32
        %get3A_810 = arith.index_cast %add3A_809 : i32 to index
        %get3A_811 = tpu.vector_load %arg4[%get3A_810] {strides = array<i32>} : memref<32768xf32, #tpu.memory_space<vmem>>, vector<16xf32>,
        %bitcast3A_812 = vector.bitcast %get3A_811 : vector<16xf32> to vector<16xi32>
        %lt3A_813 = arith.constant 0 : i32
        %lt3A_814 = vector.broadcast %lt3A_813 : i32 to vector<16xi32>
        %lt3A_815 = arith.cmpi slt, %bitcast3A_812, %lt3A_814 : vector<16xi32>
        %xor3A_816 = arith.constant 2147483647 : i32
        %xor3A_817 = vector.broadcast %xor3A_816 : i32 to vector<16xi32>
        %xor3A_818 = arith.xori %bitcast3A_812, %xor3A_817 : vector<16xi32>
        %select_n3A_819 = arith.select %lt3A_815, %xor3A_818, %bitcast3A_812 : vector<16xi1>, vector<16xi32>
        %shift_right_arithmetic3A_820 = arith.constant 21 : i32
        %shift_right_arithmetic3A_821 = vector.broadcast %shift_right_arithmetic3A_820 : i32 to vector<16xi32>
        %shift_right_arithmetic3A_822 = arith.shrsi %select_n3A_819, %shift_right_arithmetic3A_821 : vector<16xi32>
        %add3A_823 = arith.constant 1024 : i32
        %add3A_824 = vector.broadcast %add3A_823 : i32 to vector<16xi32>
        %add3A_825 = arith.addi %shift_right_arithmetic3A_822, %add3A_824 : vector<16xi32>
        %broadcast_in_dim3A_826 = arith.constant true
        %broadcast_in_dim3A_827 = vector.broadcast %broadcast_in_dim3A_826 : i1 to vector<16xi1>
        %unique3A_828, %unique3A_829 = tpu.scan_count mask(%broadcast_in_dim3A_827 : vector<16xi1>) value(%add3A_825 : vector<16xi32>) : vector<16xi1>, vector<16xi32>
        tpu.vector_store_idx %arg6[%add3A_825], %unique3A_829 masked %unique3A_828 {add = true} : memref<2048xi32, #tpu.memory_space<vmem>>[vector<16xi32>], vector<16xi32>, vector<16xi1>
        %max3A_830 = arith.maxsi %max3A_800, %select_n3A_819 : vector<16xi32>
        scf.yield %max3A_830 : vector<16xi32>
      }
      %scan3A_139 = arith.constant 128 : i32
      %reduce_max3A = arith.constant true
      %reduce_max3A_140 = vector.broadcast %reduce_max3A : i1 to vector<16xi1>
      %reduce_max3A_141 = arith.constant -2147483648 : i32
      %reduce_max3A_142 = vector.broadcast %reduce_max3A_141 : i32 to vector<16xi32>
      %reduce_max3A_143 = arith.xori %scan3A_138, %reduce_max3A_142 : vector<16xi32>
      %reduce_max3A_144 = tpu.scan <max>, %reduce_max3A_143 masked %reduce_max3A_140 : vector<16xi32>, vector<16xi1> -> vector<16xi32>
      %reduce_max3A_145 = arith.xori %reduce_max3A_144, %reduce_max3A_142 : vector<16xi32>
      %reduce_max3A_146 = vector.extract %reduce_max3A_145[15] : i32 from vector<16xi32>
      %shift_right_arithmetic3A = arith.constant 21 : i32
      %shift_right_arithmetic3A_147 = arith.shrsi %reduce_max3A_146, %shift_right_arithmetic3A : i32
      %add3A_148 = arith.constant 1024 : i32
      %add3A_149 = arith.addi %shift_right_arithmetic3A_147, %add3A_148 : i32
      %iota3A_150 = tpu.iota {dimensions = array<i32: 0>} : vector<16xi32>
      %sub3A = arith.constant 2047 : i32
      %sub3A_151 = arith.subi %sub3A, %add3A_149 : i32
      %jit3A = arith.constant 16 : i32
      %div3A = arith.divsi %sub3A_151, %jit3A : i32
      %sign3A = arith.constant 0 : i32
      %sign3A_152 = arith.cmpi sgt, %sub3A_151, %sign3A : i32
      %sign3A_153 = arith.extui %sign3A_152 : i1 to i32
      %sign3A_154 = arith.constant 0 : i32
      %sign3A_155 = arith.cmpi slt, %sub3A_151, %sign3A_154 : i32
      %sign3A_156 = arith.extui %sign3A_155 : i1 to i32
      %sign3A_157 = arith.subi %sign3A_153, %sign3A_156 : i32
      %sign3A_158 = arith.constant 0 : i32
      %sign3A_159 = arith.cmpi sgt, %jit3A, %sign3A_158 : i32
      %sign3A_160 = arith.extui %sign3A_159 : i1 to i32
      %sign3A_161 = arith.constant 0 : i32
      %sign3A_162 = arith.cmpi slt, %jit3A, %sign3A_161 : i32
      %sign3A_163 = arith.extui %sign3A_162 : i1 to i32
      %sign3A_164 = arith.subi %sign3A_160, %sign3A_163 : i32
      %ne3A = arith.cmpi ne, %sign3A_157, %sign3A_164 : i32
      %rem3A = arith.remsi %sub3A_151, %jit3A : i32
      %ne3A_165 = arith.constant 0 : i32
      %ne3A_166 = arith.cmpi ne, %rem3A, %ne3A_165 : i32
      %and3A = arith.andi %ne3A, %ne3A_166 : i1
      %sub3A_167 = arith.constant 1 : i32
      %sub3A_168 = arith.subi %div3A, %sub3A_167 : i32
      %select_n3A = arith.select %and3A, %sub3A_168, %div3A : i32
      %while3A = arith.constant 64 : i32
      %while3A_169 = arith.constant 0 : i32
      %while3A_170 = arith.constant 0 : i32
      %while3A_171 = arith.constant 0 : i32
      %while3A_172 = arith.constant 0 : i32
      %while3A_173:5 = scf.while (%while3A_592 = %select_n3A, %while3A_593 = %while3A_169, %while3A_594 = %while3A_170, %while3A_595 = %while3A_171, %while3A_596 = %while3A_172) : (i32, i32, i32, i32, i32) -> (i32, i32, i32, i32, i32) {
        %eq3A = arith.constant 0 : i32
        %eq3A_597 = arith.cmpi eq, %while3A_593, %eq3A : i32
        %lt3A_598 = arith.constant 128 : i32
        %lt3A_599 = arith.cmpi slt, %while3A_592, %lt3A_598 : i32
        %and3A_600 = arith.andi %eq3A_597, %lt3A_599 : i1
        scf.condition(%and3A_600) %while3A_592, %while3A_593, %while3A_594, %while3A_595, %while3A_596 : i32, i32, i32, i32, i32
      } do {
      ^bb0(%while3A_592: i32, %while3A_593: i32, %while3A_594: i32, %while3A_595: i32, %while3A_596: i32):
        %add3A_597 = arith.constant 1 : i32
        %add3A_598 = arith.addi %while3A_592, %add3A_597 : i32
        %mul3A_599 = arith.constant 16 : i32
        %mul3A_600 = arith.muli %add3A_598, %mul3A_599 : i32
        %sub3A_601 = arith.constant 2048 : i32
        %sub3A_602 = arith.subi %sub3A_601, %mul3A_600 : i32
        %get3A_603 = arith.index_cast %sub3A_602 : i32 to index
        %get3A_604 = tpu.vector_load %arg6[%get3A_603] {strides = array<i32>} : memref<2048xi32, #tpu.memory_space<vmem>>, vector<16xi32>,
        %rev3A = arith.constant 15 : i32
        %rev3A_605 = vector.broadcast %rev3A : i32 to vector<16xi32>
        %rev3A_606 = tpu.iota {dimensions = array<i32: 0>} : vector<16xi32>
        %rev3A_607 = arith.subi %rev3A_605, %rev3A_606 : vector<16xi32>
        %rev3A_608 = tpu.dynamic_gather %get3A_604[%rev3A_607] in [0] : vector<16xi32>, vector<16xi32> -> vector<16xi32>
        %broadcast_in_dim3A_609 = arith.constant true
        %broadcast_in_dim3A_610 = vector.broadcast %broadcast_in_dim3A_609 : i1 to vector<16xi1>
        %masked_cumsum3A = tpu.scan <sum>, %rev3A_608 masked %broadcast_in_dim3A_610 : vector<16xi32>, vector<16xi1> -> vector<16xi32>
        %add3A_611 = vector.broadcast %while3A_596 : i32 to vector<16xi32>
        %add3A_612 = arith.addi %add3A_611, %masked_cumsum3A : vector<16xi32>
        %ge3A = vector.broadcast %while3A : i32 to vector<16xi32>
        %ge3A_613 = arith.cmpi sge, %add3A_612, %ge3A : vector<16xi32>
        %all_reduce_population_count3A = tpu.all_reduce %ge3A_613 {dim = 0 : i64, kind = #tpu.reduction_kind<sum>} : vector<16xi1> -> vector<16xi32>
        %slice3A_614 = vector.extract_strided_slice %all_reduce_population_count3A {offsets = [0], sizes = [1], strides = [1]} : vector<16xi32> to vector<1xi32>
        %squeeze3A_615 = vector.extract %slice3A_614[0] : i32 from vector<1xi32>
        %all_reduce_ffs3A = tpu.all_reduce %ge3A_613 {dim = 0 : i64, kind = #tpu.reduction_kind<find_first_set>} : vector<16xi1> -> vector<16xi32>
        %slice3A_616 = vector.extract_strided_slice %all_reduce_ffs3A {offsets = [0], sizes = [1], strides = [1]} : vector<16xi32> to vector<1xi32>
        %squeeze3A_617 = vector.extract %slice3A_616[0] : i32 from vector<1xi32>
        %sub3A_618 = arith.subi %masked_cumsum3A, %rev3A_608 : vector<16xi32>
        %eq3A = vector.broadcast %squeeze3A_617 : i32 to vector<16xi32>
        %eq3A_619 = arith.cmpi eq, %iota3A_150, %eq3A : vector<16xi32>
        %jit3A_620 = arith.constant 0 : i32
        %broadcast_in_dim3A_621 = vector.broadcast %jit3A_620 : i32 to vector<16xi32>
        %select_n3A_622 = arith.select %eq3A_619, %sub3A_618, %broadcast_in_dim3A_621 : vector<16xi1>, vector<16xi32>
        %reduce_sum3A = arith.constant true
        %reduce_sum3A_623 = vector.broadcast %reduce_sum3A : i1 to vector<16xi1>
        %reduce_sum3A_624 = tpu.scan <sum>, %select_n3A_622 masked %reduce_sum3A_623 : vector<16xi32>, vector<16xi1> -> vector<16xi32>
        %reduce_sum3A_625 = vector.extract %reduce_sum3A_624[15] : i32 from vector<16xi32>
        %add3A_626 = arith.addi %while3A_596, %reduce_sum3A_625 : i32
        %add3A_627 = arith.constant 15 : i32
        %add3A_628 = arith.addi %sub3A_602, %add3A_627 : i32
        %sub3A_629 = arith.subi %add3A_628, %squeeze3A_617 : i32
        %gt3A = arith.constant 0 : i32
        %gt3A_630 = arith.cmpi sgt, %squeeze3A_615, %gt3A : i32
        %select_n3A_631 = arith.select %gt3A_630, %sub3A_629, %while3A_594 : i32
        %select_n3A_632 = arith.select %gt3A_630, %add3A_626, %while3A_595 : i32
        %jit3A_633 = arith.constant 1 : i32
        %jit3A_634 = arith.constant 0 : i32
        %select_n3A_635 = arith.select %gt3A_630, %jit3A_633, %jit3A_634 : i32
        %slice3A_636 = vector.extract_strided_slice %masked_cumsum3A {offsets = [15], sizes = [1], strides = [1]} : vector<16xi32> to vector<1xi32>
        %squeeze3A_637 = vector.extract %slice3A_636[0] : i32 from vector<1xi32>
        %add3A_638 = arith.addi %while3A_596, %squeeze3A_637 : i32
        %add3A_639 = arith.constant 1 : i32
        %add3A_640 = arith.addi %while3A_592, %add3A_639 : i32
        scf.yield %add3A_640, %select_n3A_635, %select_n3A_631, %select_n3A_632, %add3A_638 : i32, i32, i32, i32, i32
      }
      %sub3A_174 = arith.constant 1024 : i32
      %sub3A_175 = arith.subi %while3A_173#2, %sub3A_174 : i32
      %shift_left3A = arith.constant 21 : i32
      %shift_left3A_176 = arith.shli %sub3A_175, %shift_left3A : i32
      %max3A = arith.constant -2139095041 : i32
      %max3A_177 = arith.maxsi %shift_left3A_176, %max3A : i32
      %broadcast_in_dim3A_178 = arith.constant 1 : i32
      %broadcast_in_dim3A_179 = vector.broadcast %broadcast_in_dim3A_178 : i32 to vector<16xi32>
      %mul3A_180 = vector.broadcast %max3A_177 : i32 to vector<16xi32>
      %mul3A_181 = arith.muli %broadcast_in_dim3A_179, %mul3A_180 : vector<16xi32>
      %lt3A = arith.constant 0 : i32
      %lt3A_182 = vector.broadcast %lt3A : i32 to vector<16xi32>
      %lt3A_183 = arith.cmpi slt, %mul3A_181, %lt3A_182 : vector<16xi32>
      %xor3A = arith.constant 2147483647 : i32
      %xor3A_184 = vector.broadcast %xor3A : i32 to vector<16xi32>
      %xor3A_185 = arith.xori %mul3A_181, %xor3A_184 : vector<16xi32>
      %select_n3A_186 = arith.select %lt3A_183, %xor3A_185, %mul3A_181 : vector<16xi1>, vector<16xi32>
      %bitcast3A = vector.bitcast %select_n3A_186 : vector<16xi32> to vector<16xf32>
      %parallel_loop3A_187 = arith.constant 0 : i32
      %parallel_loop3A_188 = arith.constant 2048 : i32
      %parallel_loop3A_189 = arith.constant 1 : i32
      %parallel_loop3A_190 = arith.constant 0 : i32
      %parallel_loop3A_191 = scf.for %parallel_loop3A_592 = %parallel_loop3A_187 to %parallel_loop3A_188 step %parallel_loop3A_189 iter_args(%parallel_loop3A_593 = %parallel_loop3A_190) -> (i32)  : i32 {
        %parallel_loop3A_594 = arith.constant 16 : i32
        %parallel_loop3A_595 = arith.muli %parallel_loop3A_592, %parallel_loop3A_594 : i32
        %parallel_loop3A_596 = arith.index_cast %parallel_loop3A_595 : i32 to index
        %parallel_loop3A_597 = tpu.vector_load %arg4[%parallel_loop3A_596] {strides = array<i32>} : memref<32768xf32, #tpu.memory_space<vmem>>, vector<16xf32>,
        %parallel_loop3A_598 = arith.cmpf oge, %parallel_loop3A_597, %bitcast3A : vector<16xf32>
        %parallel_loop3A_599 = vector.bitcast %parallel_loop3A_597 : vector<16xf32> to vector<16xi32>
        %parallel_loop3A_600 = arith.index_cast %parallel_loop3A_593 : i32 to index
        %parallel_loop3A_601 = tpu.vector_load %arg5[%parallel_loop3A_600] masked %parallel_loop3A_598 {strides = array<i32>} : memref<32784xi32, #tpu.memory_space<vmem>>, vector<16xi32>, vector<16xi1>
        tpu.vector_store %arg5[%parallel_loop3A_600], %parallel_loop3A_599 masked %parallel_loop3A_598 {strides = array<i32>} : memref<32784xi32, #tpu.memory_space<vmem>>, vector<16xi32>, vector<16xi1>
        %parallel_loop3A_602 = tpu.all_reduce %parallel_loop3A_598 {dim = 0 : i64, kind = #tpu.reduction_kind<sum>} : vector<16xi1> -> vector<16xi32>
        %parallel_loop3A_603 = vector.extract_strided_slice %parallel_loop3A_602 {offsets = [0], sizes = [1], strides = [1]} : vector<16xi32> to vector<1xi32>
        %parallel_loop3A_604 = vector.extract %parallel_loop3A_603[0] : i32 from vector<1xi32>
        %parallel_loop3A_605 = arith.addi %parallel_loop3A_593, %parallel_loop3A_604 : i32
        scf.yield %parallel_loop3A_605 : i32
      } {sc.loop_unroll_factor = 8 : i64, sc.parallel_access}
      %lt3A_192 = arith.constant 512 : i32
      %lt3A_193 = arith.cmpi slt, %parallel_loop3A_191, %lt3A_192 : i32
      %convert_element_type3A = arith.extui %lt3A_193 : i1 to i32
      %cond3A = arith.constant 0 : i32
      %cond3A_194 = arith.cmpi ne, %convert_element_type3A, %cond3A : i32
      scf.if %cond3A_194 {
        %parallel_loop3A_592 = arith.constant 0 : i32
        %parallel_loop3A_593 = arith.constant 2048 : i32
        %parallel_loop3A_594 = arith.constant 1 : i32
        scf.for %parallel_loop3A_595 = %parallel_loop3A_592 to %parallel_loop3A_593 step %parallel_loop3A_594  : i32 {
          %parallel_loop3A_596 = arith.constant 16 : i32
          %parallel_loop3A_597 = arith.muli %parallel_loop3A_595, %parallel_loop3A_596 : i32
          %parallel_loop3A_598 = arith.index_cast %parallel_loop3A_597 : i32 to index
          %parallel_loop3A_599 = tpu.vector_load %arg4[%parallel_loop3A_598] {strides = array<i32>} : memref<32768xf32, #tpu.memory_space<vmem>>, vector<16xf32>,
          %parallel_loop3A_600 = vector.bitcast %parallel_loop3A_599 : vector<16xf32> to vector<16xi32>
          %parallel_loop3A_601 = arith.constant 16 : i32
          %parallel_loop3A_602 = arith.muli %parallel_loop3A_595, %parallel_loop3A_601 : i32
          %parallel_loop3A_603 = arith.index_cast %parallel_loop3A_602 : i32 to index
          %parallel_loop3A_604 = tpu.vector_load %arg5[%parallel_loop3A_603] {strides = array<i32>} : memref<32784xi32, #tpu.memory_space<vmem>>, vector<16xi32>,
          tpu.vector_store %arg5[%parallel_loop3A_603], %parallel_loop3A_600 {strides = array<i32>} : memref<32784xi32, #tpu.memory_space<vmem>>, vector<16xi32>,
        } {sc.loop_unroll_factor = 8 : i64, sc.parallel_access}
      } else {
      }
      %lt3A_195 = arith.constant 512 : i32
      %lt3A_196 = arith.cmpi slt, %parallel_loop3A_191, %lt3A_195 : i32
      %jit3A_197 = arith.constant 32768 : i32
      %select_n3A_198 = arith.select %lt3A_196, %jit3A_197, %parallel_loop3A_191 : i32
      %parallel_loop3A_199 = arith.constant 0 : i32
      %parallel_loop3A_200 = arith.constant 128 : i32
      %parallel_loop3A_201 = arith.constant 1 : i32
      scf.for %parallel_loop3A_592 = %parallel_loop3A_199 to %parallel_loop3A_200 step %parallel_loop3A_201  : i32 {
        %parallel_loop3A_593 = arith.constant 0 : i32
        %parallel_loop3A_594 = vector.broadcast %parallel_loop3A_593 : i32 to vector<16xi32>
        %parallel_loop3A_595 = arith.constant 16 : i32
        %parallel_loop3A_596 = arith.muli %parallel_loop3A_592, %parallel_loop3A_595 : i32
        %parallel_loop3A_597 = arith.index_cast %parallel_loop3A_596 : i32 to index
        %parallel_loop3A_598 = tpu.vector_load %arg6[%parallel_loop3A_597] {strides = array<i32>} : memref<2048xi32, #tpu.memory_space<vmem>>, vector<16xi32>,
        tpu.vector_store %arg6[%parallel_loop3A_597], %parallel_loop3A_594 {strides = array<i32>} : memref<2048xi32, #tpu.memory_space<vmem>>, vector<16xi32>,
      } {sc.loop_unroll_factor = 8 : i64, sc.parallel_access}
      %iota3A_202 = tpu.iota {dimensions = array<i32: 0>} : vector<16xi32>
      %add3A_203 = arith.constant 15 : i32
      %add3A_204 = arith.addi %select_n3A_198, %add3A_203 : i32
      %jit3A_205 = arith.constant 16 : i32
      %div3A_206 = arith.divsi %add3A_204, %jit3A_205 : i32
      %sign3A_207 = arith.constant 0 : i32
      %sign3A_208 = arith.cmpi sgt, %add3A_204, %sign3A_207 : i32
      %sign3A_209 = arith.extui %sign3A_208 : i1 to i32
      %sign3A_210 = arith.constant 0 : i32
      %sign3A_211 = arith.cmpi slt, %add3A_204, %sign3A_210 : i32
      %sign3A_212 = arith.extui %sign3A_211 : i1 to i32
      %sign3A_213 = arith.subi %sign3A_209, %sign3A_212 : i32
      %sign3A_214 = arith.constant 0 : i32
      %sign3A_215 = arith.cmpi sgt, %jit3A_205, %sign3A_214 : i32
      %sign3A_216 = arith.extui %sign3A_215 : i1 to i32
      %sign3A_217 = arith.constant 0 : i32
      %sign3A_218 = arith.cmpi slt, %jit3A_205, %sign3A_217 : i32
      %sign3A_219 = arith.extui %sign3A_218 : i1 to i32
      %sign3A_220 = arith.subi %sign3A_216, %sign3A_219 : i32
      %ne3A_221 = arith.cmpi ne, %sign3A_213, %sign3A_220 : i32
      %rem3A_222 = arith.remsi %add3A_204, %jit3A_205 : i32
      %ne3A_223 = arith.constant 0 : i32
      %ne3A_224 = arith.cmpi ne, %rem3A_222, %ne3A_223 : i32
      %and3A_225 = arith.andi %ne3A_221, %ne3A_224 : i1
      %sub3A_226 = arith.constant 1 : i32
      %sub3A_227 = arith.subi %div3A_206, %sub3A_226 : i32
      %select_n3A_228 = arith.select %and3A_225, %sub3A_227, %div3A_206 : i32
      %broadcast_in_dim3A_229 = arith.constant 0 : i32
      %broadcast_in_dim3A_230 = vector.broadcast %broadcast_in_dim3A_229 : i32 to vector<16xi32>
      %while3A_231 = arith.constant 0 : i32
      %while3A_232 = arith.subi %select_n3A_228, %while3A_231 : i32
      %while3A_233 = arith.addi %while3A_231, %while3A_232 : i32
      %while3A_234 = arith.constant 1 : i32
      %while3A_235 = arith.divsi %while3A_232, %while3A_234 : i32
      %while3A_236 = arith.muli %while3A_235, %while3A_234 : i32
      %while3A_237 = arith.addi %while3A_231, %while3A_236 : i32
      %while3A_238 = arith.constant 1 : i32
      %while3A_239 = scf.for %while3A_592 = %while3A_231 to %while3A_237 step %while3A_238 iter_args(%while3A_593 = %broadcast_in_dim3A_230) -> (vector<16xi32>)  : i32 {
        %mul3A_594 = arith.constant 16 : i32
        %mul3A_595 = arith.muli %while3A_592, %mul3A_594 : i32
        %get3A_596 = arith.index_cast %mul3A_595 : i32 to index
        %get3A_597 = tpu.vector_load %arg5[%get3A_596] {strides = array<i32>} : memref<32784xi32, #tpu.memory_space<vmem>>, vector<16xi32>,
        %lt3A_598 = arith.constant 0 : i32
        %lt3A_599 = vector.broadcast %lt3A_598 : i32 to vector<16xi32>
        %lt3A_600 = arith.cmpi slt, %get3A_597, %lt3A_599 : vector<16xi32>
        %xor3A_601 = arith.constant 2147483647 : i32
        %xor3A_602 = vector.broadcast %xor3A_601 : i32 to vector<16xi32>
        %xor3A_603 = arith.xori %get3A_597, %xor3A_602 : vector<16xi32>
        %select_n3A_604 = arith.select %lt3A_600, %xor3A_603, %get3A_597 : vector<16xi1>, vector<16xi32>
        %mul3A_605 = arith.constant 16 : i32
        %mul3A_606 = arith.muli %while3A_592, %mul3A_605 : i32
        %add3A_607 = vector.broadcast %mul3A_606 : i32 to vector<16xi32>
        %add3A_608 = arith.addi %add3A_607, %iota3A_202 : vector<16xi32>
        %lt3A_609 = vector.broadcast %select_n3A_198 : i32 to vector<16xi32>
        %lt3A_610 = arith.cmpi slt, %add3A_608, %lt3A_609 : vector<16xi32>
        %shift_right_arithmetic3A_611 = arith.constant 21 : i32
        %shift_right_arithmetic3A_612 = vector.broadcast %shift_right_arithmetic3A_611 : i32 to vector<16xi32>
        %shift_right_arithmetic3A_613 = arith.shrsi %select_n3A_604, %shift_right_arithmetic3A_612 : vector<16xi32>
        %add3A_614 = arith.constant 1024 : i32
        %add3A_615 = vector.broadcast %add3A_614 : i32 to vector<16xi32>
        %add3A_616 = arith.addi %shift_right_arithmetic3A_613, %add3A_615 : vector<16xi32>
        %unique3A, %unique3A_617 = tpu.scan_count mask(%lt3A_610 : vector<16xi1>) value(%add3A_616 : vector<16xi32>) : vector<16xi1>, vector<16xi32>
        tpu.vector_store_idx %arg6[%add3A_616], %unique3A_617 masked %unique3A {add = true} : memref<2048xi32, #tpu.memory_space<vmem>>[vector<16xi32>], vector<16xi32>, vector<16xi1>
        %jit3A_618 = arith.constant 0 : i32
        %broadcast_in_dim3A_619 = vector.broadcast %jit3A_618 : i32 to vector<16xi32>
        %select_n3A_620 = arith.select %lt3A_610, %add3A_616, %broadcast_in_dim3A_619 : vector<16xi1>, vector<16xi32>
        %max3A_621 = arith.maxsi %while3A_593, %select_n3A_620 : vector<16xi32>
        scf.yield %max3A_621 : vector<16xi32>
      }
      %while3A_240 = arith.constant 1 : i32
      %while3A_241 = scf.for %while3A_592 = %while3A_237 to %while3A_233 step %while3A_240 iter_args(%while3A_593 = %while3A_239) -> (vector<16xi32>)  : i32 {
        %mul3A_594 = arith.constant 16 : i32
        %mul3A_595 = arith.muli %while3A_592, %mul3A_594 : i32
        %get3A_596 = arith.index_cast %mul3A_595 : i32 to index
        %get3A_597 = tpu.vector_load %arg5[%get3A_596] {strides = array<i32>} : memref<32784xi32, #tpu.memory_space<vmem>>, vector<16xi32>,
        %lt3A_598 = arith.constant 0 : i32
        %lt3A_599 = vector.broadcast %lt3A_598 : i32 to vector<16xi32>
        %lt3A_600 = arith.cmpi slt, %get3A_597, %lt3A_599 : vector<16xi32>
        %xor3A_601 = arith.constant 2147483647 : i32
        %xor3A_602 = vector.broadcast %xor3A_601 : i32 to vector<16xi32>
        %xor3A_603 = arith.xori %get3A_597, %xor3A_602 : vector<16xi32>
        %select_n3A_604 = arith.select %lt3A_600, %xor3A_603, %get3A_597 : vector<16xi1>, vector<16xi32>
        %mul3A_605 = arith.constant 16 : i32
        %mul3A_606 = arith.muli %while3A_592, %mul3A_605 : i32
        %add3A_607 = vector.broadcast %mul3A_606 : i32 to vector<16xi32>
        %add3A_608 = arith.addi %add3A_607, %iota3A_202 : vector<16xi32>
        %lt3A_609 = vector.broadcast %select_n3A_198 : i32 to vector<16xi32>
        %lt3A_610 = arith.cmpi slt, %add3A_608, %lt3A_609 : vector<16xi32>
        %shift_right_arithmetic3A_611 = arith.constant 21 : i32
        %shift_right_arithmetic3A_612 = vector.broadcast %shift_right_arithmetic3A_611 : i32 to vector<16xi32>
        %shift_right_arithmetic3A_613 = arith.shrsi %select_n3A_604, %shift_right_arithmetic3A_612 : vector<16xi32>
        %add3A_614 = arith.constant 1024 : i32
        %add3A_615 = vector.broadcast %add3A_614 : i32 to vector<16xi32>
        %add3A_616 = arith.addi %shift_right_arithmetic3A_613, %add3A_615 : vector<16xi32>
        %unique3A, %unique3A_617 = tpu.scan_count mask(%lt3A_610 : vector<16xi1>) value(%add3A_616 : vector<16xi32>) : vector<16xi1>, vector<16xi32>
        tpu.vector_store_idx %arg6[%add3A_616], %unique3A_617 masked %unique3A {add = true} : memref<2048xi32, #tpu.memory_space<vmem>>[vector<16xi32>], vector<16xi32>, vector<16xi1>
        %jit3A_618 = arith.constant 0 : i32
        %broadcast_in_dim3A_619 = vector.broadcast %jit3A_618 : i32 to vector<16xi32>
        %select_n3A_620 = arith.select %lt3A_610, %add3A_616, %broadcast_in_dim3A_619 : vector<16xi1>, vector<16xi32>
        %max3A_621 = arith.maxsi %while3A_593, %select_n3A_620 : vector<16xi32>
        scf.yield %max3A_621 : vector<16xi32>
      }
      %reduce_max3A_242 = arith.constant true
      %reduce_max3A_243 = vector.broadcast %reduce_max3A_242 : i1 to vector<16xi1>
      %reduce_max3A_244 = arith.constant -2147483648 : i32
      %reduce_max3A_245 = vector.broadcast %reduce_max3A_244 : i32 to vector<16xi32>
      %reduce_max3A_246 = arith.xori %while3A_241, %reduce_max3A_245 : vector<16xi32>
      %reduce_max3A_247 = tpu.scan <max>, %reduce_max3A_246 masked %reduce_max3A_243 : vector<16xi32>, vector<16xi1> -> vector<16xi32>
      %reduce_max3A_248 = arith.xori %reduce_max3A_247, %reduce_max3A_245 : vector<16xi32>
      %reduce_max3A_249 = vector.extract %reduce_max3A_248[15] : i32 from vector<16xi32>
      %iota3A_250 = tpu.iota {dimensions = array<i32: 0>} : vector<16xi32>
      %sub3A_251 = arith.constant 2047 : i32
      %sub3A_252 = arith.subi %sub3A_251, %reduce_max3A_249 : i32
      %jit3A_253 = arith.constant 16 : i32
      %div3A_254 = arith.divsi %sub3A_252, %jit3A_253 : i32
      %sign3A_255 = arith.constant 0 : i32
      %sign3A_256 = arith.cmpi sgt, %sub3A_252, %sign3A_255 : i32
      %sign3A_257 = arith.extui %sign3A_256 : i1 to i32
      %sign3A_258 = arith.constant 0 : i32
      %sign3A_259 = arith.cmpi slt, %sub3A_252, %sign3A_258 : i32
      %sign3A_260 = arith.extui %sign3A_259 : i1 to i32
      %sign3A_261 = arith.subi %sign3A_257, %sign3A_260 : i32
      %sign3A_262 = arith.constant 0 : i32
      %sign3A_263 = arith.cmpi sgt, %jit3A_253, %sign3A_262 : i32
      %sign3A_264 = arith.extui %sign3A_263 : i1 to i32
      %sign3A_265 = arith.constant 0 : i32
      %sign3A_266 = arith.cmpi slt, %jit3A_253, %sign3A_265 : i32
      %sign3A_267 = arith.extui %sign3A_266 : i1 to i32
      %sign3A_268 = arith.subi %sign3A_264, %sign3A_267 : i32
      %ne3A_269 = arith.cmpi ne, %sign3A_261, %sign3A_268 : i32
      %rem3A_270 = arith.remsi %sub3A_252, %jit3A_253 : i32
      %ne3A_271 = arith.constant 0 : i32
      %ne3A_272 = arith.cmpi ne, %rem3A_270, %ne3A_271 : i32
      %and3A_273 = arith.andi %ne3A_269, %ne3A_272 : i1
      %sub3A_274 = arith.constant 1 : i32
      %sub3A_275 = arith.subi %div3A_254, %sub3A_274 : i32
      %select_n3A_276 = arith.select %and3A_273, %sub3A_275, %div3A_254 : i32
      %while3A_277 = arith.constant 512 : i32
      %while3A_278 = arith.constant 0 : i32
      %while3A_279 = arith.constant 0 : i32
      %while3A_280 = arith.constant 0 : i32
      %while3A_281 = arith.constant 0 : i32
      %while3A_282:5 = scf.while (%while3A_592 = %select_n3A_276, %while3A_593 = %while3A_278, %while3A_594 = %while3A_279, %while3A_595 = %while3A_280, %while3A_596 = %while3A_281) : (i32, i32, i32, i32, i32) -> (i32, i32, i32, i32, i32) {
        %eq3A = arith.constant 0 : i32
        %eq3A_597 = arith.cmpi eq, %while3A_593, %eq3A : i32
        %lt3A_598 = arith.constant 128 : i32
        %lt3A_599 = arith.cmpi slt, %while3A_592, %lt3A_598 : i32
        %and3A_600 = arith.andi %eq3A_597, %lt3A_599 : i1
        scf.condition(%and3A_600) %while3A_592, %while3A_593, %while3A_594, %while3A_595, %while3A_596 : i32, i32, i32, i32, i32
      } do {
      ^bb0(%while3A_592: i32, %while3A_593: i32, %while3A_594: i32, %while3A_595: i32, %while3A_596: i32):
        %add3A_597 = arith.constant 1 : i32
        %add3A_598 = arith.addi %while3A_592, %add3A_597 : i32
        %mul3A_599 = arith.constant 16 : i32
        %mul3A_600 = arith.muli %add3A_598, %mul3A_599 : i32
        %sub3A_601 = arith.constant 2048 : i32
        %sub3A_602 = arith.subi %sub3A_601, %mul3A_600 : i32
        %get3A_603 = arith.index_cast %sub3A_602 : i32 to index
        %get3A_604 = tpu.vector_load %arg6[%get3A_603] {strides = array<i32>} : memref<2048xi32, #tpu.memory_space<vmem>>, vector<16xi32>,
        %rev3A = arith.constant 15 : i32
        %rev3A_605 = vector.broadcast %rev3A : i32 to vector<16xi32>
        %rev3A_606 = tpu.iota {dimensions = array<i32: 0>} : vector<16xi32>
        %rev3A_607 = arith.subi %rev3A_605, %rev3A_606 : vector<16xi32>
        %rev3A_608 = tpu.dynamic_gather %get3A_604[%rev3A_607] in [0] : vector<16xi32>, vector<16xi32> -> vector<16xi32>
        %broadcast_in_dim3A_609 = arith.constant true
        %broadcast_in_dim3A_610 = vector.broadcast %broadcast_in_dim3A_609 : i1 to vector<16xi1>
        %masked_cumsum3A = tpu.scan <sum>, %rev3A_608 masked %broadcast_in_dim3A_610 : vector<16xi32>, vector<16xi1> -> vector<16xi32>
        %add3A_611 = vector.broadcast %while3A_596 : i32 to vector<16xi32>
        %add3A_612 = arith.addi %add3A_611, %masked_cumsum3A : vector<16xi32>
        %ge3A = vector.broadcast %while3A_277 : i32 to vector<16xi32>
        %ge3A_613 = arith.cmpi sge, %add3A_612, %ge3A : vector<16xi32>
        %all_reduce_population_count3A = tpu.all_reduce %ge3A_613 {dim = 0 : i64, kind = #tpu.reduction_kind<sum>} : vector<16xi1> -> vector<16xi32>
        %slice3A_614 = vector.extract_strided_slice %all_reduce_population_count3A {offsets = [0], sizes = [1], strides = [1]} : vector<16xi32> to vector<1xi32>
        %squeeze3A_615 = vector.extract %slice3A_614[0] : i32 from vector<1xi32>
        %all_reduce_ffs3A = tpu.all_reduce %ge3A_613 {dim = 0 : i64, kind = #tpu.reduction_kind<find_first_set>} : vector<16xi1> -> vector<16xi32>
        %slice3A_616 = vector.extract_strided_slice %all_reduce_ffs3A {offsets = [0], sizes = [1], strides = [1]} : vector<16xi32> to vector<1xi32>
        %squeeze3A_617 = vector.extract %slice3A_616[0] : i32 from vector<1xi32>
        %sub3A_618 = arith.subi %masked_cumsum3A, %rev3A_608 : vector<16xi32>
        %eq3A = vector.broadcast %squeeze3A_617 : i32 to vector<16xi32>
        %eq3A_619 = arith.cmpi eq, %iota3A_250, %eq3A : vector<16xi32>
        %jit3A_620 = arith.constant 0 : i32
        %broadcast_in_dim3A_621 = vector.broadcast %jit3A_620 : i32 to vector<16xi32>
        %select_n3A_622 = arith.select %eq3A_619, %sub3A_618, %broadcast_in_dim3A_621 : vector<16xi1>, vector<16xi32>
        %reduce_sum3A = arith.constant true
        %reduce_sum3A_623 = vector.broadcast %reduce_sum3A : i1 to vector<16xi1>
        %reduce_sum3A_624 = tpu.scan <sum>, %select_n3A_622 masked %reduce_sum3A_623 : vector<16xi32>, vector<16xi1> -> vector<16xi32>
        %reduce_sum3A_625 = vector.extract %reduce_sum3A_624[15] : i32 from vector<16xi32>
        %add3A_626 = arith.addi %while3A_596, %reduce_sum3A_625 : i32
        %add3A_627 = arith.constant 15 : i32
        %add3A_628 = arith.addi %sub3A_602, %add3A_627 : i32
        %sub3A_629 = arith.subi %add3A_628, %squeeze3A_617 : i32
        %gt3A = arith.constant 0 : i32
        %gt3A_630 = arith.cmpi sgt, %squeeze3A_615, %gt3A : i32
        %select_n3A_631 = arith.select %gt3A_630, %sub3A_629, %while3A_594 : i32
        %select_n3A_632 = arith.select %gt3A_630, %add3A_626, %while3A_595 : i32
        %jit3A_633 = arith.constant 1 : i32
        %jit3A_634 = arith.constant 0 : i32
        %select_n3A_635 = arith.select %gt3A_630, %jit3A_633, %jit3A_634 : i32
        %slice3A_636 = vector.extract_strided_slice %masked_cumsum3A {offsets = [15], sizes = [1], strides = [1]} : vector<16xi32> to vector<1xi32>
        %squeeze3A_637 = vector.extract %slice3A_636[0] : i32 from vector<1xi32>
        %add3A_638 = arith.addi %while3A_596, %squeeze3A_637 : i32
        %add3A_639 = arith.constant 1 : i32
        %add3A_640 = arith.addi %while3A_592, %add3A_639 : i32
        scf.yield %add3A_640, %select_n3A_635, %select_n3A_631, %select_n3A_632, %add3A_638 : i32, i32, i32, i32, i32
      }
      %sub3A_283 = arith.constant 1024 : i32
      %sub3A_284 = arith.subi %while3A_282#2, %sub3A_283 : i32
      %iota3A_285 = tpu.iota {dimensions = array<i32: 0>} : vector<16xi32>
      %add3A_286 = arith.constant 15 : i32
      %add3A_287 = arith.addi %select_n3A_198, %add3A_286 : i32
      %jit3A_288 = arith.constant 16 : i32
      %div3A_289 = arith.divsi %add3A_287, %jit3A_288 : i32
      %sign3A_290 = arith.constant 0 : i32
      %sign3A_291 = arith.cmpi sgt, %add3A_287, %sign3A_290 : i32
      %sign3A_292 = arith.extui %sign3A_291 : i1 to i32
      %sign3A_293 = arith.constant 0 : i32
      %sign3A_294 = arith.cmpi slt, %add3A_287, %sign3A_293 : i32
      %sign3A_295 = arith.extui %sign3A_294 : i1 to i32
      %sign3A_296 = arith.subi %sign3A_292, %sign3A_295 : i32
      %sign3A_297 = arith.constant 0 : i32
      %sign3A_298 = arith.cmpi sgt, %jit3A_288, %sign3A_297 : i32
      %sign3A_299 = arith.extui %sign3A_298 : i1 to i32
      %sign3A_300 = arith.constant 0 : i32
      %sign3A_301 = arith.cmpi slt, %jit3A_288, %sign3A_300 : i32
      %sign3A_302 = arith.extui %sign3A_301 : i1 to i32
      %sign3A_303 = arith.subi %sign3A_299, %sign3A_302 : i32
      %ne3A_304 = arith.cmpi ne, %sign3A_296, %sign3A_303 : i32
      %rem3A_305 = arith.remsi %add3A_287, %jit3A_288 : i32
      %ne3A_306 = arith.constant 0 : i32
      %ne3A_307 = arith.cmpi ne, %rem3A_305, %ne3A_306 : i32
      %and3A_308 = arith.andi %ne3A_304, %ne3A_307 : i1
      %sub3A_309 = arith.constant 1 : i32
      %sub3A_310 = arith.subi %div3A_289, %sub3A_309 : i32
      %select_n3A_311 = arith.select %and3A_308, %sub3A_310, %div3A_289 : i32
      %parallel_loop3A_312 = arith.constant 0 : i32
      %parallel_loop3A_313 = arith.constant 1 : i32
      %parallel_loop3A_314 = arith.constant 0 : i32
      %parallel_loop3A_315:2 = scf.for %parallel_loop3A_592 = %parallel_loop3A_312 to %select_n3A_311 step %parallel_loop3A_313 iter_args(%parallel_loop3A_593 = %mul3A_129, %parallel_loop3A_594 = %parallel_loop3A_314) -> (i32, i32)  : i32 {
        %parallel_loop3A_595 = arith.constant 16 : i32
        %parallel_loop3A_596 = arith.muli %parallel_loop3A_592, %parallel_loop3A_595 : i32
        %parallel_loop3A_597 = arith.index_cast %parallel_loop3A_596 : i32 to index
        %parallel_loop3A_598 = tpu.vector_load %arg5[%parallel_loop3A_597] {strides = array<i32>} : memref<32784xi32, #tpu.memory_space<vmem>>, vector<16xi32>,
        %parallel_loop3A_599 = arith.constant 0 : i32
        %parallel_loop3A_600 = vector.broadcast %parallel_loop3A_599 : i32 to vector<16xi32>
        %parallel_loop3A_601 = arith.cmpi slt, %parallel_loop3A_598, %parallel_loop3A_600 : vector<16xi32>
        %parallel_loop3A_602 = arith.constant 2147483647 : i32
        %parallel_loop3A_603 = vector.broadcast %parallel_loop3A_602 : i32 to vector<16xi32>
        %parallel_loop3A_604 = arith.xori %parallel_loop3A_598, %parallel_loop3A_603 : vector<16xi32>
        %parallel_loop3A_605 = arith.select %parallel_loop3A_601, %parallel_loop3A_604, %parallel_loop3A_598 : vector<16xi1>, vector<16xi32>
        %parallel_loop3A_606 = arith.constant 16 : i32
        %parallel_loop3A_607 = arith.muli %parallel_loop3A_592, %parallel_loop3A_606 : i32
        %parallel_loop3A_608 = vector.broadcast %parallel_loop3A_607 : i32 to vector<16xi32>
        %parallel_loop3A_609 = arith.addi %parallel_loop3A_608, %iota3A_285 : vector<16xi32>
        %parallel_loop3A_610 = vector.broadcast %select_n3A_198 : i32 to vector<16xi32>
        %parallel_loop3A_611 = arith.cmpi slt, %parallel_loop3A_609, %parallel_loop3A_610 : vector<16xi32>
        %parallel_loop3A_612 = arith.constant 21 : i32
        %parallel_loop3A_613 = vector.broadcast %parallel_loop3A_612 : i32 to vector<16xi32>
        %parallel_loop3A_614 = arith.shrsi %parallel_loop3A_605, %parallel_loop3A_613 : vector<16xi32>
        %parallel_loop3A_615 = vector.broadcast %sub3A_284 : i32 to vector<16xi32>
        %parallel_loop3A_616 = arith.cmpi sgt, %parallel_loop3A_614, %parallel_loop3A_615 : vector<16xi32>
        %parallel_loop3A_617 = arith.andi %parallel_loop3A_611, %parallel_loop3A_616 : vector<16xi1>
        %parallel_loop3A_618 = vector.broadcast %sub3A_284 : i32 to vector<16xi32>
        %parallel_loop3A_619 = arith.cmpi eq, %parallel_loop3A_614, %parallel_loop3A_618 : vector<16xi32>
        %parallel_loop3A_620 = arith.andi %parallel_loop3A_611, %parallel_loop3A_619 : vector<16xi1>
        %parallel_loop3A_621 = arith.index_cast %parallel_loop3A_593 : i32 to index
        %parallel_loop3A_622 = tpu.vector_load %arg8[%parallel_loop3A_621] masked %parallel_loop3A_617 {strides = array<i32>} : memref<2112xi32, #tpu.memory_space<vmem>>, vector<16xi32>, vector<16xi1>
        tpu.vector_store %arg8[%parallel_loop3A_621], %parallel_loop3A_605 masked %parallel_loop3A_617 {strides = array<i32>} : memref<2112xi32, #tpu.memory_space<vmem>>, vector<16xi32>, vector<16xi1>
        %parallel_loop3A_623 = arith.index_cast %parallel_loop3A_594 : i32 to index
        %parallel_loop3A_624 = tpu.vector_load %arg5[%parallel_loop3A_623] masked %parallel_loop3A_620 {strides = array<i32>} : memref<32784xi32, #tpu.memory_space<vmem>>, vector<16xi32>, vector<16xi1>
        tpu.vector_store %arg5[%parallel_loop3A_623], %parallel_loop3A_605 masked %parallel_loop3A_620 {strides = array<i32>} : memref<32784xi32, #tpu.memory_space<vmem>>, vector<16xi32>, vector<16xi1>
        %parallel_loop3A_625 = tpu.all_reduce %parallel_loop3A_617 {dim = 0 : i64, kind = #tpu.reduction_kind<sum>} : vector<16xi1> -> vector<16xi32>
        %parallel_loop3A_626 = vector.extract_strided_slice %parallel_loop3A_625 {offsets = [0], sizes = [1], strides = [1]} : vector<16xi32> to vector<1xi32>
        %parallel_loop3A_627 = vector.extract %parallel_loop3A_626[0] : i32 from vector<1xi32>
        %parallel_loop3A_628 = arith.addi %parallel_loop3A_593, %parallel_loop3A_627 : i32
        %parallel_loop3A_629 = tpu.all_reduce %parallel_loop3A_620 {dim = 0 : i64, kind = #tpu.reduction_kind<sum>} : vector<16xi1> -> vector<16xi32>
        %parallel_loop3A_630 = vector.extract_strided_slice %parallel_loop3A_629 {offsets = [0], sizes = [1], strides = [1]} : vector<16xi32> to vector<1xi32>
        %parallel_loop3A_631 = vector.extract %parallel_loop3A_630[0] : i32 from vector<1xi32>
        %parallel_loop3A_632 = arith.addi %parallel_loop3A_594, %parallel_loop3A_631 : i32
        scf.yield %parallel_loop3A_628, %parallel_loop3A_632 : i32, i32
      } {sc.loop_unroll_factor = 4 : i64, sc.parallel_access}
      %sub3A_316 = arith.subi %parallel_loop3A_315#0, %mul3A_129 : i32
      %sub3A_317 = arith.constant 512 : i32
      %sub3A_318 = arith.subi %sub3A_317, %sub3A_316 : i32
      %parallel_loop3A_319 = arith.constant 0 : i32
      %parallel_loop3A_320 = arith.constant 128 : i32
      %parallel_loop3A_321 = arith.constant 1 : i32
      scf.for %parallel_loop3A_592 = %parallel_loop3A_319 to %parallel_loop3A_320 step %parallel_loop3A_321  : i32 {
        %parallel_loop3A_593 = arith.constant 0 : i32
        %parallel_loop3A_594 = vector.broadcast %parallel_loop3A_593 : i32 to vector<16xi32>
        %parallel_loop3A_595 = arith.constant 16 : i32
        %parallel_loop3A_596 = arith.muli %parallel_loop3A_592, %parallel_loop3A_595 : i32
        %parallel_loop3A_597 = arith.index_cast %parallel_loop3A_596 : i32 to index
        %parallel_loop3A_598 = tpu.vector_load %arg6[%parallel_loop3A_597] {strides = array<i32>} : memref<2048xi32, #tpu.memory_space<vmem>>, vector<16xi32>,
        tpu.vector_store %arg6[%parallel_loop3A_597], %parallel_loop3A_594 {strides = array<i32>} : memref<2048xi32, #tpu.memory_space<vmem>>, vector<16xi32>,
      } {sc.loop_unroll_factor = 8 : i64, sc.parallel_access}
      %iota3A_322 = tpu.iota {dimensions = array<i32: 0>} : vector<16xi32>
      %add3A_323 = arith.constant 15 : i32
      %add3A_324 = arith.addi %parallel_loop3A_315#1, %add3A_323 : i32
      %jit3A_325 = arith.constant 16 : i32
      %div3A_326 = arith.divsi %add3A_324, %jit3A_325 : i32
      %sign3A_327 = arith.constant 0 : i32
      %sign3A_328 = arith.cmpi sgt, %add3A_324, %sign3A_327 : i32
      %sign3A_329 = arith.extui %sign3A_328 : i1 to i32
      %sign3A_330 = arith.constant 0 : i32
      %sign3A_331 = arith.cmpi slt, %add3A_324, %sign3A_330 : i32
      %sign3A_332 = arith.extui %sign3A_331 : i1 to i32
      %sign3A_333 = arith.subi %sign3A_329, %sign3A_332 : i32
      %sign3A_334 = arith.constant 0 : i32
      %sign3A_335 = arith.cmpi sgt, %jit3A_325, %sign3A_334 : i32
      %sign3A_336 = arith.extui %sign3A_335 : i1 to i32
      %sign3A_337 = arith.constant 0 : i32
      %sign3A_338 = arith.cmpi slt, %jit3A_325, %sign3A_337 : i32
      %sign3A_339 = arith.extui %sign3A_338 : i1 to i32
      %sign3A_340 = arith.subi %sign3A_336, %sign3A_339 : i32
      %ne3A_341 = arith.cmpi ne, %sign3A_333, %sign3A_340 : i32
      %rem3A_342 = arith.remsi %add3A_324, %jit3A_325 : i32
      %ne3A_343 = arith.constant 0 : i32
      %ne3A_344 = arith.cmpi ne, %rem3A_342, %ne3A_343 : i32
      %and3A_345 = arith.andi %ne3A_341, %ne3A_344 : i1
      %sub3A_346 = arith.constant 1 : i32
      %sub3A_347 = arith.subi %div3A_326, %sub3A_346 : i32
      %select_n3A_348 = arith.select %and3A_345, %sub3A_347, %div3A_326 : i32
      %broadcast_in_dim3A_349 = arith.constant 0 : i32
      %broadcast_in_dim3A_350 = vector.broadcast %broadcast_in_dim3A_349 : i32 to vector<16xi32>
      %while3A_351 = arith.constant 0 : i32
      %while3A_352 = arith.subi %select_n3A_348, %while3A_351 : i32
      %while3A_353 = arith.addi %while3A_351, %while3A_352 : i32
      %while3A_354 = arith.constant 1 : i32
      %while3A_355 = arith.divsi %while3A_352, %while3A_354 : i32
      %while3A_356 = arith.muli %while3A_355, %while3A_354 : i32
      %while3A_357 = arith.addi %while3A_351, %while3A_356 : i32
      %while3A_358 = arith.constant 1 : i32
      %while3A_359 = scf.for %while3A_592 = %while3A_351 to %while3A_357 step %while3A_358 iter_args(%while3A_593 = %broadcast_in_dim3A_350) -> (vector<16xi32>)  : i32 {
        %mul3A_594 = arith.constant 16 : i32
        %mul3A_595 = arith.muli %while3A_592, %mul3A_594 : i32
        %get3A_596 = arith.index_cast %mul3A_595 : i32 to index
        %get3A_597 = tpu.vector_load %arg5[%get3A_596] {strides = array<i32>} : memref<32784xi32, #tpu.memory_space<vmem>>, vector<16xi32>,
        %mul3A_598 = arith.constant 16 : i32
        %mul3A_599 = arith.muli %while3A_592, %mul3A_598 : i32
        %add3A_600 = vector.broadcast %mul3A_599 : i32 to vector<16xi32>
        %add3A_601 = arith.addi %add3A_600, %iota3A_322 : vector<16xi32>
        %lt3A_602 = vector.broadcast %parallel_loop3A_315#1 : i32 to vector<16xi32>
        %lt3A_603 = arith.cmpi slt, %add3A_601, %lt3A_602 : vector<16xi32>
        %shift_right_arithmetic3A_604 = arith.constant 10 : i32
        %shift_right_arithmetic3A_605 = vector.broadcast %shift_right_arithmetic3A_604 : i32 to vector<16xi32>
        %shift_right_arithmetic3A_606 = arith.shrsi %get3A_597, %shift_right_arithmetic3A_605 : vector<16xi32>
        %and3A_607 = arith.constant 2047 : i32
        %and3A_608 = vector.broadcast %and3A_607 : i32 to vector<16xi32>
        %and3A_609 = arith.andi %shift_right_arithmetic3A_606, %and3A_608 : vector<16xi32>
        %unique3A, %unique3A_610 = tpu.scan_count mask(%lt3A_603 : vector<16xi1>) value(%and3A_609 : vector<16xi32>) : vector<16xi1>, vector<16xi32>
        tpu.vector_store_idx %arg6[%and3A_609], %unique3A_610 masked %unique3A {add = true} : memref<2048xi32, #tpu.memory_space<vmem>>[vector<16xi32>], vector<16xi32>, vector<16xi1>
        %jit3A_611 = arith.constant 0 : i32
        %broadcast_in_dim3A_612 = vector.broadcast %jit3A_611 : i32 to vector<16xi32>
        %select_n3A_613 = arith.select %lt3A_603, %and3A_609, %broadcast_in_dim3A_612 : vector<16xi1>, vector<16xi32>
        %max3A_614 = arith.maxsi %while3A_593, %select_n3A_613 : vector<16xi32>
        scf.yield %max3A_614 : vector<16xi32>
      }
      %while3A_360 = arith.constant 1 : i32
      %while3A_361 = scf.for %while3A_592 = %while3A_357 to %while3A_353 step %while3A_360 iter_args(%while3A_593 = %while3A_359) -> (vector<16xi32>)  : i32 {
        %mul3A_594 = arith.constant 16 : i32
        %mul3A_595 = arith.muli %while3A_592, %mul3A_594 : i32
        %get3A_596 = arith.index_cast %mul3A_595 : i32 to index
        %get3A_597 = tpu.vector_load %arg5[%get3A_596] {strides = array<i32>} : memref<32784xi32, #tpu.memory_space<vmem>>, vector<16xi32>,
        %mul3A_598 = arith.constant 16 : i32
        %mul3A_599 = arith.muli %while3A_592, %mul3A_598 : i32
        %add3A_600 = vector.broadcast %mul3A_599 : i32 to vector<16xi32>
        %add3A_601 = arith.addi %add3A_600, %iota3A_322 : vector<16xi32>
        %lt3A_602 = vector.broadcast %parallel_loop3A_315#1 : i32 to vector<16xi32>
        %lt3A_603 = arith.cmpi slt, %add3A_601, %lt3A_602 : vector<16xi32>
        %shift_right_arithmetic3A_604 = arith.constant 10 : i32
        %shift_right_arithmetic3A_605 = vector.broadcast %shift_right_arithmetic3A_604 : i32 to vector<16xi32>
        %shift_right_arithmetic3A_606 = arith.shrsi %get3A_597, %shift_right_arithmetic3A_605 : vector<16xi32>
        %and3A_607 = arith.constant 2047 : i32
        %and3A_608 = vector.broadcast %and3A_607 : i32 to vector<16xi32>
        %and3A_609 = arith.andi %shift_right_arithmetic3A_606, %and3A_608 : vector<16xi32>
        %unique3A, %unique3A_610 = tpu.scan_count mask(%lt3A_603 : vector<16xi1>) value(%and3A_609 : vector<16xi32>) : vector<16xi1>, vector<16xi32>
        tpu.vector_store_idx %arg6[%and3A_609], %unique3A_610 masked %unique3A {add = true} : memref<2048xi32, #tpu.memory_space<vmem>>[vector<16xi32>], vector<16xi32>, vector<16xi1>
        %jit3A_611 = arith.constant 0 : i32
        %broadcast_in_dim3A_612 = vector.broadcast %jit3A_611 : i32 to vector<16xi32>
        %select_n3A_613 = arith.select %lt3A_603, %and3A_609, %broadcast_in_dim3A_612 : vector<16xi1>, vector<16xi32>
        %max3A_614 = arith.maxsi %while3A_593, %select_n3A_613 : vector<16xi32>
        scf.yield %max3A_614 : vector<16xi32>
      }
      %reduce_max3A_362 = arith.constant true
      %reduce_max3A_363 = vector.broadcast %reduce_max3A_362 : i1 to vector<16xi1>
      %reduce_max3A_364 = arith.constant -2147483648 : i32
      %reduce_max3A_365 = vector.broadcast %reduce_max3A_364 : i32 to vector<16xi32>
      %reduce_max3A_366 = arith.xori %while3A_361, %reduce_max3A_365 : vector<16xi32>
      %reduce_max3A_367 = tpu.scan <max>, %reduce_max3A_366 masked %reduce_max3A_363 : vector<16xi32>, vector<16xi1> -> vector<16xi32>
      %reduce_max3A_368 = arith.xori %reduce_max3A_367, %reduce_max3A_365 : vector<16xi32>
      %reduce_max3A_369 = vector.extract %reduce_max3A_368[15] : i32 from vector<16xi32>
      %iota3A_370 = tpu.iota {dimensions = array<i32: 0>} : vector<16xi32>
      %sub3A_371 = arith.constant 2047 : i32
      %sub3A_372 = arith.subi %sub3A_371, %reduce_max3A_369 : i32
      %jit3A_373 = arith.constant 16 : i32
      %div3A_374 = arith.divsi %sub3A_372, %jit3A_373 : i32
      %sign3A_375 = arith.constant 0 : i32
      %sign3A_376 = arith.cmpi sgt, %sub3A_372, %sign3A_375 : i32
      %sign3A_377 = arith.extui %sign3A_376 : i1 to i32
      %sign3A_378 = arith.constant 0 : i32
      %sign3A_379 = arith.cmpi slt, %sub3A_372, %sign3A_378 : i32
      %sign3A_380 = arith.extui %sign3A_379 : i1 to i32
      %sign3A_381 = arith.subi %sign3A_377, %sign3A_380 : i32
      %sign3A_382 = arith.constant 0 : i32
      %sign3A_383 = arith.cmpi sgt, %jit3A_373, %sign3A_382 : i32
      %sign3A_384 = arith.extui %sign3A_383 : i1 to i32
      %sign3A_385 = arith.constant 0 : i32
      %sign3A_386 = arith.cmpi slt, %jit3A_373, %sign3A_385 : i32
      %sign3A_387 = arith.extui %sign3A_386 : i1 to i32
      %sign3A_388 = arith.subi %sign3A_384, %sign3A_387 : i32
      %ne3A_389 = arith.cmpi ne, %sign3A_381, %sign3A_388 : i32
      %rem3A_390 = arith.remsi %sub3A_372, %jit3A_373 : i32
      %ne3A_391 = arith.constant 0 : i32
      %ne3A_392 = arith.cmpi ne, %rem3A_390, %ne3A_391 : i32
      %and3A_393 = arith.andi %ne3A_389, %ne3A_392 : i1
      %sub3A_394 = arith.constant 1 : i32
      %sub3A_395 = arith.subi %div3A_374, %sub3A_394 : i32
      %select_n3A_396 = arith.select %and3A_393, %sub3A_395, %div3A_374 : i32
      %while3A_397 = arith.constant 0 : i32
      %while3A_398 = arith.constant 0 : i32
      %while3A_399 = arith.constant 0 : i32
      %while3A_400 = arith.constant 0 : i32
      %while3A_401:5 = scf.while (%while3A_592 = %select_n3A_396, %while3A_593 = %while3A_397, %while3A_594 = %while3A_398, %while3A_595 = %while3A_399, %while3A_596 = %while3A_400) : (i32, i32, i32, i32, i32) -> (i32, i32, i32, i32, i32) {
        %eq3A = arith.constant 0 : i32
        %eq3A_597 = arith.cmpi eq, %while3A_593, %eq3A : i32
        %lt3A_598 = arith.constant 128 : i32
        %lt3A_599 = arith.cmpi slt, %while3A_592, %lt3A_598 : i32
        %and3A_600 = arith.andi %eq3A_597, %lt3A_599 : i1
        scf.condition(%and3A_600) %while3A_592, %while3A_593, %while3A_594, %while3A_595, %while3A_596 : i32, i32, i32, i32, i32
      } do {
      ^bb0(%while3A_592: i32, %while3A_593: i32, %while3A_594: i32, %while3A_595: i32, %while3A_596: i32):
        %add3A_597 = arith.constant 1 : i32
        %add3A_598 = arith.addi %while3A_592, %add3A_597 : i32
        %mul3A_599 = arith.constant 16 : i32
        %mul3A_600 = arith.muli %add3A_598, %mul3A_599 : i32
        %sub3A_601 = arith.constant 2048 : i32
        %sub3A_602 = arith.subi %sub3A_601, %mul3A_600 : i32
        %get3A_603 = arith.index_cast %sub3A_602 : i32 to index
        %get3A_604 = tpu.vector_load %arg6[%get3A_603] {strides = array<i32>} : memref<2048xi32, #tpu.memory_space<vmem>>, vector<16xi32>,
        %rev3A = arith.constant 15 : i32
        %rev3A_605 = vector.broadcast %rev3A : i32 to vector<16xi32>
        %rev3A_606 = tpu.iota {dimensions = array<i32: 0>} : vector<16xi32>
        %rev3A_607 = arith.subi %rev3A_605, %rev3A_606 : vector<16xi32>
        %rev3A_608 = tpu.dynamic_gather %get3A_604[%rev3A_607] in [0] : vector<16xi32>, vector<16xi32> -> vector<16xi32>
        %broadcast_in_dim3A_609 = arith.constant true
        %broadcast_in_dim3A_610 = vector.broadcast %broadcast_in_dim3A_609 : i1 to vector<16xi1>
        %masked_cumsum3A = tpu.scan <sum>, %rev3A_608 masked %broadcast_in_dim3A_610 : vector<16xi32>, vector<16xi1> -> vector<16xi32>
        %add3A_611 = vector.broadcast %while3A_596 : i32 to vector<16xi32>
        %add3A_612 = arith.addi %add3A_611, %masked_cumsum3A : vector<16xi32>
        %ge3A = vector.broadcast %sub3A_318 : i32 to vector<16xi32>
        %ge3A_613 = arith.cmpi sge, %add3A_612, %ge3A : vector<16xi32>
        %all_reduce_population_count3A = tpu.all_reduce %ge3A_613 {dim = 0 : i64, kind = #tpu.reduction_kind<sum>} : vector<16xi1> -> vector<16xi32>
        %slice3A_614 = vector.extract_strided_slice %all_reduce_population_count3A {offsets = [0], sizes = [1], strides = [1]} : vector<16xi32> to vector<1xi32>
        %squeeze3A_615 = vector.extract %slice3A_614[0] : i32 from vector<1xi32>
        %all_reduce_ffs3A = tpu.all_reduce %ge3A_613 {dim = 0 : i64, kind = #tpu.reduction_kind<find_first_set>} : vector<16xi1> -> vector<16xi32>
        %slice3A_616 = vector.extract_strided_slice %all_reduce_ffs3A {offsets = [0], sizes = [1], strides = [1]} : vector<16xi32> to vector<1xi32>
        %squeeze3A_617 = vector.extract %slice3A_616[0] : i32 from vector<1xi32>
        %sub3A_618 = arith.subi %masked_cumsum3A, %rev3A_608 : vector<16xi32>
        %eq3A = vector.broadcast %squeeze3A_617 : i32 to vector<16xi32>
        %eq3A_619 = arith.cmpi eq, %iota3A_370, %eq3A : vector<16xi32>
        %jit3A_620 = arith.constant 0 : i32
        %broadcast_in_dim3A_621 = vector.broadcast %jit3A_620 : i32 to vector<16xi32>
        %select_n3A_622 = arith.select %eq3A_619, %sub3A_618, %broadcast_in_dim3A_621 : vector<16xi1>, vector<16xi32>
        %reduce_sum3A = arith.constant true
        %reduce_sum3A_623 = vector.broadcast %reduce_sum3A : i1 to vector<16xi1>
        %reduce_sum3A_624 = tpu.scan <sum>, %select_n3A_622 masked %reduce_sum3A_623 : vector<16xi32>, vector<16xi1> -> vector<16xi32>
        %reduce_sum3A_625 = vector.extract %reduce_sum3A_624[15] : i32 from vector<16xi32>
        %add3A_626 = arith.addi %while3A_596, %reduce_sum3A_625 : i32
        %add3A_627 = arith.constant 15 : i32
        %add3A_628 = arith.addi %sub3A_602, %add3A_627 : i32
        %sub3A_629 = arith.subi %add3A_628, %squeeze3A_617 : i32
        %gt3A = arith.constant 0 : i32
        %gt3A_630 = arith.cmpi sgt, %squeeze3A_615, %gt3A : i32
        %select_n3A_631 = arith.select %gt3A_630, %sub3A_629, %while3A_594 : i32
        %select_n3A_632 = arith.select %gt3A_630, %add3A_626, %while3A_595 : i32
        %jit3A_633 = arith.constant 1 : i32
        %jit3A_634 = arith.constant 0 : i32
        %select_n3A_635 = arith.select %gt3A_630, %jit3A_633, %jit3A_634 : i32
        %slice3A_636 = vector.extract_strided_slice %masked_cumsum3A {offsets = [15], sizes = [1], strides = [1]} : vector<16xi32> to vector<1xi32>
        %squeeze3A_637 = vector.extract %slice3A_636[0] : i32 from vector<1xi32>
        %add3A_638 = arith.addi %while3A_596, %squeeze3A_637 : i32
        %add3A_639 = arith.constant 1 : i32
        %add3A_640 = arith.addi %while3A_592, %add3A_639 : i32
        scf.yield %add3A_640, %select_n3A_635, %select_n3A_631, %select_n3A_632, %add3A_638 : i32, i32, i32, i32, i32
      }
      %iota3A_402 = tpu.iota {dimensions = array<i32: 0>} : vector<16xi32>
      %add3A_403 = arith.constant 15 : i32
      %add3A_404 = arith.addi %parallel_loop3A_315#1, %add3A_403 : i32
      %jit3A_405 = arith.constant 16 : i32
      %div3A_406 = arith.divsi %add3A_404, %jit3A_405 : i32
      %sign3A_407 = arith.constant 0 : i32
      %sign3A_408 = arith.cmpi sgt, %add3A_404, %sign3A_407 : i32
      %sign3A_409 = arith.extui %sign3A_408 : i1 to i32
      %sign3A_410 = arith.constant 0 : i32
      %sign3A_411 = arith.cmpi slt, %add3A_404, %sign3A_410 : i32
      %sign3A_412 = arith.extui %sign3A_411 : i1 to i32
      %sign3A_413 = arith.subi %sign3A_409, %sign3A_412 : i32
      %sign3A_414 = arith.constant 0 : i32
      %sign3A_415 = arith.cmpi sgt, %jit3A_405, %sign3A_414 : i32
      %sign3A_416 = arith.extui %sign3A_415 : i1 to i32
      %sign3A_417 = arith.constant 0 : i32
      %sign3A_418 = arith.cmpi slt, %jit3A_405, %sign3A_417 : i32
      %sign3A_419 = arith.extui %sign3A_418 : i1 to i32
      %sign3A_420 = arith.subi %sign3A_416, %sign3A_419 : i32
      %ne3A_421 = arith.cmpi ne, %sign3A_413, %sign3A_420 : i32
      %rem3A_422 = arith.remsi %add3A_404, %jit3A_405 : i32
      %ne3A_423 = arith.constant 0 : i32
      %ne3A_424 = arith.cmpi ne, %rem3A_422, %ne3A_423 : i32
      %and3A_425 = arith.andi %ne3A_421, %ne3A_424 : i1
      %sub3A_426 = arith.constant 1 : i32
      %sub3A_427 = arith.subi %div3A_406, %sub3A_426 : i32
      %select_n3A_428 = arith.select %and3A_425, %sub3A_427, %div3A_406 : i32
      %parallel_loop3A_429 = arith.constant 0 : i32
      %parallel_loop3A_430 = arith.constant 1 : i32
      %parallel_loop3A_431 = arith.constant 0 : i32
      %parallel_loop3A_432:2 = scf.for %parallel_loop3A_592 = %parallel_loop3A_429 to %select_n3A_428 step %parallel_loop3A_430 iter_args(%parallel_loop3A_593 = %parallel_loop3A_315#0, %parallel_loop3A_594 = %parallel_loop3A_431) -> (i32, i32)  : i32 {
        %parallel_loop3A_595 = arith.constant 16 : i32
        %parallel_loop3A_596 = arith.muli %parallel_loop3A_592, %parallel_loop3A_595 : i32
        %parallel_loop3A_597 = arith.index_cast %parallel_loop3A_596 : i32 to index
        %parallel_loop3A_598 = tpu.vector_load %arg5[%parallel_loop3A_597] {strides = array<i32>} : memref<32784xi32, #tpu.memory_space<vmem>>, vector<16xi32>,
        %parallel_loop3A_599 = arith.constant 16 : i32
        %parallel_loop3A_600 = arith.muli %parallel_loop3A_592, %parallel_loop3A_599 : i32
        %parallel_loop3A_601 = vector.broadcast %parallel_loop3A_600 : i32 to vector<16xi32>
        %parallel_loop3A_602 = arith.addi %parallel_loop3A_601, %iota3A_402 : vector<16xi32>
        %parallel_loop3A_603 = vector.broadcast %parallel_loop3A_315#1 : i32 to vector<16xi32>
        %parallel_loop3A_604 = arith.cmpi slt, %parallel_loop3A_602, %parallel_loop3A_603 : vector<16xi32>
        %parallel_loop3A_605 = arith.constant 10 : i32
        %parallel_loop3A_606 = vector.broadcast %parallel_loop3A_605 : i32 to vector<16xi32>
        %parallel_loop3A_607 = arith.shrsi %parallel_loop3A_598, %parallel_loop3A_606 : vector<16xi32>
        %parallel_loop3A_608 = arith.constant 2047 : i32
        %parallel_loop3A_609 = vector.broadcast %parallel_loop3A_608 : i32 to vector<16xi32>
        %parallel_loop3A_610 = arith.andi %parallel_loop3A_607, %parallel_loop3A_609 : vector<16xi32>
        %parallel_loop3A_611 = vector.broadcast %while3A_401#2 : i32 to vector<16xi32>
        %parallel_loop3A_612 = arith.cmpi sgt, %parallel_loop3A_610, %parallel_loop3A_611 : vector<16xi32>
        %parallel_loop3A_613 = arith.andi %parallel_loop3A_604, %parallel_loop3A_612 : vector<16xi1>
        %parallel_loop3A_614 = vector.broadcast %while3A_401#2 : i32 to vector<16xi32>
        %parallel_loop3A_615 = arith.cmpi eq, %parallel_loop3A_610, %parallel_loop3A_614 : vector<16xi32>
        %parallel_loop3A_616 = arith.andi %parallel_loop3A_604, %parallel_loop3A_615 : vector<16xi1>
        %parallel_loop3A_617 = arith.index_cast %parallel_loop3A_593 : i32 to index
        %parallel_loop3A_618 = tpu.vector_load %arg8[%parallel_loop3A_617] masked %parallel_loop3A_613 {strides = array<i32>} : memref<2112xi32, #tpu.memory_space<vmem>>, vector<16xi32>, vector<16xi1>
        tpu.vector_store %arg8[%parallel_loop3A_617], %parallel_loop3A_598 masked %parallel_loop3A_613 {strides = array<i32>} : memref<2112xi32, #tpu.memory_space<vmem>>, vector<16xi32>, vector<16xi1>
        %parallel_loop3A_619 = arith.index_cast %parallel_loop3A_594 : i32 to index
        %parallel_loop3A_620 = tpu.vector_load %arg5[%parallel_loop3A_619] masked %parallel_loop3A_616 {strides = array<i32>} : memref<32784xi32, #tpu.memory_space<vmem>>, vector<16xi32>, vector<16xi1>
        tpu.vector_store %arg5[%parallel_loop3A_619], %parallel_loop3A_598 masked %parallel_loop3A_616 {strides = array<i32>} : memref<32784xi32, #tpu.memory_space<vmem>>, vector<16xi32>, vector<16xi1>
        %parallel_loop3A_621 = tpu.all_reduce %parallel_loop3A_613 {dim = 0 : i64, kind = #tpu.reduction_kind<sum>} : vector<16xi1> -> vector<16xi32>
        %parallel_loop3A_622 = vector.extract_strided_slice %parallel_loop3A_621 {offsets = [0], sizes = [1], strides = [1]} : vector<16xi32> to vector<1xi32>
        %parallel_loop3A_623 = vector.extract %parallel_loop3A_622[0] : i32 from vector<1xi32>
        %parallel_loop3A_624 = arith.addi %parallel_loop3A_593, %parallel_loop3A_623 : i32
        %parallel_loop3A_625 = tpu.all_reduce %parallel_loop3A_616 {dim = 0 : i64, kind = #tpu.reduction_kind<sum>} : vector<16xi1> -> vector<16xi32>
        %parallel_loop3A_626 = vector.extract_strided_slice %parallel_loop3A_625 {offsets = [0], sizes = [1], strides = [1]} : vector<16xi32> to vector<1xi32>
        %parallel_loop3A_627 = vector.extract %parallel_loop3A_626[0] : i32 from vector<1xi32>
        %parallel_loop3A_628 = arith.addi %parallel_loop3A_594, %parallel_loop3A_627 : i32
        scf.yield %parallel_loop3A_624, %parallel_loop3A_628 : i32, i32
      } {sc.loop_unroll_factor = 4 : i64, sc.parallel_access}
      %sub3A_433 = arith.subi %parallel_loop3A_432#0, %mul3A_129 : i32
      %sub3A_434 = arith.constant 512 : i32
      %sub3A_435 = arith.subi %sub3A_434, %sub3A_433 : i32
      %parallel_loop3A_436 = arith.constant 0 : i32
      %parallel_loop3A_437 = arith.constant 64 : i32
      %parallel_loop3A_438 = arith.constant 1 : i32
      scf.for %parallel_loop3A_592 = %parallel_loop3A_436 to %parallel_loop3A_437 step %parallel_loop3A_438  : i32 {
        %parallel_loop3A_593 = arith.constant 0 : i32
        %parallel_loop3A_594 = vector.broadcast %parallel_loop3A_593 : i32 to vector<16xi32>
        %parallel_loop3A_595 = arith.constant 16 : i32
        %parallel_loop3A_596 = arith.muli %parallel_loop3A_592, %parallel_loop3A_595 : i32
        %parallel_loop3A_597 = arith.index_cast %parallel_loop3A_596 : i32 to index
        %parallel_loop3A_598 = tpu.vector_load %arg6[%parallel_loop3A_597] {strides = array<i32>} : memref<2048xi32, #tpu.memory_space<vmem>>, vector<16xi32>,
        tpu.vector_store %arg6[%parallel_loop3A_597], %parallel_loop3A_594 {strides = array<i32>} : memref<2048xi32, #tpu.memory_space<vmem>>, vector<16xi32>,
      } {sc.loop_unroll_factor = 8 : i64, sc.parallel_access}
      %iota3A_439 = tpu.iota {dimensions = array<i32: 0>} : vector<16xi32>
      %add3A_440 = arith.constant 15 : i32
      %add3A_441 = arith.addi %parallel_loop3A_432#1, %add3A_440 : i32
      %jit3A_442 = arith.constant 16 : i32
      %div3A_443 = arith.divsi %add3A_441, %jit3A_442 : i32
      %sign3A_444 = arith.constant 0 : i32
      %sign3A_445 = arith.cmpi sgt, %add3A_441, %sign3A_444 : i32
      %sign3A_446 = arith.extui %sign3A_445 : i1 to i32
      %sign3A_447 = arith.constant 0 : i32
      %sign3A_448 = arith.cmpi slt, %add3A_441, %sign3A_447 : i32
      %sign3A_449 = arith.extui %sign3A_448 : i1 to i32
      %sign3A_450 = arith.subi %sign3A_446, %sign3A_449 : i32
      %sign3A_451 = arith.constant 0 : i32
      %sign3A_452 = arith.cmpi sgt, %jit3A_442, %sign3A_451 : i32
      %sign3A_453 = arith.extui %sign3A_452 : i1 to i32
      %sign3A_454 = arith.constant 0 : i32
      %sign3A_455 = arith.cmpi slt, %jit3A_442, %sign3A_454 : i32
      %sign3A_456 = arith.extui %sign3A_455 : i1 to i32
      %sign3A_457 = arith.subi %sign3A_453, %sign3A_456 : i32
      %ne3A_458 = arith.cmpi ne, %sign3A_450, %sign3A_457 : i32
      %rem3A_459 = arith.remsi %add3A_441, %jit3A_442 : i32
      %ne3A_460 = arith.constant 0 : i32
      %ne3A_461 = arith.cmpi ne, %rem3A_459, %ne3A_460 : i32
      %and3A_462 = arith.andi %ne3A_458, %ne3A_461 : i1
      %sub3A_463 = arith.constant 1 : i32
      %sub3A_464 = arith.subi %div3A_443, %sub3A_463 : i32
      %select_n3A_465 = arith.select %and3A_462, %sub3A_464, %div3A_443 : i32
      %broadcast_in_dim3A_466 = arith.constant 0 : i32
      %broadcast_in_dim3A_467 = vector.broadcast %broadcast_in_dim3A_466 : i32 to vector<16xi32>
      %while3A_468 = arith.constant 0 : i32
      %while3A_469 = arith.subi %select_n3A_465, %while3A_468 : i32
      %while3A_470 = arith.addi %while3A_468, %while3A_469 : i32
      %while3A_471 = arith.constant 1 : i32
      %while3A_472 = arith.divsi %while3A_469, %while3A_471 : i32
      %while3A_473 = arith.muli %while3A_472, %while3A_471 : i32
      %while3A_474 = arith.addi %while3A_468, %while3A_473 : i32
      %while3A_475 = arith.constant 1 : i32
      %while3A_476 = scf.for %while3A_592 = %while3A_468 to %while3A_474 step %while3A_475 iter_args(%while3A_593 = %broadcast_in_dim3A_467) -> (vector<16xi32>)  : i32 {
        %mul3A_594 = arith.constant 16 : i32
        %mul3A_595 = arith.muli %while3A_592, %mul3A_594 : i32
        %get3A_596 = arith.index_cast %mul3A_595 : i32 to index
        %get3A_597 = tpu.vector_load %arg5[%get3A_596] {strides = array<i32>} : memref<32784xi32, #tpu.memory_space<vmem>>, vector<16xi32>,
        %mul3A_598 = arith.constant 16 : i32
        %mul3A_599 = arith.muli %while3A_592, %mul3A_598 : i32
        %add3A_600 = vector.broadcast %mul3A_599 : i32 to vector<16xi32>
        %add3A_601 = arith.addi %add3A_600, %iota3A_439 : vector<16xi32>
        %lt3A_602 = vector.broadcast %parallel_loop3A_432#1 : i32 to vector<16xi32>
        %lt3A_603 = arith.cmpi slt, %add3A_601, %lt3A_602 : vector<16xi32>
        %and3A_604 = arith.constant 1023 : i32
        %and3A_605 = vector.broadcast %and3A_604 : i32 to vector<16xi32>
        %and3A_606 = arith.andi %get3A_597, %and3A_605 : vector<16xi32>
        %unique3A, %unique3A_607 = tpu.scan_count mask(%lt3A_603 : vector<16xi1>) value(%and3A_606 : vector<16xi32>) : vector<16xi1>, vector<16xi32>
        tpu.vector_store_idx %arg6[%and3A_606], %unique3A_607 masked %unique3A {add = true} : memref<2048xi32, #tpu.memory_space<vmem>>[vector<16xi32>], vector<16xi32>, vector<16xi1>
        %jit3A_608 = arith.constant 0 : i32
        %broadcast_in_dim3A_609 = vector.broadcast %jit3A_608 : i32 to vector<16xi32>
        %select_n3A_610 = arith.select %lt3A_603, %and3A_606, %broadcast_in_dim3A_609 : vector<16xi1>, vector<16xi32>
        %max3A_611 = arith.maxsi %while3A_593, %select_n3A_610 : vector<16xi32>
        scf.yield %max3A_611 : vector<16xi32>
      }
      %while3A_477 = arith.constant 1 : i32
      %while3A_478 = scf.for %while3A_592 = %while3A_474 to %while3A_470 step %while3A_477 iter_args(%while3A_593 = %while3A_476) -> (vector<16xi32>)  : i32 {
        %mul3A_594 = arith.constant 16 : i32
        %mul3A_595 = arith.muli %while3A_592, %mul3A_594 : i32
        %get3A_596 = arith.index_cast %mul3A_595 : i32 to index
        %get3A_597 = tpu.vector_load %arg5[%get3A_596] {strides = array<i32>} : memref<32784xi32, #tpu.memory_space<vmem>>, vector<16xi32>,
        %mul3A_598 = arith.constant 16 : i32
        %mul3A_599 = arith.muli %while3A_592, %mul3A_598 : i32
        %add3A_600 = vector.broadcast %mul3A_599 : i32 to vector<16xi32>
        %add3A_601 = arith.addi %add3A_600, %iota3A_439 : vector<16xi32>
        %lt3A_602 = vector.broadcast %parallel_loop3A_432#1 : i32 to vector<16xi32>
        %lt3A_603 = arith.cmpi slt, %add3A_601, %lt3A_602 : vector<16xi32>
        %and3A_604 = arith.constant 1023 : i32
        %and3A_605 = vector.broadcast %and3A_604 : i32 to vector<16xi32>
        %and3A_606 = arith.andi %get3A_597, %and3A_605 : vector<16xi32>
        %unique3A, %unique3A_607 = tpu.scan_count mask(%lt3A_603 : vector<16xi1>) value(%and3A_606 : vector<16xi32>) : vector<16xi1>, vector<16xi32>
        tpu.vector_store_idx %arg6[%and3A_606], %unique3A_607 masked %unique3A {add = true} : memref<2048xi32, #tpu.memory_space<vmem>>[vector<16xi32>], vector<16xi32>, vector<16xi1>
        %jit3A_608 = arith.constant 0 : i32
        %broadcast_in_dim3A_609 = vector.broadcast %jit3A_608 : i32 to vector<16xi32>
        %select_n3A_610 = arith.select %lt3A_603, %and3A_606, %broadcast_in_dim3A_609 : vector<16xi1>, vector<16xi32>
        %max3A_611 = arith.maxsi %while3A_593, %select_n3A_610 : vector<16xi32>
        scf.yield %max3A_611 : vector<16xi32>
      }
      %reduce_max3A_479 = arith.constant true
      %reduce_max3A_480 = vector.broadcast %reduce_max3A_479 : i1 to vector<16xi1>
      %reduce_max3A_481 = arith.constant -2147483648 : i32
      %reduce_max3A_482 = vector.broadcast %reduce_max3A_481 : i32 to vector<16xi32>
      %reduce_max3A_483 = arith.xori %while3A_478, %reduce_max3A_482 : vector<16xi32>
      %reduce_max3A_484 = tpu.scan <max>, %reduce_max3A_483 masked %reduce_max3A_480 : vector<16xi32>, vector<16xi1> -> vector<16xi32>
      %reduce_max3A_485 = arith.xori %reduce_max3A_484, %reduce_max3A_482 : vector<16xi32>
      %reduce_max3A_486 = vector.extract %reduce_max3A_485[15] : i32 from vector<16xi32>
      %iota3A_487 = tpu.iota {dimensions = array<i32: 0>} : vector<16xi32>
      %sub3A_488 = arith.constant 1023 : i32
      %sub3A_489 = arith.subi %sub3A_488, %reduce_max3A_486 : i32
      %jit3A_490 = arith.constant 16 : i32
      %div3A_491 = arith.divsi %sub3A_489, %jit3A_490 : i32
      %sign3A_492 = arith.constant 0 : i32
      %sign3A_493 = arith.cmpi sgt, %sub3A_489, %sign3A_492 : i32
      %sign3A_494 = arith.extui %sign3A_493 : i1 to i32
      %sign3A_495 = arith.constant 0 : i32
      %sign3A_496 = arith.cmpi slt, %sub3A_489, %sign3A_495 : i32
      %sign3A_497 = arith.extui %sign3A_496 : i1 to i32
      %sign3A_498 = arith.subi %sign3A_494, %sign3A_497 : i32
      %sign3A_499 = arith.constant 0 : i32
      %sign3A_500 = arith.cmpi sgt, %jit3A_490, %sign3A_499 : i32
      %sign3A_501 = arith.extui %sign3A_500 : i1 to i32
      %sign3A_502 = arith.constant 0 : i32
      %sign3A_503 = arith.cmpi slt, %jit3A_490, %sign3A_502 : i32
      %sign3A_504 = arith.extui %sign3A_503 : i1 to i32
      %sign3A_505 = arith.subi %sign3A_501, %sign3A_504 : i32
      %ne3A_506 = arith.cmpi ne, %sign3A_498, %sign3A_505 : i32
      %rem3A_507 = arith.remsi %sub3A_489, %jit3A_490 : i32
      %ne3A_508 = arith.constant 0 : i32
      %ne3A_509 = arith.cmpi ne, %rem3A_507, %ne3A_508 : i32
      %and3A_510 = arith.andi %ne3A_506, %ne3A_509 : i1
      %sub3A_511 = arith.constant 1 : i32
      %sub3A_512 = arith.subi %div3A_491, %sub3A_511 : i32
      %select_n3A_513 = arith.select %and3A_510, %sub3A_512, %div3A_491 : i32
      %while3A_514 = arith.constant 0 : i32
      %while3A_515 = arith.constant 0 : i32
      %while3A_516 = arith.constant 0 : i32
      %while3A_517 = arith.constant 0 : i32
      %while3A_518:5 = scf.while (%while3A_592 = %select_n3A_513, %while3A_593 = %while3A_514, %while3A_594 = %while3A_515, %while3A_595 = %while3A_516, %while3A_596 = %while3A_517) : (i32, i32, i32, i32, i32) -> (i32, i32, i32, i32, i32) {
        %eq3A = arith.constant 0 : i32
        %eq3A_597 = arith.cmpi eq, %while3A_593, %eq3A : i32
        %lt3A_598 = arith.constant 64 : i32
        %lt3A_599 = arith.cmpi slt, %while3A_592, %lt3A_598 : i32
        %and3A_600 = arith.andi %eq3A_597, %lt3A_599 : i1
        scf.condition(%and3A_600) %while3A_592, %while3A_593, %while3A_594, %while3A_595, %while3A_596 : i32, i32, i32, i32, i32
      } do {
      ^bb0(%while3A_592: i32, %while3A_593: i32, %while3A_594: i32, %while3A_595: i32, %while3A_596: i32):
        %add3A_597 = arith.constant 1 : i32
        %add3A_598 = arith.addi %while3A_592, %add3A_597 : i32
        %mul3A_599 = arith.constant 16 : i32
        %mul3A_600 = arith.muli %add3A_598, %mul3A_599 : i32
        %sub3A_601 = arith.constant 1024 : i32
        %sub3A_602 = arith.subi %sub3A_601, %mul3A_600 : i32
        %get3A_603 = arith.index_cast %sub3A_602 : i32 to index
        %get3A_604 = tpu.vector_load %arg6[%get3A_603] {strides = array<i32>} : memref<2048xi32, #tpu.memory_space<vmem>>, vector<16xi32>,
        %rev3A = arith.constant 15 : i32
        %rev3A_605 = vector.broadcast %rev3A : i32 to vector<16xi32>
        %rev3A_606 = tpu.iota {dimensions = array<i32: 0>} : vector<16xi32>
        %rev3A_607 = arith.subi %rev3A_605, %rev3A_606 : vector<16xi32>
        %rev3A_608 = tpu.dynamic_gather %get3A_604[%rev3A_607] in [0] : vector<16xi32>, vector<16xi32> -> vector<16xi32>
        %broadcast_in_dim3A_609 = arith.constant true
        %broadcast_in_dim3A_610 = vector.broadcast %broadcast_in_dim3A_609 : i1 to vector<16xi1>
        %masked_cumsum3A = tpu.scan <sum>, %rev3A_608 masked %broadcast_in_dim3A_610 : vector<16xi32>, vector<16xi1> -> vector<16xi32>
        %add3A_611 = vector.broadcast %while3A_596 : i32 to vector<16xi32>
        %add3A_612 = arith.addi %add3A_611, %masked_cumsum3A : vector<16xi32>
        %ge3A = vector.broadcast %sub3A_435 : i32 to vector<16xi32>
        %ge3A_613 = arith.cmpi sge, %add3A_612, %ge3A : vector<16xi32>
        %all_reduce_population_count3A = tpu.all_reduce %ge3A_613 {dim = 0 : i64, kind = #tpu.reduction_kind<sum>} : vector<16xi1> -> vector<16xi32>
        %slice3A_614 = vector.extract_strided_slice %all_reduce_population_count3A {offsets = [0], sizes = [1], strides = [1]} : vector<16xi32> to vector<1xi32>
        %squeeze3A_615 = vector.extract %slice3A_614[0] : i32 from vector<1xi32>
        %all_reduce_ffs3A = tpu.all_reduce %ge3A_613 {dim = 0 : i64, kind = #tpu.reduction_kind<find_first_set>} : vector<16xi1> -> vector<16xi32>
        %slice3A_616 = vector.extract_strided_slice %all_reduce_ffs3A {offsets = [0], sizes = [1], strides = [1]} : vector<16xi32> to vector<1xi32>
        %squeeze3A_617 = vector.extract %slice3A_616[0] : i32 from vector<1xi32>
        %sub3A_618 = arith.subi %masked_cumsum3A, %rev3A_608 : vector<16xi32>
        %eq3A = vector.broadcast %squeeze3A_617 : i32 to vector<16xi32>
        %eq3A_619 = arith.cmpi eq, %iota3A_487, %eq3A : vector<16xi32>
        %jit3A_620 = arith.constant 0 : i32
        %broadcast_in_dim3A_621 = vector.broadcast %jit3A_620 : i32 to vector<16xi32>
        %select_n3A_622 = arith.select %eq3A_619, %sub3A_618, %broadcast_in_dim3A_621 : vector<16xi1>, vector<16xi32>
        %reduce_sum3A = arith.constant true
        %reduce_sum3A_623 = vector.broadcast %reduce_sum3A : i1 to vector<16xi1>
        %reduce_sum3A_624 = tpu.scan <sum>, %select_n3A_622 masked %reduce_sum3A_623 : vector<16xi32>, vector<16xi1> -> vector<16xi32>
        %reduce_sum3A_625 = vector.extract %reduce_sum3A_624[15] : i32 from vector<16xi32>
        %add3A_626 = arith.addi %while3A_596, %reduce_sum3A_625 : i32
        %add3A_627 = arith.constant 15 : i32
        %add3A_628 = arith.addi %sub3A_602, %add3A_627 : i32
        %sub3A_629 = arith.subi %add3A_628, %squeeze3A_617 : i32
        %gt3A = arith.constant 0 : i32
        %gt3A_630 = arith.cmpi sgt, %squeeze3A_615, %gt3A : i32
        %select_n3A_631 = arith.select %gt3A_630, %sub3A_629, %while3A_594 : i32
        %select_n3A_632 = arith.select %gt3A_630, %add3A_626, %while3A_595 : i32
        %jit3A_633 = arith.constant 1 : i32
        %jit3A_634 = arith.constant 0 : i32
        %select_n3A_635 = arith.select %gt3A_630, %jit3A_633, %jit3A_634 : i32
        %slice3A_636 = vector.extract_strided_slice %masked_cumsum3A {offsets = [15], sizes = [1], strides = [1]} : vector<16xi32> to vector<1xi32>
        %squeeze3A_637 = vector.extract %slice3A_636[0] : i32 from vector<1xi32>
        %add3A_638 = arith.addi %while3A_596, %squeeze3A_637 : i32
        %add3A_639 = arith.constant 1 : i32
        %add3A_640 = arith.addi %while3A_592, %add3A_639 : i32
        scf.yield %add3A_640, %select_n3A_635, %select_n3A_631, %select_n3A_632, %add3A_638 : i32, i32, i32, i32, i32
      }
      %iota3A_519 = tpu.iota {dimensions = array<i32: 0>} : vector<16xi32>
      %add3A_520 = arith.constant 15 : i32
      %add3A_521 = arith.addi %parallel_loop3A_432#1, %add3A_520 : i32
      %jit3A_522 = arith.constant 16 : i32
      %div3A_523 = arith.divsi %add3A_521, %jit3A_522 : i32
      %sign3A_524 = arith.constant 0 : i32
      %sign3A_525 = arith.cmpi sgt, %add3A_521, %sign3A_524 : i32
      %sign3A_526 = arith.extui %sign3A_525 : i1 to i32
      %sign3A_527 = arith.constant 0 : i32
      %sign3A_528 = arith.cmpi slt, %add3A_521, %sign3A_527 : i32
      %sign3A_529 = arith.extui %sign3A_528 : i1 to i32
      %sign3A_530 = arith.subi %sign3A_526, %sign3A_529 : i32
      %sign3A_531 = arith.constant 0 : i32
      %sign3A_532 = arith.cmpi sgt, %jit3A_522, %sign3A_531 : i32
      %sign3A_533 = arith.extui %sign3A_532 : i1 to i32
      %sign3A_534 = arith.constant 0 : i32
      %sign3A_535 = arith.cmpi slt, %jit3A_522, %sign3A_534 : i32
      %sign3A_536 = arith.extui %sign3A_535 : i1 to i32
      %sign3A_537 = arith.subi %sign3A_533, %sign3A_536 : i32
      %ne3A_538 = arith.cmpi ne, %sign3A_530, %sign3A_537 : i32
      %rem3A_539 = arith.remsi %add3A_521, %jit3A_522 : i32
      %ne3A_540 = arith.constant 0 : i32
      %ne3A_541 = arith.cmpi ne, %rem3A_539, %ne3A_540 : i32
      %and3A_542 = arith.andi %ne3A_538, %ne3A_541 : i1
      %sub3A_543 = arith.constant 1 : i32
      %sub3A_544 = arith.subi %div3A_523, %sub3A_543 : i32
      %select_n3A_545 = arith.select %and3A_542, %sub3A_544, %div3A_523 : i32
      %parallel_loop3A_546 = arith.constant 0 : i32
      %parallel_loop3A_547 = arith.constant 1 : i32
      %parallel_loop3A_548 = arith.constant 0 : i32
      %parallel_loop3A_549:2 = scf.for %parallel_loop3A_592 = %parallel_loop3A_546 to %select_n3A_545 step %parallel_loop3A_547 iter_args(%parallel_loop3A_593 = %parallel_loop3A_432#0, %parallel_loop3A_594 = %parallel_loop3A_548) -> (i32, i32)  : i32 {
        %parallel_loop3A_595 = arith.constant 16 : i32
        %parallel_loop3A_596 = arith.muli %parallel_loop3A_592, %parallel_loop3A_595 : i32
        %parallel_loop3A_597 = arith.index_cast %parallel_loop3A_596 : i32 to index
        %parallel_loop3A_598 = tpu.vector_load %arg5[%parallel_loop3A_597] {strides = array<i32>} : memref<32784xi32, #tpu.memory_space<vmem>>, vector<16xi32>,
        %parallel_loop3A_599 = arith.constant 16 : i32
        %parallel_loop3A_600 = arith.muli %parallel_loop3A_592, %parallel_loop3A_599 : i32
        %parallel_loop3A_601 = vector.broadcast %parallel_loop3A_600 : i32 to vector<16xi32>
        %parallel_loop3A_602 = arith.addi %parallel_loop3A_601, %iota3A_519 : vector<16xi32>
        %parallel_loop3A_603 = vector.broadcast %parallel_loop3A_432#1 : i32 to vector<16xi32>
        %parallel_loop3A_604 = arith.cmpi slt, %parallel_loop3A_602, %parallel_loop3A_603 : vector<16xi32>
        %parallel_loop3A_605 = arith.constant 1023 : i32
        %parallel_loop3A_606 = vector.broadcast %parallel_loop3A_605 : i32 to vector<16xi32>
        %parallel_loop3A_607 = arith.andi %parallel_loop3A_598, %parallel_loop3A_606 : vector<16xi32>
        %parallel_loop3A_608 = vector.broadcast %while3A_518#2 : i32 to vector<16xi32>
        %parallel_loop3A_609 = arith.cmpi sgt, %parallel_loop3A_607, %parallel_loop3A_608 : vector<16xi32>
        %parallel_loop3A_610 = arith.andi %parallel_loop3A_604, %parallel_loop3A_609 : vector<16xi1>
        %parallel_loop3A_611 = vector.broadcast %while3A_518#2 : i32 to vector<16xi32>
        %parallel_loop3A_612 = arith.cmpi eq, %parallel_loop3A_607, %parallel_loop3A_611 : vector<16xi32>
        %parallel_loop3A_613 = arith.andi %parallel_loop3A_604, %parallel_loop3A_612 : vector<16xi1>
        %parallel_loop3A_614 = arith.index_cast %parallel_loop3A_593 : i32 to index
        %parallel_loop3A_615 = tpu.vector_load %arg8[%parallel_loop3A_614] masked %parallel_loop3A_610 {strides = array<i32>} : memref<2112xi32, #tpu.memory_space<vmem>>, vector<16xi32>, vector<16xi1>
        tpu.vector_store %arg8[%parallel_loop3A_614], %parallel_loop3A_598 masked %parallel_loop3A_610 {strides = array<i32>} : memref<2112xi32, #tpu.memory_space<vmem>>, vector<16xi32>, vector<16xi1>
        %parallel_loop3A_616 = arith.index_cast %parallel_loop3A_594 : i32 to index
        %parallel_loop3A_617 = tpu.vector_load %arg5[%parallel_loop3A_616] masked %parallel_loop3A_613 {strides = array<i32>} : memref<32784xi32, #tpu.memory_space<vmem>>, vector<16xi32>, vector<16xi1>
        tpu.vector_store %arg5[%parallel_loop3A_616], %parallel_loop3A_598 masked %parallel_loop3A_613 {strides = array<i32>} : memref<32784xi32, #tpu.memory_space<vmem>>, vector<16xi32>, vector<16xi1>
        %parallel_loop3A_618 = tpu.all_reduce %parallel_loop3A_610 {dim = 0 : i64, kind = #tpu.reduction_kind<sum>} : vector<16xi1> -> vector<16xi32>
        %parallel_loop3A_619 = vector.extract_strided_slice %parallel_loop3A_618 {offsets = [0], sizes = [1], strides = [1]} : vector<16xi32> to vector<1xi32>
        %parallel_loop3A_620 = vector.extract %parallel_loop3A_619[0] : i32 from vector<1xi32>
        %parallel_loop3A_621 = arith.addi %parallel_loop3A_593, %parallel_loop3A_620 : i32
        %parallel_loop3A_622 = tpu.all_reduce %parallel_loop3A_613 {dim = 0 : i64, kind = #tpu.reduction_kind<sum>} : vector<16xi1> -> vector<16xi32>
        %parallel_loop3A_623 = vector.extract_strided_slice %parallel_loop3A_622 {offsets = [0], sizes = [1], strides = [1]} : vector<16xi32> to vector<1xi32>
        %parallel_loop3A_624 = vector.extract %parallel_loop3A_623[0] : i32 from vector<1xi32>
        %parallel_loop3A_625 = arith.addi %parallel_loop3A_594, %parallel_loop3A_624 : i32
        scf.yield %parallel_loop3A_621, %parallel_loop3A_625 : i32, i32
      } {sc.loop_unroll_factor = 4 : i64, sc.parallel_access}
      %sub3A_550 = arith.subi %parallel_loop3A_549#0, %mul3A_129 : i32
      %sub3A_551 = arith.constant 512 : i32
      %sub3A_552 = arith.subi %sub3A_551, %sub3A_550 : i32
      %get3A = arith.constant 0 : index
      %get3A_553 = tpu.vector_load %arg5[%get3A] {strides = array<i32>} : memref<32784xi32, #tpu.memory_space<vmem>>, vector<16xi32>,
      %slice3A = vector.extract_strided_slice %get3A_553 {offsets = [0], sizes = [1], strides = [1]} : vector<16xi32> to vector<1xi32>
      %squeeze3A = vector.extract %slice3A[0] : i32 from vector<1xi32>
      %broadcast_in_dim3A_554 = vector.broadcast %squeeze3A : i32 to vector<16xi32>
      %add3A_555 = arith.constant 15 : i32
      %add3A_556 = arith.addi %sub3A_552, %add3A_555 : i32
      %jit3A_557 = arith.constant 16 : i32
      %div3A_558 = arith.divsi %add3A_556, %jit3A_557 : i32
      %sign3A_559 = arith.constant 0 : i32
      %sign3A_560 = arith.cmpi sgt, %add3A_556, %sign3A_559 : i32
      %sign3A_561 = arith.extui %sign3A_560 : i1 to i32
      %sign3A_562 = arith.constant 0 : i32
      %sign3A_563 = arith.cmpi slt, %add3A_556, %sign3A_562 : i32
      %sign3A_564 = arith.extui %sign3A_563 : i1 to i32
      %sign3A_565 = arith.subi %sign3A_561, %sign3A_564 : i32
      %sign3A_566 = arith.constant 0 : i32
      %sign3A_567 = arith.cmpi sgt, %jit3A_557, %sign3A_566 : i32
      %sign3A_568 = arith.extui %sign3A_567 : i1 to i32
      %sign3A_569 = arith.constant 0 : i32
      %sign3A_570 = arith.cmpi slt, %jit3A_557, %sign3A_569 : i32
      %sign3A_571 = arith.extui %sign3A_570 : i1 to i32
      %sign3A_572 = arith.subi %sign3A_568, %sign3A_571 : i32
      %ne3A_573 = arith.cmpi ne, %sign3A_565, %sign3A_572 : i32
      %rem3A_574 = arith.remsi %add3A_556, %jit3A_557 : i32
      %ne3A_575 = arith.constant 0 : i32
      %ne3A_576 = arith.cmpi ne, %rem3A_574, %ne3A_575 : i32
      %and3A_577 = arith.andi %ne3A_573, %ne3A_576 : i1
      %sub3A_578 = arith.constant 1 : i32
      %sub3A_579 = arith.subi %div3A_558, %sub3A_578 : i32
      %select_n3A_580 = arith.select %and3A_577, %sub3A_579, %div3A_558 : i32
      %while3A_581 = arith.constant 0 : i32
      %while3A_582 = arith.subi %select_n3A_580, %while3A_581 : i32
      %while3A_583 = arith.addi %while3A_581, %while3A_582 : i32
      %while3A_584 = arith.constant 1 : i32
      %while3A_585 = arith.divsi %while3A_582, %while3A_584 : i32
      %while3A_586 = arith.muli %while3A_585, %while3A_584 : i32
      %while3A_587 = arith.addi %while3A_581, %while3A_586 : i32
      %while3A_588 = arith.constant 1 : i32
      %while3A_589 = scf.for %while3A_592 = %while3A_581 to %while3A_587 step %while3A_588 iter_args(%while3A_593 = %parallel_loop3A_549#0) -> (i32)  : i32 {
        %mul3A_594 = arith.constant 16 : i32
        %mul3A_595 = arith.muli %while3A_592, %mul3A_594 : i32
        %sub3A_596 = arith.subi %sub3A_552, %mul3A_595 : i32
        %lt3A_597 = vector.broadcast %sub3A_596 : i32 to vector<16xi32>
        %lt3A_598 = arith.cmpi slt, %iota3A, %lt3A_597 : vector<16xi32>
        %swap3A = arith.index_cast %while3A_593 : i32 to index
        %swap3A_599 = tpu.vector_load %arg8[%swap3A] masked %lt3A_598 {strides = array<i32>} : memref<2112xi32, #tpu.memory_space<vmem>>, vector<16xi32>, vector<16xi1>
        tpu.vector_store %arg8[%swap3A], %broadcast_in_dim3A_554 masked %lt3A_598 {strides = array<i32>} : memref<2112xi32, #tpu.memory_space<vmem>>, vector<16xi32>, vector<16xi1>
        %all_reduce_population_count3A = tpu.all_reduce %lt3A_598 {dim = 0 : i64, kind = #tpu.reduction_kind<sum>} : vector<16xi1> -> vector<16xi32>
        %slice3A_600 = vector.extract_strided_slice %all_reduce_population_count3A {offsets = [0], sizes = [1], strides = [1]} : vector<16xi32> to vector<1xi32>
        %squeeze3A_601 = vector.extract %slice3A_600[0] : i32 from vector<1xi32>
        %add3A_602 = arith.addi %while3A_593, %squeeze3A_601 : i32
        scf.yield %add3A_602 : i32
      }
      %while3A_590 = arith.constant 1 : i32
      %while3A_591 = scf.for %while3A_592 = %while3A_587 to %while3A_583 step %while3A_590 iter_args(%while3A_593 = %while3A_589) -> (i32)  : i32 {
        %mul3A_594 = arith.constant 16 : i32
        %mul3A_595 = arith.muli %while3A_592, %mul3A_594 : i32
        %sub3A_596 = arith.subi %sub3A_552, %mul3A_595 : i32
        %lt3A_597 = vector.broadcast %sub3A_596 : i32 to vector<16xi32>
        %lt3A_598 = arith.cmpi slt, %iota3A, %lt3A_597 : vector<16xi32>
        %swap3A = arith.index_cast %while3A_593 : i32 to index
        %swap3A_599 = tpu.vector_load %arg8[%swap3A] masked %lt3A_598 {strides = array<i32>} : memref<2112xi32, #tpu.memory_space<vmem>>, vector<16xi32>, vector<16xi1>
        tpu.vector_store %arg8[%swap3A], %broadcast_in_dim3A_554 masked %lt3A_598 {strides = array<i32>} : memref<2112xi32, #tpu.memory_space<vmem>>, vector<16xi32>, vector<16xi1>
        %all_reduce_population_count3A = tpu.all_reduce %lt3A_598 {dim = 0 : i64, kind = #tpu.reduction_kind<sum>} : vector<16xi1> -> vector<16xi32>
        %slice3A_600 = vector.extract_strided_slice %all_reduce_population_count3A {offsets = [0], sizes = [1], strides = [1]} : vector<16xi32> to vector<1xi32>
        %squeeze3A_601 = vector.extract %slice3A_600[0] : i32 from vector<1xi32>
        %add3A_602 = arith.addi %while3A_593, %squeeze3A_601 : i32
        scf.yield %add3A_602 : i32
      }
    }
    %scan3A_5 = arith.constant 4 : i32
    %parallel_loop3A = arith.constant 0 : i32
    %parallel_loop3A_6 = arith.constant 64 : i32
    %parallel_loop3A_7 = arith.constant 1 : i32
    scf.for %parallel_loop3A_124 = %parallel_loop3A to %parallel_loop3A_6 step %parallel_loop3A_7  : i32 {
      %parallel_loop3A_125 = arith.constant 0 : i32
      %parallel_loop3A_126 = vector.broadcast %parallel_loop3A_125 : i32 to vector<16xi32>
      %parallel_loop3A_127 = arith.constant 16 : i32
      %parallel_loop3A_128 = arith.muli %parallel_loop3A_124, %parallel_loop3A_127 : i32
      %parallel_loop3A_129 = arith.index_cast %parallel_loop3A_128 : i32 to index
      %parallel_loop3A_130 = tpu.vector_load %arg6[%parallel_loop3A_129] {strides = array<i32>} : memref<2048xi32, #tpu.memory_space<vmem>>, vector<16xi32>,
      tpu.vector_store %arg6[%parallel_loop3A_129], %parallel_loop3A_126 {strides = array<i32>} : memref<2048xi32, #tpu.memory_space<vmem>>, vector<16xi32>,
    } {sc.loop_unroll_factor = 8 : i64, sc.parallel_access}
    %scan3A_8 = arith.constant 0 : i32
    %scan3A_9 = arith.constant 0 : i32
    %scan3A_10 = arith.constant 32 : i32
    %scan3A_11 = arith.addi %scan3A_9, %scan3A_10 : i32
    %scan3A_12 = arith.constant 2 : i32
    scf.for %scan3A_124 = %scan3A_9 to %scan3A_11 step %scan3A_12  : i32 {
      %mul3A_125 = arith.constant 16 : i32
      %mul3A_126 = arith.muli %scan3A_124, %mul3A_125 : i32
      %add3A_127 = arith.constant 0 : i32
      %add3A_128 = arith.addi %add3A_127, %mul3A_126 : i32
      %get3A = arith.index_cast %add3A_128 : i32 to index
      %get3A_129 = tpu.vector_load %arg8[%get3A] {strides = array<i32>} : memref<2112xi32, #tpu.memory_space<vmem>>, vector<16xi32>,
      %shift_right_arithmetic3A = arith.constant 0 : i32
      %shift_right_arithmetic3A_130 = vector.broadcast %shift_right_arithmetic3A : i32 to vector<16xi32>
      %shift_right_arithmetic3A_131 = arith.shrsi %get3A_129, %shift_right_arithmetic3A_130 : vector<16xi32>
      %and3A = arith.constant 255 : i32
      %and3A_132 = vector.broadcast %and3A : i32 to vector<16xi32>
      %and3A_133 = arith.andi %shift_right_arithmetic3A_131, %and3A_132 : vector<16xi32>
      %add3A_134 = arith.constant 0 : i32
      %add3A_135 = vector.broadcast %add3A_134 : i32 to vector<16xi32>
      %add3A_136 = arith.addi %and3A_133, %add3A_135 : vector<16xi32>
      %broadcast_in_dim3A = arith.constant true
      %broadcast_in_dim3A_137 = vector.broadcast %broadcast_in_dim3A : i1 to vector<16xi1>
      %unique3A, %unique3A_138 = tpu.scan_count mask(%broadcast_in_dim3A_137 : vector<16xi1>) value(%add3A_136 : vector<16xi32>) : vector<16xi1>, vector<16xi32>
      tpu.vector_store_idx %arg6[%add3A_136], %unique3A_138 masked %unique3A {add = true} : memref<2048xi32, #tpu.memory_space<vmem>>[vector<16xi32>], vector<16xi32>, vector<16xi1>
      %mul3A_139 = arith.constant 16 : i32
      %mul3A_140 = arith.muli %scan3A_124, %mul3A_139 : i32
      %add3A_141 = arith.constant 528 : i32
      %add3A_142 = arith.addi %add3A_141, %mul3A_140 : i32
      %get3A_143 = arith.index_cast %add3A_142 : i32 to index
      %get3A_144 = tpu.vector_load %arg8[%get3A_143] {strides = array<i32>} : memref<2112xi32, #tpu.memory_space<vmem>>, vector<16xi32>,
      %shift_right_arithmetic3A_145 = arith.constant 0 : i32
      %shift_right_arithmetic3A_146 = vector.broadcast %shift_right_arithmetic3A_145 : i32 to vector<16xi32>
      %shift_right_arithmetic3A_147 = arith.shrsi %get3A_144, %shift_right_arithmetic3A_146 : vector<16xi32>
      %and3A_148 = arith.constant 255 : i32
      %and3A_149 = vector.broadcast %and3A_148 : i32 to vector<16xi32>
      %and3A_150 = arith.andi %shift_right_arithmetic3A_147, %and3A_149 : vector<16xi32>
      %add3A_151 = arith.constant 256 : i32
      %add3A_152 = vector.broadcast %add3A_151 : i32 to vector<16xi32>
      %add3A_153 = arith.addi %and3A_150, %add3A_152 : vector<16xi32>
      %broadcast_in_dim3A_154 = arith.constant true
      %broadcast_in_dim3A_155 = vector.broadcast %broadcast_in_dim3A_154 : i1 to vector<16xi1>
      %unique3A_156, %unique3A_157 = tpu.scan_count mask(%broadcast_in_dim3A_155 : vector<16xi1>) value(%add3A_153 : vector<16xi32>) : vector<16xi1>, vector<16xi32>
      tpu.vector_store_idx %arg6[%add3A_153], %unique3A_157 masked %unique3A_156 {add = true} : memref<2048xi32, #tpu.memory_space<vmem>>[vector<16xi32>], vector<16xi32>, vector<16xi1>
      %mul3A_158 = arith.constant 16 : i32
      %mul3A_159 = arith.muli %scan3A_124, %mul3A_158 : i32
      %add3A_160 = arith.constant 1056 : i32
      %add3A_161 = arith.addi %add3A_160, %mul3A_159 : i32
      %get3A_162 = arith.index_cast %add3A_161 : i32 to index
      %get3A_163 = tpu.vector_load %arg8[%get3A_162] {strides = array<i32>} : memref<2112xi32, #tpu.memory_space<vmem>>, vector<16xi32>,
      %shift_right_arithmetic3A_164 = arith.constant 0 : i32
      %shift_right_arithmetic3A_165 = vector.broadcast %shift_right_arithmetic3A_164 : i32 to vector<16xi32>
      %shift_right_arithmetic3A_166 = arith.shrsi %get3A_163, %shift_right_arithmetic3A_165 : vector<16xi32>
      %and3A_167 = arith.constant 255 : i32
      %and3A_168 = vector.broadcast %and3A_167 : i32 to vector<16xi32>
      %and3A_169 = arith.andi %shift_right_arithmetic3A_166, %and3A_168 : vector<16xi32>
      %add3A_170 = arith.constant 512 : i32
      %add3A_171 = vector.broadcast %add3A_170 : i32 to vector<16xi32>
      %add3A_172 = arith.addi %and3A_169, %add3A_171 : vector<16xi32>
      %broadcast_in_dim3A_173 = arith.constant true
      %broadcast_in_dim3A_174 = vector.broadcast %broadcast_in_dim3A_173 : i1 to vector<16xi1>
      %unique3A_175, %unique3A_176 = tpu.scan_count mask(%broadcast_in_dim3A_174 : vector<16xi1>) value(%add3A_172 : vector<16xi32>) : vector<16xi1>, vector<16xi32>
      tpu.vector_store_idx %arg6[%add3A_172], %unique3A_176 masked %unique3A_175 {add = true} : memref<2048xi32, #tpu.memory_space<vmem>>[vector<16xi32>], vector<16xi32>, vector<16xi1>
      %mul3A_177 = arith.constant 16 : i32
      %mul3A_178 = arith.muli %scan3A_124, %mul3A_177 : i32
      %add3A_179 = arith.constant 1584 : i32
      %add3A_180 = arith.addi %add3A_179, %mul3A_178 : i32
      %get3A_181 = arith.index_cast %add3A_180 : i32 to index
      %get3A_182 = tpu.vector_load %arg8[%get3A_181] {strides = array<i32>} : memref<2112xi32, #tpu.memory_space<vmem>>, vector<16xi32>,
      %shift_right_arithmetic3A_183 = arith.constant 0 : i32
      %shift_right_arithmetic3A_184 = vector.broadcast %shift_right_arithmetic3A_183 : i32 to vector<16xi32>
      %shift_right_arithmetic3A_185 = arith.shrsi %get3A_182, %shift_right_arithmetic3A_184 : vector<16xi32>
      %and3A_186 = arith.constant 255 : i32
      %and3A_187 = vector.broadcast %and3A_186 : i32 to vector<16xi32>
      %and3A_188 = arith.andi %shift_right_arithmetic3A_185, %and3A_187 : vector<16xi32>
      %add3A_189 = arith.constant 768 : i32
      %add3A_190 = vector.broadcast %add3A_189 : i32 to vector<16xi32>
      %add3A_191 = arith.addi %and3A_188, %add3A_190 : vector<16xi32>
      %broadcast_in_dim3A_192 = arith.constant true
      %broadcast_in_dim3A_193 = vector.broadcast %broadcast_in_dim3A_192 : i1 to vector<16xi1>
      %unique3A_194, %unique3A_195 = tpu.scan_count mask(%broadcast_in_dim3A_193 : vector<16xi1>) value(%add3A_191 : vector<16xi32>) : vector<16xi1>, vector<16xi32>
      tpu.vector_store_idx %arg6[%add3A_191], %unique3A_195 masked %unique3A_194 {add = true} : memref<2048xi32, #tpu.memory_space<vmem>>[vector<16xi32>], vector<16xi32>, vector<16xi1>
      %scan3A_196 = arith.constant 1 : i32
      %scan3A_197 = arith.addi %scan3A_124, %scan3A_196 : i32
      %mul3A_198 = arith.constant 16 : i32
      %mul3A_199 = arith.muli %scan3A_197, %mul3A_198 : i32
      %add3A_200 = arith.constant 0 : i32
      %add3A_201 = arith.addi %add3A_200, %mul3A_199 : i32
      %get3A_202 = arith.index_cast %add3A_201 : i32 to index
      %get3A_203 = tpu.vector_load %arg8[%get3A_202] {strides = array<i32>} : memref<2112xi32, #tpu.memory_space<vmem>>, vector<16xi32>,
      %shift_right_arithmetic3A_204 = arith.constant 0 : i32
      %shift_right_arithmetic3A_205 = vector.broadcast %shift_right_arithmetic3A_204 : i32 to vector<16xi32>
      %shift_right_arithmetic3A_206 = arith.shrsi %get3A_203, %shift_right_arithmetic3A_205 : vector<16xi32>
      %and3A_207 = arith.constant 255 : i32
      %and3A_208 = vector.broadcast %and3A_207 : i32 to vector<16xi32>
      %and3A_209 = arith.andi %shift_right_arithmetic3A_206, %and3A_208 : vector<16xi32>
      %add3A_210 = arith.constant 0 : i32
      %add3A_211 = vector.broadcast %add3A_210 : i32 to vector<16xi32>
      %add3A_212 = arith.addi %and3A_209, %add3A_211 : vector<16xi32>
      %broadcast_in_dim3A_213 = arith.constant true
      %broadcast_in_dim3A_214 = vector.broadcast %broadcast_in_dim3A_213 : i1 to vector<16xi1>
      %unique3A_215, %unique3A_216 = tpu.scan_count mask(%broadcast_in_dim3A_214 : vector<16xi1>) value(%add3A_212 : vector<16xi32>) : vector<16xi1>, vector<16xi32>
      tpu.vector_store_idx %arg6[%add3A_212], %unique3A_216 masked %unique3A_215 {add = true} : memref<2048xi32, #tpu.memory_space<vmem>>[vector<16xi32>], vector<16xi32>, vector<16xi1>
      %mul3A_217 = arith.constant 16 : i32
      %mul3A_218 = arith.muli %scan3A_197, %mul3A_217 : i32
      %add3A_219 = arith.constant 528 : i32
      %add3A_220 = arith.addi %add3A_219, %mul3A_218 : i32
      %get3A_221 = arith.index_cast %add3A_220 : i32 to index
      %get3A_222 = tpu.vector_load %arg8[%get3A_221] {strides = array<i32>} : memref<2112xi32, #tpu.memory_space<vmem>>, vector<16xi32>,
      %shift_right_arithmetic3A_223 = arith.constant 0 : i32
      %shift_right_arithmetic3A_224 = vector.broadcast %shift_right_arithmetic3A_223 : i32 to vector<16xi32>
      %shift_right_arithmetic3A_225 = arith.shrsi %get3A_222, %shift_right_arithmetic3A_224 : vector<16xi32>
      %and3A_226 = arith.constant 255 : i32
      %and3A_227 = vector.broadcast %and3A_226 : i32 to vector<16xi32>
      %and3A_228 = arith.andi %shift_right_arithmetic3A_225, %and3A_227 : vector<16xi32>
      %add3A_229 = arith.constant 256 : i32
      %add3A_230 = vector.broadcast %add3A_229 : i32 to vector<16xi32>
      %add3A_231 = arith.addi %and3A_228, %add3A_230 : vector<16xi32>
      %broadcast_in_dim3A_232 = arith.constant true
      %broadcast_in_dim3A_233 = vector.broadcast %broadcast_in_dim3A_232 : i1 to vector<16xi1>
      %unique3A_234, %unique3A_235 = tpu.scan_count mask(%broadcast_in_dim3A_233 : vector<16xi1>) value(%add3A_231 : vector<16xi32>) : vector<16xi1>, vector<16xi32>
      tpu.vector_store_idx %arg6[%add3A_231], %unique3A_235 masked %unique3A_234 {add = true} : memref<2048xi32, #tpu.memory_space<vmem>>[vector<16xi32>], vector<16xi32>, vector<16xi1>
      %mul3A_236 = arith.constant 16 : i32
      %mul3A_237 = arith.muli %scan3A_197, %mul3A_236 : i32
      %add3A_238 = arith.constant 1056 : i32
      %add3A_239 = arith.addi %add3A_238, %mul3A_237 : i32
      %get3A_240 = arith.index_cast %add3A_239 : i32 to index
      %get3A_241 = tpu.vector_load %arg8[%get3A_240] {strides = array<i32>} : memref<2112xi32, #tpu.memory_space<vmem>>, vector<16xi32>,
      %shift_right_arithmetic3A_242 = arith.constant 0 : i32
      %shift_right_arithmetic3A_243 = vector.broadcast %shift_right_arithmetic3A_242 : i32 to vector<16xi32>
      %shift_right_arithmetic3A_244 = arith.shrsi %get3A_241, %shift_right_arithmetic3A_243 : vector<16xi32>
      %and3A_245 = arith.constant 255 : i32
      %and3A_246 = vector.broadcast %and3A_245 : i32 to vector<16xi32>
      %and3A_247 = arith.andi %shift_right_arithmetic3A_244, %and3A_246 : vector<16xi32>
      %add3A_248 = arith.constant 512 : i32
      %add3A_249 = vector.broadcast %add3A_248 : i32 to vector<16xi32>
      %add3A_250 = arith.addi %and3A_247, %add3A_249 : vector<16xi32>
      %broadcast_in_dim3A_251 = arith.constant true
      %broadcast_in_dim3A_252 = vector.broadcast %broadcast_in_dim3A_251 : i1 to vector<16xi1>
      %unique3A_253, %unique3A_254 = tpu.scan_count mask(%broadcast_in_dim3A_252 : vector<16xi1>) value(%add3A_250 : vector<16xi32>) : vector<16xi1>, vector<16xi32>
      tpu.vector_store_idx %arg6[%add3A_250], %unique3A_254 masked %unique3A_253 {add = true} : memref<2048xi32, #tpu.memory_space<vmem>>[vector<16xi32>], vector<16xi32>, vector<16xi1>
      %mul3A_255 = arith.constant 16 : i32
      %mul3A_256 = arith.muli %scan3A_197, %mul3A_255 : i32
      %add3A_257 = arith.constant 1584 : i32
      %add3A_258 = arith.addi %add3A_257, %mul3A_256 : i32
      %get3A_259 = arith.index_cast %add3A_258 : i32 to index
      %get3A_260 = tpu.vector_load %arg8[%get3A_259] {strides = array<i32>} : memref<2112xi32, #tpu.memory_space<vmem>>, vector<16xi32>,
      %shift_right_arithmetic3A_261 = arith.constant 0 : i32
      %shift_right_arithmetic3A_262 = vector.broadcast %shift_right_arithmetic3A_261 : i32 to vector<16xi32>
      %shift_right_arithmetic3A_263 = arith.shrsi %get3A_260, %shift_right_arithmetic3A_262 : vector<16xi32>
      %and3A_264 = arith.constant 255 : i32
      %and3A_265 = vector.broadcast %and3A_264 : i32 to vector<16xi32>
      %and3A_266 = arith.andi %shift_right_arithmetic3A_263, %and3A_265 : vector<16xi32>
      %add3A_267 = arith.constant 768 : i32
      %add3A_268 = vector.broadcast %add3A_267 : i32 to vector<16xi32>
      %add3A_269 = arith.addi %and3A_266, %add3A_268 : vector<16xi32>
      %broadcast_in_dim3A_270 = arith.constant true
      %broadcast_in_dim3A_271 = vector.broadcast %broadcast_in_dim3A_270 : i1 to vector<16xi1>
      %unique3A_272, %unique3A_273 = tpu.scan_count mask(%broadcast_in_dim3A_271 : vector<16xi1>) value(%add3A_269 : vector<16xi32>) : vector<16xi1>, vector<16xi32>
      tpu.vector_store_idx %arg6[%add3A_269], %unique3A_273 masked %unique3A_272 {add = true} : memref<2048xi32, #tpu.memory_space<vmem>>[vector<16xi32>], vector<16xi32>, vector<16xi1>
    }
    %scan3A_13 = arith.constant 32 : i32
    %scan3A_14 = arith.constant 0 : i32
    %scan3A_15 = arith.constant 0 : i32
    %scan3A_16 = arith.constant 0 : i32
    %scan3A_17 = arith.constant 0 : i32
    %scan3A_18 = arith.constant 0 : i32
    %scan3A_19 = arith.constant 16 : i32
    %scan3A_20 = arith.addi %scan3A_18, %scan3A_19 : i32
    %scan3A_21 = arith.constant 1 : i32
    %scan3A_22:4 = scf.for %scan3A_124 = %scan3A_18 to %scan3A_20 step %scan3A_21 iter_args(%scan3A_125 = %scan3A_14, %scan3A_126 = %scan3A_15, %scan3A_127 = %scan3A_16, %scan3A_128 = %scan3A_17) -> (i32, i32, i32, i32)  : i32 {
      %add3A_129 = arith.constant 1 : i32
      %add3A_130 = arith.addi %scan3A_124, %add3A_129 : i32
      %mul3A_131 = arith.constant 16 : i32
      %mul3A_132 = arith.muli %add3A_130, %mul3A_131 : i32
      %sub3A = arith.constant 256 : i32
      %sub3A_133 = arith.subi %sub3A, %mul3A_132 : i32
      %get3A = arith.index_cast %sub3A_133 : i32 to index
      %get3A_134 = tpu.vector_load %arg6[%get3A] {strides = array<i32>} : memref<2048xi32, #tpu.memory_space<vmem>>, vector<16xi32>,
      %rev3A = arith.constant 15 : i32
      %rev3A_135 = vector.broadcast %rev3A : i32 to vector<16xi32>
      %rev3A_136 = tpu.iota {dimensions = array<i32: 0>} : vector<16xi32>
      %rev3A_137 = arith.subi %rev3A_135, %rev3A_136 : vector<16xi32>
      %rev3A_138 = tpu.dynamic_gather %get3A_134[%rev3A_137] in [0] : vector<16xi32>, vector<16xi32> -> vector<16xi32>
      %broadcast_in_dim3A = arith.constant true
      %broadcast_in_dim3A_139 = vector.broadcast %broadcast_in_dim3A : i1 to vector<16xi1>
      %masked_cumsum3A = tpu.scan <sum>, %rev3A_138 masked %broadcast_in_dim3A_139 : vector<16xi32>, vector<16xi1> -> vector<16xi32>
      %add3A_140 = vector.broadcast %scan3A_125 : i32 to vector<16xi32>
      %add3A_141 = arith.addi %add3A_140, %masked_cumsum3A : vector<16xi32>
      %sub3A_142 = arith.subi %add3A_141, %rev3A_138 : vector<16xi32>
      %rev3A_143 = arith.constant 15 : i32
      %rev3A_144 = vector.broadcast %rev3A_143 : i32 to vector<16xi32>
      %rev3A_145 = tpu.iota {dimensions = array<i32: 0>} : vector<16xi32>
      %rev3A_146 = arith.subi %rev3A_144, %rev3A_145 : vector<16xi32>
      %rev3A_147 = tpu.dynamic_gather %sub3A_142[%rev3A_146] in [0] : vector<16xi32>, vector<16xi32> -> vector<16xi32>
      %add3A_148 = arith.constant 0 : i32
      %add3A_149 = vector.broadcast %add3A_148 : i32 to vector<16xi32>
      %add3A_150 = arith.addi %rev3A_147, %add3A_149 : vector<16xi32>
      %swap3A = arith.index_cast %sub3A_133 : i32 to index
      %swap3A_151 = tpu.vector_load %arg7[%swap3A] {strides = array<i32>} : memref<1024xi32, #tpu.memory_space<vmem>>, vector<16xi32>,
      tpu.vector_store %arg7[%swap3A], %add3A_150 {strides = array<i32>} : memref<1024xi32, #tpu.memory_space<vmem>>, vector<16xi32>,
      %reduce_sum3A = arith.constant true
      %reduce_sum3A_152 = vector.broadcast %reduce_sum3A : i1 to vector<16xi1>
      %reduce_sum3A_153 = tpu.scan <sum>, %get3A_134 masked %reduce_sum3A_152 : vector<16xi32>, vector<16xi1> -> vector<16xi32>
      %reduce_sum3A_154 = vector.extract %reduce_sum3A_153[15] : i32 from vector<16xi32>
      %add3A_155 = arith.addi %scan3A_125, %reduce_sum3A_154 : i32
      %add3A_156 = arith.constant 1 : i32
      %add3A_157 = arith.addi %scan3A_124, %add3A_156 : i32
      %mul3A_158 = arith.constant 16 : i32
      %mul3A_159 = arith.muli %add3A_157, %mul3A_158 : i32
      %sub3A_160 = arith.constant 512 : i32
      %sub3A_161 = arith.subi %sub3A_160, %mul3A_159 : i32
      %get3A_162 = arith.index_cast %sub3A_161 : i32 to index
      %get3A_163 = tpu.vector_load %arg6[%get3A_162] {strides = array<i32>} : memref<2048xi32, #tpu.memory_space<vmem>>, vector<16xi32>,
      %rev3A_164 = arith.constant 15 : i32
      %rev3A_165 = vector.broadcast %rev3A_164 : i32 to vector<16xi32>
      %rev3A_166 = tpu.iota {dimensions = array<i32: 0>} : vector<16xi32>
      %rev3A_167 = arith.subi %rev3A_165, %rev3A_166 : vector<16xi32>
      %rev3A_168 = tpu.dynamic_gather %get3A_163[%rev3A_167] in [0] : vector<16xi32>, vector<16xi32> -> vector<16xi32>
      %broadcast_in_dim3A_169 = arith.constant true
      %broadcast_in_dim3A_170 = vector.broadcast %broadcast_in_dim3A_169 : i1 to vector<16xi1>
      %masked_cumsum3A_171 = tpu.scan <sum>, %rev3A_168 masked %broadcast_in_dim3A_170 : vector<16xi32>, vector<16xi1> -> vector<16xi32>
      %add3A_172 = vector.broadcast %scan3A_126 : i32 to vector<16xi32>
      %add3A_173 = arith.addi %add3A_172, %masked_cumsum3A_171 : vector<16xi32>
      %sub3A_174 = arith.subi %add3A_173, %rev3A_168 : vector<16xi32>
      %rev3A_175 = arith.constant 15 : i32
      %rev3A_176 = vector.broadcast %rev3A_175 : i32 to vector<16xi32>
      %rev3A_177 = tpu.iota {dimensions = array<i32: 0>} : vector<16xi32>
      %rev3A_178 = arith.subi %rev3A_176, %rev3A_177 : vector<16xi32>
      %rev3A_179 = tpu.dynamic_gather %sub3A_174[%rev3A_178] in [0] : vector<16xi32>, vector<16xi32> -> vector<16xi32>
      %add3A_180 = arith.constant 528 : i32
      %add3A_181 = vector.broadcast %add3A_180 : i32 to vector<16xi32>
      %add3A_182 = arith.addi %rev3A_179, %add3A_181 : vector<16xi32>
      %swap3A_183 = arith.index_cast %sub3A_161 : i32 to index
      %swap3A_184 = tpu.vector_load %arg7[%swap3A_183] {strides = array<i32>} : memref<1024xi32, #tpu.memory_space<vmem>>, vector<16xi32>,
      tpu.vector_store %arg7[%swap3A_183], %add3A_182 {strides = array<i32>} : memref<1024xi32, #tpu.memory_space<vmem>>, vector<16xi32>,
      %reduce_sum3A_185 = arith.constant true
      %reduce_sum3A_186 = vector.broadcast %reduce_sum3A_185 : i1 to vector<16xi1>
      %reduce_sum3A_187 = tpu.scan <sum>, %get3A_163 masked %reduce_sum3A_186 : vector<16xi32>, vector<16xi1> -> vector<16xi32>
      %reduce_sum3A_188 = vector.extract %reduce_sum3A_187[15] : i32 from vector<16xi32>
      %add3A_189 = arith.addi %scan3A_126, %reduce_sum3A_188 : i32
      %add3A_190 = arith.constant 1 : i32
      %add3A_191 = arith.addi %scan3A_124, %add3A_190 : i32
      %mul3A_192 = arith.constant 16 : i32
      %mul3A_193 = arith.muli %add3A_191, %mul3A_192 : i32
      %sub3A_194 = arith.constant 768 : i32
      %sub3A_195 = arith.subi %sub3A_194, %mul3A_193 : i32
      %get3A_196 = arith.index_cast %sub3A_195 : i32 to index
      %get3A_197 = tpu.vector_load %arg6[%get3A_196] {strides = array<i32>} : memref<2048xi32, #tpu.memory_space<vmem>>, vector<16xi32>,
      %rev3A_198 = arith.constant 15 : i32
      %rev3A_199 = vector.broadcast %rev3A_198 : i32 to vector<16xi32>
      %rev3A_200 = tpu.iota {dimensions = array<i32: 0>} : vector<16xi32>
      %rev3A_201 = arith.subi %rev3A_199, %rev3A_200 : vector<16xi32>
      %rev3A_202 = tpu.dynamic_gather %get3A_197[%rev3A_201] in [0] : vector<16xi32>, vector<16xi32> -> vector<16xi32>
      %broadcast_in_dim3A_203 = arith.constant true
      %broadcast_in_dim3A_204 = vector.broadcast %broadcast_in_dim3A_203 : i1 to vector<16xi1>
      %masked_cumsum3A_205 = tpu.scan <sum>, %rev3A_202 masked %broadcast_in_dim3A_204 : vector<16xi32>, vector<16xi1> -> vector<16xi32>
      %add3A_206 = vector.broadcast %scan3A_127 : i32 to vector<16xi32>
      %add3A_207 = arith.addi %add3A_206, %masked_cumsum3A_205 : vector<16xi32>
      %sub3A_208 = arith.subi %add3A_207, %rev3A_202 : vector<16xi32>
      %rev3A_209 = arith.constant 15 : i32
      %rev3A_210 = vector.broadcast %rev3A_209 : i32 to vector<16xi32>
      %rev3A_211 = tpu.iota {dimensions = array<i32: 0>} : vector<16xi32>
      %rev3A_212 = arith.subi %rev3A_210, %rev3A_211 : vector<16xi32>
      %rev3A_213 = tpu.dynamic_gather %sub3A_208[%rev3A_212] in [0] : vector<16xi32>, vector<16xi32> -> vector<16xi32>
      %add3A_214 = arith.constant 1056 : i32
      %add3A_215 = vector.broadcast %add3A_214 : i32 to vector<16xi32>
      %add3A_216 = arith.addi %rev3A_213, %add3A_215 : vector<16xi32>
      %swap3A_217 = arith.index_cast %sub3A_195 : i32 to index
      %swap3A_218 = tpu.vector_load %arg7[%swap3A_217] {strides = array<i32>} : memref<1024xi32, #tpu.memory_space<vmem>>, vector<16xi32>,
      tpu.vector_store %arg7[%swap3A_217], %add3A_216 {strides = array<i32>} : memref<1024xi32, #tpu.memory_space<vmem>>, vector<16xi32>,
      %reduce_sum3A_219 = arith.constant true
      %reduce_sum3A_220 = vector.broadcast %reduce_sum3A_219 : i1 to vector<16xi1>
      %reduce_sum3A_221 = tpu.scan <sum>, %get3A_197 masked %reduce_sum3A_220 : vector<16xi32>, vector<16xi1> -> vector<16xi32>
      %reduce_sum3A_222 = vector.extract %reduce_sum3A_221[15] : i32 from vector<16xi32>
      %add3A_223 = arith.addi %scan3A_127, %reduce_sum3A_222 : i32
      %add3A_224 = arith.constant 1 : i32
      %add3A_225 = arith.addi %scan3A_124, %add3A_224 : i32
      %mul3A_226 = arith.constant 16 : i32
      %mul3A_227 = arith.muli %add3A_225, %mul3A_226 : i32
      %sub3A_228 = arith.constant 1024 : i32
      %sub3A_229 = arith.subi %sub3A_228, %mul3A_227 : i32
      %get3A_230 = arith.index_cast %sub3A_229 : i32 to index
      %get3A_231 = tpu.vector_load %arg6[%get3A_230] {strides = array<i32>} : memref<2048xi32, #tpu.memory_space<vmem>>, vector<16xi32>,
      %rev3A_232 = arith.constant 15 : i32
      %rev3A_233 = vector.broadcast %rev3A_232 : i32 to vector<16xi32>
      %rev3A_234 = tpu.iota {dimensions = array<i32: 0>} : vector<16xi32>
      %rev3A_235 = arith.subi %rev3A_233, %rev3A_234 : vector<16xi32>
      %rev3A_236 = tpu.dynamic_gather %get3A_231[%rev3A_235] in [0] : vector<16xi32>, vector<16xi32> -> vector<16xi32>
      %broadcast_in_dim3A_237 = arith.constant true
      %broadcast_in_dim3A_238 = vector.broadcast %broadcast_in_dim3A_237 : i1 to vector<16xi1>
      %masked_cumsum3A_239 = tpu.scan <sum>, %rev3A_236 masked %broadcast_in_dim3A_238 : vector<16xi32>, vector<16xi1> -> vector<16xi32>
      %add3A_240 = vector.broadcast %scan3A_128 : i32 to vector<16xi32>
      %add3A_241 = arith.addi %add3A_240, %masked_cumsum3A_239 : vector<16xi32>
      %sub3A_242 = arith.subi %add3A_241, %rev3A_236 : vector<16xi32>
      %rev3A_243 = arith.constant 15 : i32
      %rev3A_244 = vector.broadcast %rev3A_243 : i32 to vector<16xi32>
      %rev3A_245 = tpu.iota {dimensions = array<i32: 0>} : vector<16xi32>
      %rev3A_246 = arith.subi %rev3A_244, %rev3A_245 : vector<16xi32>
      %rev3A_247 = tpu.dynamic_gather %sub3A_242[%rev3A_246] in [0] : vector<16xi32>, vector<16xi32> -> vector<16xi32>
      %add3A_248 = arith.constant 1584 : i32
      %add3A_249 = vector.broadcast %add3A_248 : i32 to vector<16xi32>
      %add3A_250 = arith.addi %rev3A_247, %add3A_249 : vector<16xi32>
      %swap3A_251 = arith.index_cast %sub3A_229 : i32 to index
      %swap3A_252 = tpu.vector_load %arg7[%swap3A_251] {strides = array<i32>} : memref<1024xi32, #tpu.memory_space<vmem>>, vector<16xi32>,
      tpu.vector_store %arg7[%swap3A_251], %add3A_250 {strides = array<i32>} : memref<1024xi32, #tpu.memory_space<vmem>>, vector<16xi32>,
      %reduce_sum3A_253 = arith.constant true
      %reduce_sum3A_254 = vector.broadcast %reduce_sum3A_253 : i1 to vector<16xi1>
      %reduce_sum3A_255 = tpu.scan <sum>, %get3A_231 masked %reduce_sum3A_254 : vector<16xi32>, vector<16xi1> -> vector<16xi32>
      %reduce_sum3A_256 = vector.extract %reduce_sum3A_255[15] : i32 from vector<16xi32>
      %add3A_257 = arith.addi %scan3A_128, %reduce_sum3A_256 : i32
      scf.yield %add3A_155, %add3A_189, %add3A_223, %add3A_257 : i32, i32, i32, i32
    }
    %scan3A_23 = arith.constant 16 : i32
    %scan3A_24 = arith.constant 0 : i32
    %scan3A_25 = arith.constant 0 : i32
    %scan3A_26 = arith.constant 32 : i32
    %scan3A_27 = arith.addi %scan3A_25, %scan3A_26 : i32
    %scan3A_28 = arith.constant 2 : i32
    scf.for %scan3A_124 = %scan3A_25 to %scan3A_27 step %scan3A_28  : i32 {
      %mul3A_125 = arith.constant 16 : i32
      %mul3A_126 = arith.muli %scan3A_124, %mul3A_125 : i32
      %add3A_127 = arith.constant 0 : i32
      %add3A_128 = arith.addi %add3A_127, %mul3A_126 : i32
      %get3A = arith.index_cast %add3A_128 : i32 to index
      %get3A_129 = tpu.vector_load %arg8[%get3A] {strides = array<i32>} : memref<2112xi32, #tpu.memory_space<vmem>>, vector<16xi32>,
      %shift_right_arithmetic3A = arith.constant 0 : i32
      %shift_right_arithmetic3A_130 = vector.broadcast %shift_right_arithmetic3A : i32 to vector<16xi32>
      %shift_right_arithmetic3A_131 = arith.shrsi %get3A_129, %shift_right_arithmetic3A_130 : vector<16xi32>
      %and3A = arith.constant 255 : i32
      %and3A_132 = vector.broadcast %and3A : i32 to vector<16xi32>
      %and3A_133 = arith.andi %shift_right_arithmetic3A_131, %and3A_132 : vector<16xi32>
      %add3A_134 = arith.constant 0 : i32
      %add3A_135 = vector.broadcast %add3A_134 : i32 to vector<16xi32>
      %add3A_136 = arith.addi %and3A_133, %add3A_135 : vector<16xi32>
      %broadcast_in_dim3A = arith.constant true
      %broadcast_in_dim3A_137 = vector.broadcast %broadcast_in_dim3A : i1 to vector<16xi1>
      %unique3A, %unique3A_138 = tpu.scan_count mask(%broadcast_in_dim3A_137 : vector<16xi1>) value(%add3A_136 : vector<16xi32>) : vector<16xi1>, vector<16xi32>
      %gather3A = tpu.vector_load_idx %arg7[%add3A_136] : memref<1024xi32, #tpu.memory_space<vmem>>[vector<16xi32>], vector<16xi32>,
      %add3A_139 = arith.addi %gather3A, %unique3A_138 : vector<16xi32>
      %sub3A = arith.constant 1 : i32
      %sub3A_140 = vector.broadcast %sub3A : i32 to vector<16xi32>
      %sub3A_141 = arith.subi %add3A_139, %sub3A_140 : vector<16xi32>
      tpu.vector_store_idx %arg9[%sub3A_141], %get3A_129 : memref<2112xi32, #tpu.memory_space<vmem>>[vector<16xi32>], vector<16xi32>,
      tpu.vector_store_idx %arg7[%add3A_136], %unique3A_138 masked %unique3A {add = true} : memref<1024xi32, #tpu.memory_space<vmem>>[vector<16xi32>], vector<16xi32>, vector<16xi1>
      %mul3A_142 = arith.constant 16 : i32
      %mul3A_143 = arith.muli %scan3A_124, %mul3A_142 : i32
      %add3A_144 = arith.constant 528 : i32
      %add3A_145 = arith.addi %add3A_144, %mul3A_143 : i32
      %get3A_146 = arith.index_cast %add3A_145 : i32 to index
      %get3A_147 = tpu.vector_load %arg8[%get3A_146] {strides = array<i32>} : memref<2112xi32, #tpu.memory_space<vmem>>, vector<16xi32>,
      %shift_right_arithmetic3A_148 = arith.constant 0 : i32
      %shift_right_arithmetic3A_149 = vector.broadcast %shift_right_arithmetic3A_148 : i32 to vector<16xi32>
      %shift_right_arithmetic3A_150 = arith.shrsi %get3A_147, %shift_right_arithmetic3A_149 : vector<16xi32>
      %and3A_151 = arith.constant 255 : i32
      %and3A_152 = vector.broadcast %and3A_151 : i32 to vector<16xi32>
      %and3A_153 = arith.andi %shift_right_arithmetic3A_150, %and3A_152 : vector<16xi32>
      %add3A_154 = arith.constant 256 : i32
      %add3A_155 = vector.broadcast %add3A_154 : i32 to vector<16xi32>
      %add3A_156 = arith.addi %and3A_153, %add3A_155 : vector<16xi32>
      %broadcast_in_dim3A_157 = arith.constant true
      %broadcast_in_dim3A_158 = vector.broadcast %broadcast_in_dim3A_157 : i1 to vector<16xi1>
      %unique3A_159, %unique3A_160 = tpu.scan_count mask(%broadcast_in_dim3A_158 : vector<16xi1>) value(%add3A_156 : vector<16xi32>) : vector<16xi1>, vector<16xi32>
      %gather3A_161 = tpu.vector_load_idx %arg7[%add3A_156] : memref<1024xi32, #tpu.memory_space<vmem>>[vector<16xi32>], vector<16xi32>,
      %add3A_162 = arith.addi %gather3A_161, %unique3A_160 : vector<16xi32>
      %sub3A_163 = arith.constant 1 : i32
      %sub3A_164 = vector.broadcast %sub3A_163 : i32 to vector<16xi32>
      %sub3A_165 = arith.subi %add3A_162, %sub3A_164 : vector<16xi32>
      tpu.vector_store_idx %arg9[%sub3A_165], %get3A_147 : memref<2112xi32, #tpu.memory_space<vmem>>[vector<16xi32>], vector<16xi32>,
      tpu.vector_store_idx %arg7[%add3A_156], %unique3A_160 masked %unique3A_159 {add = true} : memref<1024xi32, #tpu.memory_space<vmem>>[vector<16xi32>], vector<16xi32>, vector<16xi1>
      %mul3A_166 = arith.constant 16 : i32
      %mul3A_167 = arith.muli %scan3A_124, %mul3A_166 : i32
      %add3A_168 = arith.constant 1056 : i32
      %add3A_169 = arith.addi %add3A_168, %mul3A_167 : i32
      %get3A_170 = arith.index_cast %add3A_169 : i32 to index
      %get3A_171 = tpu.vector_load %arg8[%get3A_170] {strides = array<i32>} : memref<2112xi32, #tpu.memory_space<vmem>>, vector<16xi32>,
      %shift_right_arithmetic3A_172 = arith.constant 0 : i32
      %shift_right_arithmetic3A_173 = vector.broadcast %shift_right_arithmetic3A_172 : i32 to vector<16xi32>
      %shift_right_arithmetic3A_174 = arith.shrsi %get3A_171, %shift_right_arithmetic3A_173 : vector<16xi32>
      %and3A_175 = arith.constant 255 : i32
      %and3A_176 = vector.broadcast %and3A_175 : i32 to vector<16xi32>
      %and3A_177 = arith.andi %shift_right_arithmetic3A_174, %and3A_176 : vector<16xi32>
      %add3A_178 = arith.constant 512 : i32
      %add3A_179 = vector.broadcast %add3A_178 : i32 to vector<16xi32>
      %add3A_180 = arith.addi %and3A_177, %add3A_179 : vector<16xi32>
      %broadcast_in_dim3A_181 = arith.constant true
      %broadcast_in_dim3A_182 = vector.broadcast %broadcast_in_dim3A_181 : i1 to vector<16xi1>
      %unique3A_183, %unique3A_184 = tpu.scan_count mask(%broadcast_in_dim3A_182 : vector<16xi1>) value(%add3A_180 : vector<16xi32>) : vector<16xi1>, vector<16xi32>
      %gather3A_185 = tpu.vector_load_idx %arg7[%add3A_180] : memref<1024xi32, #tpu.memory_space<vmem>>[vector<16xi32>], vector<16xi32>,
      %add3A_186 = arith.addi %gather3A_185, %unique3A_184 : vector<16xi32>
      %sub3A_187 = arith.constant 1 : i32
      %sub3A_188 = vector.broadcast %sub3A_187 : i32 to vector<16xi32>
      %sub3A_189 = arith.subi %add3A_186, %sub3A_188 : vector<16xi32>
      tpu.vector_store_idx %arg9[%sub3A_189], %get3A_171 : memref<2112xi32, #tpu.memory_space<vmem>>[vector<16xi32>], vector<16xi32>,
      tpu.vector_store_idx %arg7[%add3A_180], %unique3A_184 masked %unique3A_183 {add = true} : memref<1024xi32, #tpu.memory_space<vmem>>[vector<16xi32>], vector<16xi32>, vector<16xi1>
      %mul3A_190 = arith.constant 16 : i32
      %mul3A_191 = arith.muli %scan3A_124, %mul3A_190 : i32
      %add3A_192 = arith.constant 1584 : i32
      %add3A_193 = arith.addi %add3A_192, %mul3A_191 : i32
      %get3A_194 = arith.index_cast %add3A_193 : i32 to index
      %get3A_195 = tpu.vector_load %arg8[%get3A_194] {strides = array<i32>} : memref<2112xi32, #tpu.memory_space<vmem>>, vector<16xi32>,
      %shift_right_arithmetic3A_196 = arith.constant 0 : i32
      %shift_right_arithmetic3A_197 = vector.broadcast %shift_right_arithmetic3A_196 : i32 to vector<16xi32>
      %shift_right_arithmetic3A_198 = arith.shrsi %get3A_195, %shift_right_arithmetic3A_197 : vector<16xi32>
      %and3A_199 = arith.constant 255 : i32
      %and3A_200 = vector.broadcast %and3A_199 : i32 to vector<16xi32>
      %and3A_201 = arith.andi %shift_right_arithmetic3A_198, %and3A_200 : vector<16xi32>
      %add3A_202 = arith.constant 768 : i32
      %add3A_203 = vector.broadcast %add3A_202 : i32 to vector<16xi32>
      %add3A_204 = arith.addi %and3A_201, %add3A_203 : vector<16xi32>
      %broadcast_in_dim3A_205 = arith.constant true
      %broadcast_in_dim3A_206 = vector.broadcast %broadcast_in_dim3A_205 : i1 to vector<16xi1>
      %unique3A_207, %unique3A_208 = tpu.scan_count mask(%broadcast_in_dim3A_206 : vector<16xi1>) value(%add3A_204 : vector<16xi32>) : vector<16xi1>, vector<16xi32>
      %gather3A_209 = tpu.vector_load_idx %arg7[%add3A_204] : memref<1024xi32, #tpu.memory_space<vmem>>[vector<16xi32>], vector<16xi32>,
      %add3A_210 = arith.addi %gather3A_209, %unique3A_208 : vector<16xi32>
      %sub3A_211 = arith.constant 1 : i32
      %sub3A_212 = vector.broadcast %sub3A_211 : i32 to vector<16xi32>
      %sub3A_213 = arith.subi %add3A_210, %sub3A_212 : vector<16xi32>
      tpu.vector_store_idx %arg9[%sub3A_213], %get3A_195 : memref<2112xi32, #tpu.memory_space<vmem>>[vector<16xi32>], vector<16xi32>,
      tpu.vector_store_idx %arg7[%add3A_204], %unique3A_208 masked %unique3A_207 {add = true} : memref<1024xi32, #tpu.memory_space<vmem>>[vector<16xi32>], vector<16xi32>, vector<16xi1>
      %scan3A_214 = arith.constant 1 : i32
      %scan3A_215 = arith.addi %scan3A_124, %scan3A_214 : i32
      %mul3A_216 = arith.constant 16 : i32
      %mul3A_217 = arith.muli %scan3A_215, %mul3A_216 : i32
      %add3A_218 = arith.constant 0 : i32
      %add3A_219 = arith.addi %add3A_218, %mul3A_217 : i32
      %get3A_220 = arith.index_cast %add3A_219 : i32 to index
      %get3A_221 = tpu.vector_load %arg8[%get3A_220] {strides = array<i32>} : memref<2112xi32, #tpu.memory_space<vmem>>, vector<16xi32>,
      %shift_right_arithmetic3A_222 = arith.constant 0 : i32
      %shift_right_arithmetic3A_223 = vector.broadcast %shift_right_arithmetic3A_222 : i32 to vector<16xi32>
      %shift_right_arithmetic3A_224 = arith.shrsi %get3A_221, %shift_right_arithmetic3A_223 : vector<16xi32>
      %and3A_225 = arith.constant 255 : i32
      %and3A_226 = vector.broadcast %and3A_225 : i32 to vector<16xi32>
      %and3A_227 = arith.andi %shift_right_arithmetic3A_224, %and3A_226 : vector<16xi32>
      %add3A_228 = arith.constant 0 : i32
      %add3A_229 = vector.broadcast %add3A_228 : i32 to vector<16xi32>
      %add3A_230 = arith.addi %and3A_227, %add3A_229 : vector<16xi32>
      %broadcast_in_dim3A_231 = arith.constant true
      %broadcast_in_dim3A_232 = vector.broadcast %broadcast_in_dim3A_231 : i1 to vector<16xi1>
      %unique3A_233, %unique3A_234 = tpu.scan_count mask(%broadcast_in_dim3A_232 : vector<16xi1>) value(%add3A_230 : vector<16xi32>) : vector<16xi1>, vector<16xi32>
      %gather3A_235 = tpu.vector_load_idx %arg7[%add3A_230] : memref<1024xi32, #tpu.memory_space<vmem>>[vector<16xi32>], vector<16xi32>,
      %add3A_236 = arith.addi %gather3A_235, %unique3A_234 : vector<16xi32>
      %sub3A_237 = arith.constant 1 : i32
      %sub3A_238 = vector.broadcast %sub3A_237 : i32 to vector<16xi32>
      %sub3A_239 = arith.subi %add3A_236, %sub3A_238 : vector<16xi32>
      tpu.vector_store_idx %arg9[%sub3A_239], %get3A_221 : memref<2112xi32, #tpu.memory_space<vmem>>[vector<16xi32>], vector<16xi32>,
      tpu.vector_store_idx %arg7[%add3A_230], %unique3A_234 masked %unique3A_233 {add = true} : memref<1024xi32, #tpu.memory_space<vmem>>[vector<16xi32>], vector<16xi32>, vector<16xi1>
      %mul3A_240 = arith.constant 16 : i32
      %mul3A_241 = arith.muli %scan3A_215, %mul3A_240 : i32
      %add3A_242 = arith.constant 528 : i32
      %add3A_243 = arith.addi %add3A_242, %mul3A_241 : i32
      %get3A_244 = arith.index_cast %add3A_243 : i32 to index
      %get3A_245 = tpu.vector_load %arg8[%get3A_244] {strides = array<i32>} : memref<2112xi32, #tpu.memory_space<vmem>>, vector<16xi32>,
      %shift_right_arithmetic3A_246 = arith.constant 0 : i32
      %shift_right_arithmetic3A_247 = vector.broadcast %shift_right_arithmetic3A_246 : i32 to vector<16xi32>
      %shift_right_arithmetic3A_248 = arith.shrsi %get3A_245, %shift_right_arithmetic3A_247 : vector<16xi32>
      %and3A_249 = arith.constant 255 : i32
      %and3A_250 = vector.broadcast %and3A_249 : i32 to vector<16xi32>
      %and3A_251 = arith.andi %shift_right_arithmetic3A_248, %and3A_250 : vector<16xi32>
      %add3A_252 = arith.constant 256 : i32
      %add3A_253 = vector.broadcast %add3A_252 : i32 to vector<16xi32>
      %add3A_254 = arith.addi %and3A_251, %add3A_253 : vector<16xi32>
      %broadcast_in_dim3A_255 = arith.constant true
      %broadcast_in_dim3A_256 = vector.broadcast %broadcast_in_dim3A_255 : i1 to vector<16xi1>
      %unique3A_257, %unique3A_258 = tpu.scan_count mask(%broadcast_in_dim3A_256 : vector<16xi1>) value(%add3A_254 : vector<16xi32>) : vector<16xi1>, vector<16xi32>
      %gather3A_259 = tpu.vector_load_idx %arg7[%add3A_254] : memref<1024xi32, #tpu.memory_space<vmem>>[vector<16xi32>], vector<16xi32>,
      %add3A_260 = arith.addi %gather3A_259, %unique3A_258 : vector<16xi32>
      %sub3A_261 = arith.constant 1 : i32
      %sub3A_262 = vector.broadcast %sub3A_261 : i32 to vector<16xi32>
      %sub3A_263 = arith.subi %add3A_260, %sub3A_262 : vector<16xi32>
      tpu.vector_store_idx %arg9[%sub3A_263], %get3A_245 : memref<2112xi32, #tpu.memory_space<vmem>>[vector<16xi32>], vector<16xi32>,
      tpu.vector_store_idx %arg7[%add3A_254], %unique3A_258 masked %unique3A_257 {add = true} : memref<1024xi32, #tpu.memory_space<vmem>>[vector<16xi32>], vector<16xi32>, vector<16xi1>
      %mul3A_264 = arith.constant 16 : i32
      %mul3A_265 = arith.muli %scan3A_215, %mul3A_264 : i32
      %add3A_266 = arith.constant 1056 : i32
      %add3A_267 = arith.addi %add3A_266, %mul3A_265 : i32
      %get3A_268 = arith.index_cast %add3A_267 : i32 to index
      %get3A_269 = tpu.vector_load %arg8[%get3A_268] {strides = array<i32>} : memref<2112xi32, #tpu.memory_space<vmem>>, vector<16xi32>,
      %shift_right_arithmetic3A_270 = arith.constant 0 : i32
      %shift_right_arithmetic3A_271 = vector.broadcast %shift_right_arithmetic3A_270 : i32 to vector<16xi32>
      %shift_right_arithmetic3A_272 = arith.shrsi %get3A_269, %shift_right_arithmetic3A_271 : vector<16xi32>
      %and3A_273 = arith.constant 255 : i32
      %and3A_274 = vector.broadcast %and3A_273 : i32 to vector<16xi32>
      %and3A_275 = arith.andi %shift_right_arithmetic3A_272, %and3A_274 : vector<16xi32>
      %add3A_276 = arith.constant 512 : i32
      %add3A_277 = vector.broadcast %add3A_276 : i32 to vector<16xi32>
      %add3A_278 = arith.addi %and3A_275, %add3A_277 : vector<16xi32>
      %broadcast_in_dim3A_279 = arith.constant true
      %broadcast_in_dim3A_280 = vector.broadcast %broadcast_in_dim3A_279 : i1 to vector<16xi1>
      %unique3A_281, %unique3A_282 = tpu.scan_count mask(%broadcast_in_dim3A_280 : vector<16xi1>) value(%add3A_278 : vector<16xi32>) : vector<16xi1>, vector<16xi32>
      %gather3A_283 = tpu.vector_load_idx %arg7[%add3A_278] : memref<1024xi32, #tpu.memory_space<vmem>>[vector<16xi32>], vector<16xi32>,
      %add3A_284 = arith.addi %gather3A_283, %unique3A_282 : vector<16xi32>
      %sub3A_285 = arith.constant 1 : i32
      %sub3A_286 = vector.broadcast %sub3A_285 : i32 to vector<16xi32>
      %sub3A_287 = arith.subi %add3A_284, %sub3A_286 : vector<16xi32>
      tpu.vector_store_idx %arg9[%sub3A_287], %get3A_269 : memref<2112xi32, #tpu.memory_space<vmem>>[vector<16xi32>], vector<16xi32>,
      tpu.vector_store_idx %arg7[%add3A_278], %unique3A_282 masked %unique3A_281 {add = true} : memref<1024xi32, #tpu.memory_space<vmem>>[vector<16xi32>], vector<16xi32>, vector<16xi1>
      %mul3A_288 = arith.constant 16 : i32
      %mul3A_289 = arith.muli %scan3A_215, %mul3A_288 : i32
      %add3A_290 = arith.constant 1584 : i32
      %add3A_291 = arith.addi %add3A_290, %mul3A_289 : i32
      %get3A_292 = arith.index_cast %add3A_291 : i32 to index
      %get3A_293 = tpu.vector_load %arg8[%get3A_292] {strides = array<i32>} : memref<2112xi32, #tpu.memory_space<vmem>>, vector<16xi32>,
      %shift_right_arithmetic3A_294 = arith.constant 0 : i32
      %shift_right_arithmetic3A_295 = vector.broadcast %shift_right_arithmetic3A_294 : i32 to vector<16xi32>
      %shift_right_arithmetic3A_296 = arith.shrsi %get3A_293, %shift_right_arithmetic3A_295 : vector<16xi32>
      %and3A_297 = arith.constant 255 : i32
      %and3A_298 = vector.broadcast %and3A_297 : i32 to vector<16xi32>
      %and3A_299 = arith.andi %shift_right_arithmetic3A_296, %and3A_298 : vector<16xi32>
      %add3A_300 = arith.constant 768 : i32
      %add3A_301 = vector.broadcast %add3A_300 : i32 to vector<16xi32>
      %add3A_302 = arith.addi %and3A_299, %add3A_301 : vector<16xi32>
      %broadcast_in_dim3A_303 = arith.constant true
      %broadcast_in_dim3A_304 = vector.broadcast %broadcast_in_dim3A_303 : i1 to vector<16xi1>
      %unique3A_305, %unique3A_306 = tpu.scan_count mask(%broadcast_in_dim3A_304 : vector<16xi1>) value(%add3A_302 : vector<16xi32>) : vector<16xi1>, vector<16xi32>
      %gather3A_307 = tpu.vector_load_idx %arg7[%add3A_302] : memref<1024xi32, #tpu.memory_space<vmem>>[vector<16xi32>], vector<16xi32>,
      %add3A_308 = arith.addi %gather3A_307, %unique3A_306 : vector<16xi32>
      %sub3A_309 = arith.constant 1 : i32
      %sub3A_310 = vector.broadcast %sub3A_309 : i32 to vector<16xi32>
      %sub3A_311 = arith.subi %add3A_308, %sub3A_310 : vector<16xi32>
      tpu.vector_store_idx %arg9[%sub3A_311], %get3A_293 : memref<2112xi32, #tpu.memory_space<vmem>>[vector<16xi32>], vector<16xi32>,
      tpu.vector_store_idx %arg7[%add3A_302], %unique3A_306 masked %unique3A_305 {add = true} : memref<1024xi32, #tpu.memory_space<vmem>>[vector<16xi32>], vector<16xi32>, vector<16xi1>
    }
    %scan3A_29 = arith.constant 32 : i32
    %parallel_loop3A_30 = arith.constant 0 : i32
    %parallel_loop3A_31 = arith.constant 64 : i32
    %parallel_loop3A_32 = arith.constant 1 : i32
    scf.for %parallel_loop3A_124 = %parallel_loop3A_30 to %parallel_loop3A_31 step %parallel_loop3A_32  : i32 {
      %parallel_loop3A_125 = arith.constant 0 : i32
      %parallel_loop3A_126 = vector.broadcast %parallel_loop3A_125 : i32 to vector<16xi32>
      %parallel_loop3A_127 = arith.constant 16 : i32
      %parallel_loop3A_128 = arith.muli %parallel_loop3A_124, %parallel_loop3A_127 : i32
      %parallel_loop3A_129 = arith.index_cast %parallel_loop3A_128 : i32 to index
      %parallel_loop3A_130 = tpu.vector_load %arg6[%parallel_loop3A_129] {strides = array<i32>} : memref<2048xi32, #tpu.memory_space<vmem>>, vector<16xi32>,
      tpu.vector_store %arg6[%parallel_loop3A_129], %parallel_loop3A_126 {strides = array<i32>} : memref<2048xi32, #tpu.memory_space<vmem>>, vector<16xi32>,
    } {sc.loop_unroll_factor = 8 : i64, sc.parallel_access}
    %scan3A_33 = arith.constant 0 : i32
    %scan3A_34 = arith.constant 0 : i32
    %scan3A_35 = arith.constant 32 : i32
    %scan3A_36 = arith.addi %scan3A_34, %scan3A_35 : i32
    %scan3A_37 = arith.constant 2 : i32
    scf.for %scan3A_124 = %scan3A_34 to %scan3A_36 step %scan3A_37  : i32 {
      %mul3A_125 = arith.constant 16 : i32
      %mul3A_126 = arith.muli %scan3A_124, %mul3A_125 : i32
      %add3A_127 = arith.constant 0 : i32
      %add3A_128 = arith.addi %add3A_127, %mul3A_126 : i32
      %get3A = arith.index_cast %add3A_128 : i32 to index
      %get3A_129 = tpu.vector_load %arg9[%get3A] {strides = array<i32>} : memref<2112xi32, #tpu.memory_space<vmem>>, vector<16xi32>,
      %shift_right_arithmetic3A = arith.constant 8 : i32
      %shift_right_arithmetic3A_130 = vector.broadcast %shift_right_arithmetic3A : i32 to vector<16xi32>
      %shift_right_arithmetic3A_131 = arith.shrsi %get3A_129, %shift_right_arithmetic3A_130 : vector<16xi32>
      %and3A = arith.constant 255 : i32
      %and3A_132 = vector.broadcast %and3A : i32 to vector<16xi32>
      %and3A_133 = arith.andi %shift_right_arithmetic3A_131, %and3A_132 : vector<16xi32>
      %add3A_134 = arith.constant 0 : i32
      %add3A_135 = vector.broadcast %add3A_134 : i32 to vector<16xi32>
      %add3A_136 = arith.addi %and3A_133, %add3A_135 : vector<16xi32>
      %broadcast_in_dim3A = arith.constant true
      %broadcast_in_dim3A_137 = vector.broadcast %broadcast_in_dim3A : i1 to vector<16xi1>
      %unique3A, %unique3A_138 = tpu.scan_count mask(%broadcast_in_dim3A_137 : vector<16xi1>) value(%add3A_136 : vector<16xi32>) : vector<16xi1>, vector<16xi32>
      tpu.vector_store_idx %arg6[%add3A_136], %unique3A_138 masked %unique3A {add = true} : memref<2048xi32, #tpu.memory_space<vmem>>[vector<16xi32>], vector<16xi32>, vector<16xi1>
      %mul3A_139 = arith.constant 16 : i32
      %mul3A_140 = arith.muli %scan3A_124, %mul3A_139 : i32
      %add3A_141 = arith.constant 528 : i32
      %add3A_142 = arith.addi %add3A_141, %mul3A_140 : i32
      %get3A_143 = arith.index_cast %add3A_142 : i32 to index
      %get3A_144 = tpu.vector_load %arg9[%get3A_143] {strides = array<i32>} : memref<2112xi32, #tpu.memory_space<vmem>>, vector<16xi32>,
      %shift_right_arithmetic3A_145 = arith.constant 8 : i32
      %shift_right_arithmetic3A_146 = vector.broadcast %shift_right_arithmetic3A_145 : i32 to vector<16xi32>
      %shift_right_arithmetic3A_147 = arith.shrsi %get3A_144, %shift_right_arithmetic3A_146 : vector<16xi32>
      %and3A_148 = arith.constant 255 : i32
      %and3A_149 = vector.broadcast %and3A_148 : i32 to vector<16xi32>
      %and3A_150 = arith.andi %shift_right_arithmetic3A_147, %and3A_149 : vector<16xi32>
      %add3A_151 = arith.constant 256 : i32
      %add3A_152 = vector.broadcast %add3A_151 : i32 to vector<16xi32>
      %add3A_153 = arith.addi %and3A_150, %add3A_152 : vector<16xi32>
      %broadcast_in_dim3A_154 = arith.constant true
      %broadcast_in_dim3A_155 = vector.broadcast %broadcast_in_dim3A_154 : i1 to vector<16xi1>
      %unique3A_156, %unique3A_157 = tpu.scan_count mask(%broadcast_in_dim3A_155 : vector<16xi1>) value(%add3A_153 : vector<16xi32>) : vector<16xi1>, vector<16xi32>
      tpu.vector_store_idx %arg6[%add3A_153], %unique3A_157 masked %unique3A_156 {add = true} : memref<2048xi32, #tpu.memory_space<vmem>>[vector<16xi32>], vector<16xi32>, vector<16xi1>
      %mul3A_158 = arith.constant 16 : i32
      %mul3A_159 = arith.muli %scan3A_124, %mul3A_158 : i32
      %add3A_160 = arith.constant 1056 : i32
      %add3A_161 = arith.addi %add3A_160, %mul3A_159 : i32
      %get3A_162 = arith.index_cast %add3A_161 : i32 to index
      %get3A_163 = tpu.vector_load %arg9[%get3A_162] {strides = array<i32>} : memref<2112xi32, #tpu.memory_space<vmem>>, vector<16xi32>,
      %shift_right_arithmetic3A_164 = arith.constant 8 : i32
      %shift_right_arithmetic3A_165 = vector.broadcast %shift_right_arithmetic3A_164 : i32 to vector<16xi32>
      %shift_right_arithmetic3A_166 = arith.shrsi %get3A_163, %shift_right_arithmetic3A_165 : vector<16xi32>
      %and3A_167 = arith.constant 255 : i32
      %and3A_168 = vector.broadcast %and3A_167 : i32 to vector<16xi32>
      %and3A_169 = arith.andi %shift_right_arithmetic3A_166, %and3A_168 : vector<16xi32>
      %add3A_170 = arith.constant 512 : i32
      %add3A_171 = vector.broadcast %add3A_170 : i32 to vector<16xi32>
      %add3A_172 = arith.addi %and3A_169, %add3A_171 : vector<16xi32>
      %broadcast_in_dim3A_173 = arith.constant true
      %broadcast_in_dim3A_174 = vector.broadcast %broadcast_in_dim3A_173 : i1 to vector<16xi1>
      %unique3A_175, %unique3A_176 = tpu.scan_count mask(%broadcast_in_dim3A_174 : vector<16xi1>) value(%add3A_172 : vector<16xi32>) : vector<16xi1>, vector<16xi32>
      tpu.vector_store_idx %arg6[%add3A_172], %unique3A_176 masked %unique3A_175 {add = true} : memref<2048xi32, #tpu.memory_space<vmem>>[vector<16xi32>], vector<16xi32>, vector<16xi1>
      %mul3A_177 = arith.constant 16 : i32
      %mul3A_178 = arith.muli %scan3A_124, %mul3A_177 : i32
      %add3A_179 = arith.constant 1584 : i32
      %add3A_180 = arith.addi %add3A_179, %mul3A_178 : i32
      %get3A_181 = arith.index_cast %add3A_180 : i32 to index
      %get3A_182 = tpu.vector_load %arg9[%get3A_181] {strides = array<i32>} : memref<2112xi32, #tpu.memory_space<vmem>>, vector<16xi32>,
      %shift_right_arithmetic3A_183 = arith.constant 8 : i32
      %shift_right_arithmetic3A_184 = vector.broadcast %shift_right_arithmetic3A_183 : i32 to vector<16xi32>
      %shift_right_arithmetic3A_185 = arith.shrsi %get3A_182, %shift_right_arithmetic3A_184 : vector<16xi32>
      %and3A_186 = arith.constant 255 : i32
      %and3A_187 = vector.broadcast %and3A_186 : i32 to vector<16xi32>
      %and3A_188 = arith.andi %shift_right_arithmetic3A_185, %and3A_187 : vector<16xi32>
      %add3A_189 = arith.constant 768 : i32
      %add3A_190 = vector.broadcast %add3A_189 : i32 to vector<16xi32>
      %add3A_191 = arith.addi %and3A_188, %add3A_190 : vector<16xi32>
      %broadcast_in_dim3A_192 = arith.constant true
      %broadcast_in_dim3A_193 = vector.broadcast %broadcast_in_dim3A_192 : i1 to vector<16xi1>
      %unique3A_194, %unique3A_195 = tpu.scan_count mask(%broadcast_in_dim3A_193 : vector<16xi1>) value(%add3A_191 : vector<16xi32>) : vector<16xi1>, vector<16xi32>
      tpu.vector_store_idx %arg6[%add3A_191], %unique3A_195 masked %unique3A_194 {add = true} : memref<2048xi32, #tpu.memory_space<vmem>>[vector<16xi32>], vector<16xi32>, vector<16xi1>
      %scan3A_196 = arith.constant 1 : i32
      %scan3A_197 = arith.addi %scan3A_124, %scan3A_196 : i32
      %mul3A_198 = arith.constant 16 : i32
      %mul3A_199 = arith.muli %scan3A_197, %mul3A_198 : i32
      %add3A_200 = arith.constant 0 : i32
      %add3A_201 = arith.addi %add3A_200, %mul3A_199 : i32
      %get3A_202 = arith.index_cast %add3A_201 : i32 to index
      %get3A_203 = tpu.vector_load %arg9[%get3A_202] {strides = array<i32>} : memref<2112xi32, #tpu.memory_space<vmem>>, vector<16xi32>,
      %shift_right_arithmetic3A_204 = arith.constant 8 : i32
      %shift_right_arithmetic3A_205 = vector.broadcast %shift_right_arithmetic3A_204 : i32 to vector<16xi32>
      %shift_right_arithmetic3A_206 = arith.shrsi %get3A_203, %shift_right_arithmetic3A_205 : vector<16xi32>
      %and3A_207 = arith.constant 255 : i32
      %and3A_208 = vector.broadcast %and3A_207 : i32 to vector<16xi32>
      %and3A_209 = arith.andi %shift_right_arithmetic3A_206, %and3A_208 : vector<16xi32>
      %add3A_210 = arith.constant 0 : i32
      %add3A_211 = vector.broadcast %add3A_210 : i32 to vector<16xi32>
      %add3A_212 = arith.addi %and3A_209, %add3A_211 : vector<16xi32>
      %broadcast_in_dim3A_213 = arith.constant true
      %broadcast_in_dim3A_214 = vector.broadcast %broadcast_in_dim3A_213 : i1 to vector<16xi1>
      %unique3A_215, %unique3A_216 = tpu.scan_count mask(%broadcast_in_dim3A_214 : vector<16xi1>) value(%add3A_212 : vector<16xi32>) : vector<16xi1>, vector<16xi32>
      tpu.vector_store_idx %arg6[%add3A_212], %unique3A_216 masked %unique3A_215 {add = true} : memref<2048xi32, #tpu.memory_space<vmem>>[vector<16xi32>], vector<16xi32>, vector<16xi1>
      %mul3A_217 = arith.constant 16 : i32
      %mul3A_218 = arith.muli %scan3A_197, %mul3A_217 : i32
      %add3A_219 = arith.constant 528 : i32
      %add3A_220 = arith.addi %add3A_219, %mul3A_218 : i32
      %get3A_221 = arith.index_cast %add3A_220 : i32 to index
      %get3A_222 = tpu.vector_load %arg9[%get3A_221] {strides = array<i32>} : memref<2112xi32, #tpu.memory_space<vmem>>, vector<16xi32>,
      %shift_right_arithmetic3A_223 = arith.constant 8 : i32
      %shift_right_arithmetic3A_224 = vector.broadcast %shift_right_arithmetic3A_223 : i32 to vector<16xi32>
      %shift_right_arithmetic3A_225 = arith.shrsi %get3A_222, %shift_right_arithmetic3A_224 : vector<16xi32>
      %and3A_226 = arith.constant 255 : i32
      %and3A_227 = vector.broadcast %and3A_226 : i32 to vector<16xi32>
      %and3A_228 = arith.andi %shift_right_arithmetic3A_225, %and3A_227 : vector<16xi32>
      %add3A_229 = arith.constant 256 : i32
      %add3A_230 = vector.broadcast %add3A_229 : i32 to vector<16xi32>
      %add3A_231 = arith.addi %and3A_228, %add3A_230 : vector<16xi32>
      %broadcast_in_dim3A_232 = arith.constant true
      %broadcast_in_dim3A_233 = vector.broadcast %broadcast_in_dim3A_232 : i1 to vector<16xi1>
      %unique3A_234, %unique3A_235 = tpu.scan_count mask(%broadcast_in_dim3A_233 : vector<16xi1>) value(%add3A_231 : vector<16xi32>) : vector<16xi1>, vector<16xi32>
      tpu.vector_store_idx %arg6[%add3A_231], %unique3A_235 masked %unique3A_234 {add = true} : memref<2048xi32, #tpu.memory_space<vmem>>[vector<16xi32>], vector<16xi32>, vector<16xi1>
      %mul3A_236 = arith.constant 16 : i32
      %mul3A_237 = arith.muli %scan3A_197, %mul3A_236 : i32
      %add3A_238 = arith.constant 1056 : i32
      %add3A_239 = arith.addi %add3A_238, %mul3A_237 : i32
      %get3A_240 = arith.index_cast %add3A_239 : i32 to index
      %get3A_241 = tpu.vector_load %arg9[%get3A_240] {strides = array<i32>} : memref<2112xi32, #tpu.memory_space<vmem>>, vector<16xi32>,
      %shift_right_arithmetic3A_242 = arith.constant 8 : i32
      %shift_right_arithmetic3A_243 = vector.broadcast %shift_right_arithmetic3A_242 : i32 to vector<16xi32>
      %shift_right_arithmetic3A_244 = arith.shrsi %get3A_241, %shift_right_arithmetic3A_243 : vector<16xi32>
      %and3A_245 = arith.constant 255 : i32
      %and3A_246 = vector.broadcast %and3A_245 : i32 to vector<16xi32>
      %and3A_247 = arith.andi %shift_right_arithmetic3A_244, %and3A_246 : vector<16xi32>
      %add3A_248 = arith.constant 512 : i32
      %add3A_249 = vector.broadcast %add3A_248 : i32 to vector<16xi32>
      %add3A_250 = arith.addi %and3A_247, %add3A_249 : vector<16xi32>
      %broadcast_in_dim3A_251 = arith.constant true
      %broadcast_in_dim3A_252 = vector.broadcast %broadcast_in_dim3A_251 : i1 to vector<16xi1>
      %unique3A_253, %unique3A_254 = tpu.scan_count mask(%broadcast_in_dim3A_252 : vector<16xi1>) value(%add3A_250 : vector<16xi32>) : vector<16xi1>, vector<16xi32>
      tpu.vector_store_idx %arg6[%add3A_250], %unique3A_254 masked %unique3A_253 {add = true} : memref<2048xi32, #tpu.memory_space<vmem>>[vector<16xi32>], vector<16xi32>, vector<16xi1>
      %mul3A_255 = arith.constant 16 : i32
      %mul3A_256 = arith.muli %scan3A_197, %mul3A_255 : i32
      %add3A_257 = arith.constant 1584 : i32
      %add3A_258 = arith.addi %add3A_257, %mul3A_256 : i32
      %get3A_259 = arith.index_cast %add3A_258 : i32 to index
      %get3A_260 = tpu.vector_load %arg9[%get3A_259] {strides = array<i32>} : memref<2112xi32, #tpu.memory_space<vmem>>, vector<16xi32>,
      %shift_right_arithmetic3A_261 = arith.constant 8 : i32
      %shift_right_arithmetic3A_262 = vector.broadcast %shift_right_arithmetic3A_261 : i32 to vector<16xi32>
      %shift_right_arithmetic3A_263 = arith.shrsi %get3A_260, %shift_right_arithmetic3A_262 : vector<16xi32>
      %and3A_264 = arith.constant 255 : i32
      %and3A_265 = vector.broadcast %and3A_264 : i32 to vector<16xi32>
      %and3A_266 = arith.andi %shift_right_arithmetic3A_263, %and3A_265 : vector<16xi32>
      %add3A_267 = arith.constant 768 : i32
      %add3A_268 = vector.broadcast %add3A_267 : i32 to vector<16xi32>
      %add3A_269 = arith.addi %and3A_266, %add3A_268 : vector<16xi32>
      %broadcast_in_dim3A_270 = arith.constant true
      %broadcast_in_dim3A_271 = vector.broadcast %broadcast_in_dim3A_270 : i1 to vector<16xi1>
      %unique3A_272, %unique3A_273 = tpu.scan_count mask(%broadcast_in_dim3A_271 : vector<16xi1>) value(%add3A_269 : vector<16xi32>) : vector<16xi1>, vector<16xi32>
      tpu.vector_store_idx %arg6[%add3A_269], %unique3A_273 masked %unique3A_272 {add = true} : memref<2048xi32, #tpu.memory_space<vmem>>[vector<16xi32>], vector<16xi32>, vector<16xi1>
    }
    %scan3A_38 = arith.constant 32 : i32
    %scan3A_39 = arith.constant 0 : i32
    %scan3A_40 = arith.constant 0 : i32
    %scan3A_41 = arith.constant 0 : i32
    %scan3A_42 = arith.constant 0 : i32
    %scan3A_43 = arith.constant 0 : i32
    %scan3A_44 = arith.constant 16 : i32
    %scan3A_45 = arith.addi %scan3A_43, %scan3A_44 : i32
    %scan3A_46 = arith.constant 1 : i32
    %scan3A_47:4 = scf.for %scan3A_124 = %scan3A_43 to %scan3A_45 step %scan3A_46 iter_args(%scan3A_125 = %scan3A_39, %scan3A_126 = %scan3A_40, %scan3A_127 = %scan3A_41, %scan3A_128 = %scan3A_42) -> (i32, i32, i32, i32)  : i32 {
      %add3A_129 = arith.constant 1 : i32
      %add3A_130 = arith.addi %scan3A_124, %add3A_129 : i32
      %mul3A_131 = arith.constant 16 : i32
      %mul3A_132 = arith.muli %add3A_130, %mul3A_131 : i32
      %sub3A = arith.constant 256 : i32
      %sub3A_133 = arith.subi %sub3A, %mul3A_132 : i32
      %get3A = arith.index_cast %sub3A_133 : i32 to index
      %get3A_134 = tpu.vector_load %arg6[%get3A] {strides = array<i32>} : memref<2048xi32, #tpu.memory_space<vmem>>, vector<16xi32>,
      %rev3A = arith.constant 15 : i32
      %rev3A_135 = vector.broadcast %rev3A : i32 to vector<16xi32>
      %rev3A_136 = tpu.iota {dimensions = array<i32: 0>} : vector<16xi32>
      %rev3A_137 = arith.subi %rev3A_135, %rev3A_136 : vector<16xi32>
      %rev3A_138 = tpu.dynamic_gather %get3A_134[%rev3A_137] in [0] : vector<16xi32>, vector<16xi32> -> vector<16xi32>
      %broadcast_in_dim3A = arith.constant true
      %broadcast_in_dim3A_139 = vector.broadcast %broadcast_in_dim3A : i1 to vector<16xi1>
      %masked_cumsum3A = tpu.scan <sum>, %rev3A_138 masked %broadcast_in_dim3A_139 : vector<16xi32>, vector<16xi1> -> vector<16xi32>
      %add3A_140 = vector.broadcast %scan3A_125 : i32 to vector<16xi32>
      %add3A_141 = arith.addi %add3A_140, %masked_cumsum3A : vector<16xi32>
      %sub3A_142 = arith.subi %add3A_141, %rev3A_138 : vector<16xi32>
      %rev3A_143 = arith.constant 15 : i32
      %rev3A_144 = vector.broadcast %rev3A_143 : i32 to vector<16xi32>
      %rev3A_145 = tpu.iota {dimensions = array<i32: 0>} : vector<16xi32>
      %rev3A_146 = arith.subi %rev3A_144, %rev3A_145 : vector<16xi32>
      %rev3A_147 = tpu.dynamic_gather %sub3A_142[%rev3A_146] in [0] : vector<16xi32>, vector<16xi32> -> vector<16xi32>
      %add3A_148 = arith.constant 0 : i32
      %add3A_149 = vector.broadcast %add3A_148 : i32 to vector<16xi32>
      %add3A_150 = arith.addi %rev3A_147, %add3A_149 : vector<16xi32>
      %swap3A = arith.index_cast %sub3A_133 : i32 to index
      %swap3A_151 = tpu.vector_load %arg7[%swap3A] {strides = array<i32>} : memref<1024xi32, #tpu.memory_space<vmem>>, vector<16xi32>,
      tpu.vector_store %arg7[%swap3A], %add3A_150 {strides = array<i32>} : memref<1024xi32, #tpu.memory_space<vmem>>, vector<16xi32>,
      %reduce_sum3A = arith.constant true
      %reduce_sum3A_152 = vector.broadcast %reduce_sum3A : i1 to vector<16xi1>
      %reduce_sum3A_153 = tpu.scan <sum>, %get3A_134 masked %reduce_sum3A_152 : vector<16xi32>, vector<16xi1> -> vector<16xi32>
      %reduce_sum3A_154 = vector.extract %reduce_sum3A_153[15] : i32 from vector<16xi32>
      %add3A_155 = arith.addi %scan3A_125, %reduce_sum3A_154 : i32
      %add3A_156 = arith.constant 1 : i32
      %add3A_157 = arith.addi %scan3A_124, %add3A_156 : i32
      %mul3A_158 = arith.constant 16 : i32
      %mul3A_159 = arith.muli %add3A_157, %mul3A_158 : i32
      %sub3A_160 = arith.constant 512 : i32
      %sub3A_161 = arith.subi %sub3A_160, %mul3A_159 : i32
      %get3A_162 = arith.index_cast %sub3A_161 : i32 to index
      %get3A_163 = tpu.vector_load %arg6[%get3A_162] {strides = array<i32>} : memref<2048xi32, #tpu.memory_space<vmem>>, vector<16xi32>,
      %rev3A_164 = arith.constant 15 : i32
      %rev3A_165 = vector.broadcast %rev3A_164 : i32 to vector<16xi32>
      %rev3A_166 = tpu.iota {dimensions = array<i32: 0>} : vector<16xi32>
      %rev3A_167 = arith.subi %rev3A_165, %rev3A_166 : vector<16xi32>
      %rev3A_168 = tpu.dynamic_gather %get3A_163[%rev3A_167] in [0] : vector<16xi32>, vector<16xi32> -> vector<16xi32>
      %broadcast_in_dim3A_169 = arith.constant true
      %broadcast_in_dim3A_170 = vector.broadcast %broadcast_in_dim3A_169 : i1 to vector<16xi1>
      %masked_cumsum3A_171 = tpu.scan <sum>, %rev3A_168 masked %broadcast_in_dim3A_170 : vector<16xi32>, vector<16xi1> -> vector<16xi32>
      %add3A_172 = vector.broadcast %scan3A_126 : i32 to vector<16xi32>
      %add3A_173 = arith.addi %add3A_172, %masked_cumsum3A_171 : vector<16xi32>
      %sub3A_174 = arith.subi %add3A_173, %rev3A_168 : vector<16xi32>
      %rev3A_175 = arith.constant 15 : i32
      %rev3A_176 = vector.broadcast %rev3A_175 : i32 to vector<16xi32>
      %rev3A_177 = tpu.iota {dimensions = array<i32: 0>} : vector<16xi32>
      %rev3A_178 = arith.subi %rev3A_176, %rev3A_177 : vector<16xi32>
      %rev3A_179 = tpu.dynamic_gather %sub3A_174[%rev3A_178] in [0] : vector<16xi32>, vector<16xi32> -> vector<16xi32>
      %add3A_180 = arith.constant 528 : i32
      %add3A_181 = vector.broadcast %add3A_180 : i32 to vector<16xi32>
      %add3A_182 = arith.addi %rev3A_179, %add3A_181 : vector<16xi32>
      %swap3A_183 = arith.index_cast %sub3A_161 : i32 to index
      %swap3A_184 = tpu.vector_load %arg7[%swap3A_183] {strides = array<i32>} : memref<1024xi32, #tpu.memory_space<vmem>>, vector<16xi32>,
      tpu.vector_store %arg7[%swap3A_183], %add3A_182 {strides = array<i32>} : memref<1024xi32, #tpu.memory_space<vmem>>, vector<16xi32>,
      %reduce_sum3A_185 = arith.constant true
      %reduce_sum3A_186 = vector.broadcast %reduce_sum3A_185 : i1 to vector<16xi1>
      %reduce_sum3A_187 = tpu.scan <sum>, %get3A_163 masked %reduce_sum3A_186 : vector<16xi32>, vector<16xi1> -> vector<16xi32>
      %reduce_sum3A_188 = vector.extract %reduce_sum3A_187[15] : i32 from vector<16xi32>
      %add3A_189 = arith.addi %scan3A_126, %reduce_sum3A_188 : i32
      %add3A_190 = arith.constant 1 : i32
      %add3A_191 = arith.addi %scan3A_124, %add3A_190 : i32
      %mul3A_192 = arith.constant 16 : i32
      %mul3A_193 = arith.muli %add3A_191, %mul3A_192 : i32
      %sub3A_194 = arith.constant 768 : i32
      %sub3A_195 = arith.subi %sub3A_194, %mul3A_193 : i32
      %get3A_196 = arith.index_cast %sub3A_195 : i32 to index
      %get3A_197 = tpu.vector_load %arg6[%get3A_196] {strides = array<i32>} : memref<2048xi32, #tpu.memory_space<vmem>>, vector<16xi32>,
      %rev3A_198 = arith.constant 15 : i32
      %rev3A_199 = vector.broadcast %rev3A_198 : i32 to vector<16xi32>
      %rev3A_200 = tpu.iota {dimensions = array<i32: 0>} : vector<16xi32>
      %rev3A_201 = arith.subi %rev3A_199, %rev3A_200 : vector<16xi32>
      %rev3A_202 = tpu.dynamic_gather %get3A_197[%rev3A_201] in [0] : vector<16xi32>, vector<16xi32> -> vector<16xi32>
      %broadcast_in_dim3A_203 = arith.constant true
      %broadcast_in_dim3A_204 = vector.broadcast %broadcast_in_dim3A_203 : i1 to vector<16xi1>
      %masked_cumsum3A_205 = tpu.scan <sum>, %rev3A_202 masked %broadcast_in_dim3A_204 : vector<16xi32>, vector<16xi1> -> vector<16xi32>
      %add3A_206 = vector.broadcast %scan3A_127 : i32 to vector<16xi32>
      %add3A_207 = arith.addi %add3A_206, %masked_cumsum3A_205 : vector<16xi32>
      %sub3A_208 = arith.subi %add3A_207, %rev3A_202 : vector<16xi32>
      %rev3A_209 = arith.constant 15 : i32
      %rev3A_210 = vector.broadcast %rev3A_209 : i32 to vector<16xi32>
      %rev3A_211 = tpu.iota {dimensions = array<i32: 0>} : vector<16xi32>
      %rev3A_212 = arith.subi %rev3A_210, %rev3A_211 : vector<16xi32>
      %rev3A_213 = tpu.dynamic_gather %sub3A_208[%rev3A_212] in [0] : vector<16xi32>, vector<16xi32> -> vector<16xi32>
      %add3A_214 = arith.constant 1056 : i32
      %add3A_215 = vector.broadcast %add3A_214 : i32 to vector<16xi32>
      %add3A_216 = arith.addi %rev3A_213, %add3A_215 : vector<16xi32>
      %swap3A_217 = arith.index_cast %sub3A_195 : i32 to index
      %swap3A_218 = tpu.vector_load %arg7[%swap3A_217] {strides = array<i32>} : memref<1024xi32, #tpu.memory_space<vmem>>, vector<16xi32>,
      tpu.vector_store %arg7[%swap3A_217], %add3A_216 {strides = array<i32>} : memref<1024xi32, #tpu.memory_space<vmem>>, vector<16xi32>,
      %reduce_sum3A_219 = arith.constant true
      %reduce_sum3A_220 = vector.broadcast %reduce_sum3A_219 : i1 to vector<16xi1>
      %reduce_sum3A_221 = tpu.scan <sum>, %get3A_197 masked %reduce_sum3A_220 : vector<16xi32>, vector<16xi1> -> vector<16xi32>
      %reduce_sum3A_222 = vector.extract %reduce_sum3A_221[15] : i32 from vector<16xi32>
      %add3A_223 = arith.addi %scan3A_127, %reduce_sum3A_222 : i32
      %add3A_224 = arith.constant 1 : i32
      %add3A_225 = arith.addi %scan3A_124, %add3A_224 : i32
      %mul3A_226 = arith.constant 16 : i32
      %mul3A_227 = arith.muli %add3A_225, %mul3A_226 : i32
      %sub3A_228 = arith.constant 1024 : i32
      %sub3A_229 = arith.subi %sub3A_228, %mul3A_227 : i32
      %get3A_230 = arith.index_cast %sub3A_229 : i32 to index
      %get3A_231 = tpu.vector_load %arg6[%get3A_230] {strides = array<i32>} : memref<2048xi32, #tpu.memory_space<vmem>>, vector<16xi32>,
      %rev3A_232 = arith.constant 15 : i32
      %rev3A_233 = vector.broadcast %rev3A_232 : i32 to vector<16xi32>
      %rev3A_234 = tpu.iota {dimensions = array<i32: 0>} : vector<16xi32>
      %rev3A_235 = arith.subi %rev3A_233, %rev3A_234 : vector<16xi32>
      %rev3A_236 = tpu.dynamic_gather %get3A_231[%rev3A_235] in [0] : vector<16xi32>, vector<16xi32> -> vector<16xi32>
      %broadcast_in_dim3A_237 = arith.constant true
      %broadcast_in_dim3A_238 = vector.broadcast %broadcast_in_dim3A_237 : i1 to vector<16xi1>
      %masked_cumsum3A_239 = tpu.scan <sum>, %rev3A_236 masked %broadcast_in_dim3A_238 : vector<16xi32>, vector<16xi1> -> vector<16xi32>
      %add3A_240 = vector.broadcast %scan3A_128 : i32 to vector<16xi32>
      %add3A_241 = arith.addi %add3A_240, %masked_cumsum3A_239 : vector<16xi32>
      %sub3A_242 = arith.subi %add3A_241, %rev3A_236 : vector<16xi32>
      %rev3A_243 = arith.constant 15 : i32
      %rev3A_244 = vector.broadcast %rev3A_243 : i32 to vector<16xi32>
      %rev3A_245 = tpu.iota {dimensions = array<i32: 0>} : vector<16xi32>
      %rev3A_246 = arith.subi %rev3A_244, %rev3A_245 : vector<16xi32>
      %rev3A_247 = tpu.dynamic_gather %sub3A_242[%rev3A_246] in [0] : vector<16xi32>, vector<16xi32> -> vector<16xi32>
      %add3A_248 = arith.constant 1584 : i32
      %add3A_249 = vector.broadcast %add3A_248 : i32 to vector<16xi32>
      %add3A_250 = arith.addi %rev3A_247, %add3A_249 : vector<16xi32>
      %swap3A_251 = arith.index_cast %sub3A_229 : i32 to index
      %swap3A_252 = tpu.vector_load %arg7[%swap3A_251] {strides = array<i32>} : memref<1024xi32, #tpu.memory_space<vmem>>, vector<16xi32>,
      tpu.vector_store %arg7[%swap3A_251], %add3A_250 {strides = array<i32>} : memref<1024xi32, #tpu.memory_space<vmem>>, vector<16xi32>,
      %reduce_sum3A_253 = arith.constant true
      %reduce_sum3A_254 = vector.broadcast %reduce_sum3A_253 : i1 to vector<16xi1>
      %reduce_sum3A_255 = tpu.scan <sum>, %get3A_231 masked %reduce_sum3A_254 : vector<16xi32>, vector<16xi1> -> vector<16xi32>
      %reduce_sum3A_256 = vector.extract %reduce_sum3A_255[15] : i32 from vector<16xi32>
      %add3A_257 = arith.addi %scan3A_128, %reduce_sum3A_256 : i32
      scf.yield %add3A_155, %add3A_189, %add3A_223, %add3A_257 : i32, i32, i32, i32
    }
    %scan3A_48 = arith.constant 16 : i32
    %scan3A_49 = arith.constant 0 : i32
    %scan3A_50 = arith.constant 0 : i32
    %scan3A_51 = arith.constant 32 : i32
    %scan3A_52 = arith.addi %scan3A_50, %scan3A_51 : i32
    %scan3A_53 = arith.constant 2 : i32
    scf.for %scan3A_124 = %scan3A_50 to %scan3A_52 step %scan3A_53  : i32 {
      %mul3A_125 = arith.constant 16 : i32
      %mul3A_126 = arith.muli %scan3A_124, %mul3A_125 : i32
      %add3A_127 = arith.constant 0 : i32
      %add3A_128 = arith.addi %add3A_127, %mul3A_126 : i32
      %get3A = arith.index_cast %add3A_128 : i32 to index
      %get3A_129 = tpu.vector_load %arg9[%get3A] {strides = array<i32>} : memref<2112xi32, #tpu.memory_space<vmem>>, vector<16xi32>,
      %shift_right_arithmetic3A = arith.constant 8 : i32
      %shift_right_arithmetic3A_130 = vector.broadcast %shift_right_arithmetic3A : i32 to vector<16xi32>
      %shift_right_arithmetic3A_131 = arith.shrsi %get3A_129, %shift_right_arithmetic3A_130 : vector<16xi32>
      %and3A = arith.constant 255 : i32
      %and3A_132 = vector.broadcast %and3A : i32 to vector<16xi32>
      %and3A_133 = arith.andi %shift_right_arithmetic3A_131, %and3A_132 : vector<16xi32>
      %add3A_134 = arith.constant 0 : i32
      %add3A_135 = vector.broadcast %add3A_134 : i32 to vector<16xi32>
      %add3A_136 = arith.addi %and3A_133, %add3A_135 : vector<16xi32>
      %broadcast_in_dim3A = arith.constant true
      %broadcast_in_dim3A_137 = vector.broadcast %broadcast_in_dim3A : i1 to vector<16xi1>
      %unique3A, %unique3A_138 = tpu.scan_count mask(%broadcast_in_dim3A_137 : vector<16xi1>) value(%add3A_136 : vector<16xi32>) : vector<16xi1>, vector<16xi32>
      %gather3A = tpu.vector_load_idx %arg7[%add3A_136] : memref<1024xi32, #tpu.memory_space<vmem>>[vector<16xi32>], vector<16xi32>,
      %add3A_139 = arith.addi %gather3A, %unique3A_138 : vector<16xi32>
      %sub3A = arith.constant 1 : i32
      %sub3A_140 = vector.broadcast %sub3A : i32 to vector<16xi32>
      %sub3A_141 = arith.subi %add3A_139, %sub3A_140 : vector<16xi32>
      tpu.vector_store_idx %arg8[%sub3A_141], %get3A_129 : memref<2112xi32, #tpu.memory_space<vmem>>[vector<16xi32>], vector<16xi32>,
      tpu.vector_store_idx %arg7[%add3A_136], %unique3A_138 masked %unique3A {add = true} : memref<1024xi32, #tpu.memory_space<vmem>>[vector<16xi32>], vector<16xi32>, vector<16xi1>
      %mul3A_142 = arith.constant 16 : i32
      %mul3A_143 = arith.muli %scan3A_124, %mul3A_142 : i32
      %add3A_144 = arith.constant 528 : i32
      %add3A_145 = arith.addi %add3A_144, %mul3A_143 : i32
      %get3A_146 = arith.index_cast %add3A_145 : i32 to index
      %get3A_147 = tpu.vector_load %arg9[%get3A_146] {strides = array<i32>} : memref<2112xi32, #tpu.memory_space<vmem>>, vector<16xi32>,
      %shift_right_arithmetic3A_148 = arith.constant 8 : i32
      %shift_right_arithmetic3A_149 = vector.broadcast %shift_right_arithmetic3A_148 : i32 to vector<16xi32>
      %shift_right_arithmetic3A_150 = arith.shrsi %get3A_147, %shift_right_arithmetic3A_149 : vector<16xi32>
      %and3A_151 = arith.constant 255 : i32
      %and3A_152 = vector.broadcast %and3A_151 : i32 to vector<16xi32>
      %and3A_153 = arith.andi %shift_right_arithmetic3A_150, %and3A_152 : vector<16xi32>
      %add3A_154 = arith.constant 256 : i32
      %add3A_155 = vector.broadcast %add3A_154 : i32 to vector<16xi32>
      %add3A_156 = arith.addi %and3A_153, %add3A_155 : vector<16xi32>
      %broadcast_in_dim3A_157 = arith.constant true
      %broadcast_in_dim3A_158 = vector.broadcast %broadcast_in_dim3A_157 : i1 to vector<16xi1>
      %unique3A_159, %unique3A_160 = tpu.scan_count mask(%broadcast_in_dim3A_158 : vector<16xi1>) value(%add3A_156 : vector<16xi32>) : vector<16xi1>, vector<16xi32>
      %gather3A_161 = tpu.vector_load_idx %arg7[%add3A_156] : memref<1024xi32, #tpu.memory_space<vmem>>[vector<16xi32>], vector<16xi32>,
      %add3A_162 = arith.addi %gather3A_161, %unique3A_160 : vector<16xi32>
      %sub3A_163 = arith.constant 1 : i32
      %sub3A_164 = vector.broadcast %sub3A_163 : i32 to vector<16xi32>
      %sub3A_165 = arith.subi %add3A_162, %sub3A_164 : vector<16xi32>
      tpu.vector_store_idx %arg8[%sub3A_165], %get3A_147 : memref<2112xi32, #tpu.memory_space<vmem>>[vector<16xi32>], vector<16xi32>,
      tpu.vector_store_idx %arg7[%add3A_156], %unique3A_160 masked %unique3A_159 {add = true} : memref<1024xi32, #tpu.memory_space<vmem>>[vector<16xi32>], vector<16xi32>, vector<16xi1>
      %mul3A_166 = arith.constant 16 : i32
      %mul3A_167 = arith.muli %scan3A_124, %mul3A_166 : i32
      %add3A_168 = arith.constant 1056 : i32
      %add3A_169 = arith.addi %add3A_168, %mul3A_167 : i32
      %get3A_170 = arith.index_cast %add3A_169 : i32 to index
      %get3A_171 = tpu.vector_load %arg9[%get3A_170] {strides = array<i32>} : memref<2112xi32, #tpu.memory_space<vmem>>, vector<16xi32>,
      %shift_right_arithmetic3A_172 = arith.constant 8 : i32
      %shift_right_arithmetic3A_173 = vector.broadcast %shift_right_arithmetic3A_172 : i32 to vector<16xi32>
      %shift_right_arithmetic3A_174 = arith.shrsi %get3A_171, %shift_right_arithmetic3A_173 : vector<16xi32>
      %and3A_175 = arith.constant 255 : i32
      %and3A_176 = vector.broadcast %and3A_175 : i32 to vector<16xi32>
      %and3A_177 = arith.andi %shift_right_arithmetic3A_174, %and3A_176 : vector<16xi32>
      %add3A_178 = arith.constant 512 : i32
      %add3A_179 = vector.broadcast %add3A_178 : i32 to vector<16xi32>
      %add3A_180 = arith.addi %and3A_177, %add3A_179 : vector<16xi32>
      %broadcast_in_dim3A_181 = arith.constant true
      %broadcast_in_dim3A_182 = vector.broadcast %broadcast_in_dim3A_181 : i1 to vector<16xi1>
      %unique3A_183, %unique3A_184 = tpu.scan_count mask(%broadcast_in_dim3A_182 : vector<16xi1>) value(%add3A_180 : vector<16xi32>) : vector<16xi1>, vector<16xi32>
      %gather3A_185 = tpu.vector_load_idx %arg7[%add3A_180] : memref<1024xi32, #tpu.memory_space<vmem>>[vector<16xi32>], vector<16xi32>,
      %add3A_186 = arith.addi %gather3A_185, %unique3A_184 : vector<16xi32>
      %sub3A_187 = arith.constant 1 : i32
      %sub3A_188 = vector.broadcast %sub3A_187 : i32 to vector<16xi32>
      %sub3A_189 = arith.subi %add3A_186, %sub3A_188 : vector<16xi32>
      tpu.vector_store_idx %arg8[%sub3A_189], %get3A_171 : memref<2112xi32, #tpu.memory_space<vmem>>[vector<16xi32>], vector<16xi32>,
      tpu.vector_store_idx %arg7[%add3A_180], %unique3A_184 masked %unique3A_183 {add = true} : memref<1024xi32, #tpu.memory_space<vmem>>[vector<16xi32>], vector<16xi32>, vector<16xi1>
      %mul3A_190 = arith.constant 16 : i32
      %mul3A_191 = arith.muli %scan3A_124, %mul3A_190 : i32
      %add3A_192 = arith.constant 1584 : i32
      %add3A_193 = arith.addi %add3A_192, %mul3A_191 : i32
      %get3A_194 = arith.index_cast %add3A_193 : i32 to index
      %get3A_195 = tpu.vector_load %arg9[%get3A_194] {strides = array<i32>} : memref<2112xi32, #tpu.memory_space<vmem>>, vector<16xi32>,
      %shift_right_arithmetic3A_196 = arith.constant 8 : i32
      %shift_right_arithmetic3A_197 = vector.broadcast %shift_right_arithmetic3A_196 : i32 to vector<16xi32>
      %shift_right_arithmetic3A_198 = arith.shrsi %get3A_195, %shift_right_arithmetic3A_197 : vector<16xi32>
      %and3A_199 = arith.constant 255 : i32
      %and3A_200 = vector.broadcast %and3A_199 : i32 to vector<16xi32>
      %and3A_201 = arith.andi %shift_right_arithmetic3A_198, %and3A_200 : vector<16xi32>
      %add3A_202 = arith.constant 768 : i32
      %add3A_203 = vector.broadcast %add3A_202 : i32 to vector<16xi32>
      %add3A_204 = arith.addi %and3A_201, %add3A_203 : vector<16xi32>
      %broadcast_in_dim3A_205 = arith.constant true
      %broadcast_in_dim3A_206 = vector.broadcast %broadcast_in_dim3A_205 : i1 to vector<16xi1>
      %unique3A_207, %unique3A_208 = tpu.scan_count mask(%broadcast_in_dim3A_206 : vector<16xi1>) value(%add3A_204 : vector<16xi32>) : vector<16xi1>, vector<16xi32>
      %gather3A_209 = tpu.vector_load_idx %arg7[%add3A_204] : memref<1024xi32, #tpu.memory_space<vmem>>[vector<16xi32>], vector<16xi32>,
      %add3A_210 = arith.addi %gather3A_209, %unique3A_208 : vector<16xi32>
      %sub3A_211 = arith.constant 1 : i32
      %sub3A_212 = vector.broadcast %sub3A_211 : i32 to vector<16xi32>
      %sub3A_213 = arith.subi %add3A_210, %sub3A_212 : vector<16xi32>
      tpu.vector_store_idx %arg8[%sub3A_213], %get3A_195 : memref<2112xi32, #tpu.memory_space<vmem>>[vector<16xi32>], vector<16xi32>,
      tpu.vector_store_idx %arg7[%add3A_204], %unique3A_208 masked %unique3A_207 {add = true} : memref<1024xi32, #tpu.memory_space<vmem>>[vector<16xi32>], vector<16xi32>, vector<16xi1>
      %scan3A_214 = arith.constant 1 : i32
      %scan3A_215 = arith.addi %scan3A_124, %scan3A_214 : i32
      %mul3A_216 = arith.constant 16 : i32
      %mul3A_217 = arith.muli %scan3A_215, %mul3A_216 : i32
      %add3A_218 = arith.constant 0 : i32
      %add3A_219 = arith.addi %add3A_218, %mul3A_217 : i32
      %get3A_220 = arith.index_cast %add3A_219 : i32 to index
      %get3A_221 = tpu.vector_load %arg9[%get3A_220] {strides = array<i32>} : memref<2112xi32, #tpu.memory_space<vmem>>, vector<16xi32>,
      %shift_right_arithmetic3A_222 = arith.constant 8 : i32
      %shift_right_arithmetic3A_223 = vector.broadcast %shift_right_arithmetic3A_222 : i32 to vector<16xi32>
      %shift_right_arithmetic3A_224 = arith.shrsi %get3A_221, %shift_right_arithmetic3A_223 : vector<16xi32>
      %and3A_225 = arith.constant 255 : i32
      %and3A_226 = vector.broadcast %and3A_225 : i32 to vector<16xi32>
      %and3A_227 = arith.andi %shift_right_arithmetic3A_224, %and3A_226 : vector<16xi32>
      %add3A_228 = arith.constant 0 : i32
      %add3A_229 = vector.broadcast %add3A_228 : i32 to vector<16xi32>
      %add3A_230 = arith.addi %and3A_227, %add3A_229 : vector<16xi32>
      %broadcast_in_dim3A_231 = arith.constant true
      %broadcast_in_dim3A_232 = vector.broadcast %broadcast_in_dim3A_231 : i1 to vector<16xi1>
      %unique3A_233, %unique3A_234 = tpu.scan_count mask(%broadcast_in_dim3A_232 : vector<16xi1>) value(%add3A_230 : vector<16xi32>) : vector<16xi1>, vector<16xi32>
      %gather3A_235 = tpu.vector_load_idx %arg7[%add3A_230] : memref<1024xi32, #tpu.memory_space<vmem>>[vector<16xi32>], vector<16xi32>,
      %add3A_236 = arith.addi %gather3A_235, %unique3A_234 : vector<16xi32>
      %sub3A_237 = arith.constant 1 : i32
      %sub3A_238 = vector.broadcast %sub3A_237 : i32 to vector<16xi32>
      %sub3A_239 = arith.subi %add3A_236, %sub3A_238 : vector<16xi32>
      tpu.vector_store_idx %arg8[%sub3A_239], %get3A_221 : memref<2112xi32, #tpu.memory_space<vmem>>[vector<16xi32>], vector<16xi32>,
      tpu.vector_store_idx %arg7[%add3A_230], %unique3A_234 masked %unique3A_233 {add = true} : memref<1024xi32, #tpu.memory_space<vmem>>[vector<16xi32>], vector<16xi32>, vector<16xi1>
      %mul3A_240 = arith.constant 16 : i32
      %mul3A_241 = arith.muli %scan3A_215, %mul3A_240 : i32
      %add3A_242 = arith.constant 528 : i32
      %add3A_243 = arith.addi %add3A_242, %mul3A_241 : i32
      %get3A_244 = arith.index_cast %add3A_243 : i32 to index
      %get3A_245 = tpu.vector_load %arg9[%get3A_244] {strides = array<i32>} : memref<2112xi32, #tpu.memory_space<vmem>>, vector<16xi32>,
      %shift_right_arithmetic3A_246 = arith.constant 8 : i32
      %shift_right_arithmetic3A_247 = vector.broadcast %shift_right_arithmetic3A_246 : i32 to vector<16xi32>
      %shift_right_arithmetic3A_248 = arith.shrsi %get3A_245, %shift_right_arithmetic3A_247 : vector<16xi32>
      %and3A_249 = arith.constant 255 : i32
      %and3A_250 = vector.broadcast %and3A_249 : i32 to vector<16xi32>
      %and3A_251 = arith.andi %shift_right_arithmetic3A_248, %and3A_250 : vector<16xi32>
      %add3A_252 = arith.constant 256 : i32
      %add3A_253 = vector.broadcast %add3A_252 : i32 to vector<16xi32>
      %add3A_254 = arith.addi %and3A_251, %add3A_253 : vector<16xi32>
      %broadcast_in_dim3A_255 = arith.constant true
      %broadcast_in_dim3A_256 = vector.broadcast %broadcast_in_dim3A_255 : i1 to vector<16xi1>
      %unique3A_257, %unique3A_258 = tpu.scan_count mask(%broadcast_in_dim3A_256 : vector<16xi1>) value(%add3A_254 : vector<16xi32>) : vector<16xi1>, vector<16xi32>
      %gather3A_259 = tpu.vector_load_idx %arg7[%add3A_254] : memref<1024xi32, #tpu.memory_space<vmem>>[vector<16xi32>], vector<16xi32>,
      %add3A_260 = arith.addi %gather3A_259, %unique3A_258 : vector<16xi32>
      %sub3A_261 = arith.constant 1 : i32
      %sub3A_262 = vector.broadcast %sub3A_261 : i32 to vector<16xi32>
      %sub3A_263 = arith.subi %add3A_260, %sub3A_262 : vector<16xi32>
      tpu.vector_store_idx %arg8[%sub3A_263], %get3A_245 : memref<2112xi32, #tpu.memory_space<vmem>>[vector<16xi32>], vector<16xi32>,
      tpu.vector_store_idx %arg7[%add3A_254], %unique3A_258 masked %unique3A_257 {add = true} : memref<1024xi32, #tpu.memory_space<vmem>>[vector<16xi32>], vector<16xi32>, vector<16xi1>
      %mul3A_264 = arith.constant 16 : i32
      %mul3A_265 = arith.muli %scan3A_215, %mul3A_264 : i32
      %add3A_266 = arith.constant 1056 : i32
      %add3A_267 = arith.addi %add3A_266, %mul3A_265 : i32
      %get3A_268 = arith.index_cast %add3A_267 : i32 to index
      %get3A_269 = tpu.vector_load %arg9[%get3A_268] {strides = array<i32>} : memref<2112xi32, #tpu.memory_space<vmem>>, vector<16xi32>,
      %shift_right_arithmetic3A_270 = arith.constant 8 : i32
      %shift_right_arithmetic3A_271 = vector.broadcast %shift_right_arithmetic3A_270 : i32 to vector<16xi32>
      %shift_right_arithmetic3A_272 = arith.shrsi %get3A_269, %shift_right_arithmetic3A_271 : vector<16xi32>
      %and3A_273 = arith.constant 255 : i32
      %and3A_274 = vector.broadcast %and3A_273 : i32 to vector<16xi32>
      %and3A_275 = arith.andi %shift_right_arithmetic3A_272, %and3A_274 : vector<16xi32>
      %add3A_276 = arith.constant 512 : i32
      %add3A_277 = vector.broadcast %add3A_276 : i32 to vector<16xi32>
      %add3A_278 = arith.addi %and3A_275, %add3A_277 : vector<16xi32>
      %broadcast_in_dim3A_279 = arith.constant true
      %broadcast_in_dim3A_280 = vector.broadcast %broadcast_in_dim3A_279 : i1 to vector<16xi1>
      %unique3A_281, %unique3A_282 = tpu.scan_count mask(%broadcast_in_dim3A_280 : vector<16xi1>) value(%add3A_278 : vector<16xi32>) : vector<16xi1>, vector<16xi32>
      %gather3A_283 = tpu.vector_load_idx %arg7[%add3A_278] : memref<1024xi32, #tpu.memory_space<vmem>>[vector<16xi32>], vector<16xi32>,
      %add3A_284 = arith.addi %gather3A_283, %unique3A_282 : vector<16xi32>
      %sub3A_285 = arith.constant 1 : i32
      %sub3A_286 = vector.broadcast %sub3A_285 : i32 to vector<16xi32>
      %sub3A_287 = arith.subi %add3A_284, %sub3A_286 : vector<16xi32>
      tpu.vector_store_idx %arg8[%sub3A_287], %get3A_269 : memref<2112xi32, #tpu.memory_space<vmem>>[vector<16xi32>], vector<16xi32>,
      tpu.vector_store_idx %arg7[%add3A_278], %unique3A_282 masked %unique3A_281 {add = true} : memref<1024xi32, #tpu.memory_space<vmem>>[vector<16xi32>], vector<16xi32>, vector<16xi1>
      %mul3A_288 = arith.constant 16 : i32
      %mul3A_289 = arith.muli %scan3A_215, %mul3A_288 : i32
      %add3A_290 = arith.constant 1584 : i32
      %add3A_291 = arith.addi %add3A_290, %mul3A_289 : i32
      %get3A_292 = arith.index_cast %add3A_291 : i32 to index
      %get3A_293 = tpu.vector_load %arg9[%get3A_292] {strides = array<i32>} : memref<2112xi32, #tpu.memory_space<vmem>>, vector<16xi32>,
      %shift_right_arithmetic3A_294 = arith.constant 8 : i32
      %shift_right_arithmetic3A_295 = vector.broadcast %shift_right_arithmetic3A_294 : i32 to vector<16xi32>
      %shift_right_arithmetic3A_296 = arith.shrsi %get3A_293, %shift_right_arithmetic3A_295 : vector<16xi32>
      %and3A_297 = arith.constant 255 : i32
      %and3A_298 = vector.broadcast %and3A_297 : i32 to vector<16xi32>
      %and3A_299 = arith.andi %shift_right_arithmetic3A_296, %and3A_298 : vector<16xi32>
      %add3A_300 = arith.constant 768 : i32
      %add3A_301 = vector.broadcast %add3A_300 : i32 to vector<16xi32>
      %add3A_302 = arith.addi %and3A_299, %add3A_301 : vector<16xi32>
      %broadcast_in_dim3A_303 = arith.constant true
      %broadcast_in_dim3A_304 = vector.broadcast %broadcast_in_dim3A_303 : i1 to vector<16xi1>
      %unique3A_305, %unique3A_306 = tpu.scan_count mask(%broadcast_in_dim3A_304 : vector<16xi1>) value(%add3A_302 : vector<16xi32>) : vector<16xi1>, vector<16xi32>
      %gather3A_307 = tpu.vector_load_idx %arg7[%add3A_302] : memref<1024xi32, #tpu.memory_space<vmem>>[vector<16xi32>], vector<16xi32>,
      %add3A_308 = arith.addi %gather3A_307, %unique3A_306 : vector<16xi32>
      %sub3A_309 = arith.constant 1 : i32
      %sub3A_310 = vector.broadcast %sub3A_309 : i32 to vector<16xi32>
      %sub3A_311 = arith.subi %add3A_308, %sub3A_310 : vector<16xi32>
      tpu.vector_store_idx %arg8[%sub3A_311], %get3A_293 : memref<2112xi32, #tpu.memory_space<vmem>>[vector<16xi32>], vector<16xi32>,
      tpu.vector_store_idx %arg7[%add3A_302], %unique3A_306 masked %unique3A_305 {add = true} : memref<1024xi32, #tpu.memory_space<vmem>>[vector<16xi32>], vector<16xi32>, vector<16xi1>
    }
    %scan3A_54 = arith.constant 32 : i32
    %parallel_loop3A_55 = arith.constant 0 : i32
    %parallel_loop3A_56 = arith.constant 64 : i32
    %parallel_loop3A_57 = arith.constant 1 : i32
    scf.for %parallel_loop3A_124 = %parallel_loop3A_55 to %parallel_loop3A_56 step %parallel_loop3A_57  : i32 {
      %parallel_loop3A_125 = arith.constant 0 : i32
      %parallel_loop3A_126 = vector.broadcast %parallel_loop3A_125 : i32 to vector<16xi32>
      %parallel_loop3A_127 = arith.constant 16 : i32
      %parallel_loop3A_128 = arith.muli %parallel_loop3A_124, %parallel_loop3A_127 : i32
      %parallel_loop3A_129 = arith.index_cast %parallel_loop3A_128 : i32 to index
      %parallel_loop3A_130 = tpu.vector_load %arg6[%parallel_loop3A_129] {strides = array<i32>} : memref<2048xi32, #tpu.memory_space<vmem>>, vector<16xi32>,
      tpu.vector_store %arg6[%parallel_loop3A_129], %parallel_loop3A_126 {strides = array<i32>} : memref<2048xi32, #tpu.memory_space<vmem>>, vector<16xi32>,
    } {sc.loop_unroll_factor = 8 : i64, sc.parallel_access}
    %scan3A_58 = arith.constant 0 : i32
    %scan3A_59 = arith.constant 0 : i32
    %scan3A_60 = arith.constant 32 : i32
    %scan3A_61 = arith.addi %scan3A_59, %scan3A_60 : i32
    %scan3A_62 = arith.constant 2 : i32
    scf.for %scan3A_124 = %scan3A_59 to %scan3A_61 step %scan3A_62  : i32 {
      %mul3A_125 = arith.constant 16 : i32
      %mul3A_126 = arith.muli %scan3A_124, %mul3A_125 : i32
      %add3A_127 = arith.constant 0 : i32
      %add3A_128 = arith.addi %add3A_127, %mul3A_126 : i32
      %get3A = arith.index_cast %add3A_128 : i32 to index
      %get3A_129 = tpu.vector_load %arg8[%get3A] {strides = array<i32>} : memref<2112xi32, #tpu.memory_space<vmem>>, vector<16xi32>,
      %shift_right_arithmetic3A = arith.constant 16 : i32
      %shift_right_arithmetic3A_130 = vector.broadcast %shift_right_arithmetic3A : i32 to vector<16xi32>
      %shift_right_arithmetic3A_131 = arith.shrsi %get3A_129, %shift_right_arithmetic3A_130 : vector<16xi32>
      %and3A = arith.constant 255 : i32
      %and3A_132 = vector.broadcast %and3A : i32 to vector<16xi32>
      %and3A_133 = arith.andi %shift_right_arithmetic3A_131, %and3A_132 : vector<16xi32>
      %add3A_134 = arith.constant 0 : i32
      %add3A_135 = vector.broadcast %add3A_134 : i32 to vector<16xi32>
      %add3A_136 = arith.addi %and3A_133, %add3A_135 : vector<16xi32>
      %broadcast_in_dim3A = arith.constant true
      %broadcast_in_dim3A_137 = vector.broadcast %broadcast_in_dim3A : i1 to vector<16xi1>
      %unique3A, %unique3A_138 = tpu.scan_count mask(%broadcast_in_dim3A_137 : vector<16xi1>) value(%add3A_136 : vector<16xi32>) : vector<16xi1>, vector<16xi32>
      tpu.vector_store_idx %arg6[%add3A_136], %unique3A_138 masked %unique3A {add = true} : memref<2048xi32, #tpu.memory_space<vmem>>[vector<16xi32>], vector<16xi32>, vector<16xi1>
      %mul3A_139 = arith.constant 16 : i32
      %mul3A_140 = arith.muli %scan3A_124, %mul3A_139 : i32
      %add3A_141 = arith.constant 528 : i32
      %add3A_142 = arith.addi %add3A_141, %mul3A_140 : i32
      %get3A_143 = arith.index_cast %add3A_142 : i32 to index
      %get3A_144 = tpu.vector_load %arg8[%get3A_143] {strides = array<i32>} : memref<2112xi32, #tpu.memory_space<vmem>>, vector<16xi32>,
      %shift_right_arithmetic3A_145 = arith.constant 16 : i32
      %shift_right_arithmetic3A_146 = vector.broadcast %shift_right_arithmetic3A_145 : i32 to vector<16xi32>
      %shift_right_arithmetic3A_147 = arith.shrsi %get3A_144, %shift_right_arithmetic3A_146 : vector<16xi32>
      %and3A_148 = arith.constant 255 : i32
      %and3A_149 = vector.broadcast %and3A_148 : i32 to vector<16xi32>
      %and3A_150 = arith.andi %shift_right_arithmetic3A_147, %and3A_149 : vector<16xi32>
      %add3A_151 = arith.constant 256 : i32
      %add3A_152 = vector.broadcast %add3A_151 : i32 to vector<16xi32>
      %add3A_153 = arith.addi %and3A_150, %add3A_152 : vector<16xi32>
      %broadcast_in_dim3A_154 = arith.constant true
      %broadcast_in_dim3A_155 = vector.broadcast %broadcast_in_dim3A_154 : i1 to vector<16xi1>
      %unique3A_156, %unique3A_157 = tpu.scan_count mask(%broadcast_in_dim3A_155 : vector<16xi1>) value(%add3A_153 : vector<16xi32>) : vector<16xi1>, vector<16xi32>
      tpu.vector_store_idx %arg6[%add3A_153], %unique3A_157 masked %unique3A_156 {add = true} : memref<2048xi32, #tpu.memory_space<vmem>>[vector<16xi32>], vector<16xi32>, vector<16xi1>
      %mul3A_158 = arith.constant 16 : i32
      %mul3A_159 = arith.muli %scan3A_124, %mul3A_158 : i32
      %add3A_160 = arith.constant 1056 : i32
      %add3A_161 = arith.addi %add3A_160, %mul3A_159 : i32
      %get3A_162 = arith.index_cast %add3A_161 : i32 to index
      %get3A_163 = tpu.vector_load %arg8[%get3A_162] {strides = array<i32>} : memref<2112xi32, #tpu.memory_space<vmem>>, vector<16xi32>,
      %shift_right_arithmetic3A_164 = arith.constant 16 : i32
      %shift_right_arithmetic3A_165 = vector.broadcast %shift_right_arithmetic3A_164 : i32 to vector<16xi32>
      %shift_right_arithmetic3A_166 = arith.shrsi %get3A_163, %shift_right_arithmetic3A_165 : vector<16xi32>
      %and3A_167 = arith.constant 255 : i32
      %and3A_168 = vector.broadcast %and3A_167 : i32 to vector<16xi32>
      %and3A_169 = arith.andi %shift_right_arithmetic3A_166, %and3A_168 : vector<16xi32>
      %add3A_170 = arith.constant 512 : i32
      %add3A_171 = vector.broadcast %add3A_170 : i32 to vector<16xi32>
      %add3A_172 = arith.addi %and3A_169, %add3A_171 : vector<16xi32>
      %broadcast_in_dim3A_173 = arith.constant true
      %broadcast_in_dim3A_174 = vector.broadcast %broadcast_in_dim3A_173 : i1 to vector<16xi1>
      %unique3A_175, %unique3A_176 = tpu.scan_count mask(%broadcast_in_dim3A_174 : vector<16xi1>) value(%add3A_172 : vector<16xi32>) : vector<16xi1>, vector<16xi32>
      tpu.vector_store_idx %arg6[%add3A_172], %unique3A_176 masked %unique3A_175 {add = true} : memref<2048xi32, #tpu.memory_space<vmem>>[vector<16xi32>], vector<16xi32>, vector<16xi1>
      %mul3A_177 = arith.constant 16 : i32
      %mul3A_178 = arith.muli %scan3A_124, %mul3A_177 : i32
      %add3A_179 = arith.constant 1584 : i32
      %add3A_180 = arith.addi %add3A_179, %mul3A_178 : i32
      %get3A_181 = arith.index_cast %add3A_180 : i32 to index
      %get3A_182 = tpu.vector_load %arg8[%get3A_181] {strides = array<i32>} : memref<2112xi32, #tpu.memory_space<vmem>>, vector<16xi32>,
      %shift_right_arithmetic3A_183 = arith.constant 16 : i32
      %shift_right_arithmetic3A_184 = vector.broadcast %shift_right_arithmetic3A_183 : i32 to vector<16xi32>
      %shift_right_arithmetic3A_185 = arith.shrsi %get3A_182, %shift_right_arithmetic3A_184 : vector<16xi32>
      %and3A_186 = arith.constant 255 : i32
      %and3A_187 = vector.broadcast %and3A_186 : i32 to vector<16xi32>
      %and3A_188 = arith.andi %shift_right_arithmetic3A_185, %and3A_187 : vector<16xi32>
      %add3A_189 = arith.constant 768 : i32
      %add3A_190 = vector.broadcast %add3A_189 : i32 to vector<16xi32>
      %add3A_191 = arith.addi %and3A_188, %add3A_190 : vector<16xi32>
      %broadcast_in_dim3A_192 = arith.constant true
      %broadcast_in_dim3A_193 = vector.broadcast %broadcast_in_dim3A_192 : i1 to vector<16xi1>
      %unique3A_194, %unique3A_195 = tpu.scan_count mask(%broadcast_in_dim3A_193 : vector<16xi1>) value(%add3A_191 : vector<16xi32>) : vector<16xi1>, vector<16xi32>
      tpu.vector_store_idx %arg6[%add3A_191], %unique3A_195 masked %unique3A_194 {add = true} : memref<2048xi32, #tpu.memory_space<vmem>>[vector<16xi32>], vector<16xi32>, vector<16xi1>
      %scan3A_196 = arith.constant 1 : i32
      %scan3A_197 = arith.addi %scan3A_124, %scan3A_196 : i32
      %mul3A_198 = arith.constant 16 : i32
      %mul3A_199 = arith.muli %scan3A_197, %mul3A_198 : i32
      %add3A_200 = arith.constant 0 : i32
      %add3A_201 = arith.addi %add3A_200, %mul3A_199 : i32
      %get3A_202 = arith.index_cast %add3A_201 : i32 to index
      %get3A_203 = tpu.vector_load %arg8[%get3A_202] {strides = array<i32>} : memref<2112xi32, #tpu.memory_space<vmem>>, vector<16xi32>,
      %shift_right_arithmetic3A_204 = arith.constant 16 : i32
      %shift_right_arithmetic3A_205 = vector.broadcast %shift_right_arithmetic3A_204 : i32 to vector<16xi32>
      %shift_right_arithmetic3A_206 = arith.shrsi %get3A_203, %shift_right_arithmetic3A_205 : vector<16xi32>
      %and3A_207 = arith.constant 255 : i32
      %and3A_208 = vector.broadcast %and3A_207 : i32 to vector<16xi32>
      %and3A_209 = arith.andi %shift_right_arithmetic3A_206, %and3A_208 : vector<16xi32>
      %add3A_210 = arith.constant 0 : i32
      %add3A_211 = vector.broadcast %add3A_210 : i32 to vector<16xi32>
      %add3A_212 = arith.addi %and3A_209, %add3A_211 : vector<16xi32>
      %broadcast_in_dim3A_213 = arith.constant true
      %broadcast_in_dim3A_214 = vector.broadcast %broadcast_in_dim3A_213 : i1 to vector<16xi1>
      %unique3A_215, %unique3A_216 = tpu.scan_count mask(%broadcast_in_dim3A_214 : vector<16xi1>) value(%add3A_212 : vector<16xi32>) : vector<16xi1>, vector<16xi32>
      tpu.vector_store_idx %arg6[%add3A_212], %unique3A_216 masked %unique3A_215 {add = true} : memref<2048xi32, #tpu.memory_space<vmem>>[vector<16xi32>], vector<16xi32>, vector<16xi1>
      %mul3A_217 = arith.constant 16 : i32
      %mul3A_218 = arith.muli %scan3A_197, %mul3A_217 : i32
      %add3A_219 = arith.constant 528 : i32
      %add3A_220 = arith.addi %add3A_219, %mul3A_218 : i32
      %get3A_221 = arith.index_cast %add3A_220 : i32 to index
      %get3A_222 = tpu.vector_load %arg8[%get3A_221] {strides = array<i32>} : memref<2112xi32, #tpu.memory_space<vmem>>, vector<16xi32>,
      %shift_right_arithmetic3A_223 = arith.constant 16 : i32
      %shift_right_arithmetic3A_224 = vector.broadcast %shift_right_arithmetic3A_223 : i32 to vector<16xi32>
      %shift_right_arithmetic3A_225 = arith.shrsi %get3A_222, %shift_right_arithmetic3A_224 : vector<16xi32>
      %and3A_226 = arith.constant 255 : i32
      %and3A_227 = vector.broadcast %and3A_226 : i32 to vector<16xi32>
      %and3A_228 = arith.andi %shift_right_arithmetic3A_225, %and3A_227 : vector<16xi32>
      %add3A_229 = arith.constant 256 : i32
      %add3A_230 = vector.broadcast %add3A_229 : i32 to vector<16xi32>
      %add3A_231 = arith.addi %and3A_228, %add3A_230 : vector<16xi32>
      %broadcast_in_dim3A_232 = arith.constant true
      %broadcast_in_dim3A_233 = vector.broadcast %broadcast_in_dim3A_232 : i1 to vector<16xi1>
      %unique3A_234, %unique3A_235 = tpu.scan_count mask(%broadcast_in_dim3A_233 : vector<16xi1>) value(%add3A_231 : vector<16xi32>) : vector<16xi1>, vector<16xi32>
      tpu.vector_store_idx %arg6[%add3A_231], %unique3A_235 masked %unique3A_234 {add = true} : memref<2048xi32, #tpu.memory_space<vmem>>[vector<16xi32>], vector<16xi32>, vector<16xi1>
      %mul3A_236 = arith.constant 16 : i32
      %mul3A_237 = arith.muli %scan3A_197, %mul3A_236 : i32
      %add3A_238 = arith.constant 1056 : i32
      %add3A_239 = arith.addi %add3A_238, %mul3A_237 : i32
      %get3A_240 = arith.index_cast %add3A_239 : i32 to index
      %get3A_241 = tpu.vector_load %arg8[%get3A_240] {strides = array<i32>} : memref<2112xi32, #tpu.memory_space<vmem>>, vector<16xi32>,
      %shift_right_arithmetic3A_242 = arith.constant 16 : i32
      %shift_right_arithmetic3A_243 = vector.broadcast %shift_right_arithmetic3A_242 : i32 to vector<16xi32>
      %shift_right_arithmetic3A_244 = arith.shrsi %get3A_241, %shift_right_arithmetic3A_243 : vector<16xi32>
      %and3A_245 = arith.constant 255 : i32
      %and3A_246 = vector.broadcast %and3A_245 : i32 to vector<16xi32>
      %and3A_247 = arith.andi %shift_right_arithmetic3A_244, %and3A_246 : vector<16xi32>
      %add3A_248 = arith.constant 512 : i32
      %add3A_249 = vector.broadcast %add3A_248 : i32 to vector<16xi32>
      %add3A_250 = arith.addi %and3A_247, %add3A_249 : vector<16xi32>
      %broadcast_in_dim3A_251 = arith.constant true
      %broadcast_in_dim3A_252 = vector.broadcast %broadcast_in_dim3A_251 : i1 to vector<16xi1>
      %unique3A_253, %unique3A_254 = tpu.scan_count mask(%broadcast_in_dim3A_252 : vector<16xi1>) value(%add3A_250 : vector<16xi32>) : vector<16xi1>, vector<16xi32>
      tpu.vector_store_idx %arg6[%add3A_250], %unique3A_254 masked %unique3A_253 {add = true} : memref<2048xi32, #tpu.memory_space<vmem>>[vector<16xi32>], vector<16xi32>, vector<16xi1>
      %mul3A_255 = arith.constant 16 : i32
      %mul3A_256 = arith.muli %scan3A_197, %mul3A_255 : i32
      %add3A_257 = arith.constant 1584 : i32
      %add3A_258 = arith.addi %add3A_257, %mul3A_256 : i32
      %get3A_259 = arith.index_cast %add3A_258 : i32 to index
      %get3A_260 = tpu.vector_load %arg8[%get3A_259] {strides = array<i32>} : memref<2112xi32, #tpu.memory_space<vmem>>, vector<16xi32>,
      %shift_right_arithmetic3A_261 = arith.constant 16 : i32
      %shift_right_arithmetic3A_262 = vector.broadcast %shift_right_arithmetic3A_261 : i32 to vector<16xi32>
      %shift_right_arithmetic3A_263 = arith.shrsi %get3A_260, %shift_right_arithmetic3A_262 : vector<16xi32>
      %and3A_264 = arith.constant 255 : i32
      %and3A_265 = vector.broadcast %and3A_264 : i32 to vector<16xi32>
      %and3A_266 = arith.andi %shift_right_arithmetic3A_263, %and3A_265 : vector<16xi32>
      %add3A_267 = arith.constant 768 : i32
      %add3A_268 = vector.broadcast %add3A_267 : i32 to vector<16xi32>
      %add3A_269 = arith.addi %and3A_266, %add3A_268 : vector<16xi32>
      %broadcast_in_dim3A_270 = arith.constant true
      %broadcast_in_dim3A_271 = vector.broadcast %broadcast_in_dim3A_270 : i1 to vector<16xi1>
      %unique3A_272, %unique3A_273 = tpu.scan_count mask(%broadcast_in_dim3A_271 : vector<16xi1>) value(%add3A_269 : vector<16xi32>) : vector<16xi1>, vector<16xi32>
      tpu.vector_store_idx %arg6[%add3A_269], %unique3A_273 masked %unique3A_272 {add = true} : memref<2048xi32, #tpu.memory_space<vmem>>[vector<16xi32>], vector<16xi32>, vector<16xi1>
    }
    %scan3A_63 = arith.constant 32 : i32
    %scan3A_64 = arith.constant 0 : i32
    %scan3A_65 = arith.constant 0 : i32
    %scan3A_66 = arith.constant 0 : i32
    %scan3A_67 = arith.constant 0 : i32
    %scan3A_68 = arith.constant 0 : i32
    %scan3A_69 = arith.constant 16 : i32
    %scan3A_70 = arith.addi %scan3A_68, %scan3A_69 : i32
    %scan3A_71 = arith.constant 1 : i32
    %scan3A_72:4 = scf.for %scan3A_124 = %scan3A_68 to %scan3A_70 step %scan3A_71 iter_args(%scan3A_125 = %scan3A_64, %scan3A_126 = %scan3A_65, %scan3A_127 = %scan3A_66, %scan3A_128 = %scan3A_67) -> (i32, i32, i32, i32)  : i32 {
      %add3A_129 = arith.constant 1 : i32
      %add3A_130 = arith.addi %scan3A_124, %add3A_129 : i32
      %mul3A_131 = arith.constant 16 : i32
      %mul3A_132 = arith.muli %add3A_130, %mul3A_131 : i32
      %sub3A = arith.constant 256 : i32
      %sub3A_133 = arith.subi %sub3A, %mul3A_132 : i32
      %get3A = arith.index_cast %sub3A_133 : i32 to index
      %get3A_134 = tpu.vector_load %arg6[%get3A] {strides = array<i32>} : memref<2048xi32, #tpu.memory_space<vmem>>, vector<16xi32>,
      %rev3A = arith.constant 15 : i32
      %rev3A_135 = vector.broadcast %rev3A : i32 to vector<16xi32>
      %rev3A_136 = tpu.iota {dimensions = array<i32: 0>} : vector<16xi32>
      %rev3A_137 = arith.subi %rev3A_135, %rev3A_136 : vector<16xi32>
      %rev3A_138 = tpu.dynamic_gather %get3A_134[%rev3A_137] in [0] : vector<16xi32>, vector<16xi32> -> vector<16xi32>
      %broadcast_in_dim3A = arith.constant true
      %broadcast_in_dim3A_139 = vector.broadcast %broadcast_in_dim3A : i1 to vector<16xi1>
      %masked_cumsum3A = tpu.scan <sum>, %rev3A_138 masked %broadcast_in_dim3A_139 : vector<16xi32>, vector<16xi1> -> vector<16xi32>
      %add3A_140 = vector.broadcast %scan3A_125 : i32 to vector<16xi32>
      %add3A_141 = arith.addi %add3A_140, %masked_cumsum3A : vector<16xi32>
      %sub3A_142 = arith.subi %add3A_141, %rev3A_138 : vector<16xi32>
      %rev3A_143 = arith.constant 15 : i32
      %rev3A_144 = vector.broadcast %rev3A_143 : i32 to vector<16xi32>
      %rev3A_145 = tpu.iota {dimensions = array<i32: 0>} : vector<16xi32>
      %rev3A_146 = arith.subi %rev3A_144, %rev3A_145 : vector<16xi32>
      %rev3A_147 = tpu.dynamic_gather %sub3A_142[%rev3A_146] in [0] : vector<16xi32>, vector<16xi32> -> vector<16xi32>
      %add3A_148 = arith.constant 0 : i32
      %add3A_149 = vector.broadcast %add3A_148 : i32 to vector<16xi32>
      %add3A_150 = arith.addi %rev3A_147, %add3A_149 : vector<16xi32>
      %swap3A = arith.index_cast %sub3A_133 : i32 to index
      %swap3A_151 = tpu.vector_load %arg7[%swap3A] {strides = array<i32>} : memref<1024xi32, #tpu.memory_space<vmem>>, vector<16xi32>,
      tpu.vector_store %arg7[%swap3A], %add3A_150 {strides = array<i32>} : memref<1024xi32, #tpu.memory_space<vmem>>, vector<16xi32>,
      %reduce_sum3A = arith.constant true
      %reduce_sum3A_152 = vector.broadcast %reduce_sum3A : i1 to vector<16xi1>
      %reduce_sum3A_153 = tpu.scan <sum>, %get3A_134 masked %reduce_sum3A_152 : vector<16xi32>, vector<16xi1> -> vector<16xi32>
      %reduce_sum3A_154 = vector.extract %reduce_sum3A_153[15] : i32 from vector<16xi32>
      %add3A_155 = arith.addi %scan3A_125, %reduce_sum3A_154 : i32
      %add3A_156 = arith.constant 1 : i32
      %add3A_157 = arith.addi %scan3A_124, %add3A_156 : i32
      %mul3A_158 = arith.constant 16 : i32
      %mul3A_159 = arith.muli %add3A_157, %mul3A_158 : i32
      %sub3A_160 = arith.constant 512 : i32
      %sub3A_161 = arith.subi %sub3A_160, %mul3A_159 : i32
      %get3A_162 = arith.index_cast %sub3A_161 : i32 to index
      %get3A_163 = tpu.vector_load %arg6[%get3A_162] {strides = array<i32>} : memref<2048xi32, #tpu.memory_space<vmem>>, vector<16xi32>,
      %rev3A_164 = arith.constant 15 : i32
      %rev3A_165 = vector.broadcast %rev3A_164 : i32 to vector<16xi32>
      %rev3A_166 = tpu.iota {dimensions = array<i32: 0>} : vector<16xi32>
      %rev3A_167 = arith.subi %rev3A_165, %rev3A_166 : vector<16xi32>
      %rev3A_168 = tpu.dynamic_gather %get3A_163[%rev3A_167] in [0] : vector<16xi32>, vector<16xi32> -> vector<16xi32>
      %broadcast_in_dim3A_169 = arith.constant true
      %broadcast_in_dim3A_170 = vector.broadcast %broadcast_in_dim3A_169 : i1 to vector<16xi1>
      %masked_cumsum3A_171 = tpu.scan <sum>, %rev3A_168 masked %broadcast_in_dim3A_170 : vector<16xi32>, vector<16xi1> -> vector<16xi32>
      %add3A_172 = vector.broadcast %scan3A_126 : i32 to vector<16xi32>
      %add3A_173 = arith.addi %add3A_172, %masked_cumsum3A_171 : vector<16xi32>
      %sub3A_174 = arith.subi %add3A_173, %rev3A_168 : vector<16xi32>
      %rev3A_175 = arith.constant 15 : i32
      %rev3A_176 = vector.broadcast %rev3A_175 : i32 to vector<16xi32>
      %rev3A_177 = tpu.iota {dimensions = array<i32: 0>} : vector<16xi32>
      %rev3A_178 = arith.subi %rev3A_176, %rev3A_177 : vector<16xi32>
      %rev3A_179 = tpu.dynamic_gather %sub3A_174[%rev3A_178] in [0] : vector<16xi32>, vector<16xi32> -> vector<16xi32>
      %add3A_180 = arith.constant 528 : i32
      %add3A_181 = vector.broadcast %add3A_180 : i32 to vector<16xi32>
      %add3A_182 = arith.addi %rev3A_179, %add3A_181 : vector<16xi32>
      %swap3A_183 = arith.index_cast %sub3A_161 : i32 to index
      %swap3A_184 = tpu.vector_load %arg7[%swap3A_183] {strides = array<i32>} : memref<1024xi32, #tpu.memory_space<vmem>>, vector<16xi32>,
      tpu.vector_store %arg7[%swap3A_183], %add3A_182 {strides = array<i32>} : memref<1024xi32, #tpu.memory_space<vmem>>, vector<16xi32>,
      %reduce_sum3A_185 = arith.constant true
      %reduce_sum3A_186 = vector.broadcast %reduce_sum3A_185 : i1 to vector<16xi1>
      %reduce_sum3A_187 = tpu.scan <sum>, %get3A_163 masked %reduce_sum3A_186 : vector<16xi32>, vector<16xi1> -> vector<16xi32>
      %reduce_sum3A_188 = vector.extract %reduce_sum3A_187[15] : i32 from vector<16xi32>
      %add3A_189 = arith.addi %scan3A_126, %reduce_sum3A_188 : i32
      %add3A_190 = arith.constant 1 : i32
      %add3A_191 = arith.addi %scan3A_124, %add3A_190 : i32
      %mul3A_192 = arith.constant 16 : i32
      %mul3A_193 = arith.muli %add3A_191, %mul3A_192 : i32
      %sub3A_194 = arith.constant 768 : i32
      %sub3A_195 = arith.subi %sub3A_194, %mul3A_193 : i32
      %get3A_196 = arith.index_cast %sub3A_195 : i32 to index
      %get3A_197 = tpu.vector_load %arg6[%get3A_196] {strides = array<i32>} : memref<2048xi32, #tpu.memory_space<vmem>>, vector<16xi32>,
      %rev3A_198 = arith.constant 15 : i32
      %rev3A_199 = vector.broadcast %rev3A_198 : i32 to vector<16xi32>
      %rev3A_200 = tpu.iota {dimensions = array<i32: 0>} : vector<16xi32>
      %rev3A_201 = arith.subi %rev3A_199, %rev3A_200 : vector<16xi32>
      %rev3A_202 = tpu.dynamic_gather %get3A_197[%rev3A_201] in [0] : vector<16xi32>, vector<16xi32> -> vector<16xi32>
      %broadcast_in_dim3A_203 = arith.constant true
      %broadcast_in_dim3A_204 = vector.broadcast %broadcast_in_dim3A_203 : i1 to vector<16xi1>
      %masked_cumsum3A_205 = tpu.scan <sum>, %rev3A_202 masked %broadcast_in_dim3A_204 : vector<16xi32>, vector<16xi1> -> vector<16xi32>
      %add3A_206 = vector.broadcast %scan3A_127 : i32 to vector<16xi32>
      %add3A_207 = arith.addi %add3A_206, %masked_cumsum3A_205 : vector<16xi32>
      %sub3A_208 = arith.subi %add3A_207, %rev3A_202 : vector<16xi32>
      %rev3A_209 = arith.constant 15 : i32
      %rev3A_210 = vector.broadcast %rev3A_209 : i32 to vector<16xi32>
      %rev3A_211 = tpu.iota {dimensions = array<i32: 0>} : vector<16xi32>
      %rev3A_212 = arith.subi %rev3A_210, %rev3A_211 : vector<16xi32>
      %rev3A_213 = tpu.dynamic_gather %sub3A_208[%rev3A_212] in [0] : vector<16xi32>, vector<16xi32> -> vector<16xi32>
      %add3A_214 = arith.constant 1056 : i32
      %add3A_215 = vector.broadcast %add3A_214 : i32 to vector<16xi32>
      %add3A_216 = arith.addi %rev3A_213, %add3A_215 : vector<16xi32>
      %swap3A_217 = arith.index_cast %sub3A_195 : i32 to index
      %swap3A_218 = tpu.vector_load %arg7[%swap3A_217] {strides = array<i32>} : memref<1024xi32, #tpu.memory_space<vmem>>, vector<16xi32>,
      tpu.vector_store %arg7[%swap3A_217], %add3A_216 {strides = array<i32>} : memref<1024xi32, #tpu.memory_space<vmem>>, vector<16xi32>,
      %reduce_sum3A_219 = arith.constant true
      %reduce_sum3A_220 = vector.broadcast %reduce_sum3A_219 : i1 to vector<16xi1>
      %reduce_sum3A_221 = tpu.scan <sum>, %get3A_197 masked %reduce_sum3A_220 : vector<16xi32>, vector<16xi1> -> vector<16xi32>
      %reduce_sum3A_222 = vector.extract %reduce_sum3A_221[15] : i32 from vector<16xi32>
      %add3A_223 = arith.addi %scan3A_127, %reduce_sum3A_222 : i32
      %add3A_224 = arith.constant 1 : i32
      %add3A_225 = arith.addi %scan3A_124, %add3A_224 : i32
      %mul3A_226 = arith.constant 16 : i32
      %mul3A_227 = arith.muli %add3A_225, %mul3A_226 : i32
      %sub3A_228 = arith.constant 1024 : i32
      %sub3A_229 = arith.subi %sub3A_228, %mul3A_227 : i32
      %get3A_230 = arith.index_cast %sub3A_229 : i32 to index
      %get3A_231 = tpu.vector_load %arg6[%get3A_230] {strides = array<i32>} : memref<2048xi32, #tpu.memory_space<vmem>>, vector<16xi32>,
      %rev3A_232 = arith.constant 15 : i32
      %rev3A_233 = vector.broadcast %rev3A_232 : i32 to vector<16xi32>
      %rev3A_234 = tpu.iota {dimensions = array<i32: 0>} : vector<16xi32>
      %rev3A_235 = arith.subi %rev3A_233, %rev3A_234 : vector<16xi32>
      %rev3A_236 = tpu.dynamic_gather %get3A_231[%rev3A_235] in [0] : vector<16xi32>, vector<16xi32> -> vector<16xi32>
      %broadcast_in_dim3A_237 = arith.constant true
      %broadcast_in_dim3A_238 = vector.broadcast %broadcast_in_dim3A_237 : i1 to vector<16xi1>
      %masked_cumsum3A_239 = tpu.scan <sum>, %rev3A_236 masked %broadcast_in_dim3A_238 : vector<16xi32>, vector<16xi1> -> vector<16xi32>
      %add3A_240 = vector.broadcast %scan3A_128 : i32 to vector<16xi32>
      %add3A_241 = arith.addi %add3A_240, %masked_cumsum3A_239 : vector<16xi32>
      %sub3A_242 = arith.subi %add3A_241, %rev3A_236 : vector<16xi32>
      %rev3A_243 = arith.constant 15 : i32
      %rev3A_244 = vector.broadcast %rev3A_243 : i32 to vector<16xi32>
      %rev3A_245 = tpu.iota {dimensions = array<i32: 0>} : vector<16xi32>
      %rev3A_246 = arith.subi %rev3A_244, %rev3A_245 : vector<16xi32>
      %rev3A_247 = tpu.dynamic_gather %sub3A_242[%rev3A_246] in [0] : vector<16xi32>, vector<16xi32> -> vector<16xi32>
      %add3A_248 = arith.constant 1584 : i32
      %add3A_249 = vector.broadcast %add3A_248 : i32 to vector<16xi32>
      %add3A_250 = arith.addi %rev3A_247, %add3A_249 : vector<16xi32>
      %swap3A_251 = arith.index_cast %sub3A_229 : i32 to index
      %swap3A_252 = tpu.vector_load %arg7[%swap3A_251] {strides = array<i32>} : memref<1024xi32, #tpu.memory_space<vmem>>, vector<16xi32>,
      tpu.vector_store %arg7[%swap3A_251], %add3A_250 {strides = array<i32>} : memref<1024xi32, #tpu.memory_space<vmem>>, vector<16xi32>,
      %reduce_sum3A_253 = arith.constant true
      %reduce_sum3A_254 = vector.broadcast %reduce_sum3A_253 : i1 to vector<16xi1>
      %reduce_sum3A_255 = tpu.scan <sum>, %get3A_231 masked %reduce_sum3A_254 : vector<16xi32>, vector<16xi1> -> vector<16xi32>
      %reduce_sum3A_256 = vector.extract %reduce_sum3A_255[15] : i32 from vector<16xi32>
      %add3A_257 = arith.addi %scan3A_128, %reduce_sum3A_256 : i32
      scf.yield %add3A_155, %add3A_189, %add3A_223, %add3A_257 : i32, i32, i32, i32
    }
    %scan3A_73 = arith.constant 16 : i32
    %scan3A_74 = arith.constant 0 : i32
    %scan3A_75 = arith.constant 0 : i32
    %scan3A_76 = arith.constant 32 : i32
    %scan3A_77 = arith.addi %scan3A_75, %scan3A_76 : i32
    %scan3A_78 = arith.constant 2 : i32
    scf.for %scan3A_124 = %scan3A_75 to %scan3A_77 step %scan3A_78  : i32 {
      %mul3A_125 = arith.constant 16 : i32
      %mul3A_126 = arith.muli %scan3A_124, %mul3A_125 : i32
      %add3A_127 = arith.constant 0 : i32
      %add3A_128 = arith.addi %add3A_127, %mul3A_126 : i32
      %get3A = arith.index_cast %add3A_128 : i32 to index
      %get3A_129 = tpu.vector_load %arg8[%get3A] {strides = array<i32>} : memref<2112xi32, #tpu.memory_space<vmem>>, vector<16xi32>,
      %shift_right_arithmetic3A = arith.constant 16 : i32
      %shift_right_arithmetic3A_130 = vector.broadcast %shift_right_arithmetic3A : i32 to vector<16xi32>
      %shift_right_arithmetic3A_131 = arith.shrsi %get3A_129, %shift_right_arithmetic3A_130 : vector<16xi32>
      %and3A = arith.constant 255 : i32
      %and3A_132 = vector.broadcast %and3A : i32 to vector<16xi32>
      %and3A_133 = arith.andi %shift_right_arithmetic3A_131, %and3A_132 : vector<16xi32>
      %add3A_134 = arith.constant 0 : i32
      %add3A_135 = vector.broadcast %add3A_134 : i32 to vector<16xi32>
      %add3A_136 = arith.addi %and3A_133, %add3A_135 : vector<16xi32>
      %broadcast_in_dim3A = arith.constant true
      %broadcast_in_dim3A_137 = vector.broadcast %broadcast_in_dim3A : i1 to vector<16xi1>
      %unique3A, %unique3A_138 = tpu.scan_count mask(%broadcast_in_dim3A_137 : vector<16xi1>) value(%add3A_136 : vector<16xi32>) : vector<16xi1>, vector<16xi32>
      %gather3A = tpu.vector_load_idx %arg7[%add3A_136] : memref<1024xi32, #tpu.memory_space<vmem>>[vector<16xi32>], vector<16xi32>,
      %add3A_139 = arith.addi %gather3A, %unique3A_138 : vector<16xi32>
      %sub3A = arith.constant 1 : i32
      %sub3A_140 = vector.broadcast %sub3A : i32 to vector<16xi32>
      %sub3A_141 = arith.subi %add3A_139, %sub3A_140 : vector<16xi32>
      tpu.vector_store_idx %arg9[%sub3A_141], %get3A_129 : memref<2112xi32, #tpu.memory_space<vmem>>[vector<16xi32>], vector<16xi32>,
      tpu.vector_store_idx %arg7[%add3A_136], %unique3A_138 masked %unique3A {add = true} : memref<1024xi32, #tpu.memory_space<vmem>>[vector<16xi32>], vector<16xi32>, vector<16xi1>
      %mul3A_142 = arith.constant 16 : i32
      %mul3A_143 = arith.muli %scan3A_124, %mul3A_142 : i32
      %add3A_144 = arith.constant 528 : i32
      %add3A_145 = arith.addi %add3A_144, %mul3A_143 : i32
      %get3A_146 = arith.index_cast %add3A_145 : i32 to index
      %get3A_147 = tpu.vector_load %arg8[%get3A_146] {strides = array<i32>} : memref<2112xi32, #tpu.memory_space<vmem>>, vector<16xi32>,
      %shift_right_arithmetic3A_148 = arith.constant 16 : i32
      %shift_right_arithmetic3A_149 = vector.broadcast %shift_right_arithmetic3A_148 : i32 to vector<16xi32>
      %shift_right_arithmetic3A_150 = arith.shrsi %get3A_147, %shift_right_arithmetic3A_149 : vector<16xi32>
      %and3A_151 = arith.constant 255 : i32
      %and3A_152 = vector.broadcast %and3A_151 : i32 to vector<16xi32>
      %and3A_153 = arith.andi %shift_right_arithmetic3A_150, %and3A_152 : vector<16xi32>
      %add3A_154 = arith.constant 256 : i32
      %add3A_155 = vector.broadcast %add3A_154 : i32 to vector<16xi32>
      %add3A_156 = arith.addi %and3A_153, %add3A_155 : vector<16xi32>
      %broadcast_in_dim3A_157 = arith.constant true
      %broadcast_in_dim3A_158 = vector.broadcast %broadcast_in_dim3A_157 : i1 to vector<16xi1>
      %unique3A_159, %unique3A_160 = tpu.scan_count mask(%broadcast_in_dim3A_158 : vector<16xi1>) value(%add3A_156 : vector<16xi32>) : vector<16xi1>, vector<16xi32>
      %gather3A_161 = tpu.vector_load_idx %arg7[%add3A_156] : memref<1024xi32, #tpu.memory_space<vmem>>[vector<16xi32>], vector<16xi32>,
      %add3A_162 = arith.addi %gather3A_161, %unique3A_160 : vector<16xi32>
      %sub3A_163 = arith.constant 1 : i32
      %sub3A_164 = vector.broadcast %sub3A_163 : i32 to vector<16xi32>
      %sub3A_165 = arith.subi %add3A_162, %sub3A_164 : vector<16xi32>
      tpu.vector_store_idx %arg9[%sub3A_165], %get3A_147 : memref<2112xi32, #tpu.memory_space<vmem>>[vector<16xi32>], vector<16xi32>,
      tpu.vector_store_idx %arg7[%add3A_156], %unique3A_160 masked %unique3A_159 {add = true} : memref<1024xi32, #tpu.memory_space<vmem>>[vector<16xi32>], vector<16xi32>, vector<16xi1>
      %mul3A_166 = arith.constant 16 : i32
      %mul3A_167 = arith.muli %scan3A_124, %mul3A_166 : i32
      %add3A_168 = arith.constant 1056 : i32
      %add3A_169 = arith.addi %add3A_168, %mul3A_167 : i32
      %get3A_170 = arith.index_cast %add3A_169 : i32 to index
      %get3A_171 = tpu.vector_load %arg8[%get3A_170] {strides = array<i32>} : memref<2112xi32, #tpu.memory_space<vmem>>, vector<16xi32>,
      %shift_right_arithmetic3A_172 = arith.constant 16 : i32
      %shift_right_arithmetic3A_173 = vector.broadcast %shift_right_arithmetic3A_172 : i32 to vector<16xi32>
      %shift_right_arithmetic3A_174 = arith.shrsi %get3A_171, %shift_right_arithmetic3A_173 : vector<16xi32>
      %and3A_175 = arith.constant 255 : i32
      %and3A_176 = vector.broadcast %and3A_175 : i32 to vector<16xi32>
      %and3A_177 = arith.andi %shift_right_arithmetic3A_174, %and3A_176 : vector<16xi32>
      %add3A_178 = arith.constant 512 : i32
      %add3A_179 = vector.broadcast %add3A_178 : i32 to vector<16xi32>
      %add3A_180 = arith.addi %and3A_177, %add3A_179 : vector<16xi32>
      %broadcast_in_dim3A_181 = arith.constant true
      %broadcast_in_dim3A_182 = vector.broadcast %broadcast_in_dim3A_181 : i1 to vector<16xi1>
      %unique3A_183, %unique3A_184 = tpu.scan_count mask(%broadcast_in_dim3A_182 : vector<16xi1>) value(%add3A_180 : vector<16xi32>) : vector<16xi1>, vector<16xi32>
      %gather3A_185 = tpu.vector_load_idx %arg7[%add3A_180] : memref<1024xi32, #tpu.memory_space<vmem>>[vector<16xi32>], vector<16xi32>,
      %add3A_186 = arith.addi %gather3A_185, %unique3A_184 : vector<16xi32>
      %sub3A_187 = arith.constant 1 : i32
      %sub3A_188 = vector.broadcast %sub3A_187 : i32 to vector<16xi32>
      %sub3A_189 = arith.subi %add3A_186, %sub3A_188 : vector<16xi32>
      tpu.vector_store_idx %arg9[%sub3A_189], %get3A_171 : memref<2112xi32, #tpu.memory_space<vmem>>[vector<16xi32>], vector<16xi32>,
      tpu.vector_store_idx %arg7[%add3A_180], %unique3A_184 masked %unique3A_183 {add = true} : memref<1024xi32, #tpu.memory_space<vmem>>[vector<16xi32>], vector<16xi32>, vector<16xi1>
      %mul3A_190 = arith.constant 16 : i32
      %mul3A_191 = arith.muli %scan3A_124, %mul3A_190 : i32
      %add3A_192 = arith.constant 1584 : i32
      %add3A_193 = arith.addi %add3A_192, %mul3A_191 : i32
      %get3A_194 = arith.index_cast %add3A_193 : i32 to index
      %get3A_195 = tpu.vector_load %arg8[%get3A_194] {strides = array<i32>} : memref<2112xi32, #tpu.memory_space<vmem>>, vector<16xi32>,
      %shift_right_arithmetic3A_196 = arith.constant 16 : i32
      %shift_right_arithmetic3A_197 = vector.broadcast %shift_right_arithmetic3A_196 : i32 to vector<16xi32>
      %shift_right_arithmetic3A_198 = arith.shrsi %get3A_195, %shift_right_arithmetic3A_197 : vector<16xi32>
      %and3A_199 = arith.constant 255 : i32
      %and3A_200 = vector.broadcast %and3A_199 : i32 to vector<16xi32>
      %and3A_201 = arith.andi %shift_right_arithmetic3A_198, %and3A_200 : vector<16xi32>
      %add3A_202 = arith.constant 768 : i32
      %add3A_203 = vector.broadcast %add3A_202 : i32 to vector<16xi32>
      %add3A_204 = arith.addi %and3A_201, %add3A_203 : vector<16xi32>
      %broadcast_in_dim3A_205 = arith.constant true
      %broadcast_in_dim3A_206 = vector.broadcast %broadcast_in_dim3A_205 : i1 to vector<16xi1>
      %unique3A_207, %unique3A_208 = tpu.scan_count mask(%broadcast_in_dim3A_206 : vector<16xi1>) value(%add3A_204 : vector<16xi32>) : vector<16xi1>, vector<16xi32>
      %gather3A_209 = tpu.vector_load_idx %arg7[%add3A_204] : memref<1024xi32, #tpu.memory_space<vmem>>[vector<16xi32>], vector<16xi32>,
      %add3A_210 = arith.addi %gather3A_209, %unique3A_208 : vector<16xi32>
      %sub3A_211 = arith.constant 1 : i32
      %sub3A_212 = vector.broadcast %sub3A_211 : i32 to vector<16xi32>
      %sub3A_213 = arith.subi %add3A_210, %sub3A_212 : vector<16xi32>
      tpu.vector_store_idx %arg9[%sub3A_213], %get3A_195 : memref<2112xi32, #tpu.memory_space<vmem>>[vector<16xi32>], vector<16xi32>,
      tpu.vector_store_idx %arg7[%add3A_204], %unique3A_208 masked %unique3A_207 {add = true} : memref<1024xi32, #tpu.memory_space<vmem>>[vector<16xi32>], vector<16xi32>, vector<16xi1>
      %scan3A_214 = arith.constant 1 : i32
      %scan3A_215 = arith.addi %scan3A_124, %scan3A_214 : i32
      %mul3A_216 = arith.constant 16 : i32
      %mul3A_217 = arith.muli %scan3A_215, %mul3A_216 : i32
      %add3A_218 = arith.constant 0 : i32
      %add3A_219 = arith.addi %add3A_218, %mul3A_217 : i32
      %get3A_220 = arith.index_cast %add3A_219 : i32 to index
      %get3A_221 = tpu.vector_load %arg8[%get3A_220] {strides = array<i32>} : memref<2112xi32, #tpu.memory_space<vmem>>, vector<16xi32>,
      %shift_right_arithmetic3A_222 = arith.constant 16 : i32
      %shift_right_arithmetic3A_223 = vector.broadcast %shift_right_arithmetic3A_222 : i32 to vector<16xi32>
      %shift_right_arithmetic3A_224 = arith.shrsi %get3A_221, %shift_right_arithmetic3A_223 : vector<16xi32>
      %and3A_225 = arith.constant 255 : i32
      %and3A_226 = vector.broadcast %and3A_225 : i32 to vector<16xi32>
      %and3A_227 = arith.andi %shift_right_arithmetic3A_224, %and3A_226 : vector<16xi32>
      %add3A_228 = arith.constant 0 : i32
      %add3A_229 = vector.broadcast %add3A_228 : i32 to vector<16xi32>
      %add3A_230 = arith.addi %and3A_227, %add3A_229 : vector<16xi32>
      %broadcast_in_dim3A_231 = arith.constant true
      %broadcast_in_dim3A_232 = vector.broadcast %broadcast_in_dim3A_231 : i1 to vector<16xi1>
      %unique3A_233, %unique3A_234 = tpu.scan_count mask(%broadcast_in_dim3A_232 : vector<16xi1>) value(%add3A_230 : vector<16xi32>) : vector<16xi1>, vector<16xi32>
      %gather3A_235 = tpu.vector_load_idx %arg7[%add3A_230] : memref<1024xi32, #tpu.memory_space<vmem>>[vector<16xi32>], vector<16xi32>,
      %add3A_236 = arith.addi %gather3A_235, %unique3A_234 : vector<16xi32>
      %sub3A_237 = arith.constant 1 : i32
      %sub3A_238 = vector.broadcast %sub3A_237 : i32 to vector<16xi32>
      %sub3A_239 = arith.subi %add3A_236, %sub3A_238 : vector<16xi32>
      tpu.vector_store_idx %arg9[%sub3A_239], %get3A_221 : memref<2112xi32, #tpu.memory_space<vmem>>[vector<16xi32>], vector<16xi32>,
      tpu.vector_store_idx %arg7[%add3A_230], %unique3A_234 masked %unique3A_233 {add = true} : memref<1024xi32, #tpu.memory_space<vmem>>[vector<16xi32>], vector<16xi32>, vector<16xi1>
      %mul3A_240 = arith.constant 16 : i32
      %mul3A_241 = arith.muli %scan3A_215, %mul3A_240 : i32
      %add3A_242 = arith.constant 528 : i32
      %add3A_243 = arith.addi %add3A_242, %mul3A_241 : i32
      %get3A_244 = arith.index_cast %add3A_243 : i32 to index
      %get3A_245 = tpu.vector_load %arg8[%get3A_244] {strides = array<i32>} : memref<2112xi32, #tpu.memory_space<vmem>>, vector<16xi32>,
      %shift_right_arithmetic3A_246 = arith.constant 16 : i32
      %shift_right_arithmetic3A_247 = vector.broadcast %shift_right_arithmetic3A_246 : i32 to vector<16xi32>
      %shift_right_arithmetic3A_248 = arith.shrsi %get3A_245, %shift_right_arithmetic3A_247 : vector<16xi32>
      %and3A_249 = arith.constant 255 : i32
      %and3A_250 = vector.broadcast %and3A_249 : i32 to vector<16xi32>
      %and3A_251 = arith.andi %shift_right_arithmetic3A_248, %and3A_250 : vector<16xi32>
      %add3A_252 = arith.constant 256 : i32
      %add3A_253 = vector.broadcast %add3A_252 : i32 to vector<16xi32>
      %add3A_254 = arith.addi %and3A_251, %add3A_253 : vector<16xi32>
      %broadcast_in_dim3A_255 = arith.constant true
      %broadcast_in_dim3A_256 = vector.broadcast %broadcast_in_dim3A_255 : i1 to vector<16xi1>
      %unique3A_257, %unique3A_258 = tpu.scan_count mask(%broadcast_in_dim3A_256 : vector<16xi1>) value(%add3A_254 : vector<16xi32>) : vector<16xi1>, vector<16xi32>
      %gather3A_259 = tpu.vector_load_idx %arg7[%add3A_254] : memref<1024xi32, #tpu.memory_space<vmem>>[vector<16xi32>], vector<16xi32>,
      %add3A_260 = arith.addi %gather3A_259, %unique3A_258 : vector<16xi32>
      %sub3A_261 = arith.constant 1 : i32
      %sub3A_262 = vector.broadcast %sub3A_261 : i32 to vector<16xi32>
      %sub3A_263 = arith.subi %add3A_260, %sub3A_262 : vector<16xi32>
      tpu.vector_store_idx %arg9[%sub3A_263], %get3A_245 : memref<2112xi32, #tpu.memory_space<vmem>>[vector<16xi32>], vector<16xi32>,
      tpu.vector_store_idx %arg7[%add3A_254], %unique3A_258 masked %unique3A_257 {add = true} : memref<1024xi32, #tpu.memory_space<vmem>>[vector<16xi32>], vector<16xi32>, vector<16xi1>
      %mul3A_264 = arith.constant 16 : i32
      %mul3A_265 = arith.muli %scan3A_215, %mul3A_264 : i32
      %add3A_266 = arith.constant 1056 : i32
      %add3A_267 = arith.addi %add3A_266, %mul3A_265 : i32
      %get3A_268 = arith.index_cast %add3A_267 : i32 to index
      %get3A_269 = tpu.vector_load %arg8[%get3A_268] {strides = array<i32>} : memref<2112xi32, #tpu.memory_space<vmem>>, vector<16xi32>,
      %shift_right_arithmetic3A_270 = arith.constant 16 : i32
      %shift_right_arithmetic3A_271 = vector.broadcast %shift_right_arithmetic3A_270 : i32 to vector<16xi32>
      %shift_right_arithmetic3A_272 = arith.shrsi %get3A_269, %shift_right_arithmetic3A_271 : vector<16xi32>
      %and3A_273 = arith.constant 255 : i32
      %and3A_274 = vector.broadcast %and3A_273 : i32 to vector<16xi32>
      %and3A_275 = arith.andi %shift_right_arithmetic3A_272, %and3A_274 : vector<16xi32>
      %add3A_276 = arith.constant 512 : i32
      %add3A_277 = vector.broadcast %add3A_276 : i32 to vector<16xi32>
      %add3A_278 = arith.addi %and3A_275, %add3A_277 : vector<16xi32>
      %broadcast_in_dim3A_279 = arith.constant true
      %broadcast_in_dim3A_280 = vector.broadcast %broadcast_in_dim3A_279 : i1 to vector<16xi1>
      %unique3A_281, %unique3A_282 = tpu.scan_count mask(%broadcast_in_dim3A_280 : vector<16xi1>) value(%add3A_278 : vector<16xi32>) : vector<16xi1>, vector<16xi32>
      %gather3A_283 = tpu.vector_load_idx %arg7[%add3A_278] : memref<1024xi32, #tpu.memory_space<vmem>>[vector<16xi32>], vector<16xi32>,
      %add3A_284 = arith.addi %gather3A_283, %unique3A_282 : vector<16xi32>
      %sub3A_285 = arith.constant 1 : i32
      %sub3A_286 = vector.broadcast %sub3A_285 : i32 to vector<16xi32>
      %sub3A_287 = arith.subi %add3A_284, %sub3A_286 : vector<16xi32>
      tpu.vector_store_idx %arg9[%sub3A_287], %get3A_269 : memref<2112xi32, #tpu.memory_space<vmem>>[vector<16xi32>], vector<16xi32>,
      tpu.vector_store_idx %arg7[%add3A_278], %unique3A_282 masked %unique3A_281 {add = true} : memref<1024xi32, #tpu.memory_space<vmem>>[vector<16xi32>], vector<16xi32>, vector<16xi1>
      %mul3A_288 = arith.constant 16 : i32
      %mul3A_289 = arith.muli %scan3A_215, %mul3A_288 : i32
      %add3A_290 = arith.constant 1584 : i32
      %add3A_291 = arith.addi %add3A_290, %mul3A_289 : i32
      %get3A_292 = arith.index_cast %add3A_291 : i32 to index
      %get3A_293 = tpu.vector_load %arg8[%get3A_292] {strides = array<i32>} : memref<2112xi32, #tpu.memory_space<vmem>>, vector<16xi32>,
      %shift_right_arithmetic3A_294 = arith.constant 16 : i32
      %shift_right_arithmetic3A_295 = vector.broadcast %shift_right_arithmetic3A_294 : i32 to vector<16xi32>
      %shift_right_arithmetic3A_296 = arith.shrsi %get3A_293, %shift_right_arithmetic3A_295 : vector<16xi32>
      %and3A_297 = arith.constant 255 : i32
      %and3A_298 = vector.broadcast %and3A_297 : i32 to vector<16xi32>
      %and3A_299 = arith.andi %shift_right_arithmetic3A_296, %and3A_298 : vector<16xi32>
      %add3A_300 = arith.constant 768 : i32
      %add3A_301 = vector.broadcast %add3A_300 : i32 to vector<16xi32>
      %add3A_302 = arith.addi %and3A_299, %add3A_301 : vector<16xi32>
      %broadcast_in_dim3A_303 = arith.constant true
      %broadcast_in_dim3A_304 = vector.broadcast %broadcast_in_dim3A_303 : i1 to vector<16xi1>
      %unique3A_305, %unique3A_306 = tpu.scan_count mask(%broadcast_in_dim3A_304 : vector<16xi1>) value(%add3A_302 : vector<16xi32>) : vector<16xi1>, vector<16xi32>
      %gather3A_307 = tpu.vector_load_idx %arg7[%add3A_302] : memref<1024xi32, #tpu.memory_space<vmem>>[vector<16xi32>], vector<16xi32>,
      %add3A_308 = arith.addi %gather3A_307, %unique3A_306 : vector<16xi32>
      %sub3A_309 = arith.constant 1 : i32
      %sub3A_310 = vector.broadcast %sub3A_309 : i32 to vector<16xi32>
      %sub3A_311 = arith.subi %add3A_308, %sub3A_310 : vector<16xi32>
      tpu.vector_store_idx %arg9[%sub3A_311], %get3A_293 : memref<2112xi32, #tpu.memory_space<vmem>>[vector<16xi32>], vector<16xi32>,
      tpu.vector_store_idx %arg7[%add3A_302], %unique3A_306 masked %unique3A_305 {add = true} : memref<1024xi32, #tpu.memory_space<vmem>>[vector<16xi32>], vector<16xi32>, vector<16xi1>
    }
    %scan3A_79 = arith.constant 32 : i32
    %parallel_loop3A_80 = arith.constant 0 : i32
    %parallel_loop3A_81 = arith.constant 64 : i32
    %parallel_loop3A_82 = arith.constant 1 : i32
    scf.for %parallel_loop3A_124 = %parallel_loop3A_80 to %parallel_loop3A_81 step %parallel_loop3A_82  : i32 {
      %parallel_loop3A_125 = arith.constant 0 : i32
      %parallel_loop3A_126 = vector.broadcast %parallel_loop3A_125 : i32 to vector<16xi32>
      %parallel_loop3A_127 = arith.constant 16 : i32
      %parallel_loop3A_128 = arith.muli %parallel_loop3A_124, %parallel_loop3A_127 : i32
      %parallel_loop3A_129 = arith.index_cast %parallel_loop3A_128 : i32 to index
      %parallel_loop3A_130 = tpu.vector_load %arg6[%parallel_loop3A_129] {strides = array<i32>} : memref<2048xi32, #tpu.memory_space<vmem>>, vector<16xi32>,
      tpu.vector_store %arg6[%parallel_loop3A_129], %parallel_loop3A_126 {strides = array<i32>} : memref<2048xi32, #tpu.memory_space<vmem>>, vector<16xi32>,
    } {sc.loop_unroll_factor = 8 : i64, sc.parallel_access}
    %scan3A_83 = arith.constant 0 : i32
    %scan3A_84 = arith.constant 0 : i32
    %scan3A_85 = arith.constant 32 : i32
    %scan3A_86 = arith.addi %scan3A_84, %scan3A_85 : i32
    %scan3A_87 = arith.constant 2 : i32
    scf.for %scan3A_124 = %scan3A_84 to %scan3A_86 step %scan3A_87  : i32 {
      %mul3A_125 = arith.constant 16 : i32
      %mul3A_126 = arith.muli %scan3A_124, %mul3A_125 : i32
      %add3A_127 = arith.constant 0 : i32
      %add3A_128 = arith.addi %add3A_127, %mul3A_126 : i32
      %get3A = arith.index_cast %add3A_128 : i32 to index
      %get3A_129 = tpu.vector_load %arg9[%get3A] {strides = array<i32>} : memref<2112xi32, #tpu.memory_space<vmem>>, vector<16xi32>,
      %shift_right_arithmetic3A = arith.constant 24 : i32
      %shift_right_arithmetic3A_130 = vector.broadcast %shift_right_arithmetic3A : i32 to vector<16xi32>
      %shift_right_arithmetic3A_131 = arith.shrsi %get3A_129, %shift_right_arithmetic3A_130 : vector<16xi32>
      %add3A_132 = arith.constant 128 : i32
      %add3A_133 = vector.broadcast %add3A_132 : i32 to vector<16xi32>
      %add3A_134 = arith.addi %shift_right_arithmetic3A_131, %add3A_133 : vector<16xi32>
      %add3A_135 = arith.constant 0 : i32
      %add3A_136 = vector.broadcast %add3A_135 : i32 to vector<16xi32>
      %add3A_137 = arith.addi %add3A_134, %add3A_136 : vector<16xi32>
      %broadcast_in_dim3A = arith.constant true
      %broadcast_in_dim3A_138 = vector.broadcast %broadcast_in_dim3A : i1 to vector<16xi1>
      %unique3A, %unique3A_139 = tpu.scan_count mask(%broadcast_in_dim3A_138 : vector<16xi1>) value(%add3A_137 : vector<16xi32>) : vector<16xi1>, vector<16xi32>
      tpu.vector_store_idx %arg6[%add3A_137], %unique3A_139 masked %unique3A {add = true} : memref<2048xi32, #tpu.memory_space<vmem>>[vector<16xi32>], vector<16xi32>, vector<16xi1>
      %mul3A_140 = arith.constant 16 : i32
      %mul3A_141 = arith.muli %scan3A_124, %mul3A_140 : i32
      %add3A_142 = arith.constant 528 : i32
      %add3A_143 = arith.addi %add3A_142, %mul3A_141 : i32
      %get3A_144 = arith.index_cast %add3A_143 : i32 to index
      %get3A_145 = tpu.vector_load %arg9[%get3A_144] {strides = array<i32>} : memref<2112xi32, #tpu.memory_space<vmem>>, vector<16xi32>,
      %shift_right_arithmetic3A_146 = arith.constant 24 : i32
      %shift_right_arithmetic3A_147 = vector.broadcast %shift_right_arithmetic3A_146 : i32 to vector<16xi32>
      %shift_right_arithmetic3A_148 = arith.shrsi %get3A_145, %shift_right_arithmetic3A_147 : vector<16xi32>
      %add3A_149 = arith.constant 128 : i32
      %add3A_150 = vector.broadcast %add3A_149 : i32 to vector<16xi32>
      %add3A_151 = arith.addi %shift_right_arithmetic3A_148, %add3A_150 : vector<16xi32>
      %add3A_152 = arith.constant 256 : i32
      %add3A_153 = vector.broadcast %add3A_152 : i32 to vector<16xi32>
      %add3A_154 = arith.addi %add3A_151, %add3A_153 : vector<16xi32>
      %broadcast_in_dim3A_155 = arith.constant true
      %broadcast_in_dim3A_156 = vector.broadcast %broadcast_in_dim3A_155 : i1 to vector<16xi1>
      %unique3A_157, %unique3A_158 = tpu.scan_count mask(%broadcast_in_dim3A_156 : vector<16xi1>) value(%add3A_154 : vector<16xi32>) : vector<16xi1>, vector<16xi32>
      tpu.vector_store_idx %arg6[%add3A_154], %unique3A_158 masked %unique3A_157 {add = true} : memref<2048xi32, #tpu.memory_space<vmem>>[vector<16xi32>], vector<16xi32>, vector<16xi1>
      %mul3A_159 = arith.constant 16 : i32
      %mul3A_160 = arith.muli %scan3A_124, %mul3A_159 : i32
      %add3A_161 = arith.constant 1056 : i32
      %add3A_162 = arith.addi %add3A_161, %mul3A_160 : i32
      %get3A_163 = arith.index_cast %add3A_162 : i32 to index
      %get3A_164 = tpu.vector_load %arg9[%get3A_163] {strides = array<i32>} : memref<2112xi32, #tpu.memory_space<vmem>>, vector<16xi32>,
      %shift_right_arithmetic3A_165 = arith.constant 24 : i32
      %shift_right_arithmetic3A_166 = vector.broadcast %shift_right_arithmetic3A_165 : i32 to vector<16xi32>
      %shift_right_arithmetic3A_167 = arith.shrsi %get3A_164, %shift_right_arithmetic3A_166 : vector<16xi32>
      %add3A_168 = arith.constant 128 : i32
      %add3A_169 = vector.broadcast %add3A_168 : i32 to vector<16xi32>
      %add3A_170 = arith.addi %shift_right_arithmetic3A_167, %add3A_169 : vector<16xi32>
      %add3A_171 = arith.constant 512 : i32
      %add3A_172 = vector.broadcast %add3A_171 : i32 to vector<16xi32>
      %add3A_173 = arith.addi %add3A_170, %add3A_172 : vector<16xi32>
      %broadcast_in_dim3A_174 = arith.constant true
      %broadcast_in_dim3A_175 = vector.broadcast %broadcast_in_dim3A_174 : i1 to vector<16xi1>
      %unique3A_176, %unique3A_177 = tpu.scan_count mask(%broadcast_in_dim3A_175 : vector<16xi1>) value(%add3A_173 : vector<16xi32>) : vector<16xi1>, vector<16xi32>
      tpu.vector_store_idx %arg6[%add3A_173], %unique3A_177 masked %unique3A_176 {add = true} : memref<2048xi32, #tpu.memory_space<vmem>>[vector<16xi32>], vector<16xi32>, vector<16xi1>
      %mul3A_178 = arith.constant 16 : i32
      %mul3A_179 = arith.muli %scan3A_124, %mul3A_178 : i32
      %add3A_180 = arith.constant 1584 : i32
      %add3A_181 = arith.addi %add3A_180, %mul3A_179 : i32
      %get3A_182 = arith.index_cast %add3A_181 : i32 to index
      %get3A_183 = tpu.vector_load %arg9[%get3A_182] {strides = array<i32>} : memref<2112xi32, #tpu.memory_space<vmem>>, vector<16xi32>,
      %shift_right_arithmetic3A_184 = arith.constant 24 : i32
      %shift_right_arithmetic3A_185 = vector.broadcast %shift_right_arithmetic3A_184 : i32 to vector<16xi32>
      %shift_right_arithmetic3A_186 = arith.shrsi %get3A_183, %shift_right_arithmetic3A_185 : vector<16xi32>
      %add3A_187 = arith.constant 128 : i32
      %add3A_188 = vector.broadcast %add3A_187 : i32 to vector<16xi32>
      %add3A_189 = arith.addi %shift_right_arithmetic3A_186, %add3A_188 : vector<16xi32>
      %add3A_190 = arith.constant 768 : i32
      %add3A_191 = vector.broadcast %add3A_190 : i32 to vector<16xi32>
      %add3A_192 = arith.addi %add3A_189, %add3A_191 : vector<16xi32>
      %broadcast_in_dim3A_193 = arith.constant true
      %broadcast_in_dim3A_194 = vector.broadcast %broadcast_in_dim3A_193 : i1 to vector<16xi1>
      %unique3A_195, %unique3A_196 = tpu.scan_count mask(%broadcast_in_dim3A_194 : vector<16xi1>) value(%add3A_192 : vector<16xi32>) : vector<16xi1>, vector<16xi32>
      tpu.vector_store_idx %arg6[%add3A_192], %unique3A_196 masked %unique3A_195 {add = true} : memref<2048xi32, #tpu.memory_space<vmem>>[vector<16xi32>], vector<16xi32>, vector<16xi1>
      %scan3A_197 = arith.constant 1 : i32
      %scan3A_198 = arith.addi %scan3A_124, %scan3A_197 : i32
      %mul3A_199 = arith.constant 16 : i32
      %mul3A_200 = arith.muli %scan3A_198, %mul3A_199 : i32
      %add3A_201 = arith.constant 0 : i32
      %add3A_202 = arith.addi %add3A_201, %mul3A_200 : i32
      %get3A_203 = arith.index_cast %add3A_202 : i32 to index
      %get3A_204 = tpu.vector_load %arg9[%get3A_203] {strides = array<i32>} : memref<2112xi32, #tpu.memory_space<vmem>>, vector<16xi32>,
      %shift_right_arithmetic3A_205 = arith.constant 24 : i32
      %shift_right_arithmetic3A_206 = vector.broadcast %shift_right_arithmetic3A_205 : i32 to vector<16xi32>
      %shift_right_arithmetic3A_207 = arith.shrsi %get3A_204, %shift_right_arithmetic3A_206 : vector<16xi32>
      %add3A_208 = arith.constant 128 : i32
      %add3A_209 = vector.broadcast %add3A_208 : i32 to vector<16xi32>
      %add3A_210 = arith.addi %shift_right_arithmetic3A_207, %add3A_209 : vector<16xi32>
      %add3A_211 = arith.constant 0 : i32
      %add3A_212 = vector.broadcast %add3A_211 : i32 to vector<16xi32>
      %add3A_213 = arith.addi %add3A_210, %add3A_212 : vector<16xi32>
      %broadcast_in_dim3A_214 = arith.constant true
      %broadcast_in_dim3A_215 = vector.broadcast %broadcast_in_dim3A_214 : i1 to vector<16xi1>
      %unique3A_216, %unique3A_217 = tpu.scan_count mask(%broadcast_in_dim3A_215 : vector<16xi1>) value(%add3A_213 : vector<16xi32>) : vector<16xi1>, vector<16xi32>
      tpu.vector_store_idx %arg6[%add3A_213], %unique3A_217 masked %unique3A_216 {add = true} : memref<2048xi32, #tpu.memory_space<vmem>>[vector<16xi32>], vector<16xi32>, vector<16xi1>
      %mul3A_218 = arith.constant 16 : i32
      %mul3A_219 = arith.muli %scan3A_198, %mul3A_218 : i32
      %add3A_220 = arith.constant 528 : i32
      %add3A_221 = arith.addi %add3A_220, %mul3A_219 : i32
      %get3A_222 = arith.index_cast %add3A_221 : i32 to index
      %get3A_223 = tpu.vector_load %arg9[%get3A_222] {strides = array<i32>} : memref<2112xi32, #tpu.memory_space<vmem>>, vector<16xi32>,
      %shift_right_arithmetic3A_224 = arith.constant 24 : i32
      %shift_right_arithmetic3A_225 = vector.broadcast %shift_right_arithmetic3A_224 : i32 to vector<16xi32>
      %shift_right_arithmetic3A_226 = arith.shrsi %get3A_223, %shift_right_arithmetic3A_225 : vector<16xi32>
      %add3A_227 = arith.constant 128 : i32
      %add3A_228 = vector.broadcast %add3A_227 : i32 to vector<16xi32>
      %add3A_229 = arith.addi %shift_right_arithmetic3A_226, %add3A_228 : vector<16xi32>
      %add3A_230 = arith.constant 256 : i32
      %add3A_231 = vector.broadcast %add3A_230 : i32 to vector<16xi32>
      %add3A_232 = arith.addi %add3A_229, %add3A_231 : vector<16xi32>
      %broadcast_in_dim3A_233 = arith.constant true
      %broadcast_in_dim3A_234 = vector.broadcast %broadcast_in_dim3A_233 : i1 to vector<16xi1>
      %unique3A_235, %unique3A_236 = tpu.scan_count mask(%broadcast_in_dim3A_234 : vector<16xi1>) value(%add3A_232 : vector<16xi32>) : vector<16xi1>, vector<16xi32>
      tpu.vector_store_idx %arg6[%add3A_232], %unique3A_236 masked %unique3A_235 {add = true} : memref<2048xi32, #tpu.memory_space<vmem>>[vector<16xi32>], vector<16xi32>, vector<16xi1>
      %mul3A_237 = arith.constant 16 : i32
      %mul3A_238 = arith.muli %scan3A_198, %mul3A_237 : i32
      %add3A_239 = arith.constant 1056 : i32
      %add3A_240 = arith.addi %add3A_239, %mul3A_238 : i32
      %get3A_241 = arith.index_cast %add3A_240 : i32 to index
      %get3A_242 = tpu.vector_load %arg9[%get3A_241] {strides = array<i32>} : memref<2112xi32, #tpu.memory_space<vmem>>, vector<16xi32>,
      %shift_right_arithmetic3A_243 = arith.constant 24 : i32
      %shift_right_arithmetic3A_244 = vector.broadcast %shift_right_arithmetic3A_243 : i32 to vector<16xi32>
      %shift_right_arithmetic3A_245 = arith.shrsi %get3A_242, %shift_right_arithmetic3A_244 : vector<16xi32>
      %add3A_246 = arith.constant 128 : i32
      %add3A_247 = vector.broadcast %add3A_246 : i32 to vector<16xi32>
      %add3A_248 = arith.addi %shift_right_arithmetic3A_245, %add3A_247 : vector<16xi32>
      %add3A_249 = arith.constant 512 : i32
      %add3A_250 = vector.broadcast %add3A_249 : i32 to vector<16xi32>
      %add3A_251 = arith.addi %add3A_248, %add3A_250 : vector<16xi32>
      %broadcast_in_dim3A_252 = arith.constant true
      %broadcast_in_dim3A_253 = vector.broadcast %broadcast_in_dim3A_252 : i1 to vector<16xi1>
      %unique3A_254, %unique3A_255 = tpu.scan_count mask(%broadcast_in_dim3A_253 : vector<16xi1>) value(%add3A_251 : vector<16xi32>) : vector<16xi1>, vector<16xi32>
      tpu.vector_store_idx %arg6[%add3A_251], %unique3A_255 masked %unique3A_254 {add = true} : memref<2048xi32, #tpu.memory_space<vmem>>[vector<16xi32>], vector<16xi32>, vector<16xi1>
      %mul3A_256 = arith.constant 16 : i32
      %mul3A_257 = arith.muli %scan3A_198, %mul3A_256 : i32
      %add3A_258 = arith.constant 1584 : i32
      %add3A_259 = arith.addi %add3A_258, %mul3A_257 : i32
      %get3A_260 = arith.index_cast %add3A_259 : i32 to index
      %get3A_261 = tpu.vector_load %arg9[%get3A_260] {strides = array<i32>} : memref<2112xi32, #tpu.memory_space<vmem>>, vector<16xi32>,
      %shift_right_arithmetic3A_262 = arith.constant 24 : i32
      %shift_right_arithmetic3A_263 = vector.broadcast %shift_right_arithmetic3A_262 : i32 to vector<16xi32>
      %shift_right_arithmetic3A_264 = arith.shrsi %get3A_261, %shift_right_arithmetic3A_263 : vector<16xi32>
      %add3A_265 = arith.constant 128 : i32
      %add3A_266 = vector.broadcast %add3A_265 : i32 to vector<16xi32>
      %add3A_267 = arith.addi %shift_right_arithmetic3A_264, %add3A_266 : vector<16xi32>
      %add3A_268 = arith.constant 768 : i32
      %add3A_269 = vector.broadcast %add3A_268 : i32 to vector<16xi32>
      %add3A_270 = arith.addi %add3A_267, %add3A_269 : vector<16xi32>
      %broadcast_in_dim3A_271 = arith.constant true
      %broadcast_in_dim3A_272 = vector.broadcast %broadcast_in_dim3A_271 : i1 to vector<16xi1>
      %unique3A_273, %unique3A_274 = tpu.scan_count mask(%broadcast_in_dim3A_272 : vector<16xi1>) value(%add3A_270 : vector<16xi32>) : vector<16xi1>, vector<16xi32>
      tpu.vector_store_idx %arg6[%add3A_270], %unique3A_274 masked %unique3A_273 {add = true} : memref<2048xi32, #tpu.memory_space<vmem>>[vector<16xi32>], vector<16xi32>, vector<16xi1>
    }
    %scan3A_88 = arith.constant 32 : i32
    %scan3A_89 = arith.constant 0 : i32
    %scan3A_90 = arith.constant 0 : i32
    %scan3A_91 = arith.constant 0 : i32
    %scan3A_92 = arith.constant 0 : i32
    %scan3A_93 = arith.constant 0 : i32
    %scan3A_94 = arith.constant 16 : i32
    %scan3A_95 = arith.addi %scan3A_93, %scan3A_94 : i32
    %scan3A_96 = arith.constant 1 : i32
    %scan3A_97:4 = scf.for %scan3A_124 = %scan3A_93 to %scan3A_95 step %scan3A_96 iter_args(%scan3A_125 = %scan3A_89, %scan3A_126 = %scan3A_90, %scan3A_127 = %scan3A_91, %scan3A_128 = %scan3A_92) -> (i32, i32, i32, i32)  : i32 {
      %add3A_129 = arith.constant 1 : i32
      %add3A_130 = arith.addi %scan3A_124, %add3A_129 : i32
      %mul3A_131 = arith.constant 16 : i32
      %mul3A_132 = arith.muli %add3A_130, %mul3A_131 : i32
      %sub3A = arith.constant 256 : i32
      %sub3A_133 = arith.subi %sub3A, %mul3A_132 : i32
      %get3A = arith.index_cast %sub3A_133 : i32 to index
      %get3A_134 = tpu.vector_load %arg6[%get3A] {strides = array<i32>} : memref<2048xi32, #tpu.memory_space<vmem>>, vector<16xi32>,
      %rev3A = arith.constant 15 : i32
      %rev3A_135 = vector.broadcast %rev3A : i32 to vector<16xi32>
      %rev3A_136 = tpu.iota {dimensions = array<i32: 0>} : vector<16xi32>
      %rev3A_137 = arith.subi %rev3A_135, %rev3A_136 : vector<16xi32>
      %rev3A_138 = tpu.dynamic_gather %get3A_134[%rev3A_137] in [0] : vector<16xi32>, vector<16xi32> -> vector<16xi32>
      %broadcast_in_dim3A = arith.constant true
      %broadcast_in_dim3A_139 = vector.broadcast %broadcast_in_dim3A : i1 to vector<16xi1>
      %masked_cumsum3A = tpu.scan <sum>, %rev3A_138 masked %broadcast_in_dim3A_139 : vector<16xi32>, vector<16xi1> -> vector<16xi32>
      %add3A_140 = vector.broadcast %scan3A_125 : i32 to vector<16xi32>
      %add3A_141 = arith.addi %add3A_140, %masked_cumsum3A : vector<16xi32>
      %sub3A_142 = arith.subi %add3A_141, %rev3A_138 : vector<16xi32>
      %rev3A_143 = arith.constant 15 : i32
      %rev3A_144 = vector.broadcast %rev3A_143 : i32 to vector<16xi32>
      %rev3A_145 = tpu.iota {dimensions = array<i32: 0>} : vector<16xi32>
      %rev3A_146 = arith.subi %rev3A_144, %rev3A_145 : vector<16xi32>
      %rev3A_147 = tpu.dynamic_gather %sub3A_142[%rev3A_146] in [0] : vector<16xi32>, vector<16xi32> -> vector<16xi32>
      %add3A_148 = arith.constant 0 : i32
      %add3A_149 = vector.broadcast %add3A_148 : i32 to vector<16xi32>
      %add3A_150 = arith.addi %rev3A_147, %add3A_149 : vector<16xi32>
      %swap3A = arith.index_cast %sub3A_133 : i32 to index
      %swap3A_151 = tpu.vector_load %arg7[%swap3A] {strides = array<i32>} : memref<1024xi32, #tpu.memory_space<vmem>>, vector<16xi32>,
      tpu.vector_store %arg7[%swap3A], %add3A_150 {strides = array<i32>} : memref<1024xi32, #tpu.memory_space<vmem>>, vector<16xi32>,
      %reduce_sum3A = arith.constant true
      %reduce_sum3A_152 = vector.broadcast %reduce_sum3A : i1 to vector<16xi1>
      %reduce_sum3A_153 = tpu.scan <sum>, %get3A_134 masked %reduce_sum3A_152 : vector<16xi32>, vector<16xi1> -> vector<16xi32>
      %reduce_sum3A_154 = vector.extract %reduce_sum3A_153[15] : i32 from vector<16xi32>
      %add3A_155 = arith.addi %scan3A_125, %reduce_sum3A_154 : i32
      %add3A_156 = arith.constant 1 : i32
      %add3A_157 = arith.addi %scan3A_124, %add3A_156 : i32
      %mul3A_158 = arith.constant 16 : i32
      %mul3A_159 = arith.muli %add3A_157, %mul3A_158 : i32
      %sub3A_160 = arith.constant 512 : i32
      %sub3A_161 = arith.subi %sub3A_160, %mul3A_159 : i32
      %get3A_162 = arith.index_cast %sub3A_161 : i32 to index
      %get3A_163 = tpu.vector_load %arg6[%get3A_162] {strides = array<i32>} : memref<2048xi32, #tpu.memory_space<vmem>>, vector<16xi32>,
      %rev3A_164 = arith.constant 15 : i32
      %rev3A_165 = vector.broadcast %rev3A_164 : i32 to vector<16xi32>
      %rev3A_166 = tpu.iota {dimensions = array<i32: 0>} : vector<16xi32>
      %rev3A_167 = arith.subi %rev3A_165, %rev3A_166 : vector<16xi32>
      %rev3A_168 = tpu.dynamic_gather %get3A_163[%rev3A_167] in [0] : vector<16xi32>, vector<16xi32> -> vector<16xi32>
      %broadcast_in_dim3A_169 = arith.constant true
      %broadcast_in_dim3A_170 = vector.broadcast %broadcast_in_dim3A_169 : i1 to vector<16xi1>
      %masked_cumsum3A_171 = tpu.scan <sum>, %rev3A_168 masked %broadcast_in_dim3A_170 : vector<16xi32>, vector<16xi1> -> vector<16xi32>
      %add3A_172 = vector.broadcast %scan3A_126 : i32 to vector<16xi32>
      %add3A_173 = arith.addi %add3A_172, %masked_cumsum3A_171 : vector<16xi32>
      %sub3A_174 = arith.subi %add3A_173, %rev3A_168 : vector<16xi32>
      %rev3A_175 = arith.constant 15 : i32
      %rev3A_176 = vector.broadcast %rev3A_175 : i32 to vector<16xi32>
      %rev3A_177 = tpu.iota {dimensions = array<i32: 0>} : vector<16xi32>
      %rev3A_178 = arith.subi %rev3A_176, %rev3A_177 : vector<16xi32>
      %rev3A_179 = tpu.dynamic_gather %sub3A_174[%rev3A_178] in [0] : vector<16xi32>, vector<16xi32> -> vector<16xi32>
      %add3A_180 = arith.constant 528 : i32
      %add3A_181 = vector.broadcast %add3A_180 : i32 to vector<16xi32>
      %add3A_182 = arith.addi %rev3A_179, %add3A_181 : vector<16xi32>
      %swap3A_183 = arith.index_cast %sub3A_161 : i32 to index
      %swap3A_184 = tpu.vector_load %arg7[%swap3A_183] {strides = array<i32>} : memref<1024xi32, #tpu.memory_space<vmem>>, vector<16xi32>,
      tpu.vector_store %arg7[%swap3A_183], %add3A_182 {strides = array<i32>} : memref<1024xi32, #tpu.memory_space<vmem>>, vector<16xi32>,
      %reduce_sum3A_185 = arith.constant true
      %reduce_sum3A_186 = vector.broadcast %reduce_sum3A_185 : i1 to vector<16xi1>
      %reduce_sum3A_187 = tpu.scan <sum>, %get3A_163 masked %reduce_sum3A_186 : vector<16xi32>, vector<16xi1> -> vector<16xi32>
      %reduce_sum3A_188 = vector.extract %reduce_sum3A_187[15] : i32 from vector<16xi32>
      %add3A_189 = arith.addi %scan3A_126, %reduce_sum3A_188 : i32
      %add3A_190 = arith.constant 1 : i32
      %add3A_191 = arith.addi %scan3A_124, %add3A_190 : i32
      %mul3A_192 = arith.constant 16 : i32
      %mul3A_193 = arith.muli %add3A_191, %mul3A_192 : i32
      %sub3A_194 = arith.constant 768 : i32
      %sub3A_195 = arith.subi %sub3A_194, %mul3A_193 : i32
      %get3A_196 = arith.index_cast %sub3A_195 : i32 to index
      %get3A_197 = tpu.vector_load %arg6[%get3A_196] {strides = array<i32>} : memref<2048xi32, #tpu.memory_space<vmem>>, vector<16xi32>,
      %rev3A_198 = arith.constant 15 : i32
      %rev3A_199 = vector.broadcast %rev3A_198 : i32 to vector<16xi32>
      %rev3A_200 = tpu.iota {dimensions = array<i32: 0>} : vector<16xi32>
      %rev3A_201 = arith.subi %rev3A_199, %rev3A_200 : vector<16xi32>
      %rev3A_202 = tpu.dynamic_gather %get3A_197[%rev3A_201] in [0] : vector<16xi32>, vector<16xi32> -> vector<16xi32>
      %broadcast_in_dim3A_203 = arith.constant true
      %broadcast_in_dim3A_204 = vector.broadcast %broadcast_in_dim3A_203 : i1 to vector<16xi1>
      %masked_cumsum3A_205 = tpu.scan <sum>, %rev3A_202 masked %broadcast_in_dim3A_204 : vector<16xi32>, vector<16xi1> -> vector<16xi32>
      %add3A_206 = vector.broadcast %scan3A_127 : i32 to vector<16xi32>
      %add3A_207 = arith.addi %add3A_206, %masked_cumsum3A_205 : vector<16xi32>
      %sub3A_208 = arith.subi %add3A_207, %rev3A_202 : vector<16xi32>
      %rev3A_209 = arith.constant 15 : i32
      %rev3A_210 = vector.broadcast %rev3A_209 : i32 to vector<16xi32>
      %rev3A_211 = tpu.iota {dimensions = array<i32: 0>} : vector<16xi32>
      %rev3A_212 = arith.subi %rev3A_210, %rev3A_211 : vector<16xi32>
      %rev3A_213 = tpu.dynamic_gather %sub3A_208[%rev3A_212] in [0] : vector<16xi32>, vector<16xi32> -> vector<16xi32>
      %add3A_214 = arith.constant 1056 : i32
      %add3A_215 = vector.broadcast %add3A_214 : i32 to vector<16xi32>
      %add3A_216 = arith.addi %rev3A_213, %add3A_215 : vector<16xi32>
      %swap3A_217 = arith.index_cast %sub3A_195 : i32 to index
      %swap3A_218 = tpu.vector_load %arg7[%swap3A_217] {strides = array<i32>} : memref<1024xi32, #tpu.memory_space<vmem>>, vector<16xi32>,
      tpu.vector_store %arg7[%swap3A_217], %add3A_216 {strides = array<i32>} : memref<1024xi32, #tpu.memory_space<vmem>>, vector<16xi32>,
      %reduce_sum3A_219 = arith.constant true
      %reduce_sum3A_220 = vector.broadcast %reduce_sum3A_219 : i1 to vector<16xi1>
      %reduce_sum3A_221 = tpu.scan <sum>, %get3A_197 masked %reduce_sum3A_220 : vector<16xi32>, vector<16xi1> -> vector<16xi32>
      %reduce_sum3A_222 = vector.extract %reduce_sum3A_221[15] : i32 from vector<16xi32>
      %add3A_223 = arith.addi %scan3A_127, %reduce_sum3A_222 : i32
      %add3A_224 = arith.constant 1 : i32
      %add3A_225 = arith.addi %scan3A_124, %add3A_224 : i32
      %mul3A_226 = arith.constant 16 : i32
      %mul3A_227 = arith.muli %add3A_225, %mul3A_226 : i32
      %sub3A_228 = arith.constant 1024 : i32
      %sub3A_229 = arith.subi %sub3A_228, %mul3A_227 : i32
      %get3A_230 = arith.index_cast %sub3A_229 : i32 to index
      %get3A_231 = tpu.vector_load %arg6[%get3A_230] {strides = array<i32>} : memref<2048xi32, #tpu.memory_space<vmem>>, vector<16xi32>,
      %rev3A_232 = arith.constant 15 : i32
      %rev3A_233 = vector.broadcast %rev3A_232 : i32 to vector<16xi32>
      %rev3A_234 = tpu.iota {dimensions = array<i32: 0>} : vector<16xi32>
      %rev3A_235 = arith.subi %rev3A_233, %rev3A_234 : vector<16xi32>
      %rev3A_236 = tpu.dynamic_gather %get3A_231[%rev3A_235] in [0] : vector<16xi32>, vector<16xi32> -> vector<16xi32>
      %broadcast_in_dim3A_237 = arith.constant true
      %broadcast_in_dim3A_238 = vector.broadcast %broadcast_in_dim3A_237 : i1 to vector<16xi1>
      %masked_cumsum3A_239 = tpu.scan <sum>, %rev3A_236 masked %broadcast_in_dim3A_238 : vector<16xi32>, vector<16xi1> -> vector<16xi32>
      %add3A_240 = vector.broadcast %scan3A_128 : i32 to vector<16xi32>
      %add3A_241 = arith.addi %add3A_240, %masked_cumsum3A_239 : vector<16xi32>
      %sub3A_242 = arith.subi %add3A_241, %rev3A_236 : vector<16xi32>
      %rev3A_243 = arith.constant 15 : i32
      %rev3A_244 = vector.broadcast %rev3A_243 : i32 to vector<16xi32>
      %rev3A_245 = tpu.iota {dimensions = array<i32: 0>} : vector<16xi32>
      %rev3A_246 = arith.subi %rev3A_244, %rev3A_245 : vector<16xi32>
      %rev3A_247 = tpu.dynamic_gather %sub3A_242[%rev3A_246] in [0] : vector<16xi32>, vector<16xi32> -> vector<16xi32>
      %add3A_248 = arith.constant 1584 : i32
      %add3A_249 = vector.broadcast %add3A_248 : i32 to vector<16xi32>
      %add3A_250 = arith.addi %rev3A_247, %add3A_249 : vector<16xi32>
      %swap3A_251 = arith.index_cast %sub3A_229 : i32 to index
      %swap3A_252 = tpu.vector_load %arg7[%swap3A_251] {strides = array<i32>} : memref<1024xi32, #tpu.memory_space<vmem>>, vector<16xi32>,
      tpu.vector_store %arg7[%swap3A_251], %add3A_250 {strides = array<i32>} : memref<1024xi32, #tpu.memory_space<vmem>>, vector<16xi32>,
      %reduce_sum3A_253 = arith.constant true
      %reduce_sum3A_254 = vector.broadcast %reduce_sum3A_253 : i1 to vector<16xi1>
      %reduce_sum3A_255 = tpu.scan <sum>, %get3A_231 masked %reduce_sum3A_254 : vector<16xi32>, vector<16xi1> -> vector<16xi32>
      %reduce_sum3A_256 = vector.extract %reduce_sum3A_255[15] : i32 from vector<16xi32>
      %add3A_257 = arith.addi %scan3A_128, %reduce_sum3A_256 : i32
      scf.yield %add3A_155, %add3A_189, %add3A_223, %add3A_257 : i32, i32, i32, i32
    }
    %scan3A_98 = arith.constant 16 : i32
    %scan3A_99 = arith.constant 0 : i32
    %scan3A_100 = arith.constant 0 : i32
    %scan3A_101 = arith.constant 32 : i32
    %scan3A_102 = arith.addi %scan3A_100, %scan3A_101 : i32
    %scan3A_103 = arith.constant 2 : i32
    scf.for %scan3A_124 = %scan3A_100 to %scan3A_102 step %scan3A_103  : i32 {
      %mul3A_125 = arith.constant 16 : i32
      %mul3A_126 = arith.muli %scan3A_124, %mul3A_125 : i32
      %add3A_127 = arith.constant 0 : i32
      %add3A_128 = arith.addi %add3A_127, %mul3A_126 : i32
      %get3A = arith.index_cast %add3A_128 : i32 to index
      %get3A_129 = tpu.vector_load %arg9[%get3A] {strides = array<i32>} : memref<2112xi32, #tpu.memory_space<vmem>>, vector<16xi32>,
      %shift_right_arithmetic3A = arith.constant 24 : i32
      %shift_right_arithmetic3A_130 = vector.broadcast %shift_right_arithmetic3A : i32 to vector<16xi32>
      %shift_right_arithmetic3A_131 = arith.shrsi %get3A_129, %shift_right_arithmetic3A_130 : vector<16xi32>
      %add3A_132 = arith.constant 128 : i32
      %add3A_133 = vector.broadcast %add3A_132 : i32 to vector<16xi32>
      %add3A_134 = arith.addi %shift_right_arithmetic3A_131, %add3A_133 : vector<16xi32>
      %add3A_135 = arith.constant 0 : i32
      %add3A_136 = vector.broadcast %add3A_135 : i32 to vector<16xi32>
      %add3A_137 = arith.addi %add3A_134, %add3A_136 : vector<16xi32>
      %broadcast_in_dim3A = arith.constant true
      %broadcast_in_dim3A_138 = vector.broadcast %broadcast_in_dim3A : i1 to vector<16xi1>
      %unique3A, %unique3A_139 = tpu.scan_count mask(%broadcast_in_dim3A_138 : vector<16xi1>) value(%add3A_137 : vector<16xi32>) : vector<16xi1>, vector<16xi32>
      %gather3A = tpu.vector_load_idx %arg7[%add3A_137] : memref<1024xi32, #tpu.memory_space<vmem>>[vector<16xi32>], vector<16xi32>,
      %add3A_140 = arith.addi %gather3A, %unique3A_139 : vector<16xi32>
      %sub3A = arith.constant 1 : i32
      %sub3A_141 = vector.broadcast %sub3A : i32 to vector<16xi32>
      %sub3A_142 = arith.subi %add3A_140, %sub3A_141 : vector<16xi32>
      tpu.vector_store_idx %arg8[%sub3A_142], %get3A_129 : memref<2112xi32, #tpu.memory_space<vmem>>[vector<16xi32>], vector<16xi32>,
      tpu.vector_store_idx %arg7[%add3A_137], %unique3A_139 masked %unique3A {add = true} : memref<1024xi32, #tpu.memory_space<vmem>>[vector<16xi32>], vector<16xi32>, vector<16xi1>
      %mul3A_143 = arith.constant 16 : i32
      %mul3A_144 = arith.muli %scan3A_124, %mul3A_143 : i32
      %add3A_145 = arith.constant 528 : i32
      %add3A_146 = arith.addi %add3A_145, %mul3A_144 : i32
      %get3A_147 = arith.index_cast %add3A_146 : i32 to index
      %get3A_148 = tpu.vector_load %arg9[%get3A_147] {strides = array<i32>} : memref<2112xi32, #tpu.memory_space<vmem>>, vector<16xi32>,
      %shift_right_arithmetic3A_149 = arith.constant 24 : i32
      %shift_right_arithmetic3A_150 = vector.broadcast %shift_right_arithmetic3A_149 : i32 to vector<16xi32>
      %shift_right_arithmetic3A_151 = arith.shrsi %get3A_148, %shift_right_arithmetic3A_150 : vector<16xi32>
      %add3A_152 = arith.constant 128 : i32
      %add3A_153 = vector.broadcast %add3A_152 : i32 to vector<16xi32>
      %add3A_154 = arith.addi %shift_right_arithmetic3A_151, %add3A_153 : vector<16xi32>
      %add3A_155 = arith.constant 256 : i32
      %add3A_156 = vector.broadcast %add3A_155 : i32 to vector<16xi32>
      %add3A_157 = arith.addi %add3A_154, %add3A_156 : vector<16xi32>
      %broadcast_in_dim3A_158 = arith.constant true
      %broadcast_in_dim3A_159 = vector.broadcast %broadcast_in_dim3A_158 : i1 to vector<16xi1>
      %unique3A_160, %unique3A_161 = tpu.scan_count mask(%broadcast_in_dim3A_159 : vector<16xi1>) value(%add3A_157 : vector<16xi32>) : vector<16xi1>, vector<16xi32>
      %gather3A_162 = tpu.vector_load_idx %arg7[%add3A_157] : memref<1024xi32, #tpu.memory_space<vmem>>[vector<16xi32>], vector<16xi32>,
      %add3A_163 = arith.addi %gather3A_162, %unique3A_161 : vector<16xi32>
      %sub3A_164 = arith.constant 1 : i32
      %sub3A_165 = vector.broadcast %sub3A_164 : i32 to vector<16xi32>
      %sub3A_166 = arith.subi %add3A_163, %sub3A_165 : vector<16xi32>
      tpu.vector_store_idx %arg8[%sub3A_166], %get3A_148 : memref<2112xi32, #tpu.memory_space<vmem>>[vector<16xi32>], vector<16xi32>,
      tpu.vector_store_idx %arg7[%add3A_157], %unique3A_161 masked %unique3A_160 {add = true} : memref<1024xi32, #tpu.memory_space<vmem>>[vector<16xi32>], vector<16xi32>, vector<16xi1>
      %mul3A_167 = arith.constant 16 : i32
      %mul3A_168 = arith.muli %scan3A_124, %mul3A_167 : i32
      %add3A_169 = arith.constant 1056 : i32
      %add3A_170 = arith.addi %add3A_169, %mul3A_168 : i32
      %get3A_171 = arith.index_cast %add3A_170 : i32 to index
      %get3A_172 = tpu.vector_load %arg9[%get3A_171] {strides = array<i32>} : memref<2112xi32, #tpu.memory_space<vmem>>, vector<16xi32>,
      %shift_right_arithmetic3A_173 = arith.constant 24 : i32
      %shift_right_arithmetic3A_174 = vector.broadcast %shift_right_arithmetic3A_173 : i32 to vector<16xi32>
      %shift_right_arithmetic3A_175 = arith.shrsi %get3A_172, %shift_right_arithmetic3A_174 : vector<16xi32>
      %add3A_176 = arith.constant 128 : i32
      %add3A_177 = vector.broadcast %add3A_176 : i32 to vector<16xi32>
      %add3A_178 = arith.addi %shift_right_arithmetic3A_175, %add3A_177 : vector<16xi32>
      %add3A_179 = arith.constant 512 : i32
      %add3A_180 = vector.broadcast %add3A_179 : i32 to vector<16xi32>
      %add3A_181 = arith.addi %add3A_178, %add3A_180 : vector<16xi32>
      %broadcast_in_dim3A_182 = arith.constant true
      %broadcast_in_dim3A_183 = vector.broadcast %broadcast_in_dim3A_182 : i1 to vector<16xi1>
      %unique3A_184, %unique3A_185 = tpu.scan_count mask(%broadcast_in_dim3A_183 : vector<16xi1>) value(%add3A_181 : vector<16xi32>) : vector<16xi1>, vector<16xi32>
      %gather3A_186 = tpu.vector_load_idx %arg7[%add3A_181] : memref<1024xi32, #tpu.memory_space<vmem>>[vector<16xi32>], vector<16xi32>,
      %add3A_187 = arith.addi %gather3A_186, %unique3A_185 : vector<16xi32>
      %sub3A_188 = arith.constant 1 : i32
      %sub3A_189 = vector.broadcast %sub3A_188 : i32 to vector<16xi32>
      %sub3A_190 = arith.subi %add3A_187, %sub3A_189 : vector<16xi32>
      tpu.vector_store_idx %arg8[%sub3A_190], %get3A_172 : memref<2112xi32, #tpu.memory_space<vmem>>[vector<16xi32>], vector<16xi32>,
      tpu.vector_store_idx %arg7[%add3A_181], %unique3A_185 masked %unique3A_184 {add = true} : memref<1024xi32, #tpu.memory_space<vmem>>[vector<16xi32>], vector<16xi32>, vector<16xi1>
      %mul3A_191 = arith.constant 16 : i32
      %mul3A_192 = arith.muli %scan3A_124, %mul3A_191 : i32
      %add3A_193 = arith.constant 1584 : i32
      %add3A_194 = arith.addi %add3A_193, %mul3A_192 : i32
      %get3A_195 = arith.index_cast %add3A_194 : i32 to index
      %get3A_196 = tpu.vector_load %arg9[%get3A_195] {strides = array<i32>} : memref<2112xi32, #tpu.memory_space<vmem>>, vector<16xi32>,
      %shift_right_arithmetic3A_197 = arith.constant 24 : i32
      %shift_right_arithmetic3A_198 = vector.broadcast %shift_right_arithmetic3A_197 : i32 to vector<16xi32>
      %shift_right_arithmetic3A_199 = arith.shrsi %get3A_196, %shift_right_arithmetic3A_198 : vector<16xi32>
      %add3A_200 = arith.constant 128 : i32
      %add3A_201 = vector.broadcast %add3A_200 : i32 to vector<16xi32>
      %add3A_202 = arith.addi %shift_right_arithmetic3A_199, %add3A_201 : vector<16xi32>
      %add3A_203 = arith.constant 768 : i32
      %add3A_204 = vector.broadcast %add3A_203 : i32 to vector<16xi32>
      %add3A_205 = arith.addi %add3A_202, %add3A_204 : vector<16xi32>
      %broadcast_in_dim3A_206 = arith.constant true
      %broadcast_in_dim3A_207 = vector.broadcast %broadcast_in_dim3A_206 : i1 to vector<16xi1>
      %unique3A_208, %unique3A_209 = tpu.scan_count mask(%broadcast_in_dim3A_207 : vector<16xi1>) value(%add3A_205 : vector<16xi32>) : vector<16xi1>, vector<16xi32>
      %gather3A_210 = tpu.vector_load_idx %arg7[%add3A_205] : memref<1024xi32, #tpu.memory_space<vmem>>[vector<16xi32>], vector<16xi32>,
      %add3A_211 = arith.addi %gather3A_210, %unique3A_209 : vector<16xi32>
      %sub3A_212 = arith.constant 1 : i32
      %sub3A_213 = vector.broadcast %sub3A_212 : i32 to vector<16xi32>
      %sub3A_214 = arith.subi %add3A_211, %sub3A_213 : vector<16xi32>
      tpu.vector_store_idx %arg8[%sub3A_214], %get3A_196 : memref<2112xi32, #tpu.memory_space<vmem>>[vector<16xi32>], vector<16xi32>,
      tpu.vector_store_idx %arg7[%add3A_205], %unique3A_209 masked %unique3A_208 {add = true} : memref<1024xi32, #tpu.memory_space<vmem>>[vector<16xi32>], vector<16xi32>, vector<16xi1>
      %scan3A_215 = arith.constant 1 : i32
      %scan3A_216 = arith.addi %scan3A_124, %scan3A_215 : i32
      %mul3A_217 = arith.constant 16 : i32
      %mul3A_218 = arith.muli %scan3A_216, %mul3A_217 : i32
      %add3A_219 = arith.constant 0 : i32
      %add3A_220 = arith.addi %add3A_219, %mul3A_218 : i32
      %get3A_221 = arith.index_cast %add3A_220 : i32 to index
      %get3A_222 = tpu.vector_load %arg9[%get3A_221] {strides = array<i32>} : memref<2112xi32, #tpu.memory_space<vmem>>, vector<16xi32>,
      %shift_right_arithmetic3A_223 = arith.constant 24 : i32
      %shift_right_arithmetic3A_224 = vector.broadcast %shift_right_arithmetic3A_223 : i32 to vector<16xi32>
      %shift_right_arithmetic3A_225 = arith.shrsi %get3A_222, %shift_right_arithmetic3A_224 : vector<16xi32>
      %add3A_226 = arith.constant 128 : i32
      %add3A_227 = vector.broadcast %add3A_226 : i32 to vector<16xi32>
      %add3A_228 = arith.addi %shift_right_arithmetic3A_225, %add3A_227 : vector<16xi32>
      %add3A_229 = arith.constant 0 : i32
      %add3A_230 = vector.broadcast %add3A_229 : i32 to vector<16xi32>
      %add3A_231 = arith.addi %add3A_228, %add3A_230 : vector<16xi32>
      %broadcast_in_dim3A_232 = arith.constant true
      %broadcast_in_dim3A_233 = vector.broadcast %broadcast_in_dim3A_232 : i1 to vector<16xi1>
      %unique3A_234, %unique3A_235 = tpu.scan_count mask(%broadcast_in_dim3A_233 : vector<16xi1>) value(%add3A_231 : vector<16xi32>) : vector<16xi1>, vector<16xi32>
      %gather3A_236 = tpu.vector_load_idx %arg7[%add3A_231] : memref<1024xi32, #tpu.memory_space<vmem>>[vector<16xi32>], vector<16xi32>,
      %add3A_237 = arith.addi %gather3A_236, %unique3A_235 : vector<16xi32>
      %sub3A_238 = arith.constant 1 : i32
      %sub3A_239 = vector.broadcast %sub3A_238 : i32 to vector<16xi32>
      %sub3A_240 = arith.subi %add3A_237, %sub3A_239 : vector<16xi32>
      tpu.vector_store_idx %arg8[%sub3A_240], %get3A_222 : memref<2112xi32, #tpu.memory_space<vmem>>[vector<16xi32>], vector<16xi32>,
      tpu.vector_store_idx %arg7[%add3A_231], %unique3A_235 masked %unique3A_234 {add = true} : memref<1024xi32, #tpu.memory_space<vmem>>[vector<16xi32>], vector<16xi32>, vector<16xi1>
      %mul3A_241 = arith.constant 16 : i32
      %mul3A_242 = arith.muli %scan3A_216, %mul3A_241 : i32
      %add3A_243 = arith.constant 528 : i32
      %add3A_244 = arith.addi %add3A_243, %mul3A_242 : i32
      %get3A_245 = arith.index_cast %add3A_244 : i32 to index
      %get3A_246 = tpu.vector_load %arg9[%get3A_245] {strides = array<i32>} : memref<2112xi32, #tpu.memory_space<vmem>>, vector<16xi32>,
      %shift_right_arithmetic3A_247 = arith.constant 24 : i32
      %shift_right_arithmetic3A_248 = vector.broadcast %shift_right_arithmetic3A_247 : i32 to vector<16xi32>
      %shift_right_arithmetic3A_249 = arith.shrsi %get3A_246, %shift_right_arithmetic3A_248 : vector<16xi32>
      %add3A_250 = arith.constant 128 : i32
      %add3A_251 = vector.broadcast %add3A_250 : i32 to vector<16xi32>
      %add3A_252 = arith.addi %shift_right_arithmetic3A_249, %add3A_251 : vector<16xi32>
      %add3A_253 = arith.constant 256 : i32
      %add3A_254 = vector.broadcast %add3A_253 : i32 to vector<16xi32>
      %add3A_255 = arith.addi %add3A_252, %add3A_254 : vector<16xi32>
      %broadcast_in_dim3A_256 = arith.constant true
      %broadcast_in_dim3A_257 = vector.broadcast %broadcast_in_dim3A_256 : i1 to vector<16xi1>
      %unique3A_258, %unique3A_259 = tpu.scan_count mask(%broadcast_in_dim3A_257 : vector<16xi1>) value(%add3A_255 : vector<16xi32>) : vector<16xi1>, vector<16xi32>
      %gather3A_260 = tpu.vector_load_idx %arg7[%add3A_255] : memref<1024xi32, #tpu.memory_space<vmem>>[vector<16xi32>], vector<16xi32>,
      %add3A_261 = arith.addi %gather3A_260, %unique3A_259 : vector<16xi32>
      %sub3A_262 = arith.constant 1 : i32
      %sub3A_263 = vector.broadcast %sub3A_262 : i32 to vector<16xi32>
      %sub3A_264 = arith.subi %add3A_261, %sub3A_263 : vector<16xi32>
      tpu.vector_store_idx %arg8[%sub3A_264], %get3A_246 : memref<2112xi32, #tpu.memory_space<vmem>>[vector<16xi32>], vector<16xi32>,
      tpu.vector_store_idx %arg7[%add3A_255], %unique3A_259 masked %unique3A_258 {add = true} : memref<1024xi32, #tpu.memory_space<vmem>>[vector<16xi32>], vector<16xi32>, vector<16xi1>
      %mul3A_265 = arith.constant 16 : i32
      %mul3A_266 = arith.muli %scan3A_216, %mul3A_265 : i32
      %add3A_267 = arith.constant 1056 : i32
      %add3A_268 = arith.addi %add3A_267, %mul3A_266 : i32
      %get3A_269 = arith.index_cast %add3A_268 : i32 to index
      %get3A_270 = tpu.vector_load %arg9[%get3A_269] {strides = array<i32>} : memref<2112xi32, #tpu.memory_space<vmem>>, vector<16xi32>,
      %shift_right_arithmetic3A_271 = arith.constant 24 : i32
      %shift_right_arithmetic3A_272 = vector.broadcast %shift_right_arithmetic3A_271 : i32 to vector<16xi32>
      %shift_right_arithmetic3A_273 = arith.shrsi %get3A_270, %shift_right_arithmetic3A_272 : vector<16xi32>
      %add3A_274 = arith.constant 128 : i32
      %add3A_275 = vector.broadcast %add3A_274 : i32 to vector<16xi32>
      %add3A_276 = arith.addi %shift_right_arithmetic3A_273, %add3A_275 : vector<16xi32>
      %add3A_277 = arith.constant 512 : i32
      %add3A_278 = vector.broadcast %add3A_277 : i32 to vector<16xi32>
      %add3A_279 = arith.addi %add3A_276, %add3A_278 : vector<16xi32>
      %broadcast_in_dim3A_280 = arith.constant true
      %broadcast_in_dim3A_281 = vector.broadcast %broadcast_in_dim3A_280 : i1 to vector<16xi1>
      %unique3A_282, %unique3A_283 = tpu.scan_count mask(%broadcast_in_dim3A_281 : vector<16xi1>) value(%add3A_279 : vector<16xi32>) : vector<16xi1>, vector<16xi32>
      %gather3A_284 = tpu.vector_load_idx %arg7[%add3A_279] : memref<1024xi32, #tpu.memory_space<vmem>>[vector<16xi32>], vector<16xi32>,
      %add3A_285 = arith.addi %gather3A_284, %unique3A_283 : vector<16xi32>
      %sub3A_286 = arith.constant 1 : i32
      %sub3A_287 = vector.broadcast %sub3A_286 : i32 to vector<16xi32>
      %sub3A_288 = arith.subi %add3A_285, %sub3A_287 : vector<16xi32>
      tpu.vector_store_idx %arg8[%sub3A_288], %get3A_270 : memref<2112xi32, #tpu.memory_space<vmem>>[vector<16xi32>], vector<16xi32>,
      tpu.vector_store_idx %arg7[%add3A_279], %unique3A_283 masked %unique3A_282 {add = true} : memref<1024xi32, #tpu.memory_space<vmem>>[vector<16xi32>], vector<16xi32>, vector<16xi1>
      %mul3A_289 = arith.constant 16 : i32
      %mul3A_290 = arith.muli %scan3A_216, %mul3A_289 : i32
      %add3A_291 = arith.constant 1584 : i32
      %add3A_292 = arith.addi %add3A_291, %mul3A_290 : i32
      %get3A_293 = arith.index_cast %add3A_292 : i32 to index
      %get3A_294 = tpu.vector_load %arg9[%get3A_293] {strides = array<i32>} : memref<2112xi32, #tpu.memory_space<vmem>>, vector<16xi32>,
      %shift_right_arithmetic3A_295 = arith.constant 24 : i32
      %shift_right_arithmetic3A_296 = vector.broadcast %shift_right_arithmetic3A_295 : i32 to vector<16xi32>
      %shift_right_arithmetic3A_297 = arith.shrsi %get3A_294, %shift_right_arithmetic3A_296 : vector<16xi32>
      %add3A_298 = arith.constant 128 : i32
      %add3A_299 = vector.broadcast %add3A_298 : i32 to vector<16xi32>
      %add3A_300 = arith.addi %shift_right_arithmetic3A_297, %add3A_299 : vector<16xi32>
      %add3A_301 = arith.constant 768 : i32
      %add3A_302 = vector.broadcast %add3A_301 : i32 to vector<16xi32>
      %add3A_303 = arith.addi %add3A_300, %add3A_302 : vector<16xi32>
      %broadcast_in_dim3A_304 = arith.constant true
      %broadcast_in_dim3A_305 = vector.broadcast %broadcast_in_dim3A_304 : i1 to vector<16xi1>
      %unique3A_306, %unique3A_307 = tpu.scan_count mask(%broadcast_in_dim3A_305 : vector<16xi1>) value(%add3A_303 : vector<16xi32>) : vector<16xi1>, vector<16xi32>
      %gather3A_308 = tpu.vector_load_idx %arg7[%add3A_303] : memref<1024xi32, #tpu.memory_space<vmem>>[vector<16xi32>], vector<16xi32>,
      %add3A_309 = arith.addi %gather3A_308, %unique3A_307 : vector<16xi32>
      %sub3A_310 = arith.constant 1 : i32
      %sub3A_311 = vector.broadcast %sub3A_310 : i32 to vector<16xi32>
      %sub3A_312 = arith.subi %add3A_309, %sub3A_311 : vector<16xi32>
      tpu.vector_store_idx %arg8[%sub3A_312], %get3A_294 : memref<2112xi32, #tpu.memory_space<vmem>>[vector<16xi32>], vector<16xi32>,
      tpu.vector_store_idx %arg7[%add3A_303], %unique3A_307 masked %unique3A_306 {add = true} : memref<1024xi32, #tpu.memory_space<vmem>>[vector<16xi32>], vector<16xi32>, vector<16xi1>
    }
    %scan3A_104 = arith.constant 32 : i32
    %parallel_loop3A_105 = arith.constant 0 : i32
    %parallel_loop3A_106 = arith.constant 128 : i32
    %parallel_loop3A_107 = arith.constant 1 : i32
    scf.for %parallel_loop3A_124 = %parallel_loop3A_105 to %parallel_loop3A_106 step %parallel_loop3A_107  : i32 {
      %parallel_loop3A_125 = arith.constant 32 : i32
      %parallel_loop3A_126 = arith.divsi %parallel_loop3A_124, %parallel_loop3A_125 : i32
      %parallel_loop3A_127 = arith.constant 0 : i32
      %parallel_loop3A_128 = arith.cmpi sgt, %parallel_loop3A_124, %parallel_loop3A_127 : i32
      %parallel_loop3A_129 = arith.extui %parallel_loop3A_128 : i1 to i32
      %parallel_loop3A_130 = arith.constant 0 : i32
      %parallel_loop3A_131 = arith.cmpi slt, %parallel_loop3A_124, %parallel_loop3A_130 : i32
      %parallel_loop3A_132 = arith.extui %parallel_loop3A_131 : i1 to i32
      %parallel_loop3A_133 = arith.subi %parallel_loop3A_129, %parallel_loop3A_132 : i32
      %parallel_loop3A_134 = arith.constant 0 : i32
      %parallel_loop3A_135 = arith.cmpi sgt, %parallel_loop3A_125, %parallel_loop3A_134 : i32
      %parallel_loop3A_136 = arith.extui %parallel_loop3A_135 : i1 to i32
      %parallel_loop3A_137 = arith.constant 0 : i32
      %parallel_loop3A_138 = arith.cmpi slt, %parallel_loop3A_125, %parallel_loop3A_137 : i32
      %parallel_loop3A_139 = arith.extui %parallel_loop3A_138 : i1 to i32
      %parallel_loop3A_140 = arith.subi %parallel_loop3A_136, %parallel_loop3A_139 : i32
      %parallel_loop3A_141 = arith.cmpi ne, %parallel_loop3A_133, %parallel_loop3A_140 : i32
      %parallel_loop3A_142 = arith.remsi %parallel_loop3A_124, %parallel_loop3A_125 : i32
      %parallel_loop3A_143 = arith.constant 0 : i32
      %parallel_loop3A_144 = arith.cmpi ne, %parallel_loop3A_142, %parallel_loop3A_143 : i32
      %parallel_loop3A_145 = arith.andi %parallel_loop3A_141, %parallel_loop3A_144 : i1
      %parallel_loop3A_146 = arith.constant 1 : i32
      %parallel_loop3A_147 = arith.subi %parallel_loop3A_126, %parallel_loop3A_146 : i32
      %parallel_loop3A_148 = arith.select %parallel_loop3A_145, %parallel_loop3A_147, %parallel_loop3A_126 : i32
      %parallel_loop3A_149 = arith.addi %parallel_loop3A_124, %parallel_loop3A_148 : i32
      %parallel_loop3A_150 = arith.constant 16 : i32
      %parallel_loop3A_151 = arith.muli %parallel_loop3A_149, %parallel_loop3A_150 : i32
      %parallel_loop3A_152 = arith.index_cast %parallel_loop3A_151 : i32 to index
      %parallel_loop3A_153 = tpu.vector_load %arg8[%parallel_loop3A_152] {strides = array<i32>} : memref<2112xi32, #tpu.memory_space<vmem>>, vector<16xi32>,
      %parallel_loop3A_154 = arith.constant 0 : i32
      %parallel_loop3A_155 = vector.broadcast %parallel_loop3A_154 : i32 to vector<16xi32>
      %parallel_loop3A_156 = arith.cmpi slt, %parallel_loop3A_153, %parallel_loop3A_155 : vector<16xi32>
      %parallel_loop3A_157 = arith.constant 2147483647 : i32
      %parallel_loop3A_158 = vector.broadcast %parallel_loop3A_157 : i32 to vector<16xi32>
      %parallel_loop3A_159 = arith.xori %parallel_loop3A_153, %parallel_loop3A_158 : vector<16xi32>
      %parallel_loop3A_160 = arith.select %parallel_loop3A_156, %parallel_loop3A_159, %parallel_loop3A_153 : vector<16xi1>, vector<16xi32>
      %parallel_loop3A_161 = vector.bitcast %parallel_loop3A_160 : vector<16xi32> to vector<16xf32>
      %parallel_loop3A_162 = arith.constant 16 : i32
      %parallel_loop3A_163 = arith.muli %parallel_loop3A_124, %parallel_loop3A_162 : i32
      %parallel_loop3A_164 = arith.index_cast %parallel_loop3A_163 : i32 to index
      %parallel_loop3A_165 = tpu.vector_load %arg10[%parallel_loop3A_164] {strides = array<i32>} : memref<2048xf32, #tpu.memory_space<vmem>>, vector<16xf32>,
      tpu.vector_store %arg10[%parallel_loop3A_164], %parallel_loop3A_161 {strides = array<i32>} : memref<2048xf32, #tpu.memory_space<vmem>>, vector<16xf32>,
    } {sc.loop_unroll_factor = 8 : i64, sc.parallel_access}
    %mul3A_108 = arith.constant 4 : i32
    %mul3A_109 = arith.muli %add3A, %mul3A_108 : i32
    %add3A_110 = arith.constant 0 : i32
    %add3A_111 = arith.addi %mul3A_109, %add3A_110 : i32
    "tpu.region"() ({
      %run_scoped3A = tpu.sem_alloc : memref<!tpu.dma_semaphore, #tpu.memory_space<semaphore_mem>>
      %dma_start3A = arith.constant 0 : i32
      %dma_start3A_124 = tpu.memref_slice %arg10[%dma_start3A] : memref<2048xf32, #tpu.memory_space<vmem>> -> memref<512xf32, #tpu.memory_space<vmem>>
      %dma_start3A_125 = arith.constant 0 : i32
      %dma_start3A_126 = tpu.memref_slice %arg3[%add3A_111, %dma_start3A_125] : memref<128x512xf32, #tpu.memory_space<hbm>> -> memref<1x512xf32, #tpu.memory_space<hbm>>
      %dma_start3A_127 = tpu.memref_squeeze %dma_start3A_126 : memref<1x512xf32, #tpu.memory_space<hbm>> -> memref<512xf32, #tpu.memory_space<hbm>>
      %dma_start3A_128 = arith.constant 0 : i32
      %dma_start3A_129 = tpu.memref_slice %arg3[%add3A_111, %dma_start3A_128] : memref<128x512xf32, #tpu.memory_space<hbm>> -> memref<1x512xf32, #tpu.memory_space<hbm>>
      %dma_start3A_130 = tpu.memref_squeeze %dma_start3A_129 : memref<1x512xf32, #tpu.memory_space<hbm>> -> memref<512xf32, #tpu.memory_space<hbm>>
      %dma_start3A_131 = arith.constant 0 : i32
      %dma_start3A_132 = tpu.memref_slice %arg10[%dma_start3A_131] : memref<2048xf32, #tpu.memory_space<vmem>> -> memref<512xf32, #tpu.memory_space<vmem>>
      tpu.enqueue_dma source(%dma_start3A_132 : memref<512xf32, #tpu.memory_space<vmem>>) target(%dma_start3A_130 : memref<512xf32, #tpu.memory_space<hbm>>) target_semaphore(%run_scoped3A : memref<!tpu.dma_semaphore, #tpu.memory_space<semaphore_mem>>)
      %dma_wait3A = arith.constant 0 : i32
      %dma_wait3A_133 = tpu.memref_slice %arg10[%dma_wait3A] : memref<2048xf32, #tpu.memory_space<vmem>> -> memref<512xf32, #tpu.memory_space<vmem>>
      %dma_wait3A_134 = arith.constant 0 : i32
      %dma_wait3A_135 = tpu.memref_slice %arg3[%add3A_111, %dma_wait3A_134] : memref<128x512xf32, #tpu.memory_space<hbm>> -> memref<1x512xf32, #tpu.memory_space<hbm>>
      %dma_wait3A_136 = tpu.memref_squeeze %dma_wait3A_135 : memref<1x512xf32, #tpu.memory_space<hbm>> -> memref<512xf32, #tpu.memory_space<hbm>>
      %dma_wait3A_137 = arith.constant 0 : i32
      %dma_wait3A_138 = tpu.memref_slice %arg3[%add3A_111, %dma_wait3A_137] : memref<128x512xf32, #tpu.memory_space<hbm>> -> memref<1x512xf32, #tpu.memory_space<hbm>>
      %dma_wait3A_139 = tpu.memref_squeeze %dma_wait3A_138 : memref<1x512xf32, #tpu.memory_space<hbm>> -> memref<512xf32, #tpu.memory_space<hbm>>
      %dma_wait3A_140 = arith.constant 0 : i32
      %dma_wait3A_141 = tpu.memref_slice %arg10[%dma_wait3A_140] : memref<2048xf32, #tpu.memory_space<vmem>> -> memref<512xf32, #tpu.memory_space<vmem>>
      tpu.wait_dma2 semaphore(%run_scoped3A : memref<!tpu.dma_semaphore, #tpu.memory_space<semaphore_mem>>) src(%dma_wait3A_141 : memref<512xf32, #tpu.memory_space<vmem>>) dst(%dma_wait3A_139 : memref<512xf32, #tpu.memory_space<hbm>>)
      tpu.yield
    }) : () -> ()
    %mul3A_112 = arith.constant 4 : i32
    %mul3A_113 = arith.muli %add3A, %mul3A_112 : i32
    %add3A_114 = arith.constant 1 : i32
    %add3A_115 = arith.addi %mul3A_113, %add3A_114 : i32
    "tpu.region"() ({
      %run_scoped3A = tpu.sem_alloc : memref<!tpu.dma_semaphore, #tpu.memory_space<semaphore_mem>>
      %dma_start3A = arith.constant 512 : i32
      %dma_start3A_124 = tpu.memref_slice %arg10[%dma_start3A] : memref<2048xf32, #tpu.memory_space<vmem>> -> memref<512xf32, #tpu.memory_space<vmem>>
      %dma_start3A_125 = arith.constant 0 : i32
      %dma_start3A_126 = tpu.memref_slice %arg3[%add3A_115, %dma_start3A_125] : memref<128x512xf32, #tpu.memory_space<hbm>> -> memref<1x512xf32, #tpu.memory_space<hbm>>
      %dma_start3A_127 = tpu.memref_squeeze %dma_start3A_126 : memref<1x512xf32, #tpu.memory_space<hbm>> -> memref<512xf32, #tpu.memory_space<hbm>>
      %dma_start3A_128 = arith.constant 0 : i32
      %dma_start3A_129 = tpu.memref_slice %arg3[%add3A_115, %dma_start3A_128] : memref<128x512xf32, #tpu.memory_space<hbm>> -> memref<1x512xf32, #tpu.memory_space<hbm>>
      %dma_start3A_130 = tpu.memref_squeeze %dma_start3A_129 : memref<1x512xf32, #tpu.memory_space<hbm>> -> memref<512xf32, #tpu.memory_space<hbm>>
      %dma_start3A_131 = arith.constant 512 : i32
      %dma_start3A_132 = tpu.memref_slice %arg10[%dma_start3A_131] : memref<2048xf32, #tpu.memory_space<vmem>> -> memref<512xf32, #tpu.memory_space<vmem>>
      tpu.enqueue_dma source(%dma_start3A_132 : memref<512xf32, #tpu.memory_space<vmem>>) target(%dma_start3A_130 : memref<512xf32, #tpu.memory_space<hbm>>) target_semaphore(%run_scoped3A : memref<!tpu.dma_semaphore, #tpu.memory_space<semaphore_mem>>)
      %dma_wait3A = arith.constant 512 : i32
      %dma_wait3A_133 = tpu.memref_slice %arg10[%dma_wait3A] : memref<2048xf32, #tpu.memory_space<vmem>> -> memref<512xf32, #tpu.memory_space<vmem>>
      %dma_wait3A_134 = arith.constant 0 : i32
      %dma_wait3A_135 = tpu.memref_slice %arg3[%add3A_115, %dma_wait3A_134] : memref<128x512xf32, #tpu.memory_space<hbm>> -> memref<1x512xf32, #tpu.memory_space<hbm>>
      %dma_wait3A_136 = tpu.memref_squeeze %dma_wait3A_135 : memref<1x512xf32, #tpu.memory_space<hbm>> -> memref<512xf32, #tpu.memory_space<hbm>>
      %dma_wait3A_137 = arith.constant 0 : i32
      %dma_wait3A_138 = tpu.memref_slice %arg3[%add3A_115, %dma_wait3A_137] : memref<128x512xf32, #tpu.memory_space<hbm>> -> memref<1x512xf32, #tpu.memory_space<hbm>>
      %dma_wait3A_139 = tpu.memref_squeeze %dma_wait3A_138 : memref<1x512xf32, #tpu.memory_space<hbm>> -> memref<512xf32, #tpu.memory_space<hbm>>
      %dma_wait3A_140 = arith.constant 512 : i32
      %dma_wait3A_141 = tpu.memref_slice %arg10[%dma_wait3A_140] : memref<2048xf32, #tpu.memory_space<vmem>> -> memref<512xf32, #tpu.memory_space<vmem>>
      tpu.wait_dma2 semaphore(%run_scoped3A : memref<!tpu.dma_semaphore, #tpu.memory_space<semaphore_mem>>) src(%dma_wait3A_141 : memref<512xf32, #tpu.memory_space<vmem>>) dst(%dma_wait3A_139 : memref<512xf32, #tpu.memory_space<hbm>>)
      tpu.yield
    }) : () -> ()
    %mul3A_116 = arith.constant 4 : i32
    %mul3A_117 = arith.muli %add3A, %mul3A_116 : i32
    %add3A_118 = arith.constant 2 : i32
    %add3A_119 = arith.addi %mul3A_117, %add3A_118 : i32
    "tpu.region"() ({
      %run_scoped3A = tpu.sem_alloc : memref<!tpu.dma_semaphore, #tpu.memory_space<semaphore_mem>>
      %dma_start3A = arith.constant 1024 : i32
      %dma_start3A_124 = tpu.memref_slice %arg10[%dma_start3A] : memref<2048xf32, #tpu.memory_space<vmem>> -> memref<512xf32, #tpu.memory_space<vmem>>
      %dma_start3A_125 = arith.constant 0 : i32
      %dma_start3A_126 = tpu.memref_slice %arg3[%add3A_119, %dma_start3A_125] : memref<128x512xf32, #tpu.memory_space<hbm>> -> memref<1x512xf32, #tpu.memory_space<hbm>>
      %dma_start3A_127 = tpu.memref_squeeze %dma_start3A_126 : memref<1x512xf32, #tpu.memory_space<hbm>> -> memref<512xf32, #tpu.memory_space<hbm>>
      %dma_start3A_128 = arith.constant 0 : i32
      %dma_start3A_129 = tpu.memref_slice %arg3[%add3A_119, %dma_start3A_128] : memref<128x512xf32, #tpu.memory_space<hbm>> -> memref<1x512xf32, #tpu.memory_space<hbm>>
      %dma_start3A_130 = tpu.memref_squeeze %dma_start3A_129 : memref<1x512xf32, #tpu.memory_space<hbm>> -> memref<512xf32, #tpu.memory_space<hbm>>
      %dma_start3A_131 = arith.constant 1024 : i32
      %dma_start3A_132 = tpu.memref_slice %arg10[%dma_start3A_131] : memref<2048xf32, #tpu.memory_space<vmem>> -> memref<512xf32, #tpu.memory_space<vmem>>
      tpu.enqueue_dma source(%dma_start3A_132 : memref<512xf32, #tpu.memory_space<vmem>>) target(%dma_start3A_130 : memref<512xf32, #tpu.memory_space<hbm>>) target_semaphore(%run_scoped3A : memref<!tpu.dma_semaphore, #tpu.memory_space<semaphore_mem>>)
      %dma_wait3A = arith.constant 1024 : i32
      %dma_wait3A_133 = tpu.memref_slice %arg10[%dma_wait3A] : memref<2048xf32, #tpu.memory_space<vmem>> -> memref<512xf32, #tpu.memory_space<vmem>>
      %dma_wait3A_134 = arith.constant 0 : i32
      %dma_wait3A_135 = tpu.memref_slice %arg3[%add3A_119, %dma_wait3A_134] : memref<128x512xf32, #tpu.memory_space<hbm>> -> memref<1x512xf32, #tpu.memory_space<hbm>>
      %dma_wait3A_136 = tpu.memref_squeeze %dma_wait3A_135 : memref<1x512xf32, #tpu.memory_space<hbm>> -> memref<512xf32, #tpu.memory_space<hbm>>
      %dma_wait3A_137 = arith.constant 0 : i32
      %dma_wait3A_138 = tpu.memref_slice %arg3[%add3A_119, %dma_wait3A_137] : memref<128x512xf32, #tpu.memory_space<hbm>> -> memref<1x512xf32, #tpu.memory_space<hbm>>
      %dma_wait3A_139 = tpu.memref_squeeze %dma_wait3A_138 : memref<1x512xf32, #tpu.memory_space<hbm>> -> memref<512xf32, #tpu.memory_space<hbm>>
      %dma_wait3A_140 = arith.constant 1024 : i32
      %dma_wait3A_141 = tpu.memref_slice %arg10[%dma_wait3A_140] : memref<2048xf32, #tpu.memory_space<vmem>> -> memref<512xf32, #tpu.memory_space<vmem>>
      tpu.wait_dma2 semaphore(%run_scoped3A : memref<!tpu.dma_semaphore, #tpu.memory_space<semaphore_mem>>) src(%dma_wait3A_141 : memref<512xf32, #tpu.memory_space<vmem>>) dst(%dma_wait3A_139 : memref<512xf32, #tpu.memory_space<hbm>>)
      tpu.yield
    }) : () -> ()
    %mul3A_120 = arith.constant 4 : i32
    %mul3A_121 = arith.muli %add3A, %mul3A_120 : i32
    %add3A_122 = arith.constant 3 : i32
    %add3A_123 = arith.addi %mul3A_121, %add3A_122 : i32
    "tpu.region"() ({
      %run_scoped3A = tpu.sem_alloc : memref<!tpu.dma_semaphore, #tpu.memory_space<semaphore_mem>>
      %dma_start3A = arith.constant 1536 : i32
      %dma_start3A_124 = tpu.memref_slice %arg10[%dma_start3A] : memref<2048xf32, #tpu.memory_space<vmem>> -> memref<512xf32, #tpu.memory_space<vmem>>
      %dma_start3A_125 = arith.constant 0 : i32
      %dma_start3A_126 = tpu.memref_slice %arg3[%add3A_123, %dma_start3A_125] : memref<128x512xf32, #tpu.memory_space<hbm>> -> memref<1x512xf32, #tpu.memory_space<hbm>>
      %dma_start3A_127 = tpu.memref_squeeze %dma_start3A_126 : memref<1x512xf32, #tpu.memory_space<hbm>> -> memref<512xf32, #tpu.memory_space<hbm>>
      %dma_start3A_128 = arith.constant 0 : i32
      %dma_start3A_129 = tpu.memref_slice %arg3[%add3A_123, %dma_start3A_128] : memref<128x512xf32, #tpu.memory_space<hbm>> -> memref<1x512xf32, #tpu.memory_space<hbm>>
      %dma_start3A_130 = tpu.memref_squeeze %dma_start3A_129 : memref<1x512xf32, #tpu.memory_space<hbm>> -> memref<512xf32, #tpu.memory_space<hbm>>
      %dma_start3A_131 = arith.constant 1536 : i32
      %dma_start3A_132 = tpu.memref_slice %arg10[%dma_start3A_131] : memref<2048xf32, #tpu.memory_space<vmem>> -> memref<512xf32, #tpu.memory_space<vmem>>
      tpu.enqueue_dma source(%dma_start3A_132 : memref<512xf32, #tpu.memory_space<vmem>>) target(%dma_start3A_130 : memref<512xf32, #tpu.memory_space<hbm>>) target_semaphore(%run_scoped3A : memref<!tpu.dma_semaphore, #tpu.memory_space<semaphore_mem>>)
      %dma_wait3A = arith.constant 1536 : i32
      %dma_wait3A_133 = tpu.memref_slice %arg10[%dma_wait3A] : memref<2048xf32, #tpu.memory_space<vmem>> -> memref<512xf32, #tpu.memory_space<vmem>>
      %dma_wait3A_134 = arith.constant 0 : i32
      %dma_wait3A_135 = tpu.memref_slice %arg3[%add3A_123, %dma_wait3A_134] : memref<128x512xf32, #tpu.memory_space<hbm>> -> memref<1x512xf32, #tpu.memory_space<hbm>>
      %dma_wait3A_136 = tpu.memref_squeeze %dma_wait3A_135 : memref<1x512xf32, #tpu.memory_space<hbm>> -> memref<512xf32, #tpu.memory_space<hbm>>
      %dma_wait3A_137 = arith.constant 0 : i32
      %dma_wait3A_138 = tpu.memref_slice %arg3[%add3A_123, %dma_wait3A_137] : memref<128x512xf32, #tpu.memory_space<hbm>> -> memref<1x512xf32, #tpu.memory_space<hbm>>
      %dma_wait3A_139 = tpu.memref_squeeze %dma_wait3A_138 : memref<1x512xf32, #tpu.memory_space<hbm>> -> memref<512xf32, #tpu.memory_space<hbm>>
      %dma_wait3A_140 = arith.constant 1536 : i32
      %dma_wait3A_141 = tpu.memref_slice %arg10[%dma_wait3A_140] : memref<2048xf32, #tpu.memory_space<vmem>> -> memref<512xf32, #tpu.memory_space<vmem>>
      tpu.wait_dma2 semaphore(%run_scoped3A : memref<!tpu.dma_semaphore, #tpu.memory_space<semaphore_mem>>) src(%dma_wait3A_141 : memref<512xf32, #tpu.memory_space<vmem>>) dst(%dma_wait3A_139 : memref<512xf32, #tpu.memory_space<hbm>>)
      tpu.yield
    }) : () -> ()
    return
  }
}

</mosaic_0001>

<sc_bundles>
// kernel: kernel.3.cloned.1.call-start
scs
__scs_entry_jumppad:
0x0: {  	(pc) =	sbr.rel $0x88, $3  }
0x1: {  	(tag) =	ssettag $0x0;
	lr =	simm.s32 $0x1  }
0x2: {  	[smem:$0x3FA0] =	sst lr;
	_ =	strace $0xD0000000  }
0x3: {  	_ = 	snop  }
0x4: {  	_ = 	snop  }
0x5: {  	_ = 	snop  }
0x6: {  	_ = 	snop  }
0x7: {  	_ = 	snop  }
__scs_overlays_trampoline_lowered:
0x8: {  	[smem:$0x3FAF] =	sst s0  }
0x9: {  	[smem:$0x3FB0] =	sst s1  }
0xa: {  	[smem:$0x3FB1] =	sst s2  }
0xb: {  	[smem:$0x3FB2] =	sst s3  }
0xc: {  	[smem:$0x3FB3] =	sst s4  }
0xd: {  	[smem:$0x3FB4] =	sst s5  }
0xe: {  	[smem:$0x3FB5] =	sst s6  }
0xf: {  	[smem:$0x3FB6] =	sst s7  }
0x10: {  	[smem:$0x3FB7] =	sst s8  }
0x11: {  	[smem:$0x3FB8] =	sst s9;
	s0 =	simm.s32 @!p0 $0x0  }
0x12: {  	s1 =	sld [smem:$0x3F9E];
	s0 =	simm.s32 @p0 $0x1  }
0x13: {  	[smem:$0x3FB9] =	sst s0;
	s0 =	simm.s32 @!p1 $0x0  }
0x14: {  	s2 =	sld [smem:$0x3F9D];
	s0 =	simm.s32 @p1 $0x1  }
0x15: {  	[smem:$0x3FBA] =	sst s0;
	s0 =	simm.s32 @!p2 $0x0  }
0x16: {  	s3 =	sld [smem:$0x3FDB];
	s0 =	simm.s32 @p2 $0x1  }
0x17: {  	s4 =	simm.s32 $0x1BF5;
	[smem:$0x3FBC] =	sst s0  }
0x18: {  	s0 =	sld [smem:$0x3F9F];
	_ =	swait.ge [sflag:s4], $0x0  }
0x19: {  	s7 =	sld [smem:$0x3FA0]  }
0x1a: {  	s8 =	sadd.s32 $0xFFFFE003, lr  }
0x1b: {  	s9 =	sadd.s32 $0xFFFFFEF7, lr;
	s5 =	simm.s32 $0xFFFFFFFF;
	p2 =	slt.u32 s8, $0xFFFFF086  }
0x1c: {  	p1 =	slt.u32 s9, $0xF7A;
	s5 =	simm.s32 @!p2 $0x0  }
0x1d: {  	s5 =	simm.s32 @p1 $0x1;
	p0 =	seq.s32 s7, s2  }
0x1e: {  	s7 =	smul.u32 @!p0 $0xF7A, s2;
	p2 =	seq.s32 @!p0 s5, $0x0  }
0x1f: {  	s9 =	smul.u32 $0xF7A, s1;
	s8 =	simm.s32 @!p0 $0x1BF5;
	p2 =	por !p2, p0  }
0x20: {  	[sflag:s8] =	ssyncset.s32 @!p0 $0xFFFFF086;
	s6 =	sadd.s32 @!p0 s3, s7;
	s7 =	simm.s32 @!p0 $0x108  }
0x21: {  	s3 =	sadd.s32 s3, s9;
	s6 =	sadd.s32 @!p0 $0x88, s6;
	s7 =	simm.s32 @p2 $0x1082  }
0x22: {  	[simem:s7], [sflag:s8] =	dma.local @!p0 [hbm:s6], $0xF7A  }
0x23: {  	s9 =	sor.u32 $0xD0000000, s2;
	s6 =	simm.s32 $0x108;
	_ =	swait.ge @!p0 [sflag:s8], $0x0  }
0x24: {  	s3 =	sadd.s32 $0x88, s3;
	s6 =	simm.s32 @!p1 $0x1082;
	[sflag:s4] =	ssyncset.s32 $0xFFFFF086  }
0x25: {  	[simem:s6], [sflag:s4] =	dma.local [hbm:s3], $0xF7A  }
0x26: {  	[smem:$0x3FA0] =	sst s1;
	(tag) =	ssettag s2;
	_ =	strace s9  }
0x27: {  	s1 =	sld [smem:$0x3FB0]  }
0x28: {  	s2 =	sld [smem:$0x3FB1]  }
0x29: {  	s4 =	sld [smem:$0x3FB3]  }
0x2a: {  	p0 =	seq.s32 s5, $0x0;
	s5 =	sld [smem:$0x3FB4]  }
0x2b: {  	s6 =	sld [smem:$0x3FB5]  }
0x2c: {  	s7 =	sld [smem:$0x3FB6]  }
0x2d: {  	s3 =	simm.s32 $0x108;
	s8 =	sld [smem:$0x3FB7]  }
0x2e: {  	s3 =	simm.s32 @!p0 $0x1082;
	s9 =	sld [smem:$0x3FB8]  }
0x2f: {  	lr =	sadd.s32 s0, s3;
	s0 =	sld [smem:$0x3FAF]  }
0x30: {  	s3 =	sld [smem:$0x3FB2]  }
0x31: {  	[smem:$0x3FBB] =	sst s10  }
0x32: {  	s10 =	sld [smem:$0x3FB9];
	_ =	sdelay $0x3  }
0x33: {  	p0 =	seq.s32 s10, $0x1;
	s10 =	sld [smem:$0x3FBB];
	_ =	sdelay $0x3  }
0x34: {  	[smem:$0x3FBB] =	sst s10  }
0x35: {  	s10 =	sld [smem:$0x3FBA];
	_ =	sdelay $0x3  }
0x36: {  	p1 =	seq.s32 s10, $0x1;
	s10 =	sld [smem:$0x3FBB];
	_ =	sdelay $0x3  }
0x37: {  	[smem:$0x3FBB] =	sst s10  }
0x38: {  	s10 =	sld [smem:$0x3FBC]  }
0x39: {  	_ = 	snop;
	(pc) =	sbr.ind lr, $3  }
0x3a: {  	_ = 	snop  }
0x3b: {  	_ = 	snop  }
0x3c: {  	p2 =	seq.s32 s10, $0x1;
	s10 =	sld [smem:$0x3FBB]  }
0x3d: {  	_ =	shalt  }
0x3e: {  	_ =	shalt  }
0x3f: {  	_ =	shalt  }
0x40: {  	_ =	shalt  }
0x41: {  	_ =	shalt  }
0x42: {  	_ =	shalt  }
0x43: {  	_ =	shalt  }
0x44: {  	_ =	shalt  }
0x45: {  	_ =	shalt  }
0x46: {  	_ =	shalt  }
0x47: {  	_ =	shalt  }
0x48: {  	_ =	shalt  }
0x49: {  	_ =	shalt  }
0x4a: {  	_ =	shalt  }
0x4b: {  	_ =	shalt  }
0x4c: {  	_ =	shalt  }
0x4d: {  	_ =	shalt  }
0x4e: {  	_ =	shalt  }
0x4f: {  	_ =	shalt  }
0x50: {  	_ =	shalt  }
0x51: {  	_ =	shalt  }
0x52: {  	_ =	shalt  }
0x53: {  	_ =	shalt  }
0x54: {  	_ =	shalt  }
0x55: {  	_ =	shalt  }
0x56: {  	_ =	shalt  }
0x57: {  	_ =	shalt  }
0x58: {  	_ =	shalt  }
0x59: {  	_ =	shalt  }
0x5a: {  	_ =	shalt  }
0x5b: {  	_ =	shalt  }
0x5c: {  	_ =	shalt  }
0x5d: {  	_ =	shalt  }
0x5e: {  	_ =	shalt  }
0x5f: {  	_ =	shalt  }
0x60: {  	_ =	shalt  }
0x61: {  	_ =	shalt  }
0x62: {  	_ =	shalt  }
0x63: {  	_ =	shalt  }
0x64: {  	_ =	shalt  }
0x65: {  	_ =	shalt  }
0x66: {  	_ =	shalt  }
0x67: {  	_ =	shalt  }
0x68: {  	_ =	shalt  }
0x69: {  	_ =	shalt  }
0x6a: {  	_ =	shalt  }
0x6b: {  	_ =	shalt  }
0x6c: {  	_ =	shalt  }
0x6d: {  	_ =	shalt  }
0x6e: {  	_ =	shalt  }
0x6f: {  	_ =	shalt  }
0x70: {  	_ =	shalt  }
0x71: {  	_ =	shalt  }
0x72: {  	_ =	shalt  }
0x73: {  	_ =	shalt  }
0x74: {  	_ =	shalt  }
0x75: {  	_ =	shalt  }
0x76: {  	_ =	shalt  }
0x77: {  	_ =	shalt  }
0x78: {  	_ =	shalt  }
0x79: {  	_ =	shalt  }
0x7a: {  	_ =	shalt  }
0x7b: {  	_ =	shalt  }
0x7c: {  	_ =	shalt  }
0x7d: {  	_ =	shalt  }
0x7e: {  	_ =	shalt  }
0x7f: {  	_ =	shalt  }
0x80: {  	_ =	shalt  }
0x81: {  	_ =	shalt  }
0x82: {  	_ =	shalt  }
0x83: {  	_ =	shalt  }
0x84: {  	_ =	shalt  }
0x85: {  	_ =	shalt  }
0x86: {  	_ =	shalt  }
0x87: {  	_ =	shalt  }
.Lfunc_end0:
.L_simem_size_0:
called_computation_lowered:
.L_overlay_start_0:
0x88: {  	s2 =	sld [smem:$0x3FD9]  }
0x89: {  	s3 =	sld [smem:$0x3FFE];
	_ =	sdelay $0x1  }
0x8a: {  	s1 =	srdreg.scid  }
0x8b: {  	s0 =	sand.u32 $0x1, s1  }
0x8c: {  	s18 =	sshll.u32 s0, $0xA;
	s2 =	sadd.s32 s3, s2  }
0x8d: {  	s2 =	sadd.s32 s2, s18  }
0x8e: {  	[smem:$0x3FC7] =	sst s2  }
0x8f: {  	_ = 	snop  }
0x90: {  	s2 =	sld [smem:$0x3FC9]  }
0x91: {  	s19 =	sld [smem:$0x3FD0];
	(tm) =	ssettm $0x1  }
0x92: {  	s4 =	sld [smem:$0x3FFB];
	_ =	sdelay $0x3  }
0x93: {  	_ =	strace s4  }
0x94: {  	s4 =	sld [smem:$0x3FFC];
	_ =	sdelay $0x3  }
0x95: {  	_ =	strace s4  }
0x96: {  	s4 =	sld [smem:$0x3FFD];
	_ =	sdelay $0x3  }
0x97: {  	_ =	strace s4  }
0x98: {  	_ =	strace $0x8FFFFFFF  }
0x99: {  	s20 =	sld [smem:$0x3FDB];
	_ =	sdelay $0x1  }
0x9a: {  	s5 =	simm.s32 $_scs_section_size  }
0x9b: {  	s6 =	simm.s32 $_size__tile_overlayer_lowered;
	s7 =	simm.s32 $_tile_overlayer_lowered  }
0x9c: {  	s23 =	simm.s32 $0x1BFF;
	s22 =	sshll.u32 s7, $0x1;
	s4 =	sadd.s32 s5, s20  }
0x9d: {  	s8 =	simm.s32 $0x0;
	s21 =	sshll.u32 s6, $0x1;
	s6 =	sadd.s32 s22, s4  }
0x9e: {  	[timem:s8], [sflag:s23] =	dma.local [hbm:s6], s21  }
0x9f: {  	_ =	swait.ge [sflag:s23], s21  }
0xa0: {  	s5 =	ssub.s32 $0x0, s21;
	[sflag:s23] =	ssyncset.done $0x0  }
0xa1: {  	[sflag:s23] =	ssyncadd.s32 s5;
	_ =	sdelay $0x1  }
0xa2: {  	s24 =	simm.s32 $0x1B8B  }
0xa3: {  	_ =	swait.ge [sflag:s24], $0x1  }
0xa4: {  	[sflag:s24] =	ssyncset.done $0x0  }
0xa5: {  	s25 =	simm.s32 $0x1B8E;
	[sflag:s24] =	ssyncadd.s32 $0xFFFFFFFF  }
0xa6: {  	s26 =	simm.s32 $execute0_lowered;
	[smem:$0x3FD2] =	sst s25  }
0xa7: {  	s5 =	sshll.u32 s26, $0x1;
	_ =	strace $0x80000046;
	[dreg:$0x1] =	wrdreg $0xFFFFFFFF  }
0xa8: {  	s28 =	simm.s32 $_size_execute0_lowered;
	s4 =	sadd.s32 s4, s5;
	[dreg:$0x0] =	wrdreg $0x0  }
0xa9: {  	s5 =	sshll.u32 s28, $0x1;
	[dreg:$0x2] =	wrdreg s4  }
0xaa: {  	[dreg:$0x3] =	wrdreg s5  }
0xab: {  	[dreg:$0x4] =	wrdreg $0xC0  }
0xac: {  	_ =	task [dreg:s8], $0x5FFFF  }
0xad: {  	[dreg:$0x1] =	wrdreg $0xFFFFFFFF  }
0xae: {  	[dreg:$0x0] =	wrdreg $0x60  }
0xaf: {  	[dreg:$0x2] =	wrdreg s2  }
0xb0: {  	[dreg:$0x3] =	wrdreg s19  }
0xb1: {  	[dreg:$0x4] =	wrdreg $0x9  }
0xb2: {  	_ =	task.clear_ibuf [dreg:s8], $0x5FFFF;
	_ =	strace $0x90000046  }
0xb3: {  	s29 =	simm.s32 $0x9;
	_ =	strace $0x80000048  }
0xb4: {  	_ =	swait.ge [sflag:s29], $0x1  }
0xb5: {  	[sflag:s29] =	ssyncadd.s32 $0xFFFFFFFF  }
0xb6: {  	_ =	strace $0x90000048  }
0xb7: {  	_ =	sfence  }
0xb8: {  	s30 =	sld [smem:$0x0];
	_ =	sdelay $0x2  }
0xb9: {  	s31 =	sshll.u32 s1, $0xD;
	s1 =	sshrl.u32 s1, $0x2  }
0xba: {  	s3 =	sand.u32 $0x4000, s31;
	s1 =	sadd.s32 s1, s30  }
0xbb: {  	s0 =	sor.u32 s3, s0;
	s1 =	sshll.u32 s1, $0x11  }
0xbc: {  	s0 =	sor.u32 s1, s0  }
0xbd: {  	s0 =	sadd.s32 $0x8F2B, s0  }
0xbe: {  	[sflag:s0] =	ssyncadd.remote.s32 $0x1  }
0xbf: {  	_ =	sfence.sel $0xFFFF  }
0xc0: {  	[dreg:$0x0] =	wrdreg $0xFFFFFFFF;
	(pc) =	sbr.abs _section_cstart, $3  }
0xc1: {  	[dreg:$0x1] =	wrdreg $0xFFFFFFFF  }
0xc2: {  	_ =	task.clear_ibuf [dreg:s8], $0x2FFFF;
	_ =	strace $0x9FFFFFFF  }
0xc3: {  	(tm) =	ssettm $0x7FFFFFFF  }
tec
execute0_lowered:
.L_overlay_start_1:
0x0: {  	(tag) =	ssettag $0x1  }
0x1: {  	s0 =	rddreg [dreg:$0x0]  }
0x2: {  	s1 =	rddreg [dreg:$0x1]  }
0x3: {  	s2 =	srdreg.scid;
	s5 =	stileid.u32;
	s9 =	simm.s32 $0x80  }
0x4: {  	s10 =	simm.s32 $0x400;
	s11 =	simm.s32 $0x1;
	s3 =	sand.u32 $0x1, s2  }
0x5: {  	s12 =	simm.s32 $0x10080;
	s13 =	simm.s32 $0x10880;
	s4 =	sshll.u32 s3, $0x4  }
0x6: {  	s14 =	simm.s32 $0x11500;
	s15 =	simm.s32 $0x10C80;
	s4 =	sor.u32 s5, s4  }
0x7: {  	s20 =	simm.s32 $0x0;
	s5 =	sshll.u32 s5, $0x6;
	s6 =	sshll.u32 s4, $0x8  }
0x8: {  	s2 =	simm.s32 $0x0;
	s24 =	sand.u32 $0x40, s5;
	s25 =	sand.u32 $0x1E00, s6  }
0x9: {  	[smem:$0x7FF] =	sst s2;
	s7 =	ssub.s32 $0x2, s3;
	s5 =	sor.u32 s24, s25  }
0xa: {  	_ =	strace $0x80000047;
	s26 =	sshrl.u32 s7, $0x1;
	s3 =	sadd.s32 s1, s5  }
0xb: {  	v0 =	vlaneseq.u32;
	s4 =	sshll.u32 s4, $0xE;
	s28 =	ssub.s32 s7, s26;
	s29 =	sadd.s32 $0x10, s3  }
0xc: {  	v1 =	vmul.u32 $0xFFFFFFFF, v0;
	s4 =	sand.u32 $0x78000, s4;
	s30 =	sadd.s32 $0x20, s3;
	[dreg:$0x3] =	wrdreg s29  }
0xd: {  	s0 =	sadd.s32 s0, s24;
	s31 =	sadd.s32 $0x30, s3;
	[dreg:$0x4] =	wrdreg s30  }
0xe: {  	v2 =	vimm.s32 $0x0;
	v3 =	vadd.s32 $0xF, v1;
	s8 =	smax.u32 s28, $0x1;
	s4 =	sadd.s32 s4, s0;
	[dreg:$0x5] =	wrdreg s31  }
.LBB2_1:
.Ltmp0:
0xf: {  	(pc) =	sbr.rel .LBB2_2-.Ltmp0, $2  }
0x10: {  	_ =	sdelay $0x2  }
0x11: {  	s21 =	simm.s32 $0x200;
	s22 =	simm.s32 $0x0  }
.LBB2_89:
0x12: {  	s0 =	smov.u32 s24  }
.LBB2_100:
0x13: {  	_ =	sdelay $0x2  }
0x14: {  	s1 =	spop @p1 (v2sf)  }
0x15: {  	s0 =	sadd.s32 @p1 s0, s1;
	s1 =	smov.u32 s24  }
0x16: {  	s1 =	smov.u32 @p1 s0;
	s0 =	spop @p0 (v2sf)  }
0x17: {  	s0 =	sadd.s32 @p0 s1, s0  }
0x18: {  	vm0 =	vmmov vm0;
	[tilespmem:s1+$0x10C80] =	vst.msk @p0 vm1, v4;
	s24 =	smov.u32 @p0 s0  }
0x19: {  	[tilespmem:s24+$0x10C80] =	vst.msk vm0, v4;
	s31 =	spop (v2sf)  }
.LBB2_101:
0x1a: {  	s22 =	sadd.s32 $0x1, s22  }
0x1b: {  	p0 =	sne.s32 s22, $0x4  }
.Ltmp1:
0x1c: {  	_ = 	snop;
	(pc) =	sbr.rel @!p0 .LBB2_102-.Ltmp1, $2  }
0x1d: {  	_ =	sdelay $0x2  }
0x1e: {  	s21 =	sadd.s32 $0x210, s21  }
.LBB2_2:
0x1f: {  	s0 =	sshll.u32 s22, $0x4  }
0x20: {  	s0 =	sadd.s32 s0, s4  }
0x21: {  	[tilespmem:s2], [sflag:$0x1] =	stream.strided.gather [hbm4b:s0+s9], $0x8000, s10, s9, $0x38;
	[tilespmem:$0x12580] =	vst v63  }
0x22: {  	_ =	swait.ge [sflag:s11], $0x8000  }
0x23: {  	[sflag:s11] =	ssyncset.done $0x0  }
0x24: {  	s0 =	simm.s32 $0x100C0;
	[sflag:s11] =	ssyncadd.s32 $0xFFFF8000  }
0x25: {  	[tilespmem:s0+$0xFFFFFFC0] =	vst v2  }
0x26: {  	[tilespmem:s0+$0x30] =	vst v2  }
0x27: {  	[tilespmem:s0+$0x20] =	vst v2  }
0x28: {  	[tilespmem:s0+$0x10] =	vst v2  }
0x29: {  	[tilespmem:s0+$0x0] =	vst v2  }
0x2a: {  	[tilespmem:s0+$0xFFFFFFF0] =	vst v2  }
0x2b: {  	s23 =	simm.s32 $0xFFFFFFF8;
	s1 =	simm.s32 $0x0;
	p0 =	por $0x0, $0x0;
	[tilespmem:s0+$0xFFFFFFE0] =	vst v2  }
.LBB2_3:
0x2c: {  	s1 =	sadd.s32 $0x8, s1;
	[tilespmem:s0+$0xFFFFFFD0] =	vst v2;
	s0 =	sadd.s32 $0x80, s0;
	v4 =	vimm.s32 $0x80000000  }
0x2d: {  	[tilespmem:s0+$0xFFFFFFC0] =	vst v2;
	p1 =	slt.u32 s1, $0x78  }
0x2e: {  	[tilespmem:s0+$0x30] =	vst v2  }
.Ltmp2:
0x2f: {  	[tilespmem:s0+$0x20] =	vst v2;
	(pc) =	sbr.rel @p1 .LBB2_3-.Ltmp2, $4  }
0x30: {  	[tilespmem:s0+$0x10] =	vst v2  }
0x31: {  	[tilespmem:s0+$0x0] =	vst v2  }
0x32: {  	[tilespmem:s0+$0xFFFFFFF0] =	vst v2  }
0x33: {  	[tilespmem:s0+$0xFFFFFFE0] =	vst v2  }
0x34: {  	[tilespmem:s0+$0xFFFFFFD0] =	vst v2;
	s0 =	simm.s32 $0x0  }
.LBB2_5:
0x35: {  	s1 =	simm.s32 $0x1  }
0x36: {  	s1 =	simm.s32 @!p0 $0x0  }
0x37: {  	s1 =	sshll.u32 s1, $0x7  }
0x38: {  	s1 =	sadd.s32 s1, s0  }
0x39: {  	v5 =	vld [tilespmem:s1+$0x0];
	_ =	sdelay $0x4  }
0x3a: {  	vm0 =	vlt.s32 v5, $0x0;
	v6 =	vxor.u32 $0x7FFFFFFF, v5  }
0x3b: {  	v5 =	vsel vm0, v6, v5  }
0x3c: {  	v6 =	vshra.s32 v5, $0x15  }
0x3d: {  	v6 =	vadd.s32 $0x400, v6  }
0x3e: {  	(xrf1) =	vunique.msk.u32 $0xffff, v6;
	_ =	sdelay $0xd  }
0x3f: {  	_, v7, vm12 =	vpop (xrf1);
	_ =	sdelay $0x5  }
0x40: {  	[tilespmem:v6+s12+$0x0] =	vst.idx.add.s32.msk vm12, v7  }
0x41: {  	v6 =	vld [tilespmem:s1+$0x110];
	_ =	sdelay $0x4  }
0x42: {  	vm13 =	vlt.s32 v6, $0x0;
	v7 =	vxor.u32 $0x7FFFFFFF, v6  }
0x43: {  	v6 =	vsel vm13, v7, v6  }
0x44: {  	v7 =	vshra.s32 v6, $0x15  }
0x45: {  	v7 =	vadd.s32 $0x400, v7  }
0x46: {  	(xrf1) =	vunique.msk.u32 $0xffff, v7;
	_ =	sdelay $0xd  }
0x47: {  	_, v8, vm14 =	vpop (xrf1);
	_ =	sdelay $0x5  }
0x48: {  	[tilespmem:v7+s12+$0x0] =	vst.idx.add.s32.msk vm14, v8  }
0x49: {  	v7 =	vld [tilespmem:s1+$0x220];
	_ =	sdelay $0x4  }
0x4a: {  	vm15 =	vlt.s32 v7, $0x0;
	v58 =	vxor.u32 $0x7FFFFFFF, v7  }
0x4b: {  	v7 =	vsel vm15, v58, v7  }
0x4c: {  	v8 =	vshra.s32 v7, $0x15  }
0x4d: {  	v8 =	vadd.s32 $0x400, v8  }
0x4e: {  	(xrf1) =	vunique.msk.u32 $0xffff, v8;
	_ =	sdelay $0xd  }
0x4f: {  	_, v9, vm4 =	vpop (xrf1);
	_ =	sdelay $0x5  }
0x50: {  	[tilespmem:v8+s12+$0x0] =	vst.idx.add.s32.msk vm4, v9  }
0x51: {  	v8 =	vld [tilespmem:s1+$0x330];
	_ =	sdelay $0x4  }
0x52: {  	vm5 =	vlt.s32 v8, $0x0;
	v59 =	vxor.u32 $0x7FFFFFFF, v8  }
0x53: {  	v8 =	vsel vm5, v59, v8  }
0x54: {  	v9 =	vshra.s32 v8, $0x15  }
0x55: {  	v9 =	vadd.s32 $0x400, v9  }
0x56: {  	(xrf1) =	vunique.msk.u32 $0xffff, v9;
	_ =	sdelay $0xd  }
0x57: {  	_, v10, vm6 =	vpop (xrf1);
	_ =	sdelay $0x5  }
0x58: {  	[tilespmem:v9+s12+$0x0] =	vst.idx.add.s32.msk vm6, v10  }
0x59: {  	v9 =	vld [tilespmem:s1+$0x440];
	_ =	sdelay $0x4  }
0x5a: {  	vm7 =	vlt.s32 v9, $0x0;
	v60 =	vxor.u32 $0x7FFFFFFF, v9  }
0x5b: {  	v9 =	vsel vm7, v60, v9  }
0x5c: {  	v10 =	vshra.s32 v9, $0x15  }
0x5d: {  	v10 =	vadd.s32 $0x400, v10  }
0x5e: {  	(xrf1) =	vunique.msk.u32 $0xffff, v10;
	_ =	sdelay $0xd  }
0x5f: {  	_, v11, vm8 =	vpop (xrf1);
	_ =	sdelay $0x5  }
0x60: {  	[tilespmem:v10+s12+$0x0] =	vst.idx.add.s32.msk vm8, v11  }
0x61: {  	v10 =	vld [tilespmem:s1+$0x550];
	_ =	sdelay $0x4  }
0x62: {  	vm9 =	vlt.s32 v10, $0x0;
	v61 =	vxor.u32 $0x7FFFFFFF, v10  }
0x63: {  	v10 =	vsel vm9, v61, v10  }
0x64: {  	v11 =	vshra.s32 v10, $0x15  }
0x65: {  	v11 =	vadd.s32 $0x400, v11  }
0x66: {  	(xrf1) =	vunique.msk.u32 $0xffff, v11;
	_ =	sdelay $0xd  }
0x67: {  	_, v12, vm10 =	vpop (xrf1);
	_ =	sdelay $0x5  }
0x68: {  	[tilespmem:v11+s12+$0x0] =	vst.idx.add.s32.msk vm10, v12  }
0x69: {  	v11 =	vld [tilespmem:s1+$0x660];
	_ =	sdelay $0x4  }
0x6a: {  	vm11 =	vlt.s32 v11, $0x0;
	v62 =	vxor.u32 $0x7FFFFFFF, v11  }
0x6b: {  	v11 =	vsel vm11, v62, v11  }
0x6c: {  	v12 =	vshra.s32 v11, $0x15  }
0x6d: {  	v12 =	vadd.s32 $0x400, v12  }
0x6e: {  	(xrf1) =	vunique.msk.u32 $0xffff, v12;
	_ =	sdelay $0xd  }
0x6f: {  	_, v13, vm12 =	vpop (xrf1);
	_ =	sdelay $0x5  }
0x70: {  	[tilespmem:v12+s12+$0x0] =	vst.idx.add.s32.msk vm12, v13  }
0x71: {  	v12 =	vld [tilespmem:s1+$0x770];
	_ =	sdelay $0x4  }
0x72: {  	vm13 =	vlt.s32 v12, $0x0;
	v63 =	vxor.u32 $0x7FFFFFFF, v12  }
0x73: {  	v12 =	vsel vm13, v63, v12  }
0x74: {  	v13 =	vshra.s32 v12, $0x15  }
0x75: {  	v13 =	vadd.s32 $0x400, v13  }
0x76: {  	(xrf1) =	vunique.msk.u32 $0xffff, v13;
	_ =	sdelay $0x4  }
0x77: {  	vm14 =	vgt.s32 v4, v5  }
0x78: {  	v4 =	vsel vm14, v4, v5  }
0x79: {  	vm0 =	vgt.s32 v4, v6  }
0x7a: {  	v4 =	vsel vm0, v4, v6  }
0x7b: {  	vm0 =	vgt.s32 v4, v7  }
0x7c: {  	v4 =	vsel vm0, v4, v7  }
0x7d: {  	vm0 =	vgt.s32 v4, v8  }
0x7e: {  	v4 =	vsel vm0, v4, v8  }
0x7f: {  	vm0 =	vgt.s32 v4, v9  }
0x80: {  	s23 =	sadd.s32 $0x8, s23;
	v4 =	vsel vm0, v4, v9;
	_, v5, vm15 =	vpop (xrf1)  }
0x81: {  	p1 =	slt.u32 s23, $0x78;
	vm1 =	vgt.s32 v4, v10  }
.Ltmp3:
0x82: {  	v4 =	vsel vm1, v4, v10;
	(pc) =	sbr.rel @p1 .LBB2_5-.Ltmp3, $4  }
0x83: {  	vm1 =	vgt.s32 v4, v11  }
0x84: {  	v4 =	vsel vm1, v4, v11  }
0x85: {  	vm1 =	vgt.s32 v4, v12  }
0x86: {  	p0 =	por !p0, !p0;
	s0 =	sadd.s32 $0x800, s0;
	v4 =	vsel vm1, v4, v12;
	[tilespmem:v13+s12+$0x0] =	vst.idx.add.s32.msk vm15, v5  }
0x87: {  	v4 =	vxor.u32 $0x80000000, v4  }
0x88: {  	(xrf0) =	vmax.scan.msk.u32 $0xffff, v4;
	_ =	sdelay $0x5  }
0x89: {  	v4, _, _ =	vpop (xrf0)  }
0x8a: {  	(v2sf) =	vpush v4, $0xF;
	_ =	sdelay $0xe  }
0x8b: {  	s0 =	spop (v2sf)  }
0x8c: {  	s0 =	sshra.s32 s0, $0x15  }
0x8d: {  	s0 =	sxor.u32 $0xFFFFFC00, s0  }
0x8e: {  	s1 =	ssub.s32 $0x3FF, s0  }
0x8f: {  	s16 =	sand.u32 $0xF, s1  }
0x90: {  	p0 =	sgt.s32 s0, $0x3FE;
	p1 =	sne.s32 s16, $0x0  }
0x91: {  	s31 =	sshrl.u32 s1, $0x1C;
	p0 =	por !p0, !p1  }
0x92: {  	s0 =	sadd.s32 s31, s1;
	s1 =	simm.s32 $0x1;
	p0 =	por !p0, !p0  }
0x93: {  	s0 =	sshra.s32 s0, $0x4;
	s1 =	simm.s32 @!p0 $0x0  }
0x94: {  	s0 =	ssub.s32 s0, s1  }
0x95: {  	p0 =	sgt.s32 s0, $0x7F  }
.Ltmp4:
0x96: {  	_ = 	snop;
	(pc) =	sbr.rel @p0 .LBB2_10-.Ltmp4, $2  }
0x97: {  	_ =	sdelay $0x2  }
0x98: {  	s1 =	simm.s32 $0x807FFFFF  }
0x99: {  	s1 =	sshll.u32 s0, $0x6  }
0x9a: {  	s17 =	ssub.s32 $0x0, s1  }
0x9b: {  	s16 =	sshll.u32 s0, $0x4;
	s18 =	simm.s32 $0x0;
	s31 =	sshra.s32 s17, $0x2  }
0x9c: {  	s1 =	ssub.s32 $0x7FF, s16;
	s17 =	simm.s32 $0x0;
	s16 =	sadd.s32 $0x10870, s31  }
.LBB2_8:
0x9d: {  	v4 =	vld [tilespmem:s16+$0x0];
	_ =	sdelay $0x4  }
0x9e: {  	v4 =	vperm.xlane v4, v3;
	_ =	sdelay $0x1  }
0x9f: {  	(xrf0) =	vadd.scan.msk.s32 $0xffff, v4;
	_ =	sdelay $0x5  }
0xa0: {  	v4, _, _ =	vpop (xrf0)  }
0xa1: {  	v5 =	vadd.s32 s18, v4  }
0xa2: {  	vm0 =	vgt.s32 v5, $0x3F  }
0xa3: {  	v5 =	vmpcnt.ones.xlane vm0  }
0xa4: {  	v6 =	vmctz.xlane vm0  }
0xa5: {  	(v2sf) =	vpush v5, $0x0  }
0xa6: {  	(v2sf) =	vpush v6, $0x0;
	_ =	sdelay $0x6  }
0xa7: {  	(v2sf) =	vpush v4, $0xF;
	_ =	sdelay $0x6  }
0xa8: {  	s19 =	spop (v2sf)  }
0xa9: {  	s24 =	smov.u32 s17;
	s23 =	spop (v2sf)  }
0xaa: {  	p0 =	sgt.s32 s19, $0x0;
	p1 =	slt.s32 s19, $0x1;
	s17 =	ssub.s32 s1, s23  }
0xab: {  	s17 =	smov.u32 @p1 s24;
	p1 =	slt.s32 @!p0 s0, $0x7F  }
0xac: {  	p0 =	por p0, !p1  }
.Ltmp5:
0xad: {  	_ = 	snop;
	(pc) =	sbr.rel @!p0 .LBB2_8-.Ltmp5, $3  }
0xae: {  	_ =	sdelay $0x1  }
0xaf: {  	s16 =	sadd.s32 $0xFFFFFFF0, s16;
	s31 =	spop (v2sf)  }
0xb0: {  	s1 =	sadd.s32 $0xFFFFFFF0, s1;
	s0 =	sadd.s32 $0x1, s0;
	s18 =	sadd.s32 s18, s31  }
0xb1: {  	s0 =	sshll.u32 s17, $0x15  }
0xb2: {  	s1 =	sxor.u32 $0x80000000, s0  }
0xb3: {  	p0 =	sgt.s32 s1, $0x807FFFFF  }
0xb4: {  	s1 =	simm.s32 @!p0 $0x807FFFFF  }
.LBB2_10:
0xb5: {  	s0 =	simm.s32 $0x40  }
0xb6: {  	v22 =	vld [tilespmem:s0+$0xFFFFFFC0]  }
0xb7: {  	v11 =	vld [tilespmem:s0+$0xFFFFFFD0]  }
0xb8: {  	v4 =	vmov s1;
	v7 =	vld [tilespmem:s0+$0xFFFFFFE0]  }
0xb9: {  	vm0 =	vlt.s32 v4, $0x0;
	v4 =	vxor.u32 $0x7FFFFFFF, v4;
	v8 =	vld [tilespmem:s0+$0xFFFFFFF0]  }
0xba: {  	v9 =	vld [tilespmem:s0+$0x0];
	v12 =	vnsel vm0, s1, v4  }
0xbb: {  	vm2 =	vge.f32 v22, v12  }
0xbc: {  	v6 =	vld [tilespmem:s0+$0x10];
	vm3 =	vge.f32 v11, v12;
	v10 =	vmpcnt.ones.xlane vm2  }
0xbd: {  	v5 =	vld [tilespmem:s0+$0x20];
	vm5 =	vge.f32 v7, v12;
	v13 =	vmpcnt.ones.xlane vm3  }
0xbe: {  	v4 =	vld [tilespmem:s0+$0x30];
	vm6 =	vge.f32 v8, v12;
	v14 =	vmpcnt.ones.xlane vm5;
	(v2sf) =	vpush v10, $0x0  }
0xbf: {  	s31 =	simm.s32 $0xC0;
	vm7 =	vge.f32 v9, v12;
	v15 =	vmpcnt.ones.xlane vm6;
	(v2sf) =	vpush v13, $0x0  }
0xc0: {  	v16 =	vmpcnt.ones.xlane vm7;
	v10 =	vld [tilespmem:s31+$0xFFFFFFC0];
	(v2sf) =	vpush v14, $0x0  }
0xc1: {  	vm10 =	vge.f32 v6, v12;
	v13 =	vld [tilespmem:s31+$0xFFFFFFD0];
	(v2sf) =	vpush v15, $0x0  }
0xc2: {  	vm0 =	vge.f32 v5, v12;
	v14 =	vmpcnt.ones.xlane vm10;
	(v2sf) =	vpush v16, $0x0;
	v16 =	vld [tilespmem:s31+$0xFFFFFFE0]  }
0xc3: {  	vm1 =	vge.f32 v4, v12;
	v15 =	vmpcnt.ones.xlane vm0  }
0xc4: {  	vm13 =	vmmov vm2;
	v18 =	vmpcnt.ones.xlane vm1;
	(v2sf) =	vpush v14, $0x0  }
0xc5: {  	vm4 =	vmmov vm3;
	vm2 =	vge.f32 v10, v12;
	(v2sf) =	vpush v15, $0x0  }
0xc6: {  	v17 =	vld [tilespmem:s31+$0xFFFFFFF0];
	vm3 =	vge.f32 v13, v12;
	(v2sf) =	vpush v18, $0x0;
	v18 =	vmpcnt.ones.xlane vm2  }
0xc7: {  	v14 =	vld [tilespmem:s31+$0x0];
	v19 =	vmpcnt.ones.xlane vm3;
	vm8 =	vge.f32 v16, v12  }
0xc8: {  	v15 =	vld [tilespmem:s31+$0x10];
	(v2sf) =	vpush v18, $0x0;
	v23 =	vmpcnt.ones.xlane vm8  }
0xc9: {  	(v2sf) =	vpush v19, $0x0  }
0xca: {  	v18 =	vld [tilespmem:s31+$0x20];
	(v2sf) =	vpush v23, $0x0  }
0xcb: {  	vm11 =	vge.f32 v17, v12;
	vm5 =	vmmov vm5;
	vm6 =	vmmov vm6;
	v19 =	vld [tilespmem:s31+$0x30]  }
0xcc: {  	s16 =	simm.s32 $0x0;
	vm9 =	vmmov vm7;
	v20 =	vmpcnt.ones.xlane vm11;
	vm12 =	vge.f32 v14, v12  }
0xcd: {  	s23 =	smul.u32 $0x210, s22;
	s0 =	simm.s32 $0x8;
	s1 =	simm.s32 $0x140;
	vm7 =	vmmov vm10;
	[tilespmem:s16+$0x8000] =	vst.msk vm13, v22;
	v21 =	vmpcnt.ones.xlane vm12;
	vm10 =	vge.f32 v15, v12  }
.LBB2_11:
0xce: {  	v23 =	vmpcnt.ones.xlane vm10;
	(v2sf) =	vpush v20, $0x0  }
0xcf: {  	v22 =	vld [tilespmem:s1+$0xFFFFFFC0];
	s0 =	sadd.s32 $0x8, s0;
	v20 =	vmovc v18;
	vm15 =	vmmov vm0;
	vm0 =	vge.f32 v18, v12;
	vm13 =	vmmov vm1  }
0xd0: {  	v24 =	vld [tilespmem:s1+$0xFFFFFFD0];
	p0 =	slt.u32 s0, $0x7F8;
	v18 =	vmpcnt.ones.xlane vm0;
	vm1 =	vge.f32 v19, v12;
	(v2sf) =	vpush v21, $0x0;
	s17 =	spop (v2sf);
	v21 =	vmovc v19  }
0xd1: {  	vm14 =	vmmov vm2;
	v25 =	vld [tilespmem:s1+$0xFFFFFFE0];
	v19 =	vmpcnt.ones.xlane vm1;
	(v2sf) =	vpush v23, $0x0;
	s16 =	sadd.s32 s16, s17;
	s17 =	spop (v2sf)  }
0xd2: {  	v23 =	vld [tilespmem:s1+$0xFFFFFFF0];
	(v2sf) =	vpush v18, $0x0;
	[tilespmem:s16+$0x8000] =	vst.msk vm4, v11;
	s16 =	sadd.s32 s16, s17;
	s17 =	spop (v2sf);
	v11 =	vmov v13;
	vm4 =	vmmov vm3  }
0xd3: {  	v26 =	vld [tilespmem:s1+$0x0];
	(v2sf) =	vpush v19, $0x0;
	[tilespmem:s16+$0x8000] =	vst.msk vm5, v7;
	s16 =	sadd.s32 s16, s17;
	s17 =	spop (v2sf);
	v7 =	vmov v16;
	vm5 =	vmmov vm8  }
0xd4: {  	vm2 =	vge.f32 v22, v12;
	v27 =	vld [tilespmem:s1+$0x10];
	[tilespmem:s16+$0x8000] =	vst.msk vm6, v8;
	s16 =	sadd.s32 s16, s17;
	s17 =	spop (v2sf);
	v8 =	vmov v17;
	vm6 =	vmmov vm11  }
.Ltmp6:
0xd5: {  	v28 =	vmpcnt.ones.xlane vm2;
	vm3 =	vge.f32 v24, v12;
	v18 =	vld [tilespmem:s1+$0x20];
	[tilespmem:s16+$0x8000] =	vst.msk vm9, v9;
	s16 =	sadd.s32 s16, s17;
	s17 =	spop (v2sf);
	v13 =	vmovc v24;
	v9 =	vmovc v14;
	vm9 =	vmmov vm12;
	(pc) =	sbr.rel @p0 .LBB2_11-.Ltmp6, $4  }
0xd6: {  	v24 =	vmpcnt.ones.xlane vm3;
	vm8 =	vge.f32 v25, v12;
	v19 =	vld [tilespmem:s1+$0x30];
	[tilespmem:s16+$0x8000] =	vst.msk vm7, v6;
	s16 =	sadd.s32 s16, s17;
	s17 =	spop (v2sf);
	v16 =	vmovc v25;
	v6 =	vmovc v15;
	vm7 =	vmmov vm10  }
0xd7: {  	v25 =	vmpcnt.ones.xlane vm8;
	vm11 =	vge.f32 v23, v12;
	(v2sf) =	vpush v28, $0x0;
	[tilespmem:s16+$0x8000] =	vst.msk vm15, v5;
	s16 =	sadd.s32 s16, s17;
	s17 =	spop (v2sf);
	v17 =	vmovc v23;
	v5 =	vmovc v20  }
0xd8: {  	v20 =	vmpcnt.ones.xlane vm11;
	vm12 =	vge.f32 v26, v12;
	(v2sf) =	vpush v24, $0x0;
	[tilespmem:s16+$0x8000] =	vst.msk vm13, v4;
	s16 =	sadd.s32 s16, s17;
	v14 =	vmovc v26;
	v4 =	vmovc v21  }
0xd9: {  	s1 =	sadd.s32 $0x80, s1;
	v21 =	vmpcnt.ones.xlane vm12;
	vm10 =	vge.f32 v27, v12;
	(v2sf) =	vpush v25, $0x0;
	[tilespmem:s16+$0x8000] =	vst.msk vm14, v10;
	v10 =	vmovc v22;
	v15 =	vmovc v27  }
0xda: {  	v22 =	vmpcnt.ones.xlane vm10;
	vm13 =	vge.f32 v18, v12;
	(v2sf) =	vpush v20, $0x0  }
0xdb: {  	v63 =	vmpcnt.ones.xlane vm13;
	vm14 =	vge.f32 v19, v12;
	(v2sf) =	vpush v21, $0x0  }
0xdc: {  	v12 =	vmpcnt.ones.xlane vm14;
	(v2sf) =	vpush v22, $0x0  }
0xdd: {  	(v2sf) =	vpush v63, $0x0  }
0xde: {  	s0 =	spop (v2sf);
	(v2sf) =	vpush v12, $0x0  }
0xdf: {  	s1 =	spop (v2sf);
	s0 =	sadd.s32 s16, s0  }
0xe0: {  	s31 =	spop (v2sf);
	s1 =	sadd.s32 s0, s1  }
0xe1: {  	s16 =	sadd.s32 s1, s31;
	s17 =	spop (v2sf)  }
0xe2: {  	s5 =	sadd.s32 s16, s17;
	s6 =	spop (v2sf)  }
0xe3: {  	s7 =	sadd.s32 s5, s6;
	s18 =	spop (v2sf)  }
0xe4: {  	s19 =	sadd.s32 s7, s18;
	s24 =	spop (v2sf)  }
0xe5: {  	s25 =	sadd.s32 s19, s24;
	s26 =	spop (v2sf)  }
0xe6: {  	[tilespmem:s0+$0x8000] =	vst.msk vm4, v11;
	s28 =	sadd.s32 s25, s26;
	s29 =	spop (v2sf)  }
0xe7: {  	[tilespmem:s16+$0x8000] =	vst.msk vm6, v8;
	s30 =	sadd.s32 s28, s29;
	s31 =	spop (v2sf)  }
0xe8: {  	[tilespmem:s5+$0x8000] =	vst.msk vm9, v9;
	s5 =	sadd.s32 s30, s31;
	s6 =	spop (v2sf)  }
0xe9: {  	vm0 =	vmmov vm0;
	[tilespmem:s7+$0x8000] =	vst.msk vm7, v6;
	s7 =	sadd.s32 s5, s6;
	s18 =	spop (v2sf)  }
0xea: {  	vm1 =	vmmov vm1;
	[tilespmem:s19+$0x8000] =	vst.msk vm0, v5;
	s19 =	sadd.s32 s7, s18;
	s24 =	spop (v2sf)  }
0xeb: {  	vm6 =	vmmov vm2;
	[tilespmem:s25+$0x8000] =	vst.msk vm1, v4;
	s25 =	sadd.s32 s19, s24;
	s26 =	spop (v2sf)  }
0xec: {  	vm7 =	vmmov vm3;
	[tilespmem:s28+$0x8000] =	vst.msk vm6, v10;
	s28 =	sadd.s32 s25, s26;
	s29 =	spop (v2sf)  }
0xed: {  	[tilespmem:s30+$0x8000] =	vst.msk vm7, v13;
	s30 =	sadd.s32 s28, s29;
	s31 =	spop (v2sf)  }
0xee: {  	vm8 =	vmmov vm8;
	[tilespmem:s1+$0x8000] =	vst.msk vm5, v7;
	s0 =	sadd.s32 s30, s31  }
0xef: {  	vm9 =	vmmov vm11;
	[tilespmem:s5+$0x8000] =	vst.msk vm8, v16;
	p0 =	sgt.s32 s0, $0x1FF  }
.Ltmp7:
0xf0: {  	vm11 =	vmmov vm12;
	[tilespmem:s7+$0x8000] =	vst.msk vm9, v17;
	(pc) =	sbr.rel @p0 .LBB2_16-.Ltmp7, $4  }
0xf1: {  	vm12 =	vmmov vm10;
	[tilespmem:s19+$0x8000] =	vst.msk vm11, v14  }
0xf2: {  	vm13 =	vmmov vm13;
	[tilespmem:s25+$0x8000] =	vst.msk vm12, v15  }
0xf3: {  	vm15 =	vmmov vm14;
	[tilespmem:s28+$0x8000] =	vst.msk vm13, v18  }
0xf4: {  	[tilespmem:s30+$0x8000] =	vst.msk vm15, v19  }
0xf5: {  	s16 =	simm.s32 $0x40  }
0xf6: {  	v7 =	vld [tilespmem:s16+$0x30]  }
0xf7: {  	v8 =	vld [tilespmem:s16+$0xFFFFFFD0]  }
0xf8: {  	v9 =	vld [tilespmem:s16+$0xFFFFFFE0]  }
0xf9: {  	v4 =	vld [tilespmem:s16+$0xFFFFFFF0]  }
0xfa: {  	s0 =	simm.s32 $0x8040;
	v5 =	vld [tilespmem:s16+$0x0]  }
0xfb: {  	v6 =	vld [tilespmem:s16+$0x10];
	[tilespmem:s0+$0x30] =	vst v7  }
0xfc: {  	[tilespmem:s0+$0xFFFFFFD0] =	vst v8;
	v7 =	vld [tilespmem:s16+$0x20]  }
0xfd: {  	s1 =	simm.s32 $0x0;
	v8 =	vld [tilespmem:s16+$0xFFFFFFC0];
	[tilespmem:s0+$0xFFFFFFE0] =	vst v9;
	s16 =	simm.s32 $0xC0  }
.LBB2_14:
0xfe: {  	v9 =	vld [tilespmem:s16+$0x30];
	s1 =	sadd.s32 $0x8, s1;
	[tilespmem:s0+$0xFFFFFFF0] =	vst v4  }
0xff: {  	v10 =	vld [tilespmem:s16+$0xFFFFFFD0];
	p0 =	slt.u32 s1, $0x7F8;
	[tilespmem:s0+$0x0] =	vst v5  }
0x100: {  	v11 =	vld [tilespmem:s16+$0xFFFFFFE0];
	[tilespmem:s0+$0x10] =	vst v6  }
.Ltmp8:
0x101: {  	v4 =	vld [tilespmem:s16+$0xFFFFFFF0];
	[tilespmem:s0+$0x20] =	vst v7;
	(pc) =	sbr.rel @p0 .LBB2_14-.Ltmp8, $4  }
0x102: {  	v5 =	vld [tilespmem:s16+$0x0];
	[tilespmem:s0+$0xFFFFFFC0] =	vst v8;
	s0 =	sadd.s32 $0x80, s0  }
0x103: {  	v6 =	vld [tilespmem:s16+$0x10];
	[tilespmem:s0+$0x30] =	vst v9  }
0x104: {  	[tilespmem:s0+$0xFFFFFFD0] =	vst v10;
	v7 =	vld [tilespmem:s16+$0x20]  }
0x105: {  	v8 =	vld [tilespmem:s16+$0xFFFFFFC0];
	[tilespmem:s0+$0xFFFFFFE0] =	vst v11;
	s16 =	sadd.s32 $0x80, s16  }
0x106: {  	[tilespmem:s0+$0xFFFFFFF0] =	vst v4  }
0x107: {  	[tilespmem:s0+$0x0] =	vst v5  }
0x108: {  	[tilespmem:s0+$0x10] =	vst v6  }
0x109: {  	[tilespmem:s0+$0x20] =	vst v7  }
0x10a: {  	[tilespmem:s0+$0xFFFFFFC0] =	vst v8;
	s0 =	simm.s32 $0x8000  }
.LBB2_16:
0x10b: {  	s1 =	simm.s32 $0x100C0  }
0x10c: {  	[tilespmem:s1+$0xFFFFFFC0] =	vst v2  }
0x10d: {  	[tilespmem:s1+$0x30] =	vst v2  }
0x10e: {  	[tilespmem:s1+$0x20] =	vst v2  }
0x10f: {  	[tilespmem:s1+$0x10] =	vst v2  }
0x110: {  	[tilespmem:s1+$0x0] =	vst v2  }
0x111: {  	[tilespmem:s1+$0xFFFFFFF0] =	vst v2  }
0x112: {  	s16 =	simm.s32 $0x0;
	[tilespmem:s1+$0xFFFFFFE0] =	vst v2  }
.LBB2_17:
0x113: {  	s16 =	sadd.s32 $0x8, s16;
	[tilespmem:s1+$0xFFFFFFD0] =	vst v2;
	s1 =	sadd.s32 $0x80, s1  }
0x114: {  	[tilespmem:s1+$0xFFFFFFC0] =	vst v2;
	p0 =	slt.u32 s16, $0x78  }
0x115: {  	[tilespmem:s1+$0x30] =	vst v2  }
.Ltmp9:
0x116: {  	[tilespmem:s1+$0x20] =	vst v2;
	(pc) =	sbr.rel @p0 .LBB2_17-.Ltmp9, $4  }
0x117: {  	[tilespmem:s1+$0x10] =	vst v2  }
0x118: {  	[tilespmem:s1+$0x0] =	vst v2  }
0x119: {  	[tilespmem:s1+$0xFFFFFFF0] =	vst v2  }
0x11a: {  	[tilespmem:s1+$0xFFFFFFE0] =	vst v2  }
0x11b: {  	s16 =	sadd.s32 $0xF, s0  }
0x11c: {  	s17 =	sand.u32 $0xF, s16  }
0x11d: {  	s31 =	sshra.s32 s16, $0x1F;
	p1 =	slt.s32 s16, $0x0;
	p0 =	sne.s32 s17, $0x0  }
0x11e: {  	s17 =	sshrl.u32 s31, $0x1C;
	p0 =	por !p1, !p0  }
0x11f: {  	s16 =	sadd.s32 s17, s16;
	s17 =	simm.s32 $0x1;
	p0 =	por !p0, !p0  }
0x120: {  	s16 =	sshra.s32 s16, $0x4;
	s17 =	simm.s32 @!p0 $0x0  }
0x121: {  	s25 =	ssub.s32 s16, s17  }
0x122: {  	p0 =	slt.s32 s25, $0x1  }
.Ltmp10:
0x123: {  	_ = 	snop;
	(pc) =	sbr.rel @p0 .LBB2_19-.Ltmp10, $2  }
0x124: {  	_ =	sdelay $0x2  }
0x125: {  	[tilespmem:s1+$0xFFFFFFD0] =	vst v2;
	v4 =	vadd.s32 s0, v1  }
0x126: {  	p1 =	sne.s32 s25, $0x1  }
.Ltmp11:
0x127: {  	_ = 	snop;
	(pc) =	sbr.rel @!p1 .LBB2_21-.Ltmp11, $3  }
0x128: {  	_ =	sdelay $0x1  }
0x129: {  	s1 =	simm.s32 $0x8000  }
0x12a: {  	v5 =	vimm.s32 $0x0;
	s0 =	simm.s32 $0x0;
	p0 =	por $0x0, $0x0;
	v6 =	vld [tilespmem:s1+$0x0];
	s1 =	sadd.s32 $0xFFFFFFFF, s25  }
0x12b: {  	_ =	sdelay $0x3  }
0x12c: {  	v7 =	vshra.s32 v6, $0x15  }
0x12d: {  	vm0 =	vlt.s32 v6, $0x0;
	v6 =	vxor.u32 $0x3FF, v7  }
0x12e: {  	v8 =	vmov s0;
	v6 =	vsel vm0, v6, v7  }
0x12f: {  	vm15 =	vlt.s32 v8, v4;
	v6 =	vadd.s32 $0x400, v6  }
0x130: {  	(xrf1) =	vunique.msk.u32 vm15, v6;
	_ =	sdelay $0xd  }
0x131: {  	_, v7, vm1 =	vpop (xrf1);
	_ =	sdelay $0x1  }
0x132: {  	p1 =	sne.s32 s1, $0x1  }
.Ltmp12:
0x133: {  	_ = 	snop;
	(pc) =	sbr.rel @!p1 .LBB2_23-.Ltmp12, $4  }
0x134: {  	_ = 	snop  }
0x135: {  	v8 =	vnsel vm15, $0x0, v6  }
0x136: {  	s16 =	simm.s32 $0x8010;
	vm0 =	vgt.s32 v5, v8;
	[tilespmem:v6+s12+$0x0] =	vst.idx.add.s32.msk vm1, v7  }
0x137: {  	s17 =	sadd.s32 $0xFFFFFFFF, s1;
	p0 =	por $0x1, $0x1;
	s1 =	simm.s32 $0x0;
	v5 =	vsel vm0, v5, v8;
	v6 =	vld [tilespmem:s16+$0x0]  }
.LBB2_24:
0x138: {  	p1 =	sne.s32 s17, $0x1;
	_ =	sdelay $0x3  }
0x139: {  	v7 =	vshra.s32 v6, $0x15  }
0x13a: {  	s1 =	sadd.s32 $0x10, s1;
	vm0 =	vlt.s32 v6, $0x0;
	v6 =	vxor.u32 $0x3FF, v7  }
0x13b: {  	v8 =	vmov s1;
	v6 =	vsel vm0, v6, v7  }
0x13c: {  	vm0 =	vlt.s32 v8, v4;
	v6 =	vadd.s32 $0x400, v6  }
0x13d: {  	v7 =	vnsel vm0, $0x0, v6;
	(xrf1) =	vunique.msk.u32 vm0, v6  }
0x13e: {  	vm0 =	vgt.s32 v5, v7  }
0x13f: {  	v5 =	vsel vm0, v5, v7;
	_ =	sdelay $0xb  }
0x140: {  	_, v7, vm0 =	vpop (xrf1);
	_ =	sdelay $0x2  }
.Ltmp13:
0x141: {  	(pc) =	sbr.rel @p1 .LBB2_24-.Ltmp13, $3  }
0x142: {  	_ =	sdelay $0x1  }
0x143: {  	s16 =	sadd.s32 $0x10, s16;
	[tilespmem:v6+s12+$0x0] =	vst.idx.add.s32.msk vm0, v7  }
0x144: {  	s17 =	sadd.s32 $0xFFFFFFFF, s17;
	v6 =	vld [tilespmem:s16+$0x0]  }
.LBB2_25:
0x145: {  	_ =	sdelay $0x3  }
0x146: {  	s1 =	sadd.s32 @p0 $0x10, s1;
	v7 =	vshra.s32 v6, $0x15  }
0x147: {  	s0 =	smov.u32 @p0 s1;
	vm0 =	vlt.s32 v6, $0x0;
	v6 =	vxor.u32 $0x3FF, v7  }
0x148: {  	v8 =	vmov s0;
	v6 =	vsel vm0, v6, v7  }
0x149: {  	vm15 =	vlt.s32 v8, v4;
	v6 =	vadd.s32 $0x400, v6  }
0x14a: {  	(xrf1) =	vunique.msk.u32 vm15, v6;
	_ =	sdelay $0xd  }
0x14b: {  	_, v7, vm1 =	vpop (xrf1);
	_ =	sdelay $0x1  }
.Ltmp14:
0x14c: {  	_ = 	snop;
	(pc) =	sbr.rel .LBB2_26-.Ltmp14, $4  }
0x14d: {  	v8 =	vnsel vm15, $0x0, v6  }
0x14e: {  	vm0 =	vgt.s32 v5, v8  }
0x14f: {  	v5 =	vsel vm0, v5, v8  }
0x150: {  	v5 =	vxor.u32 $0x80000000, v5;
	[tilespmem:v6+s12+$0x0] =	vst.idx.add.s32.msk vm1, v7  }
.LBB2_19:
0x151: {  	v5 =	vimm.s32 $0x80000000  }
.LBB2_26:
0x152: {  	(xrf0) =	vmax.scan.msk.u32 $0xffff, v5;
	_ =	sdelay $0x5  }
0x153: {  	v5, _, _ =	vpop (xrf0)  }
0x154: {  	(v2sf) =	vpush v5, $0xF;
	_ =	sdelay $0xe  }
0x155: {  	s0 =	spop (v2sf)  }
0x156: {  	s1 =	sxor.u32 $0x80000000, s0  }
0x157: {  	p0 =	sne.s32 s0, $0x800007FF;
	s0 =	simm.s32 $0x1;
	s1 =	ssub.s32 $0x7FF, s1  }
0x158: {  	s0 =	simm.s32 @!p0 $0x0;
	s16 =	sshra.s32 s1, $0x1F  }
0x159: {  	s17 =	sand.u32 $0xF, s1;
	s0 =	sor.u32 s0, s16  }
0x15a: {  	p1 =	sne.s32 s17, $0x0;
	p6 =	sne.s32 s0, $0x1  }
0x15b: {  	s31 =	sshrl.u32 s16, $0x1C;
	p0 =	por !p1, !p6  }
0x15c: {  	s0 =	sadd.s32 s31, s1;
	s1 =	simm.s32 $0x1;
	p0 =	por !p0, !p0  }
0x15d: {  	s0 =	sshra.s32 s0, $0x4;
	s1 =	simm.s32 @!p0 $0x0  }
0x15e: {  	s0 =	ssub.s32 s0, s1  }
0x15f: {  	p0 =	sgt.s32 s0, $0x7F  }
.Ltmp15:
0x160: {  	_ = 	snop;
	(pc) =	sbr.rel @p0 .LBB2_30-.Ltmp15, $2  }
0x161: {  	_ =	sdelay $0x2  }
0x162: {  	s1 =	simm.s32 $0xFFFFFC00  }
0x163: {  	s1 =	sshll.u32 s0, $0x6  }
0x164: {  	s17 =	ssub.s32 $0x0, s1  }
0x165: {  	s16 =	sshll.u32 s0, $0x4;
	s18 =	simm.s32 $0x0;
	s31 =	sshra.s32 s17, $0x2  }
0x166: {  	s1 =	ssub.s32 $0x7FF, s16;
	s17 =	simm.s32 $0x0;
	s16 =	sadd.s32 $0x10870, s31  }
.LBB2_28:
0x167: {  	v5 =	vld [tilespmem:s16+$0x0];
	_ =	sdelay $0x4  }
0x168: {  	v5 =	vperm.xlane v5, v3;
	_ =	sdelay $0x1  }
0x169: {  	(xrf0) =	vadd.scan.msk.s32 $0xffff, v5;
	_ =	sdelay $0x5  }
0x16a: {  	v5, _, _ =	vpop (xrf0)  }
0x16b: {  	v6 =	vadd.s32 s18, v5  }
0x16c: {  	vm0 =	vgt.s32 v6, $0x1FF  }
0x16d: {  	v6 =	vmpcnt.ones.xlane vm0  }
0x16e: {  	v7 =	vmctz.xlane vm0  }
0x16f: {  	(v2sf) =	vpush v6, $0x0  }
0x170: {  	(v2sf) =	vpush v7, $0x0;
	_ =	sdelay $0x6  }
0x171: {  	(v2sf) =	vpush v5, $0xF;
	_ =	sdelay $0x6  }
0x172: {  	s19 =	spop (v2sf)  }
0x173: {  	s26 =	smov.u32 s17;
	s24 =	spop (v2sf)  }
0x174: {  	p0 =	sgt.s32 s19, $0x0;
	p1 =	slt.s32 s19, $0x1;
	s17 =	ssub.s32 s1, s24  }
0x175: {  	s17 =	smov.u32 @p1 s26;
	p1 =	slt.s32 @!p0 s0, $0x7F  }
0x176: {  	p0 =	por p0, !p1  }
.Ltmp16:
0x177: {  	_ = 	snop;
	(pc) =	sbr.rel @!p0 .LBB2_28-.Ltmp16, $3  }
0x178: {  	_ =	sdelay $0x1  }
0x179: {  	s16 =	sadd.s32 $0xFFFFFFF0, s16;
	s31 =	spop (v2sf)  }
0x17a: {  	s1 =	sadd.s32 $0xFFFFFFF0, s1;
	s0 =	sadd.s32 $0x1, s0;
	s18 =	sadd.s32 s18, s31  }
0x17b: {  	s1 =	sadd.s32 $0xFFFFFC00, s17  }
.LBB2_30:
0x17c: {  	s0 =	sshrl.u32 s25, $0x1E  }
0x17d: {  	s0 =	sadd.s32 s0, s25  }
0x17e: {  	s26 =	sand.u32 $0xFFFFFFFC, s0  }
0x17f: {  	p0 =	slt.s32 s26, $0x1  }
.Ltmp17:
0x180: {  	_ = 	snop;
	(pc) =	sbr.rel @p0 .LBB2_31-.Ltmp17, $2  }
0x181: {  	_ =	sdelay $0x2  }
0x182: {  	v5 =	vmov s1  }
0x183: {  	s0 =	simm.s32 $0x8020  }
0x184: {  	v8 =	vld [tilespmem:s0+$0x10]  }
0x185: {  	v7 =	vld [tilespmem:s0+$0x0]  }
0x186: {  	s24 =	simm.s32 $0x0;
	v6 =	vld [tilespmem:s0+$0xFFFFFFF0]  }
0x187: {  	s1 =	simm.s32 $0x30;
	s16 =	simm.s32 $0x10;
	v9 =	vld [tilespmem:s0+$0xFFFFFFE0];
	v10 =	vmov s24  }
0x188: {  	s31 =	simm.s32 $0x20;
	v11 =	vmov s1;
	v12 =	vmov s16;
	vm2 =	vlt.s32 v10, v4  }
0x189: {  	v10 =	vmov s31;
	vm1 =	vlt.s32 v11, v4;
	vm5 =	vlt.s32 v12, v4  }
0x18a: {  	vm0 =	vlt.s32 v10, v4;
	vm3 =	vlt.s32 v8, $0x0;
	v10 =	vxor.u32 $0x7FFFFFFF, v8  }
0x18b: {  	vm4 =	vlt.s32 v6, $0x0;
	vm6 =	vlt.s32 v7, $0x0;
	v11 =	vxor.u32 $0x7FFFFFFF, v7  }
0x18c: {  	vm7 =	vlt.s32 v9, $0x0;
	v12 =	vxor.u32 $0x7FFFFFFF, v9;
	v13 =	vxor.u32 $0x7FFFFFFF, v6  }
0x18d: {  	v6 =	vsel vm4, v13, v6;
	v7 =	vsel vm6, v11, v7;
	v8 =	vsel vm3, v10, v8  }
0x18e: {  	v9 =	vsel vm7, v12, v9;
	v10 =	vshra.s32 v7, $0x15;
	v11 =	vshra.s32 v8, $0x15  }
0x18f: {  	v12 =	vshra.s32 v9, $0x15;
	v13 =	vshra.s32 v6, $0x15;
	vm3 =	vgt.s32 v11, v5  }
0x190: {  	vm4 =	vgt.s32 v10, v5;
	vm7 =	veq.s32 v10, v5;
	vm11 =	veq.s32 v11, v5  }
0x191: {  	vm9 =	vgt.s32 v13, v5;
	vm10 =	veq.s32 v13, v5;
	vm6 =	vmand vm1, vm3  }
0x192: {  	p1 =	sgt.s32 s26, $0x4;
	vm12 =	veq.s32 v12, v5;
	vm8 =	vmand vm0, vm4;
	v10 =	vmpcnt.ones.xlane vm6  }
.Ltmp18:
0x193: {  	vm3 =	vgt.s32 v12, v5;
	vm9 =	vmand vm5, vm9;
	v11 =	vmpcnt.ones.xlane vm8;
	(pc) =	sbr.rel @!p1 .LBB2_40-.Ltmp18, $4  }
0x194: {  	vm4 =	vmand vm2, vm3;
	v12 =	vmpcnt.ones.xlane vm9;
	(v2sf) =	vpush v10, $0x0  }
0x195: {  	vm10 =	vmand vm5, vm10;
	v10 =	vmpcnt.ones.xlane vm4;
	(v2sf) =	vpush v11, $0x0  }
0x196: {  	vm5 =	vmand vm0, vm7;
	vm3 =	vmand vm2, vm12;
	(v2sf) =	vpush v12, $0x0  }
0x197: {  	p0 =	por $0x0, $0x0;
	s0 =	simm.s32 $0x8060;
	v13 =	vmpcnt.ones.xlane vm10;
	v14 =	vmpcnt.ones.xlane vm3;
	(v2sf) =	vpush v10, $0x0  }
0x198: {  	v10 =	vmpcnt.ones.xlane vm5  }
0x199: {  	v12 =	vld [tilespmem:s0+$0x10];
	vm14 =	vmand vm1, vm11;
	vm2 =	vmmov vm6;
	(v2sf) =	vpush v14, $0x0  }
0x19a: {  	vm11 =	vmmov vm8;
	v15 =	vld [tilespmem:s0+$0xFFFFFFE0];
	v11 =	vmpcnt.ones.xlane vm14;
	(v2sf) =	vpush v13, $0x0  }
0x19b: {  	s28 =	simm.s32 $0x40;
	vm0 =	vmmov vm9;
	vm12 =	vmmov vm10;
	s16 =	simm.s32 $0x50;
	v14 =	vld [tilespmem:s0+$0x0];
	(v2sf) =	vpush v10, $0x0  }
0x19c: {  	s6 =	simm.s32 $0x60;
	s1 =	simm.s32 $0x70;
	v16 =	vmov s16;
	v13 =	vld [tilespmem:s0+$0xFFFFFFF0];
	v10 =	vmov s28;
	(v2sf) =	vpush v11, $0x0  }
0x19d: {  	vm7 =	vlt.s32 v10, v4;
	v10 =	vmov s6;
	v11 =	vmov s1  }
0x19e: {  	[tilespmem:s23+$0x10C80] =	vst.msk vm4, v9;
	vm10 =	vlt.s32 v16, v4;
	vm13 =	vlt.s32 v10, v4;
	vm1 =	vlt.s32 v11, v4  }
0x19f: {  	[tilespmem:s24+$0x8000] =	vst.msk vm3, v9;
	vm6 =	vlt.s32 v12, $0x0;
	v61 =	vxor.u32 $0x7FFFFFFF, v12;
	vm3 =	vlt.s32 v15, $0x0  }
0x1a0: {  	v9 =	vxor.u32 $0x7FFFFFFF, v15;
	vm4 =	vlt.s32 v14, $0x0;
	v11 =	vxor.u32 $0x7FFFFFFF, v14  }
0x1a1: {  	v12 =	vsel vm6, v61, v12;
	v9 =	vsel vm3, v9, v15;
	vm8 =	vlt.s32 v13, $0x0  }
0x1a2: {  	v10 =	vxor.u32 $0x7FFFFFFF, v13;
	v11 =	vsel vm4, v11, v14;
	v14 =	vshra.s32 v12, $0x15  }
0x1a3: {  	v15 =	vshra.s32 v9, $0x15;
	v10 =	vsel vm8, v10, v13;
	v13 =	vshra.s32 v11, $0x15  }
0x1a4: {  	vm3 =	vgt.s32 v14, v5;
	vm4 =	vgt.s32 v15, v5;
	vm15 =	veq.s32 v15, v5;
	s17 =	spop (v2sf)  }
0x1a5: {  	v62 =	vshra.s32 v10, $0x15;
	vm8 =	vgt.s32 v13, v5;
	vm6 =	vmand vm1, vm3;
	s16 =	spop (v2sf)  }
0x1a6: {  	vm4 =	vmand vm7, vm4;
	vm3 =	vmand vm7, vm15;
	vm9 =	vgt.s32 v62, v5;
	s7 =	spop (v2sf)  }
0x1a7: {  	s29 =	simm.s32 $0x8;
	p1 =	sgt.s32 s26, $0x8;
	vm7 =	veq.s32 v62, v5;
	vm8 =	vmand vm13, vm8;
	v15 =	vmpcnt.ones.xlane vm6;
	s19 =	spop (v2sf)  }
.Ltmp19:
0x1a8: {  	s31 =	simm.s32 $0x80A0;
	v17 =	vmpcnt.ones.xlane vm4;
	vm9 =	vmand vm10, vm9;
	v63 =	vmpcnt.ones.xlane vm8;
	s18 =	spop (v2sf);
	(pc) =	sbr.rel @!p1 .LBB2_42-.Ltmp19, $4  }
0x1a9: {  	vm10 =	vmand vm10, vm7;
	(v2sf) =	vpush v15, $0x0;
	v15 =	vmpcnt.ones.xlane vm9;
	s19 =	sadd.s32 s23, s19;
	s0 =	sadd.s32 $0x0, s18;
	s24 =	spop (v2sf)  }
0x1aa: {  	vm7 =	vmmov vm5;
	vm5 =	veq.s32 v13, v5;
	(v2sf) =	vpush v63, $0x0;
	s5 =	sadd.s32 s19, s7;
	[tilespmem:s19+$0x10C80] =	vst.msk vm0, v6;
	s1 =	sadd.s32 s0, s24;
	s6 =	spop (v2sf)  }
0x1ab: {  	vm5 =	vmand vm13, vm5;
	v13 =	vmpcnt.ones.xlane vm10;
	(v2sf) =	vpush v15, $0x0;
	s7 =	sadd.s32 s5, s16;
	[tilespmem:s5+$0x10C80] =	vst.msk vm11, v7;
	s16 =	sadd.s32 s1, s6;
	s24 =	spop (v2sf)  }
0x1ac: {  	p0 =	por $0x1, $0x1;
	(v2sf) =	vpush v17, $0x0;
	vm11 =	veq.s32 v14, v5;
	v14 =	vmpcnt.ones.xlane vm3;
	[tilespmem:s7+$0x10C80] =	vst.msk vm2, v8;
	s30 =	sadd.s32 s7, s17;
	s24 =	sadd.s32 s16, s24  }
.LBB2_43:
0x1ad: {  	v15 =	vld [tilespmem:s31+$0x10];
	[tilespmem:s16+$0x8000] =	vst.msk vm14, v8;
	v8 =	vmov v12;
	vm0 =	vmmov vm6;
	v12 =	vimm.s32 $0x0  }
0x1ae: {  	v12 =	vsel vm0, $0xFFFFFFFF, v12  }
0x1af: {  	(v2sf) =	vpush v14, $0x0;
	vm0 =	vmmov vm8;
	[tilespmem:$0x1FFF0] =	vst v12;
	v12 =	vimm.s32 $0x0  }
0x1b0: {  	(v2sf) =	vpush v13, $0x0;
	v13 =	vld [tilespmem:s31+$0xFFFFFFE0];
	[tilespmem:s30+$0x10C80] =	vst.msk vm4, v9;
	v12 =	vsel vm0, $0xFFFFFFFF, v12  }
0x1b1: {  	v16 =	vmpcnt.ones.xlane vm5;
	[tilespmem:$0x1FFE0] =	vst v12  }
0x1b2: {  	vm14 =	vmand vm1, vm11;
	s28 =	sadd.s32 $0x40, s28;
	vm0 =	vmmov vm9;
	v12 =	vld [tilespmem:s31+$0x0];
	[tilespmem:s1+$0x8000] =	vst.msk vm7, v7;
	v7 =	vmovc v11;
	v11 =	vimm.s32 $0x0  }
0x1b3: {  	v14 =	vmpcnt.ones.xlane vm14;
	s6 =	sadd.s32 $0x10, s28;
	[tilespmem:s24+$0x8000] =	vst.msk vm3, v9;
	v11 =	vsel vm0, $0xFFFFFFFF, v11  }
0x1b4: {  	vm13 =	vmmov vm10;
	s5 =	sadd.s32 $0x30, s28;
	(v2sf) =	vpush v16, $0x0;
	v9 =	vmov s6;
	[tilespmem:$0x1FFD0] =	vst v11;
	v11 =	vld [tilespmem:s31+$0xFFFFFFF0]  }
0x1b5: {  	vm7 =	vmmov vm5;
	(v2sf) =	vpush v14, $0x0;
	v14 =	vmov s5  }
0x1b6: {  	s1 =	sadd.s32 $0x20, s28;
	vm15 =	vlt.s32 v9, v4;
	vm1 =	vlt.s32 v14, v4;
	[tilespmem:s0+$0x8000] =	vst.msk vm12, v6;
	v6 =	vmovc v10;
	v10 =	vmov s28  }
0x1b7: {  	vm2 =	vlt.s32 v15, $0x0;
	vm10 =	vlt.s32 v10, v4;
	v10 =	vmov s1  }
0x1b8: {  	v9 =	vxor.u32 $0x7FFFFFFF, v15;
	vm5 =	vlt.s32 v10, v4;
	vm4 =	vlt.s32 v12, $0x0  }
0x1b9: {  	v14 =	vxor.u32 $0x7FFFFFFF, v12;
	vm3 =	vlt.s32 v11, $0x0;
	v10 =	vxor.u32 $0x7FFFFFFF, v11  }
0x1ba: {  	v10 =	vsel vm3, v10, v11;
	v11 =	vsel vm4, v14, v12;
	v12 =	vsel vm2, v9, v15  }
0x1bb: {  	v14 =	vshra.s32 v12, $0x15  }
0x1bc: {  	s17 =	spop (v2sf);
	vm6 =	vlt.s32 v13, $0x0;
	v61 =	vxor.u32 $0x7FFFFFFF, v13;
	vm3 =	vgt.s32 v14, v5  }
0x1bd: {  	s16 =	spop (v2sf);
	v9 =	vsel vm6, v61, v13;
	v13 =	vshra.s32 v11, $0x15;
	vm6 =	vmand vm1, vm3  }
0x1be: {  	s7 =	spop (v2sf);
	vm4 =	vgt.s32 v13, v5;
	vm2 =	veq.s32 v13, v5;
	v13 =	vmpcnt.ones.xlane vm6  }
0x1bf: {  	s5 =	spop (v2sf)  }
0x1c0: {  	s18 =	spop (v2sf);
	(v2sf) =	vpush v13, $0x0;
	v13 =	vld [tilespmem:$0x1FFD0]  }
0x1c1: {  	v15 =	vshra.s32 v9, $0x15;
	v62 =	vshra.s32 v10, $0x15  }
0x1c2: {  	vm11 =	veq.s32 v14, v5;
	vm9 =	vgt.s32 v62, v5;
	vm8 =	vmand vm5, vm4  }
0x1c3: {  	vm3 =	vgt.s32 v15, v5;
	vm9 =	vmand vm15, vm9;
	v14 =	vmpcnt.ones.xlane vm8  }
0x1c4: {  	vm0 =	veq.s32 v15, v5;
	vm4 =	vmand vm10, vm3;
	v15 =	vmpcnt.ones.xlane vm9  }
0x1c5: {  	s19 =	sadd.s32 s30, s5;
	vm3 =	vmand vm10, vm0;
	s6 =	spop (v2sf);
	(v2sf) =	vpush v14, $0x0;
	vm0 =	vnez.u8 v13;
	v13 =	vld [tilespmem:$0x1FFE0]  }
0x1c6: {  	s29 =	sadd.s32 $0x4, s29;
	[tilespmem:s19+$0x10C80] =	vst.msk vm0, v6;
	s19 =	sadd.s32 s19, s7;
	s7 =	spop (v2sf);
	(v2sf) =	vpush v15, $0x0;
	v15 =	vld [tilespmem:$0x1FFF0]  }
0x1c7: {  	p1 =	slt.s32 s29, s26  }
.Ltmp20:
0x1c8: {  	_ = 	snop;
	(pc) =	sbr.rel @p1 .LBB2_43-.Ltmp20, $4  }
0x1c9: {  	vm12 =	veq.s32 v62, v5;
	s0 =	sadd.s32 s24, s18  }
0x1ca: {  	vm5 =	vmand vm5, vm2;
	v63 =	vmpcnt.ones.xlane vm4;
	s1 =	sadd.s32 s0, s6;
	vm0 =	vnez.u8 v13  }
0x1cb: {  	vm10 =	vmand vm15, vm12;
	vm12 =	vmmov vm13;
	s24 =	spop (v2sf);
	[tilespmem:s19+$0x10C80] =	vst.msk vm0, v7;
	s19 =	sadd.s32 s19, s16;
	s16 =	sadd.s32 s1, s7;
	vm0 =	vnez.u8 v15  }
0x1cc: {  	s31 =	sadd.s32 $0x40, s31;
	v14 =	vmpcnt.ones.xlane vm3;
	(v2sf) =	vpush v63, $0x0;
	v13 =	vmpcnt.ones.xlane vm10;
	[tilespmem:s19+$0x10C80] =	vst.msk vm0, v8;
	s30 =	sadd.s32 s19, s17;
	s24 =	sadd.s32 s16, s24  }
0x1cd: {  	v15 =	vmov v8  }
0x1ce: {  	v16 =	vmovc v7;
	v17 =	vmovc v6;
	v8 =	vmov v12;
	v7 =	vmov v11;
	v6 =	vmov v10  }
.LBB2_45:
0x1cf: {  	v10 =	vmpcnt.ones.xlane vm5;
	(v2sf) =	vpush v14, $0x0;
	vm0 =	vmand vm1, vm11  }
0x1d0: {  	(v2sf) =	vpush v13, $0x0;
	v63 =	vmpcnt.ones.xlane vm0  }
0x1d1: {  	(v2sf) =	vpush v10, $0x0  }
0x1d2: {  	(v2sf) =	vpush v63, $0x0;
	_ =	sdelay $0x5  }
0x1d3: {  	[tilespmem:s16+$0x8000] =	vst.msk @p0 vm14, v15;
	s5 =	spop (v2sf)  }
0x1d4: {  	[tilespmem:s1+$0x8000] =	vst.msk @p0 vm7, v16;
	s6 =	spop (v2sf)  }
0x1d5: {  	[tilespmem:s0+$0x8000] =	vst.msk @p0 vm12, v17;
	s7 =	spop (v2sf)  }
0x1d6: {  	[tilespmem:s30+$0x10C80] =	vst.msk vm4, v9;
	s17 =	spop (v2sf)  }
0x1d7: {  	vm12 =	vmmov vm9;
	[tilespmem:s24+$0x8000] =	vst.msk vm3, v9;
	s17 =	sadd.s32 s30, s17  }
0x1d8: {  	vm2 =	vmmov vm8;
	[tilespmem:s17+$0x10C80] =	vst.msk vm12, v6;
	s0 =	sadd.s32 s17, s7  }
.Ltmp21:
0x1d9: {  	vm13 =	vmmov vm6;
	s18 =	spop (v2sf);
	[tilespmem:s0+$0x10C80] =	vst.msk vm2, v7;
	s0 =	sadd.s32 s0, s6;
	(pc) =	sbr.rel .LBB2_32-.Ltmp21, $4  }
0x1da: {  	vm15 =	vmmov vm10;
	s18 =	sadd.s32 s24, s18;
	s19 =	spop (v2sf);
	[tilespmem:s0+$0x10C80] =	vst.msk vm13, v8  }
0x1db: {  	vm14 =	vmmov vm5;
	s28 =	sadd.s32 s18, s19;
	s29 =	spop (v2sf);
	[tilespmem:s18+$0x8000] =	vst.msk vm15, v6  }
0x1dc: {  	s30 =	sadd.s32 s28, s29;
	s31 =	spop (v2sf);
	[tilespmem:s28+$0x8000] =	vst.msk vm14, v7  }
0x1dd: {  	s24 =	sadd.s32 s0, s5;
	[tilespmem:s30+$0x8000] =	vst.msk vm0, v8;
	s0 =	sadd.s32 s30, s31  }
.LBB2_31:
0x1de: {  	s0 =	simm.s32 $0x0;
	s24 =	smov.u32 s23  }
.LBB2_32:
0x1df: {  	s1 =	ssub.s32 s25, s26  }
0x1e0: {  	p0 =	slt.s32 s1, $0x1  }
.Ltmp22:
0x1e1: {  	_ = 	snop;
	(pc) =	sbr.rel @p0 .LBB2_35-.Ltmp22, $1  }
0x1e2: {  	_ =	sdelay $0x3  }
0x1e3: {  	s1 =	sshll.u32 s26, $0x6  }
0x1e4: {  	s1 =	sshra.s32 s1, $0x2  }
0x1e5: {  	s16 =	sshll.u32 s26, $0x4;
	s1 =	sadd.s32 $0x8000, s1  }
.LBB2_34:
0x1e6: {  	v6 =	vld [tilespmem:s1+$0x0];
	_ =	sdelay $0x4  }
0x1e7: {  	vm0 =	vlt.s32 v6, $0x0;
	v7 =	vxor.u32 $0x7FFFFFFF, v6  }
0x1e8: {  	v6 =	vsel vm0, v7, v6  }
0x1e9: {  	v7 =	vmov s16;
	v8 =	vshra.s32 v6, $0x15  }
0x1ea: {  	vm15 =	vlt.s32 v7, v4;
	vm1 =	vgt.s32 v8, v5  }
0x1eb: {  	vm2 =	veq.s32 v8, v5;
	vm1 =	vmand vm15, vm1  }
0x1ec: {  	vm0 =	vmand vm15, vm2;
	v7 =	vmpcnt.ones.xlane vm1  }
0x1ed: {  	v63 =	vmpcnt.ones.xlane vm0  }
0x1ee: {  	(v2sf) =	vpush v7, $0x0  }
0x1ef: {  	(v2sf) =	vpush v63, $0x0;
	_ =	sdelay $0x9  }
0x1f0: {  	s26 =	sadd.s32 $0x1, s26  }
0x1f1: {  	p0 =	slt.s32 s26, s25  }
.Ltmp23:
0x1f2: {  	_ = 	snop;
	(pc) =	sbr.rel @p0 .LBB2_34-.Ltmp23, $4  }
0x1f3: {  	_ = 	snop  }
0x1f4: {  	s17 =	spop (v2sf)  }
0x1f5: {  	s1 =	sadd.s32 $0x10, s1;
	[tilespmem:s24+$0x10C80] =	vst.msk vm1, v6;
	s31 =	spop (v2sf)  }
0x1f6: {  	s16 =	sadd.s32 $0x10, s16;
	[tilespmem:s0+$0x8000] =	vst.msk vm0, v6;
	s24 =	sadd.s32 s24, s17;
	s0 =	sadd.s32 s0, s31  }
.LBB2_35:
0x1f7: {  	s1 =	simm.s32 $0x100C0  }
0x1f8: {  	[tilespmem:s1+$0xFFFFFFC0] =	vst v2  }
0x1f9: {  	[tilespmem:s1+$0x30] =	vst v2  }
0x1fa: {  	[tilespmem:s1+$0x20] =	vst v2  }
0x1fb: {  	[tilespmem:s1+$0x10] =	vst v2  }
0x1fc: {  	[tilespmem:s1+$0x0] =	vst v2  }
0x1fd: {  	[tilespmem:s1+$0xFFFFFFF0] =	vst v2  }
0x1fe: {  	s16 =	simm.s32 $0x0;
	[tilespmem:s1+$0xFFFFFFE0] =	vst v2  }
.LBB2_36:
0x1ff: {  	s16 =	sadd.s32 $0x8, s16;
	[tilespmem:s1+$0xFFFFFFD0] =	vst v2;
	s1 =	sadd.s32 $0x80, s1  }
0x200: {  	[tilespmem:s1+$0xFFFFFFC0] =	vst v2;
	p0 =	slt.u32 s16, $0x78  }
0x201: {  	[tilespmem:s1+$0x30] =	vst v2  }
.Ltmp24:
0x202: {  	[tilespmem:s1+$0x20] =	vst v2;
	(pc) =	sbr.rel @p0 .LBB2_36-.Ltmp24, $4  }
0x203: {  	[tilespmem:s1+$0x10] =	vst v2  }
0x204: {  	[tilespmem:s1+$0x0] =	vst v2  }
0x205: {  	[tilespmem:s1+$0xFFFFFFF0] =	vst v2  }
0x206: {  	[tilespmem:s1+$0xFFFFFFE0] =	vst v2  }
0x207: {  	s16 =	sadd.s32 $0xF, s0  }
0x208: {  	s17 =	sand.u32 $0xF, s16  }
0x209: {  	s31 =	sshra.s32 s16, $0x1F;
	p1 =	slt.s32 s16, $0x1;
	p0 =	sne.s32 s17, $0x0  }
0x20a: {  	s17 =	sshrl.u32 s31, $0x1C;
	p0 =	por !p1, !p0  }
0x20b: {  	s16 =	sadd.s32 s17, s16;
	s17 =	simm.s32 $0x1;
	p0 =	por !p0, !p0  }
0x20c: {  	s16 =	sshra.s32 s16, $0x4;
	s17 =	simm.s32 @!p0 $0x0  }
0x20d: {  	s26 =	ssub.s32 s16, s17  }
0x20e: {  	p0 =	slt.s32 s26, $0x1  }
.Ltmp25:
0x20f: {  	_ = 	snop;
	(pc) =	sbr.rel @p0 .LBB2_38-.Ltmp25, $2  }
0x210: {  	_ =	sdelay $0x2  }
0x211: {  	[tilespmem:s1+$0xFFFFFFD0] =	vst v2;
	v4 =	vmov s0  }
0x212: {  	p1 =	sne.s32 s26, $0x1  }
.Ltmp26:
0x213: {  	_ = 	snop;
	(pc) =	sbr.rel @!p1 .LBB2_47-.Ltmp26, $3  }
0x214: {  	_ =	sdelay $0x1  }
0x215: {  	s1 =	simm.s32 $0x8000  }
0x216: {  	v5 =	vimm.s32 $0x0;
	s0 =	simm.s32 $0x0;
	p0 =	por $0x0, $0x0;
	v6 =	vld [tilespmem:s1+$0x0];
	s1 =	sadd.s32 $0xFFFFFFFF, s26  }
0x217: {  	_ =	sdelay $0x3  }
0x218: {  	v7 =	vor.u32 s0, v0;
	v6 =	vshrl.u32 v6, $0xA  }
0x219: {  	vm0 =	vlt.s32 v7, v4;
	v6 =	vand.u32 $0x7FF, v6  }
0x21a: {  	(xrf1) =	vunique.msk.u32 vm0, v6;
	_ =	sdelay $0xd  }
0x21b: {  	_, v7, vm1 =	vpop (xrf1);
	_ =	sdelay $0x1  }
0x21c: {  	p1 =	sne.s32 s1, $0x1  }
.Ltmp27:
0x21d: {  	_ = 	snop;
	(pc) =	sbr.rel @!p1 .LBB2_49-.Ltmp27, $4  }
0x21e: {  	_ = 	snop  }
0x21f: {  	v8 =	vnsel vm0, $0x0, v6  }
0x220: {  	s16 =	simm.s32 $0x8010;
	vm0 =	vgt.s32 v5, v8;
	[tilespmem:v6+s12+$0x0] =	vst.idx.add.s32.msk vm1, v7  }
0x221: {  	s17 =	sadd.s32 $0xFFFFFFFF, s1;
	p0 =	por $0x1, $0x1;
	s1 =	simm.s32 $0x0;
	v5 =	vsel vm0, v5, v8;
	v6 =	vld [tilespmem:s16+$0x0]  }
.LBB2_50:
0x222: {  	p1 =	sne.s32 s17, $0x1;
	_ =	sdelay $0x2  }
0x223: {  	s1 =	sadd.s32 $0x10, s1  }
0x224: {  	v7 =	vor.u32 s1, v0;
	v6 =	vshrl.u32 v6, $0xA  }
0x225: {  	vm0 =	vlt.s32 v7, v4;
	v6 =	vand.u32 $0x7FF, v6  }
0x226: {  	v7 =	vnsel vm0, $0x0, v6;
	(xrf1) =	vunique.msk.u32 vm0, v6  }
0x227: {  	vm0 =	vgt.s32 v5, v7  }
0x228: {  	v5 =	vsel vm0, v5, v7;
	_ =	sdelay $0xb  }
0x229: {  	_, v7, vm0 =	vpop (xrf1);
	_ =	sdelay $0x2  }
.Ltmp28:
0x22a: {  	(pc) =	sbr.rel @p1 .LBB2_50-.Ltmp28, $3  }
0x22b: {  	_ =	sdelay $0x1  }
0x22c: {  	s16 =	sadd.s32 $0x10, s16;
	[tilespmem:v6+s12+$0x0] =	vst.idx.add.s32.msk vm0, v7  }
0x22d: {  	s17 =	sadd.s32 $0xFFFFFFFF, s17;
	v6 =	vld [tilespmem:s16+$0x0]  }
.LBB2_51:
0x22e: {  	_ =	sdelay $0x1  }
0x22f: {  	s1 =	sadd.s32 @p0 $0x10, s1  }
0x230: {  	s0 =	smov.u32 @p0 s1  }
0x231: {  	v7 =	vor.u32 s0, v0;
	v6 =	vshrl.u32 v6, $0xA  }
0x232: {  	vm0 =	vlt.s32 v7, v4;
	v6 =	vand.u32 $0x7FF, v6  }
0x233: {  	(xrf1) =	vunique.msk.u32 vm0, v6;
	_ =	sdelay $0xd  }
0x234: {  	_, v7, vm1 =	vpop (xrf1);
	_ =	sdelay $0x1  }
.Ltmp29:
0x235: {  	_ = 	snop;
	(pc) =	sbr.rel .LBB2_52-.Ltmp29, $4  }
0x236: {  	v8 =	vnsel vm0, $0x0, v6  }
0x237: {  	vm0 =	vgt.s32 v5, v8  }
0x238: {  	v5 =	vsel vm0, v5, v8  }
0x239: {  	v5 =	vor.u32 $0x80000000, v5;
	[tilespmem:v6+s12+$0x0] =	vst.idx.add.s32.msk vm1, v7  }
.LBB2_38:
0x23a: {  	v5 =	vimm.s32 $0x80000000  }
.LBB2_52:
0x23b: {  	(xrf0) =	vmax.scan.msk.u32 $0xffff, v5;
	_ =	sdelay $0x5  }
0x23c: {  	v5, _, _ =	vpop (xrf0)  }
0x23d: {  	(v2sf) =	vpush v5, $0xF;
	_ =	sdelay $0xe  }
0x23e: {  	s0 =	spop (v2sf)  }
0x23f: {  	s1 =	sxor.u32 $0x80000000, s0  }
0x240: {  	p0 =	sne.s32 s0, $0x800007FF;
	s0 =	simm.s32 $0x1;
	s1 =	ssub.s32 $0x7FF, s1  }
0x241: {  	s0 =	simm.s32 @!p0 $0x0;
	s16 =	sshra.s32 s1, $0x1F  }
0x242: {  	s17 =	sand.u32 $0xF, s1;
	s0 =	sor.u32 s0, s16  }
0x243: {  	p1 =	sne.s32 s17, $0x0;
	p6 =	sne.s32 s0, $0x1  }
0x244: {  	s31 =	sshrl.u32 s16, $0x1C;
	p0 =	por !p1, !p6  }
0x245: {  	s0 =	sadd.s32 s31, s1;
	s1 =	simm.s32 $0x1;
	p0 =	por !p0, !p0  }
0x246: {  	s0 =	sshra.s32 s0, $0x4;
	s1 =	simm.s32 @!p0 $0x0  }
0x247: {  	s0 =	ssub.s32 s0, s1  }
0x248: {  	p0 =	sgt.s32 s0, $0x7F  }
.Ltmp30:
0x249: {  	_ = 	snop;
	(pc) =	sbr.rel @p0 .LBB2_56-.Ltmp30, $2  }
0x24a: {  	_ =	sdelay $0x2  }
0x24b: {  	s25 =	sadd.s32 $0x200, s23;
	s29 =	simm.s32 $0x0;
	s1 =	simm.s32 $0x0  }
0x24c: {  	s1 =	sshll.u32 s0, $0x6  }
0x24d: {  	s16 =	sshll.u32 s0, $0x4;
	s1 =	ssub.s32 $0x0, s1  }
0x24e: {  	s17 =	ssub.s32 s25, s24;
	s18 =	simm.s32 $0x0;
	s1 =	sshra.s32 s1, $0x2  }
0x24f: {  	s16 =	ssub.s32 $0x7FF, s16;
	v5 =	vmov s17;
	s17 =	sadd.s32 $0x10870, s1;
	s1 =	simm.s32 $0x0  }
.LBB2_54:
0x250: {  	v6 =	vld [tilespmem:s17+$0x0];
	_ =	sdelay $0x4  }
0x251: {  	v6 =	vperm.xlane v6, v3;
	_ =	sdelay $0x1  }
0x252: {  	(xrf0) =	vadd.scan.msk.s32 $0xffff, v6;
	_ =	sdelay $0x5  }
0x253: {  	v6, _, _ =	vpop (xrf0)  }
0x254: {  	v7 =	vadd.s32 s18, v6  }
0x255: {  	vm0 =	vge.s32 v7, v5  }
0x256: {  	v7 =	vmpcnt.ones.xlane vm0  }
0x257: {  	v8 =	vmctz.xlane vm0  }
0x258: {  	(v2sf) =	vpush v7, $0x0  }
0x259: {  	(v2sf) =	vpush v8, $0x0;
	_ =	sdelay $0x6  }
0x25a: {  	(v2sf) =	vpush v6, $0xF;
	_ =	sdelay $0x6  }
0x25b: {  	s19 =	spop (v2sf)  }
0x25c: {  	s30 =	smov.u32 s1;
	s28 =	spop (v2sf)  }
0x25d: {  	p0 =	sgt.s32 s19, $0x0;
	p1 =	slt.s32 s19, $0x1;
	s1 =	ssub.s32 s16, s28  }
0x25e: {  	s1 =	smov.u32 @p1 s30;
	p1 =	slt.s32 @!p0 s0, $0x7F  }
0x25f: {  	p1 =	por p0, !p1  }
.Ltmp31:
0x260: {  	_ = 	snop;
	(pc) =	sbr.rel @!p1 .LBB2_54-.Ltmp31, $3  }
0x261: {  	_ =	sdelay $0x1  }
0x262: {  	s17 =	sadd.s32 $0xFFFFFFF0, s17;
	s31 =	spop (v2sf)  }
0x263: {  	s16 =	sadd.s32 $0xFFFFFFF0, s16;
	s0 =	sadd.s32 $0x1, s0;
	s18 =	sadd.s32 s18, s31  }
0x264: {  	s1 =	smov.u32 @p0 s1  }
.LBB2_56:
0x265: {  	s0 =	sshrl.u32 s26, $0x1E  }
0x266: {  	s0 =	sadd.s32 s0, s26  }
0x267: {  	s28 =	sand.u32 $0xFFFFFFFC, s0  }
0x268: {  	p0 =	slt.s32 s28, $0x1  }
.Ltmp32:
0x269: {  	_ = 	snop;
	(pc) =	sbr.rel @p0 .LBB2_59-.Ltmp32, $2  }
0x26a: {  	_ =	sdelay $0x2  }
0x26b: {  	v5 =	vmov s1  }
0x26c: {  	s0 =	simm.s32 $0x8020  }
0x26d: {  	v13 =	vld [tilespmem:s0+$0xFFFFFFE0]  }
0x26e: {  	v11 =	vld [tilespmem:s0+$0xFFFFFFF0]  }
0x26f: {  	s1 =	simm.s32 $0x10;
	s16 =	simm.s32 $0x20;
	v6 =	vld [tilespmem:s0+$0x0]  }
0x270: {  	s31 =	simm.s32 $0x30;
	v7 =	vor.u32 s1, v0;
	v8 =	vor.u32 s16, v0  }
0x271: {  	s29 =	simm.s32 $0x0;
	v9 =	vor.u32 s31, v0;
	vm0 =	vlt.s32 v7, v4;
	vm2 =	vlt.s32 v8, v4  }
0x272: {  	v7 =	vor.u32 s29, v0;
	vm9 =	vlt.s32 v9, v4;
	v10 =	vshrl.u32 v13, $0xA  }
0x273: {  	vm4 =	vlt.s32 v7, v4;
	v8 =	vand.u32 $0x7FF, v10;
	v10 =	vshrl.u32 v11, $0xA  }
0x274: {  	vm1 =	vgt.s32 v8, v5;
	vm3 =	veq.s32 v8, v5;
	v8 =	vshrl.u32 v6, $0xA  }
0x275: {  	v7 =	vld [tilespmem:s0+$0x10];
	v10 =	vand.u32 $0x7FF, v10;
	v8 =	vand.u32 $0x7FF, v8;
	vm1 =	vmand vm4, vm1  }
0x276: {  	vm6 =	vgt.s32 v10, v5;
	vm8 =	veq.s32 v10, v5;
	vm5 =	vgt.s32 v8, v5  }
0x277: {  	p1 =	sgt.s32 s28, $0x4;
	v10 =	vmpcnt.ones.xlane vm1;
	vm7 =	vmand vm0, vm6;
	vm6 =	vmand vm0, vm8  }
.Ltmp33:
0x278: {  	vm0 =	vmand vm4, vm3;
	vm3 =	veq.s32 v8, v5;
	v12 =	vmpcnt.ones.xlane vm7;
	(pc) =	sbr.rel @!p1 .LBB2_58-.Ltmp33, $4  }
0x279: {  	vm5 =	vmand vm2, vm5;
	v16 =	vmpcnt.ones.xlane vm6;
	(v2sf) =	vpush v10, $0x0  }
0x27a: {  	v8 =	vmpcnt.ones.xlane vm0;
	v10 =	vshrl.u32 v7, $0xA;
	(v2sf) =	vpush v12, $0x0  }
0x27b: {  	vm8 =	vmand vm2, vm3;
	v15 =	vand.u32 $0x7FF, v10;
	(v2sf) =	vpush v16, $0x0  }
0x27c: {  	p0 =	por $0x0, $0x0;
	s1 =	simm.s32 $0x40;
	s0 =	simm.s32 $0x8060;
	v14 =	vmpcnt.ones.xlane vm5;
	vm11 =	vgt.s32 v15, v5;
	(v2sf) =	vpush v8, $0x0  }
0x27d: {  	v9 =	vmpcnt.ones.xlane vm8;
	vm2 =	vmand vm9, vm11  }
0x27e: {  	v8 =	vld [tilespmem:s0+$0xFFFFFFE0];
	vm11 =	vmmov vm5;
	vm12 =	vmmov vm7;
	(v2sf) =	vpush v14, $0x0  }
0x27f: {  	s16 =	simm.s32 $0x50;
	s17 =	simm.s32 $0x60;
	vm10 =	vmmov vm6;
	v10 =	vld [tilespmem:s0+$0x0];
	vm3 =	veq.s32 v15, v5;
	vm4 =	vmmov vm8  }
0x280: {  	v12 =	vor.u32 s16, v0;
	v14 =	vmpcnt.ones.xlane vm2;
	v16 =	vor.u32 s17, v0;
	s17 =	simm.s32 $0x70  }
0x281: {  	vm3 =	vmand vm9, vm3;
	(v2sf) =	vpush v9, $0x0;
	v15 =	vor.u32 s17, v0;
	v9 =	vld [tilespmem:s0+$0xFFFFFFF0]  }
0x282: {  	vm6 =	vlt.s32 v12, v4;
	(v2sf) =	vpush v14, $0x0;
	v14 =	vmpcnt.ones.xlane vm3  }
0x283: {  	vm8 =	vlt.s32 v16, v4;
	v12 =	vor.u32 s1, v0;
	vm3 =	vmmov vm3  }
0x284: {  	v17 =	vshrl.u32 v8, $0xA;
	(v2sf) =	vpush v14, $0x0;
	v14 =	vshrl.u32 v10, $0xA  }
0x285: {  	vm13 =	vlt.s32 v12, v4;
	v12 =	vld [tilespmem:s0+$0x10];
	v16 =	vand.u32 $0x7FF, v17;
	v14 =	vand.u32 $0x7FF, v14  }
0x286: {  	vm5 =	vgt.s32 v16, v5;
	vm9 =	veq.s32 v16, v5;
	v16 =	vshrl.u32 v9, $0xA  }
0x287: {  	[tilespmem:s24+$0x10C80] =	vst.msk vm1, v13;
	vm1 =	vmand vm13, vm5;
	v16 =	vand.u32 $0x7FF, v16;
	vm5 =	vgt.s32 v14, v5  }
0x288: {  	[tilespmem:s29+$0x8000] =	vst.msk vm0, v13;
	vm0 =	vmand vm13, vm9;
	vm13 =	veq.s32 v14, v5;
	vm7 =	vgt.s32 v16, v5  }
0x289: {  	p1 =	sgt.s32 s28, $0x8;
	vm14 =	veq.s32 v16, v5;
	v13 =	vmpcnt.ones.xlane vm1;
	vm7 =	vmand vm6, vm7;
	s18 =	spop (v2sf)  }
.Ltmp34:
0x28a: {  	v18 =	vshrl.u32 v12, $0xA;
	vm6 =	vmand vm6, vm14;
	v16 =	vmpcnt.ones.xlane vm7;
	s19 =	spop (v2sf);
	(pc) =	sbr.rel @!p1 .LBB2_67-.Ltmp34, $4  }
0x28b: {  	vm9 =	vlt.s32 v15, v4;
	v17 =	vmpcnt.ones.xlane vm6;
	(v2sf) =	vpush v13, $0x0;
	s0 =	sadd.s32 s24, s18;
	s16 =	spop (v2sf)  }
0x28c: {  	s30 =	simm.s32 $0x8;
	vm5 =	vmand vm8, vm5;
	v13 =	vmpcnt.ones.xlane vm0;
	[tilespmem:s0+$0x10C80] =	vst.msk vm12, v11;
	s18 =	sadd.s32 s0, s19;
	(v2sf) =	vpush v16, $0x0;
	s31 =	spop (v2sf)  }
0x28d: {  	p0 =	por $0x1, $0x1;
	v15 =	vand.u32 $0x7FF, v18;
	v14 =	vmpcnt.ones.xlane vm5;
	[tilespmem:s18+$0x10C80] =	vst.msk vm11, v6;
	(v2sf) =	vpush v17, $0x0;
	s17 =	sadd.s32 $0x0, s31;
	s19 =	spop (v2sf)  }
0x28e: {  	s1 =	simm.s32 $0x80A0;
	vm8 =	vmand vm8, vm13;
	s0 =	simm.s32 $0x80;
	vm11 =	vgt.s32 v15, v5;
	(v2sf) =	vpush v13, $0x0;
	[tilespmem:s17+$0x8000] =	vst.msk vm10, v11;
	s18 =	sadd.s32 s18, s19  }
.LBB2_68:
0x28f: {  	v13 =	vmpcnt.ones.xlane vm8;
	(v2sf) =	vpush v14, $0x0;
	[tilespmem:s18+$0x10C80] =	vst.msk vm2, v7;
	vm2 =	vmand vm9, vm11  }
0x290: {  	v11 =	vld [tilespmem:s1+$0xFFFFFFE0];
	s19 =	sadd.s32 $0x10, s0;
	s31 =	sadd.s32 $0x20, s0;
	s5 =	spop (v2sf);
	vm11 =	vmmov vm5;
	vm12 =	vmmov vm7;
	vm10 =	vmmov vm6  }
0x291: {  	s16 =	sadd.s32 s17, s16;
	v14 =	vor.u32 s19, v0;
	v16 =	vor.u32 s31, v0;
	s19 =	sadd.s32 $0x30, s0;
	v17 =	vld [tilespmem:s1+$0x10];
	v18 =	vmpcnt.ones.xlane vm2;
	s17 =	spop (v2sf)  }
0x292: {  	s30 =	sadd.s32 $0x4, s30;
	vm5 =	veq.s32 v15, v5;
	v19 =	vor.u32 s19, v0;
	(v2sf) =	vpush v13, $0x0;
	[tilespmem:s16+$0x8000] =	vst.msk vm4, v6;
	s17 =	sadd.s32 s18, s17;
	v6 =	vmovc v10;
	v10 =	vld [tilespmem:s1+$0x0]  }
0x293: {  	p1 =	slt.s32 s30, s28;
	s5 =	sadd.s32 s16, s5;
	vm4 =	vmmov vm8;
	v13 =	vld [tilespmem:s1+$0xFFFFFFF0];
	[tilespmem:s17+$0x10C80] =	vst.msk vm1, v8;
	vm1 =	vmand vm9, vm5;
	(v2sf) =	vpush v18, $0x0  }
0x294: {  	v15 =	vmpcnt.ones.xlane vm1;
	[tilespmem:s5+$0x8000] =	vst.msk vm3, v7;
	s16 =	spop (v2sf);
	v7 =	vmov v12;
	vm3 =	vmmov vm1  }
0x295: {  	vm6 =	vlt.s32 v14, v4;
	vm8 =	vlt.s32 v16, v4;
	v18 =	vshrl.u32 v11, $0xA;
	s5 =	sadd.s32 s5, s16  }
0x296: {  	v14 =	vor.u32 s0, v0;
	v16 =	vand.u32 $0x7FF, v18;
	[tilespmem:s5+$0x8000] =	vst.msk vm0, v8;
	(v2sf) =	vpush v15, $0x0;
	v8 =	vmovc v11;
	v12 =	vmovc v17  }
0x297: {  	vm0 =	vgt.s32 v16, v5;
	vm9 =	veq.s32 v16, v5;
	v11 =	vshrl.u32 v10, $0xA  }
0x298: {  	vm13 =	vlt.s32 v14, v4;
	v14 =	vshrl.u32 v13, $0xA;
	v11 =	vand.u32 $0x7FF, v11  }
0x299: {  	vm1 =	vmand vm13, vm0;
	v14 =	vand.u32 $0x7FF, v14;
	vm0 =	vgt.s32 v11, v5  }
0x29a: {  	vm7 =	vgt.s32 v14, v5;
	vm14 =	veq.s32 v14, v5;
	vm5 =	vmand vm8, vm0  }
0x29b: {  	v15 =	vmpcnt.ones.xlane vm1;
	vm7 =	vmand vm6, vm7;
	vm6 =	vmand vm6, vm14;
	s16 =	spop (v2sf)  }
.Ltmp35:
0x29c: {  	vm0 =	vmand vm13, vm9;
	v16 =	vmpcnt.ones.xlane vm7;
	v17 =	vmpcnt.ones.xlane vm6;
	s16 =	sadd.s32 s17, s16;
	s17 =	spop (v2sf);
	(pc) =	sbr.rel @p1 .LBB2_68-.Ltmp35, $4  }
0x29d: {  	vm13 =	veq.s32 v11, v5;
	v14 =	vmpcnt.ones.xlane vm5;
	(v2sf) =	vpush v15, $0x0;
	[tilespmem:s16+$0x10C80] =	vst.msk vm12, v9;
	s18 =	sadd.s32 s16, s17;
	s16 =	spop (v2sf)  }
0x29e: {  	v11 =	vmpcnt.ones.xlane vm0;
	v15 =	vshrl.u32 v12, $0xA;
	(v2sf) =	vpush v16, $0x0;
	[tilespmem:s18+$0x10C80] =	vst.msk vm11, v6;
	s17 =	spop (v2sf)  }
0x29f: {  	vm9 =	vlt.s32 v19, v4;
	v15 =	vand.u32 $0x7FF, v15;
	(v2sf) =	vpush v17, $0x0;
	s17 =	sadd.s32 s5, s17;
	s5 =	spop (v2sf)  }
0x2a0: {  	s0 =	sadd.s32 $0x40, s0;
	s1 =	sadd.s32 $0x40, s1;
	vm8 =	vmand vm8, vm13;
	vm11 =	vgt.s32 v15, v5;
	(v2sf) =	vpush v11, $0x0;
	[tilespmem:s17+$0x8000] =	vst.msk vm10, v9;
	s18 =	sadd.s32 s18, s5;
	v9 =	vmovc v13  }
0x2a1: {  	v16 =	vmov v7  }
0x2a2: {  	v17 =	vmovc v6;
	v6 =	vmovc v10;
	v13 =	vmov v8;
	v7 =	vmov v12;
	v11 =	vmov v9  }
.LBB2_70:
0x2a3: {  	v8 =	vmpcnt.ones.xlane vm8;
	vm10 =	vmand vm9, vm11;
	vm14 =	veq.s32 v15, v5  }
0x2a4: {  	(v2sf) =	vpush v14, $0x0;
	vm15 =	vmand vm9, vm14;
	v9 =	vmpcnt.ones.xlane vm10  }
0x2a5: {  	(v2sf) =	vpush v8, $0x0;
	v63 =	vmpcnt.ones.xlane vm15  }
0x2a6: {  	(v2sf) =	vpush v9, $0x0  }
0x2a7: {  	(v2sf) =	vpush v63, $0x0;
	_ =	sdelay $0x4  }
0x2a8: {  	s0 =	spop @p0 (v2sf)  }
0x2a9: {  	s5 =	sadd.s32 @p0 s17, s16;
	[tilespmem:s18+$0x10C80] =	vst.msk @p0 vm2, v16;
	s1 =	spop @p0 (v2sf)  }
0x2aa: {  	[tilespmem:s5+$0x8000] =	vst.msk @p0 vm4, v17;
	s0 =	sadd.s32 @p0 s5, s0;
	s1 =	sadd.s32 @p0 s18, s1;
	s16 =	spop @p0 (v2sf)  }
0x2ab: {  	[tilespmem:s0+$0x8000] =	vst.msk @p0 vm3, v16;
	s24 =	smov.u32 @p0 s1;
	s1 =	sadd.s32 @p0 s0, s16;
	s6 =	spop (v2sf)  }
0x2ac: {  	[tilespmem:s24+$0x10C80] =	vst.msk vm1, v13;
	s29 =	smov.u32 @p0 s1;
	s7 =	spop (v2sf)  }
0x2ad: {  	vm11 =	vmmov vm7;
	[tilespmem:s29+$0x8000] =	vst.msk vm0, v13;
	s16 =	sadd.s32 s24, s6;
	s17 =	spop (v2sf)  }
0x2ae: {  	vm12 =	vmmov vm5;
	[tilespmem:s16+$0x10C80] =	vst.msk vm11, v11;
	s0 =	sadd.s32 s16, s7;
	s18 =	spop (v2sf)  }
0x2af: {  	vm13 =	vmmov vm6;
	[tilespmem:s0+$0x10C80] =	vst.msk vm12, v6;
	s1 =	sadd.s32 s29, s18;
	s19 =	spop (v2sf)  }
0x2b0: {  	vm14 =	vmmov vm8;
	[tilespmem:s1+$0x8000] =	vst.msk vm13, v11;
	s1 =	sadd.s32 s1, s17;
	s24 =	spop (v2sf)  }
0x2b1: {  	[tilespmem:s1+$0x8000] =	vst.msk vm14, v6;
	s0 =	sadd.s32 s0, s19;
	s30 =	spop (v2sf)  }
0x2b2: {  	vm15 =	vmmov vm15;
	[tilespmem:s0+$0x10C80] =	vst.msk vm10, v7;
	s1 =	sadd.s32 s1, s24;
	s31 =	spop (v2sf)  }
0x2b3: {  	s24 =	sadd.s32 s0, s30;
	[tilespmem:s1+$0x8000] =	vst.msk vm15, v7;
	s29 =	sadd.s32 s1, s31  }
.LBB2_59:
0x2b4: {  	s0 =	ssub.s32 s26, s28  }
0x2b5: {  	p0 =	slt.s32 s0, $0x1  }
.Ltmp36:
0x2b6: {  	_ = 	snop;
	(pc) =	sbr.rel @p0 .LBB2_62-.Ltmp36, $1  }
0x2b7: {  	_ =	sdelay $0x3  }
0x2b8: {  	s0 =	sshll.u32 s28, $0x6  }
0x2b9: {  	s0 =	sshra.s32 s0, $0x2  }
0x2ba: {  	s1 =	sshll.u32 s28, $0x4;
	s0 =	sadd.s32 $0x8000, s0  }
.LBB2_61:
0x2bb: {  	v6 =	vld [tilespmem:s0+$0x0];
	_ =	sdelay $0x4  }
0x2bc: {  	v7 =	vshrl.u32 v6, $0xA  }
0x2bd: {  	v8 =	vor.u32 s1, v0;
	v7 =	vand.u32 $0x7FF, v7  }
0x2be: {  	vm0 =	vlt.s32 v8, v4;
	vm1 =	vgt.s32 v7, v5  }
0x2bf: {  	vm2 =	veq.s32 v7, v5;
	vm1 =	vmand vm0, vm1  }
0x2c0: {  	vm0 =	vmand vm0, vm2;
	v7 =	vmpcnt.ones.xlane vm1  }
0x2c1: {  	v63 =	vmpcnt.ones.xlane vm0  }
0x2c2: {  	(v2sf) =	vpush v7, $0x0  }
0x2c3: {  	(v2sf) =	vpush v63, $0x0;
	_ =	sdelay $0x9  }
0x2c4: {  	s28 =	sadd.s32 $0x1, s28  }
0x2c5: {  	p0 =	slt.s32 s28, s26  }
.Ltmp37:
0x2c6: {  	_ = 	snop;
	(pc) =	sbr.rel @p0 .LBB2_61-.Ltmp37, $4  }
0x2c7: {  	_ = 	snop  }
0x2c8: {  	s5 =	spop (v2sf)  }
0x2c9: {  	s0 =	sadd.s32 $0x10, s0;
	[tilespmem:s24+$0x10C80] =	vst.msk vm1, v6;
	s31 =	spop (v2sf)  }
0x2ca: {  	s1 =	sadd.s32 $0x10, s1;
	[tilespmem:s29+$0x8000] =	vst.msk vm0, v6;
	s24 =	sadd.s32 s24, s5;
	s29 =	sadd.s32 s29, s31  }
.LBB2_62:
0x2cb: {  	s0 =	simm.s32 $0x100C0  }
0x2cc: {  	[tilespmem:s0+$0xFFFFFFC0] =	vst v2  }
0x2cd: {  	[tilespmem:s0+$0x30] =	vst v2  }
0x2ce: {  	[tilespmem:s0+$0x20] =	vst v2  }
0x2cf: {  	[tilespmem:s0+$0x10] =	vst v2  }
0x2d0: {  	[tilespmem:s0+$0x0] =	vst v2  }
0x2d1: {  	[tilespmem:s0+$0xFFFFFFF0] =	vst v2  }
0x2d2: {  	s1 =	simm.s32 $0x0;
	[tilespmem:s0+$0xFFFFFFE0] =	vst v2  }
.LBB2_63:
0x2d3: {  	s1 =	sadd.s32 $0x8, s1;
	[tilespmem:s0+$0xFFFFFFD0] =	vst v2;
	s0 =	sadd.s32 $0x80, s0  }
0x2d4: {  	[tilespmem:s0+$0xFFFFFFC0] =	vst v2;
	p0 =	slt.u32 s1, $0x38  }
0x2d5: {  	[tilespmem:s0+$0x30] =	vst v2  }
.Ltmp38:
0x2d6: {  	[tilespmem:s0+$0x20] =	vst v2;
	(pc) =	sbr.rel @p0 .LBB2_63-.Ltmp38, $4  }
0x2d7: {  	[tilespmem:s0+$0x10] =	vst v2  }
0x2d8: {  	[tilespmem:s0+$0x0] =	vst v2  }
0x2d9: {  	[tilespmem:s0+$0xFFFFFFF0] =	vst v2  }
0x2da: {  	[tilespmem:s0+$0xFFFFFFE0] =	vst v2  }
0x2db: {  	s1 =	sadd.s32 $0xF, s29  }
0x2dc: {  	s5 =	sand.u32 $0xF, s1  }
0x2dd: {  	s31 =	sshra.s32 s1, $0x1F;
	p1 =	slt.s32 s1, $0x1;
	p0 =	sne.s32 s5, $0x0  }
0x2de: {  	s5 =	sshrl.u32 s31, $0x1C;
	p0 =	por !p1, !p0  }
0x2df: {  	s1 =	sadd.s32 s5, s1;
	s5 =	simm.s32 $0x1;
	p0 =	por !p0, !p0  }
0x2e0: {  	s1 =	sshra.s32 s1, $0x4;
	s5 =	simm.s32 @!p0 $0x0  }
0x2e1: {  	s26 =	ssub.s32 s1, s5  }
0x2e2: {  	p0 =	slt.s32 s26, $0x1  }
.Ltmp39:
0x2e3: {  	_ = 	snop;
	(pc) =	sbr.rel @p0 .LBB2_65-.Ltmp39, $2  }
0x2e4: {  	_ =	sdelay $0x2  }
0x2e5: {  	[tilespmem:s0+$0xFFFFFFD0] =	vst v2;
	v4 =	vmov s29  }
0x2e6: {  	p1 =	sne.s32 s26, $0x1  }
.Ltmp40:
0x2e7: {  	_ = 	snop;
	(pc) =	sbr.rel @!p1 .LBB2_72-.Ltmp40, $3  }
0x2e8: {  	_ =	sdelay $0x1  }
0x2e9: {  	s1 =	simm.s32 $0x8000  }
0x2ea: {  	v5 =	vimm.s32 $0x0;
	s0 =	simm.s32 $0x0;
	p0 =	por $0x0, $0x0;
	v6 =	vld [tilespmem:s1+$0x0];
	s1 =	sadd.s32 $0xFFFFFFFF, s26  }
0x2eb: {  	_ =	sdelay $0x2  }
0x2ec: {  	v7 =	vor.u32 s0, v0  }
0x2ed: {  	vm0 =	vlt.s32 v7, v4;
	v6 =	vand.u32 $0x3FF, v6  }
0x2ee: {  	(xrf1) =	vunique.msk.u32 vm0, v6;
	_ =	sdelay $0xd  }
0x2ef: {  	_, v7, vm1 =	vpop (xrf1);
	_ =	sdelay $0x1  }
0x2f0: {  	p1 =	sne.s32 s1, $0x1  }
.Ltmp41:
0x2f1: {  	_ = 	snop;
	(pc) =	sbr.rel @!p1 .LBB2_74-.Ltmp41, $4  }
0x2f2: {  	_ = 	snop  }
0x2f3: {  	v8 =	vnsel vm0, $0x0, v6  }
0x2f4: {  	s16 =	simm.s32 $0x8010;
	vm0 =	vgt.s32 v5, v8;
	[tilespmem:v6+s12+$0x0] =	vst.idx.add.s32.msk vm1, v7  }
0x2f5: {  	s17 =	sadd.s32 $0xFFFFFFFF, s1;
	p0 =	por $0x1, $0x1;
	s1 =	simm.s32 $0x0;
	v5 =	vsel vm0, v5, v8;
	v6 =	vld [tilespmem:s16+$0x0]  }
.LBB2_75:
0x2f6: {  	p1 =	sne.s32 s17, $0x1;
	_ =	sdelay $0x1  }
0x2f7: {  	s1 =	sadd.s32 $0x10, s1  }
0x2f8: {  	v7 =	vor.u32 s1, v0  }
0x2f9: {  	vm0 =	vlt.s32 v7, v4;
	v6 =	vand.u32 $0x3FF, v6  }
0x2fa: {  	v7 =	vnsel vm0, $0x0, v6;
	(xrf1) =	vunique.msk.u32 vm0, v6  }
0x2fb: {  	vm0 =	vgt.s32 v5, v7  }
0x2fc: {  	v5 =	vsel vm0, v5, v7;
	_ =	sdelay $0xb  }
0x2fd: {  	_, v7, vm0 =	vpop (xrf1);
	_ =	sdelay $0x2  }
.Ltmp42:
0x2fe: {  	(pc) =	sbr.rel @p1 .LBB2_75-.Ltmp42, $3  }
0x2ff: {  	_ =	sdelay $0x1  }
0x300: {  	s16 =	sadd.s32 $0x10, s16;
	[tilespmem:v6+s12+$0x0] =	vst.idx.add.s32.msk vm0, v7  }
0x301: {  	s17 =	sadd.s32 $0xFFFFFFFF, s17;
	v6 =	vld [tilespmem:s16+$0x0]  }
.LBB2_76:
0x302: {  	_ = 	snop  }
0x303: {  	s1 =	sadd.s32 @p0 $0x10, s1  }
0x304: {  	s0 =	smov.u32 @p0 s1  }
0x305: {  	v7 =	vor.u32 s0, v0  }
0x306: {  	vm0 =	vlt.s32 v7, v4;
	v6 =	vand.u32 $0x3FF, v6  }
0x307: {  	(xrf1) =	vunique.msk.u32 vm0, v6;
	_ =	sdelay $0xd  }
0x308: {  	_, v7, vm1 =	vpop (xrf1);
	_ =	sdelay $0x1  }
.Ltmp43:
0x309: {  	_ = 	snop;
	(pc) =	sbr.rel .LBB2_77-.Ltmp43, $4  }
0x30a: {  	v8 =	vnsel vm0, $0x0, v6  }
0x30b: {  	vm0 =	vgt.s32 v5, v8  }
0x30c: {  	v5 =	vsel vm0, v5, v8  }
0x30d: {  	v5 =	vor.u32 $0x80000000, v5;
	[tilespmem:v6+s12+$0x0] =	vst.idx.add.s32.msk vm1, v7  }
.LBB2_65:
0x30e: {  	v5 =	vimm.s32 $0x80000000  }
.LBB2_77:
0x30f: {  	(xrf0) =	vmax.scan.msk.u32 $0xffff, v5;
	_ =	sdelay $0x5  }
0x310: {  	v5, _, _ =	vpop (xrf0)  }
0x311: {  	(v2sf) =	vpush v5, $0xF;
	_ =	sdelay $0xe  }
0x312: {  	s0 =	spop (v2sf)  }
0x313: {  	s1 =	sxor.u32 $0x80000000, s0  }
0x314: {  	p0 =	sne.s32 s0, $0x800003FF;
	s0 =	simm.s32 $0x1;
	s1 =	ssub.s32 $0x3FF, s1  }
0x315: {  	s0 =	simm.s32 @!p0 $0x0;
	s5 =	sshra.s32 s1, $0x1F  }
0x316: {  	s16 =	sand.u32 $0xF, s1;
	s0 =	sor.u32 s0, s5  }
0x317: {  	p1 =	sne.s32 s16, $0x0;
	p6 =	sne.s32 s0, $0x1  }
0x318: {  	s31 =	sshrl.u32 s5, $0x1C;
	p0 =	por !p1, !p6  }
0x319: {  	s0 =	sadd.s32 s31, s1;
	s1 =	simm.s32 $0x1;
	p0 =	por !p0, !p0  }
0x31a: {  	s0 =	sshra.s32 s0, $0x4;
	s1 =	simm.s32 @!p0 $0x0  }
0x31b: {  	s16 =	ssub.s32 s0, s1  }
0x31c: {  	p0 =	sgt.s32 s16, $0x3F  }
.Ltmp44:
0x31d: {  	_ = 	snop;
	(pc) =	sbr.rel @p0 .LBB2_81-.Ltmp44, $2  }
0x31e: {  	_ =	sdelay $0x2  }
0x31f: {  	s0 =	simm.s32 $0x0;
	s1 =	simm.s32 $0x0  }
0x320: {  	s1 =	sshll.u32 s16, $0x6  }
0x321: {  	s5 =	sshll.u32 s16, $0x4;
	s1 =	ssub.s32 $0x0, s1  }
0x322: {  	s18 =	ssub.s32 s25, s24;
	s19 =	simm.s32 $0x0;
	s1 =	sshra.s32 s1, $0x2  }
0x323: {  	s17 =	ssub.s32 $0x3FF, s5;
	v5 =	vmov s18;
	s18 =	sadd.s32 $0x10470, s1;
	s1 =	simm.s32 $0x0  }
.LBB2_79:
0x324: {  	v6 =	vld [tilespmem:s18+$0x0];
	_ =	sdelay $0x4  }
0x325: {  	v6 =	vperm.xlane v6, v3;
	_ =	sdelay $0x1  }
0x326: {  	(xrf0) =	vadd.scan.msk.s32 $0xffff, v6;
	_ =	sdelay $0x5  }
0x327: {  	v6, _, _ =	vpop (xrf0)  }
0x328: {  	v7 =	vadd.s32 s19, v6  }
0x329: {  	vm0 =	vge.s32 v7, v5  }
0x32a: {  	v7 =	vmpcnt.ones.xlane vm0  }
0x32b: {  	v8 =	vmctz.xlane vm0  }
0x32c: {  	(v2sf) =	vpush v7, $0x0  }
0x32d: {  	(v2sf) =	vpush v8, $0x0;
	_ =	sdelay $0x6  }
0x32e: {  	(v2sf) =	vpush v6, $0xF;
	_ =	sdelay $0x6  }
0x32f: {  	s5 =	spop (v2sf)  }
0x330: {  	s28 =	smov.u32 s1;
	s25 =	spop (v2sf)  }
0x331: {  	p0 =	sgt.s32 s5, $0x0;
	p1 =	slt.s32 s5, $0x1;
	s1 =	ssub.s32 s17, s25  }
0x332: {  	s1 =	smov.u32 @p1 s28;
	p1 =	slt.s32 @!p0 s16, $0x3F  }
0x333: {  	p1 =	por p0, !p1  }
.Ltmp45:
0x334: {  	_ = 	snop;
	(pc) =	sbr.rel @!p1 .LBB2_79-.Ltmp45, $3  }
0x335: {  	_ =	sdelay $0x1  }
0x336: {  	s18 =	sadd.s32 $0xFFFFFFF0, s18;
	s31 =	spop (v2sf)  }
0x337: {  	s17 =	sadd.s32 $0xFFFFFFF0, s17;
	s16 =	sadd.s32 $0x1, s16;
	s19 =	sadd.s32 s19, s31  }
0x338: {  	s1 =	smov.u32 @p0 s1  }
.LBB2_81:
0x339: {  	s5 =	sshrl.u32 s26, $0x1E  }
0x33a: {  	s5 =	sadd.s32 s5, s26  }
0x33b: {  	s25 =	sand.u32 $0xFFFFFFFC, s5  }
0x33c: {  	p0 =	slt.s32 s25, $0x1  }
.Ltmp46:
0x33d: {  	_ = 	snop;
	(pc) =	sbr.rel @p0 .LBB2_84-.Ltmp46, $2  }
0x33e: {  	_ =	sdelay $0x2  }
0x33f: {  	v5 =	vmov s1  }
0x340: {  	s0 =	simm.s32 $0x8020  }
0x341: {  	v6 =	vld [tilespmem:s0+$0x10]  }
0x342: {  	v7 =	vld [tilespmem:s0+$0x0]  }
0x343: {  	v8 =	vld [tilespmem:s0+$0xFFFFFFF0]  }
0x344: {  	s28 =	simm.s32 $0x0;
	v13 =	vld [tilespmem:s0+$0xFFFFFFE0]  }
0x345: {  	s31 =	simm.s32 $0x30;
	s5 =	simm.s32 $0x10;
	v9 =	vor.u32 s28, v0  }
0x346: {  	s1 =	simm.s32 $0x20;
	v10 =	vor.u32 s31, v0;
	v11 =	vor.u32 s5, v0;
	vm7 =	vlt.s32 v9, v4  }
0x347: {  	v9 =	vor.u32 s1, v0;
	vm10 =	vlt.s32 v10, v4;
	vm1 =	vlt.s32 v11, v4  }
0x348: {  	vm11 =	vlt.s32 v9, v4;
	v9 =	vand.u32 $0x3FF, v7;
	v10 =	vand.u32 $0x3FF, v6  }
0x349: {  	v11 =	vand.u32 $0x3FF, v13;
	v12 =	vand.u32 $0x3FF, v8;
	vm2 =	vgt.s32 v10, v5  }
0x34a: {  	vm4 =	vgt.s32 v9, v5;
	vm14 =	veq.s32 v9, v5;
	vm15 =	veq.s32 v10, v5  }
0x34b: {  	p1 =	sgt.s32 s25, $0x4;
	vm5 =	vgt.s32 v12, v5;
	vm6 =	veq.s32 v12, v5;
	vm3 =	vmand vm10, vm2  }
.Ltmp47:
0x34c: {  	vm0 =	vgt.s32 v11, v5;
	vm2 =	vmand vm11, vm4;
	v9 =	vmpcnt.ones.xlane vm3;
	(pc) =	sbr.rel @!p1 .LBB2_83-.Ltmp47, $4  }
0x34d: {  	vm4 =	veq.s32 v11, v5;
	vm12 =	vmand vm1, vm5;
	v10 =	vmpcnt.ones.xlane vm2  }
0x34e: {  	vm0 =	vmand vm7, vm0;
	v11 =	vmpcnt.ones.xlane vm12;
	(v2sf) =	vpush v9, $0x0  }
0x34f: {  	vm13 =	vmand vm1, vm6;
	vm9 =	vmand vm7, vm4;
	(v2sf) =	vpush v10, $0x0  }
0x350: {  	p0 =	por $0x0, $0x0;
	s0 =	simm.s32 $0x40;
	s1 =	simm.s32 $0x8060;
	v15 =	vmpcnt.ones.xlane vm0;
	v14 =	vmpcnt.ones.xlane vm9;
	(v2sf) =	vpush v11, $0x0  }
0x351: {  	v12 =	vmpcnt.ones.xlane vm13  }
0x352: {  	vm1 =	vmand vm11, vm14;
	vm4 =	vmand vm10, vm15;
	(v2sf) =	vpush v15, $0x0  }
0x353: {  	v11 =	vld [tilespmem:s1+$0xFFFFFFF0];
	vm8 =	vmmov vm2;
	s5 =	simm.s32 $0x50;
	v15 =	vmpcnt.ones.xlane vm1;
	(v2sf) =	vpush v14, $0x0  }
0x354: {  	vm2 =	vmmov vm13;
	v16 =	vor.u32 s5, v0;
	(v2sf) =	vpush v12, $0x0  }
0x355: {  	v9 =	vld [tilespmem:s1+$0x10];
	v14 =	vmpcnt.ones.xlane vm4;
	(v2sf) =	vpush v15, $0x0;
	v15 =	vimm.s32 $0x0  }
0x356: {  	v10 =	vld [tilespmem:s1+$0x0];
	vm6 =	vmmov vm12;
	vm13 =	vlt.s32 v16, v4;
	v15 =	vsel vm2, $0xFFFFFFFF, v15  }
0x357: {  	v12 =	vld [tilespmem:s1+$0xFFFFFFE0];
	(v2sf) =	vpush v14, $0x0;
	vm2 =	vmmov vm3;
	v14 =	vimm.s32 $0x0  }
0x358: {  	s19 =	simm.s32 $0x60;
	v17 =	vand.u32 $0x3FF, v11;
	[tilespmem:$0x1FFB0] =	vst v15;
	v15 =	vor.u32 s0, v0;
	v14 =	vsel vm2, $0xFFFFFFFF, v14  }
0x359: {  	s18 =	simm.s32 $0x70;
	vm12 =	vgt.s32 v17, v5;
	[tilespmem:$0x1FFC0] =	vst v14;
	vm5 =	vlt.s32 v15, v4;
	v14 =	vor.u32 s19, v0  }
0x35a: {  	v15 =	vor.u32 s18, v0;
	vm12 =	vmand vm13, vm12;
	vm11 =	vlt.s32 v14, v4  }
0x35b: {  	vm10 =	vlt.s32 v15, v4;
	v14 =	vand.u32 $0x3FF, v10;
	v15 =	vand.u32 $0x3FF, v9  }
0x35c: {  	v16 =	vand.u32 $0x3FF, v12;
	vm3 =	vgt.s32 v15, v5;
	vm7 =	vgt.s32 v14, v5  }
0x35d: {  	p1 =	sgt.s32 s25, $0x8;
	[tilespmem:s24+$0x10C80] =	vst.msk vm0, v13;
	vm14 =	veq.s32 v14, v5;
	vm0 =	vgt.s32 v16, v5;
	vm3 =	vmand vm10, vm3  }
.Ltmp48:
0x35e: {  	[tilespmem:s28+$0x8000] =	vst.msk vm9, v13;
	vm15 =	veq.s32 v15, v5;
	vm2 =	vmand vm11, vm7;
	v13 =	vmpcnt.ones.xlane vm3;
	(pc) =	sbr.rel @!p1 .LBB2_91-.Ltmp48, $4  }
0x35f: {  	vm7 =	veq.s32 v16, v5;
	vm0 =	vmand vm5, vm0;
	v14 =	vmpcnt.ones.xlane vm2;
	s29 =	spop (v2sf)  }
0x360: {  	s30 =	simm.s32 $0x8;
	s16 =	simm.s32 $0x80A0;
	v16 =	vmpcnt.ones.xlane vm12;
	vm9 =	vmand vm5, vm7;
	(v2sf) =	vpush v13, $0x0;
	s17 =	spop (v2sf)  }
0x361: {  	p0 =	por $0x1, $0x1;
	s31 =	smov.u32 s24;
	vm5 =	veq.s32 v17, v5;
	v15 =	vmpcnt.ones.xlane vm0;
	(v2sf) =	vpush v14, $0x0;
	s18 =	spop (v2sf)  }
0x362: {  	s1 =	simm.s32 $0x80;
	s0 =	simm.s32 $0x0;
	vm13 =	vmand vm13, vm5;
	v14 =	vmpcnt.ones.xlane vm9;
	(v2sf) =	vpush v16, $0x0;
	s19 =	spop (v2sf)  }
.LBB2_92:
0x363: {  	v16 =	vmpcnt.ones.xlane vm13;
	(v2sf) =	vpush v15, $0x0;
	v15 =	vld [tilespmem:$0x1FFB0]  }
0x364: {  	vm5 =	vmmov vm1;
	vm1 =	vmand vm11, vm14;
	vm11 =	vmmov vm4;
	v60 =	vld [tilespmem:$0x1FFC0]  }
0x365: {  	s6 =	spop (v2sf);
	vm7 =	vmmov vm2;
	v17 =	vmpcnt.ones.xlane vm1;
	(v2sf) =	vpush v14, $0x0  }
0x366: {  	v13 =	vld [tilespmem:s16+$0x10];
	s19 =	sadd.s32 s31, s19;
	vm2 =	vmmov vm13;
	v61 =	vimm.s32 $0x0;
	s6 =	sadd.s32 s0, s6;
	s7 =	spop (v2sf);
	(v2sf) =	vpush v16, $0x0  }
0x367: {  	s18 =	sadd.s32 s19, s18;
	v14 =	vld [tilespmem:s16+$0xFFFFFFF0];
	[tilespmem:s19+$0x10C80] =	vst.msk vm6, v8;
	s19 =	sadd.s32 s6, s7;
	s7 =	spop (v2sf);
	vm6 =	vmmov vm12;
	(v2sf) =	vpush v17, $0x0;
	v17 =	vimm.s32 $0x0  }
0x368: {  	s5 =	sadd.s32 $0x30, s1;
	v16 =	vimm.s32 $0x0;
	v17 =	vsel vm2, $0xFFFFFFFF, v17;
	vm4 =	vnez.u8 v15;
	v15 =	vld [tilespmem:s16+$0x0];
	[tilespmem:s18+$0x10C80] =	vst.msk vm8, v7  }
0x369: {  	v62 =	vor.u32 s5, v0;
	s17 =	sadd.s32 s18, s17;
	v16 =	vsel vm6, $0xFFFFFFFF, v16;
	vm2 =	vnez.u8 v60;
	[tilespmem:$0x1FFB0] =	vst v17  }
0x36a: {  	s18 =	sadd.s32 s19, s7;
	v17 =	vor.u32 s1, v0;
	s7 =	sadd.s32 $0x20, s1;
	[tilespmem:s17+$0x10C80] =	vst.msk vm2, v6;
	vm2 =	vmmov vm3;
	vm14 =	vmmov vm4  }
0x36b: {  	s31 =	sadd.s32 s17, s29;
	s17 =	sadd.s32 $0x10, s1;
	vm4 =	vmand vm10, vm15;
	vm13 =	vlt.s32 v17, v4;
	v17 =	vor.u32 s7, v0  }
0x36c: {  	[tilespmem:s18+$0x8000] =	vst.msk vm11, v6;
	v6 =	vmovc v9;
	v9 =	vmovc v13;
	v13 =	vor.u32 s17, v0;
	vm10 =	vlt.s32 v62, v4;
	v18 =	vmpcnt.ones.xlane vm4  }
0x36d: {  	[tilespmem:$0x1FFA0] =	vst v16;
	v63 =	vand.u32 $0x3FF, v14;
	vm11 =	vlt.s32 v17, v4;
	v17 =	vand.u32 $0x3FF, v9  }
0x36e: {  	v16 =	vld [tilespmem:s16+$0xFFFFFFE0];
	s0 =	spop (v2sf);
	[tilespmem:s19+$0x8000] =	vst.msk vm5, v7;
	vm5 =	vlt.s32 v13, v4;
	vm3 =	vgt.s32 v17, v5;
	(v2sf) =	vpush v18, $0x0  }
0x36f: {  	v18 =	vsel vm2, $0xFFFFFFFF, v61;
	vm3 =	vmand vm10, vm3;
	v13 =	vand.u32 $0x3FF, v15  }
0x370: {  	[tilespmem:s6+$0x8000] =	vst.msk vm14, v8;
	vm2 =	vgt.s32 v13, v5;
	vm14 =	veq.s32 v13, v5;
	v13 =	vmpcnt.ones.xlane vm3  }
0x371: {  	s30 =	sadd.s32 $0x4, s30;
	[tilespmem:s31+$0x10C80] =	vst.msk vm0, v12;
	vm0 =	vgt.s32 v63, v5;
	vm6 =	veq.s32 v63, v5  }
0x372: {  	p1 =	slt.s32 s30, s25;
	v7 =	vmovc v10;
	s0 =	sadd.s32 s18, s0;
	vm15 =	veq.s32 v17, v5;
	vm12 =	vmand vm5, vm0;
	s29 =	spop (v2sf);
	(v2sf) =	vpush v13, $0x0;
	v13 =	vld [tilespmem:$0x1FFA0]  }
.Ltmp49:
0x373: {  	[tilespmem:s0+$0x8000] =	vst.msk vm9, v12;
	v12 =	vmovc v16;
	v10 =	vmovc v15;
	v15 =	vand.u32 $0x3FF, v16;
	v16 =	vmpcnt.ones.xlane vm12;
	vm2 =	vmand vm11, vm2;
	(pc) =	sbr.rel @p1 .LBB2_92-.Ltmp49, $4  }
0x374: {  	v8 =	vmovc v11;
	v11 =	vmovc v14;
	vm8 =	vgt.s32 v15, v5;
	vm9 =	veq.s32 v15, v5;
	v14 =	vmpcnt.ones.xlane vm2  }
0x375: {  	vm0 =	vmand vm13, vm8;
	vm8 =	vmmov vm7;
	s17 =	spop (v2sf);
	vm9 =	vmand vm13, vm9  }
0x376: {  	vm13 =	vmand vm5, vm6;
	v15 =	vmpcnt.ones.xlane vm0;
	s18 =	spop (v2sf);
	(v2sf) =	vpush v14, $0x0  }
0x377: {  	s1 =	sadd.s32 $0x40, s1;
	s16 =	sadd.s32 $0x40, s16;
	[tilespmem:$0x1FFC0] =	vst v18;
	v14 =	vmpcnt.ones.xlane vm9;
	s19 =	spop (v2sf);
	(v2sf) =	vpush v16, $0x0;
	vm6 =	vnez.u8 v13  }
0x378: {  	v13 =	vld [tilespmem:$0x1FFC0];
	_ =	sdelay $0x3  }
0x379: {  	v16 =	vmov v8;
	v17 =	vmov v7;
	v18 =	vmov v6  }
0x37a: {  	v6 =	vmovc v9;
	v7 =	vmovc v10;
	v8 =	vmov v11;
	vm7 =	vnez.u8 v13;
	v13 =	vmov v12  }
.LBB2_94:
0x37b: {  	(v2sf) =	vpush v15, $0x0;
	_ =	sdelay $0x1  }
0x37c: {  	v9 =	vmpcnt.ones.xlane vm13;
	vm11 =	vmand vm11, vm14;
	(v2sf) =	vpush v14, $0x0  }
0x37d: {  	vm5 =	vmand vm10, vm15;
	v10 =	vmpcnt.ones.xlane vm11  }
0x37e: {  	s1 =	spop @p0 (v2sf);
	s5 =	sadd.s32 @p0 s31, s19;
	v62 =	vmpcnt.ones.xlane vm5;
	(v2sf) =	vpush v9, $0x0  }
0x37f: {  	s6 =	spop @p0 (v2sf);
	s0 =	sadd.s32 @p0 s0, s1;
	[tilespmem:s5+$0x10C80] =	vst.msk @p0 vm6, v16;
	s1 =	sadd.s32 @p0 s5, s18;
	(v2sf) =	vpush v10, $0x0  }
0x380: {  	s5 =	spop @p0 (v2sf);
	s6 =	sadd.s32 @p0 s0, s6;
	[tilespmem:s1+$0x10C80] =	vst.msk @p0 vm8, v17;
	s1 =	sadd.s32 @p0 s1, s17;
	(v2sf) =	vpush v62, $0x0  }
0x381: {  	vm4 =	vmmov @p0 vm4;
	s5 =	sadd.s32 @p0 s6, s5;
	[tilespmem:s1+$0x10C80] =	vst.msk @p0 vm7, v18  }
0x382: {  	[tilespmem:s5+$0x8000] =	vst.msk @p0 vm4, v18  }
0x383: {  	v63 =	vld [tilespmem:$0x1FFB0];
	_ =	sdelay $0x1  }
0x384: {  	s7 =	spop @p0 (v2sf)  }
0x385: {  	vm1 =	vmmov @p0 vm1;
	s1 =	sadd.s32 @p0 s1, s29;
	s16 =	spop (v2sf)  }
0x386: {  	s5 =	sadd.s32 @p0 s5, s7;
	s24 =	smov.u32 @p0 s1;
	[tilespmem:s6+$0x8000] =	vst.msk @p0 vm1, v17;
	s31 =	spop (v2sf)  }
0x387: {  	[tilespmem:s24+$0x10C80] =	vst.msk vm0, v13;
	s28 =	smov.u32 @p0 s5;
	s17 =	spop (v2sf);
	vm4 =	vnez.u8 v63  }
0x388: {  	[tilespmem:s28+$0x8000] =	vst.msk vm9, v13;
	vm4 =	vmmov @p0 vm4;
	s18 =	spop (v2sf)  }
0x389: {  	vm8 =	vmmov vm12;
	[tilespmem:s0+$0x8000] =	vst.msk @p0 vm4, v16;
	s1 =	sadd.s32 s24, s18  }
0x38a: {  	vm13 =	vmmov vm13;
	vm9 =	vmmov vm2;
	s19 =	spop (v2sf);
	[tilespmem:s1+$0x10C80] =	vst.msk vm8, v8;
	s0 =	sadd.s32 s1, s17  }
0x38b: {  	vm15 =	vmmov vm13;
	s5 =	sadd.s32 s28, s19;
	[tilespmem:s0+$0x10C80] =	vst.msk vm9, v7  }
0x38c: {  	vm10 =	vmmov vm3;
	s24 =	spop (v2sf);
	s0 =	sadd.s32 s0, s31;
	[tilespmem:s5+$0x8000] =	vst.msk vm15, v8  }
0x38d: {  	vm14 =	vmmov vm11;
	s28 =	sadd.s32 s5, s24;
	s29 =	spop (v2sf);
	[tilespmem:s0+$0x10C80] =	vst.msk vm10, v6  }
0x38e: {  	vm12 =	vmmov vm5;
	s30 =	sadd.s32 s28, s29;
	s31 =	spop (v2sf);
	[tilespmem:s28+$0x8000] =	vst.msk vm14, v7  }
0x38f: {  	s24 =	sadd.s32 s0, s16;
	[tilespmem:s30+$0x8000] =	vst.msk vm12, v6;
	s0 =	sadd.s32 s30, s31  }
.LBB2_84:
0x390: {  	s1 =	ssub.s32 s26, s25  }
0x391: {  	p0 =	slt.s32 s1, $0x1  }
.Ltmp50:
0x392: {  	_ = 	snop;
	(pc) =	sbr.rel @p0 .LBB2_87-.Ltmp50, $1  }
0x393: {  	_ =	sdelay $0x3  }
0x394: {  	s1 =	sshll.u32 s25, $0x6  }
0x395: {  	s1 =	sshra.s32 s1, $0x2  }
0x396: {  	s16 =	sshll.u32 s25, $0x4;
	s1 =	sadd.s32 $0x8000, s1  }
.LBB2_86:
0x397: {  	v6 =	vld [tilespmem:s1+$0x0];
	_ =	sdelay $0x4  }
0x398: {  	v7 =	vor.u32 s16, v0;
	v8 =	vand.u32 $0x3FF, v6  }
0x399: {  	vm0 =	vlt.s32 v7, v4;
	vm1 =	vgt.s32 v8, v5  }
0x39a: {  	vm2 =	veq.s32 v8, v5;
	vm1 =	vmand vm0, vm1  }
0x39b: {  	vm0 =	vmand vm0, vm2;
	v7 =	vmpcnt.ones.xlane vm1  }
0x39c: {  	v63 =	vmpcnt.ones.xlane vm0  }
0x39d: {  	(v2sf) =	vpush v7, $0x0  }
0x39e: {  	(v2sf) =	vpush v63, $0x0;
	_ =	sdelay $0x9  }
0x39f: {  	s25 =	sadd.s32 $0x1, s25  }
0x3a0: {  	p0 =	slt.s32 s25, s26  }
.Ltmp51:
0x3a1: {  	_ = 	snop;
	(pc) =	sbr.rel @p0 .LBB2_86-.Ltmp51, $4  }
0x3a2: {  	_ = 	snop  }
0x3a3: {  	s5 =	spop (v2sf)  }
0x3a4: {  	s1 =	sadd.s32 $0x10, s1;
	[tilespmem:s24+$0x10C80] =	vst.msk vm1, v6;
	s31 =	spop (v2sf)  }
0x3a5: {  	s16 =	sadd.s32 $0x10, s16;
	[tilespmem:s0+$0x8000] =	vst.msk vm0, v6;
	s24 =	sadd.s32 s24, s5;
	s0 =	sadd.s32 s0, s31  }
.LBB2_87:
0x3a6: {  	s0 =	ssub.s32 s24, s23  }
0x3a7: {  	s1 =	ssub.s32 $0x20F, s0;
	p0 =	sne.s32 s0, $0x20F;
	s0 =	simm.s32 $0x1  }
0x3a8: {  	s5 =	sshra.s32 s1, $0x1F;
	s0 =	simm.s32 @!p0 $0x0  }
0x3a9: {  	s6 =	sand.u32 $0xF, s1;
	s0 =	sor.u32 s0, s5  }
0x3aa: {  	p1 =	sne.s32 s6, $0x0;
	p6 =	sne.s32 s0, $0x1  }
0x3ab: {  	s31 =	sshrl.u32 s5, $0x1C;
	p0 =	por !p1, !p6  }
0x3ac: {  	s0 =	sadd.s32 s31, s1;
	s1 =	simm.s32 $0x1;
	p0 =	por !p0, !p0  }
0x3ad: {  	s0 =	sshra.s32 s0, $0x4;
	s1 =	simm.s32 @!p0 $0x0  }
0x3ae: {  	s0 =	ssub.s32 s0, s1  }
0x3af: {  	p0 =	slt.s32 s0, $0x1  }
.Ltmp52:
0x3b0: {  	_ = 	snop;
	(pc) =	sbr.rel @p0 .LBB2_101-.Ltmp52, $1  }
0x3b1: {  	_ =	sdelay $0x3  }
0x3b2: {  	s1 =	ssub.s32 s21, s24  }
0x3b3: {  	v4 =	vmov s1  }
0x3b4: {  	vm0 =	vgt.s32 v4, v0  }
0x3b5: {  	v5 =	vmpcnt.ones.xlane vm0;
	_ =	sdelay $0x1  }
0x3b6: {  	(v2sf) =	vpush v5, $0x0;
	_ =	sdelay $0x8  }
0x3b7: {  	p2 =	sne.s32 s0, $0x1  }
.Ltmp53:
0x3b8: {  	_ = 	snop;
	(pc) =	sbr.rel @!p2 .LBB2_89-.Ltmp53, $3  }
0x3b9: {  	_ =	sdelay $0x1  }
0x3ba: {  	s0 =	sadd.s32 $0xFFFFFFFF, s0;
	v4 =	vld.msk [tilespmem:$0x8000 ss:$0x0], $0xffff  }
0x3bb: {  	p0 =	por $0x0, $0x0;
	p1 =	por $0x0, $0x0;
	s1 =	sadd.s32 $0xFFFFFFF0, s1;
	vm0 =	vmmov vm0  }
0x3bc: {  	v5 =	vmov s1  }
0x3bd: {  	vm2 =	vgt.s32 v5, v0  }
0x3be: {  	v5 =	vmpcnt.ones.xlane vm2;
	_ =	sdelay $0x1  }
0x3bf: {  	(v2sf) =	vpush v5, $0x0;
	_ =	sdelay $0x3  }
0x3c0: {  	p2 =	sne.s32 s0, $0x1  }
.Ltmp54:
0x3c1: {  	_ = 	snop;
	(pc) =	sbr.rel @!p2 .LBB2_96-.Ltmp54, $2  }
0x3c2: {  	_ =	sdelay $0x2  }
0x3c3: {  	vm1 =	vmmov vm0;
	s0 =	sadd.s32 $0xFFFFFFFF, s0;
	s16 =	sadd.s32 $0xFFFFFFF0, s1;
	p0 =	por $0x1, $0x1;
	vm0 =	vmmov vm2  }
0x3c4: {  	v5 =	vmov s16  }
0x3c5: {  	vm2 =	vgt.s32 v5, v0  }
0x3c6: {  	v5 =	vmpcnt.ones.xlane vm2;
	_ =	sdelay $0x1  }
0x3c7: {  	(v2sf) =	vpush v5, $0x0  }
0x3c8: {  	p2 =	sne.s32 s0, $0x1  }
.Ltmp55:
0x3c9: {  	_ = 	snop;
	(pc) =	sbr.rel @!p2 .LBB2_98-.Ltmp55, $3  }
0x3ca: {  	_ =	sdelay $0x1  }
0x3cb: {  	s1 =	sadd.s32 $0xFFFFFFFF, s0  }
0x3cc: {  	[tilespmem:s24+$0x10C80] =	vst.msk vm1, v4;
	vm1 =	vmmov vm0;
	s16 =	sadd.s32 $0xFFFFFFF0, s16;
	p1 =	por $0x1, $0x1;
	s0 =	smov.u32 s24;
	vm0 =	vmmov vm2  }
.LBB2_99:
0x3cd: {  	v5 =	vmov s16;
	p2 =	sne.s32 s1, $0x1;
	s1 =	sadd.s32 $0xFFFFFFFF, s1  }
.Ltmp56:
0x3ce: {  	vm2 =	vgt.s32 v5, v0;
	s5 =	spop (v2sf);
	(pc) =	sbr.rel @p2 .LBB2_99-.Ltmp56, $4  }
0x3cf: {  	v5 =	vmpcnt.ones.xlane vm2;
	s0 =	sadd.s32 s0, s5  }
0x3d0: {  	[tilespmem:s0+$0x10C80] =	vst.msk vm1, v4;
	vm1 =	vmmov vm0;
	vm0 =	vmmov vm2  }
0x3d1: {  	(v2sf) =	vpush v5, $0x0  }
0x3d2: {  	s16 =	sadd.s32 $0xFFFFFFF0, s16  }
.Ltmp57:
0x3d3: {  	_ = 	snop;
	(pc) =	sbr.rel .LBB2_100-.Ltmp57, $1  }
0x3d4: {  	_ =	sdelay $0x3  }
.LBB2_21:
.Ltmp58:
0x3d5: {  	(pc) =	sbr.rel .LBB2_25-.Ltmp58, $2  }
0x3d6: {  	_ =	sdelay $0x2  }
0x3d7: {  	s1 =	simm.s32 $0x0  }
.LBB2_40:
.Ltmp59:
0x3d8: {  	(pc) =	sbr.rel .LBB2_45-.Ltmp59, $2  }
0x3d9: {  	_ =	sdelay $0x2  }
0x3da: {  	s30 =	smov.u32 s23  }
.LBB2_47:
.Ltmp60:
0x3db: {  	(pc) =	sbr.rel .LBB2_51-.Ltmp60, $2  }
0x3dc: {  	_ =	sdelay $0x2  }
0x3dd: {  	s1 =	simm.s32 $0x0  }
.LBB2_58:
.Ltmp61:
0x3de: {  	(pc) =	sbr.rel .LBB2_70-.Ltmp61, $2  }
0x3df: {  	_ =	sdelay $0x2  }
0x3e0: {  	_ = 	snop  }
.LBB2_72:
.Ltmp62:
0x3e1: {  	(pc) =	sbr.rel .LBB2_76-.Ltmp62, $2  }
0x3e2: {  	_ =	sdelay $0x2  }
0x3e3: {  	s1 =	simm.s32 $0x0  }
.LBB2_83:
.Ltmp63:
0x3e4: {  	(pc) =	sbr.rel .LBB2_94-.Ltmp63, $2  }
0x3e5: {  	_ =	sdelay $0x2  }
0x3e6: {  	s31 =	smov.u32 s24;
	s0 =	simm.s32 $0x0  }
.LBB2_23:
.Ltmp64:
0x3e7: {  	(pc) =	sbr.rel .LBB2_25-.Ltmp64, $2  }
0x3e8: {  	_ =	sdelay $0x2  }
0x3e9: {  	s1 =	simm.s32 $0x0  }
.LBB2_42:
.Ltmp65:
0x3ea: {  	(pc) =	sbr.rel .LBB2_45-.Ltmp65, $3  }
0x3eb: {  	_ =	sdelay $0x1  }
0x3ec: {  	v15 =	vmov v8  }
0x3ed: {  	v16 =	vmovc v7;
	v17 =	vmovc v6;
	v8 =	vmov v12;
	v7 =	vmov v11;
	v6 =	vmov v10  }
.LBB2_49:
.Ltmp66:
0x3ee: {  	(pc) =	sbr.rel .LBB2_51-.Ltmp66, $2  }
0x3ef: {  	_ =	sdelay $0x2  }
0x3f0: {  	s1 =	simm.s32 $0x0  }
.LBB2_67:
.Ltmp67:
0x3f1: {  	(pc) =	sbr.rel .LBB2_70-.Ltmp67, $3  }
0x3f2: {  	_ =	sdelay $0x1  }
0x3f3: {  	v16 =	vmov v7  }
0x3f4: {  	v17 =	vmovc v6;
	v6 =	vmovc v10;
	v13 =	vmov v8;
	v7 =	vmov v12;
	v11 =	vmov v9  }
.LBB2_74:
.Ltmp68:
0x3f5: {  	(pc) =	sbr.rel .LBB2_76-.Ltmp68, $2  }
0x3f6: {  	_ =	sdelay $0x2  }
0x3f7: {  	s1 =	simm.s32 $0x0  }
.LBB2_91:
0x3f8: {  	v13 =	vld [tilespmem:$0x1FFC0]  }
.Ltmp69:
0x3f9: {  	_ = 	snop;
	(pc) =	sbr.rel .LBB2_94-.Ltmp69, $3  }
0x3fa: {  	_ =	sdelay $0x1  }
0x3fb: {  	v16 =	vmov v8;
	v17 =	vmov v7;
	v18 =	vmov v6  }
0x3fc: {  	s31 =	smov.u32 s24;
	s0 =	simm.s32 $0x0;
	v6 =	vmovc v9;
	v7 =	vmovc v10;
	v8 =	vmov v11;
	vm7 =	vnez.u8 v13;
	v13 =	vmov v12  }
.LBB2_96:
.Ltmp70:
0x3fd: {  	(pc) =	sbr.rel .LBB2_100-.Ltmp70, $2  }
0x3fe: {  	_ =	sdelay $0x3  }
0x3ff: {  	s0 =	smov.u32 s24  }
.LBB2_98:
.Ltmp71:
0x400: {  	(pc) =	sbr.rel .LBB2_100-.Ltmp71, $2  }
0x401: {  	_ =	sdelay $0x2  }
0x402: {  	s0 =	smov.u32 s24  }
.LBB2_102:
0x403: {  	s16 =	simm.s32 $0x100C0  }
0x404: {  	[tilespmem:s16+$0xFFFFFFC0] =	vst v2  }
0x405: {  	[tilespmem:s16+$0x30] =	vst v2  }
0x406: {  	[tilespmem:s16+$0x20] =	vst v2  }
0x407: {  	[tilespmem:s16+$0x10] =	vst v2  }
0x408: {  	[tilespmem:s16+$0x0] =	vst v2  }
0x409: {  	[tilespmem:s16+$0xFFFFFFF0] =	vst v2  }
0x40a: {  	s17 =	simm.s32 $0x0;
	s0 =	simm.s32 $0x110A0;
	[tilespmem:s16+$0xFFFFFFE0] =	vst v2  }
.LBB2_103:
0x40b: {  	s17 =	sadd.s32 $0x8, s17;
	[tilespmem:s16+$0xFFFFFFD0] =	vst v2;
	s16 =	sadd.s32 $0x80, s16;
	s1 =	simm.s32 $0xFFFFFFFE  }
0x40c: {  	[tilespmem:s16+$0xFFFFFFC0] =	vst v2;
	p0 =	slt.u32 s17, $0x38  }
0x40d: {  	[tilespmem:s16+$0x30] =	vst v2  }
.Ltmp72:
0x40e: {  	[tilespmem:s16+$0x20] =	vst v2;
	(pc) =	sbr.rel @p0 .LBB2_103-.Ltmp72, $4  }
0x40f: {  	[tilespmem:s16+$0x10] =	vst v2  }
0x410: {  	[tilespmem:s16+$0x0] =	vst v2  }
0x411: {  	[tilespmem:s16+$0xFFFFFFF0] =	vst v2  }
0x412: {  	[tilespmem:s16+$0xFFFFFFE0] =	vst v2  }
0x413: {  	[tilespmem:s16+$0xFFFFFFD0] =	vst v2  }
.LBB2_105:
0x414: {  	v4 =	vld [tilespmem:s0+$0xFFFFFBE0];
	_ =	sdelay $0x4  }
0x415: {  	v4 =	vand.u32 $0xFF, v4  }
0x416: {  	(xrf1) =	vunique.msk.u32 $0xffff, v4;
	_ =	sdelay $0xd  }
0x417: {  	_, v5, vm0 =	vpop (xrf1);
	_ =	sdelay $0x5  }
0x418: {  	[tilespmem:v4+s12+$0x0] =	vst.idx.add.s32.msk vm0, v5  }
0x419: {  	v4 =	vld [tilespmem:s0+$0xFFFFFDF0];
	_ =	sdelay $0x4  }
0x41a: {  	v5 =	vand.u32 $0xFF, v4  }
0x41b: {  	v5 =	vor.u32 $0x100, v5  }
0x41c: {  	(xrf1) =	vunique.msk.u32 $0xffff, v5;
	_ =	sdelay $0xd  }
0x41d: {  	v4 =	vand.u32 $0x7F, v4;
	v5 =	vand.u32 $0x180, v5;
	_, v6, vm13 =	vpop (xrf1)  }
0x41e: {  	v4 =	vor.u32 v4, v5;
	_ =	sdelay $0x4  }
0x41f: {  	[tilespmem:v4+s12+$0x0] =	vst.idx.add.s32.msk vm13, v6  }
0x420: {  	v4 =	vld [tilespmem:s0+$0x0];
	_ =	sdelay $0x4  }
0x421: {  	v5 =	vand.u32 $0xFF, v4  }
0x422: {  	v5 =	vor.u32 $0x200, v5  }
0x423: {  	(xrf1) =	vunique.msk.u32 $0xffff, v5;
	_ =	sdelay $0xd  }
0x424: {  	v4 =	vand.u32 $0x7F, v4;
	v5 =	vand.u32 $0x280, v5;
	_, v6, vm0 =	vpop (xrf1)  }
0x425: {  	v4 =	vor.u32 v4, v5;
	_ =	sdelay $0x4  }
0x426: {  	[tilespmem:v4+s12+$0x0] =	vst.idx.add.s32.msk vm0, v6  }
0x427: {  	v4 =	vld [tilespmem:s0+$0x210];
	_ =	sdelay $0x4  }
0x428: {  	v5 =	vand.u32 $0xFF, v4  }
0x429: {  	v5 =	vor.u32 $0x300, v5  }
0x42a: {  	(xrf1) =	vunique.msk.u32 $0xffff, v5;
	_ =	sdelay $0xd  }
0x42b: {  	v4 =	vand.u32 $0x7F, v4;
	v5 =	vand.u32 $0x380, v5;
	_, v6, vm0 =	vpop (xrf1)  }
0x42c: {  	v4 =	vor.u32 v4, v5;
	_ =	sdelay $0x4  }
0x42d: {  	[tilespmem:v4+s12+$0x0] =	vst.idx.add.s32.msk vm0, v6  }
0x42e: {  	v4 =	vld [tilespmem:s0+$0xFFFFFBF0];
	_ =	sdelay $0x4  }
0x42f: {  	v4 =	vand.u32 $0xFF, v4  }
0x430: {  	(xrf1) =	vunique.msk.u32 $0xffff, v4;
	_ =	sdelay $0xd  }
0x431: {  	_, v5, vm14 =	vpop (xrf1);
	_ =	sdelay $0x5  }
0x432: {  	[tilespmem:v4+s12+$0x0] =	vst.idx.add.s32.msk vm14, v5  }
0x433: {  	v4 =	vld [tilespmem:s0+$0xFFFFFE00];
	_ =	sdelay $0x4  }
0x434: {  	v5 =	vand.u32 $0xFF, v4  }
0x435: {  	v5 =	vor.u32 $0x100, v5  }
0x436: {  	(xrf1) =	vunique.msk.u32 $0xffff, v5;
	_ =	sdelay $0xd  }
0x437: {  	v4 =	vand.u32 $0x7F, v4;
	v5 =	vand.u32 $0x180, v5;
	_, v63, vm15 =	vpop (xrf1)  }
0x438: {  	v4 =	vor.u32 v4, v5;
	_ =	sdelay $0x4  }
0x439: {  	[tilespmem:v4+s12+$0x0] =	vst.idx.add.s32.msk vm15, v63  }
0x43a: {  	v4 =	vld [tilespmem:s0+$0x10];
	_ =	sdelay $0x4  }
0x43b: {  	v5 =	vand.u32 $0xFF, v4  }
0x43c: {  	v5 =	vor.u32 $0x200, v5  }
0x43d: {  	(xrf1) =	vunique.msk.u32 $0xffff, v5;
	_ =	sdelay $0xd  }
0x43e: {  	v4 =	vand.u32 $0x7F, v4;
	v5 =	vand.u32 $0x280, v5;
	_, v6, vm0 =	vpop (xrf1)  }
0x43f: {  	v4 =	vor.u32 v4, v5;
	_ =	sdelay $0x4  }
0x440: {  	[tilespmem:v4+s12+$0x0] =	vst.idx.add.s32.msk vm0, v6  }
0x441: {  	v4 =	vld [tilespmem:s0+$0x220];
	_ =	sdelay $0x4  }
0x442: {  	v5 =	vand.u32 $0xFF, v4  }
0x443: {  	v5 =	vor.u32 $0x300, v5  }
0x444: {  	(xrf1) =	vunique.msk.u32 $0xffff, v5;
	_ =	sdelay $0xd  }
0x445: {  	s1 =	sadd.s32 $0x2, s1;
	v4 =	vand.u32 $0x7F, v4;
	v5 =	vand.u32 $0x380, v5;
	_, v6, vm0 =	vpop (xrf1)  }
0x446: {  	p0 =	slt.u32 s1, $0x1E;
	v4 =	vor.u32 v4, v5  }
.Ltmp73:
0x447: {  	_ = 	snop;
	(pc) =	sbr.rel @p0 .LBB2_105-.Ltmp73, $2  }
0x448: {  	_ =	sdelay $0x2  }
0x449: {  	s24 =	simm.s32 $0x0;
	s0 =	sadd.s32 $0x20, s0;
	[tilespmem:v4+s12+$0x0] =	vst.idx.add.s32.msk vm0, v6  }
0x44a: {  	s23 =	simm.s32 $0x2F0  }
0x44b: {  	v4 =	vld [tilespmem:s23+$0xFF80]  }
0x44c: {  	v6 =	vld [tilespmem:s23+$0x10080]  }
0x44d: {  	v5 =	vld [tilespmem:s23+$0x10180]  }
0x44e: {  	v7 =	vld [tilespmem:s23+$0xFE80];
	_ =	sdelay $0x1  }
0x44f: {  	(xrf0) =	vadd.scan.msk.s32 $0xffff, v4  }
0x450: {  	(xrf0) =	vadd.scan.msk.s32 $0xffff, v6  }
0x451: {  	s21 =	simm.s32 $0x2E0;
	v10 =	vperm.xlane v5, v3;
	(xrf0) =	vadd.scan.msk.s32 $0xffff, v5  }
0x452: {  	v8 =	vld [tilespmem:s21+$0xFF80];
	v5 =	vperm.xlane v7, v3;
	(xrf0) =	vadd.scan.msk.s32 $0xffff, v7  }
0x453: {  	v13 =	vld [tilespmem:s21+$0x10080];
	v14 =	vperm.xlane v4, v3;
	(xrf0) =	vadd.scan.msk.s32 $0xffff, v10  }
0x454: {  	v15 =	vperm.xlane v6, v3;
	v7 =	vld [tilespmem:s21+$0x10180];
	(xrf0) =	vadd.scan.msk.s32 $0xffff, v5  }
0x455: {  	v6 =	vld [tilespmem:s21+$0xFE80];
	v9, _, _ =	vpop (xrf0);
	(xrf0) =	vadd.scan.msk.s32 $0xffff, v14  }
0x456: {  	v11, _, _ =	vpop (xrf0);
	(xrf0) =	vadd.scan.msk.s32 $0xffff, v15  }
0x457: {  	v12, _, _ =	vpop (xrf0);
	(xrf0) =	vadd.scan.msk.s32 $0xffff, v8  }
0x458: {  	v16, _, _ =	vpop (xrf0);
	(xrf0) =	vadd.scan.msk.s32 $0xffff, v13  }
0x459: {  	v18, _, _ =	vpop (xrf0);
	(xrf0) =	vadd.scan.msk.s32 $0xffff, v7  }
0x45a: {  	(v2sf) =	vpush v9, $0xF;
	v4 =	vperm.xlane v7, v3;
	(xrf0) =	vadd.scan.msk.s32 $0xffff, v6;
	v7, _, _ =	vpop (xrf0)  }
0x45b: {  	(v2sf) =	vpush v11, $0xF;
	v17, _, _ =	vpop (xrf0)  }
0x45c: {  	(v2sf) =	vpush v12, $0xF;
	v19, _, _ =	vpop (xrf0)  }
0x45d: {  	v9 =	vperm.xlane v8, v3;
	v8 =	vperm.xlane v13, v3;
	(v2sf) =	vpush v16, $0xF;
	v13, _, _ =	vpop (xrf0)  }
0x45e: {  	(v2sf) =	vpush v13, $0xF;
	v13, _, _ =	vpop (xrf0)  }
0x45f: {  	s22 =	simm.s32 $0x2D0;
	(v2sf) =	vpush v13, $0xF;
	v16, _, _ =	vpop (xrf0)  }
0x460: {  	v11 =	vld [tilespmem:s22+$0xFF80];
	v6 =	vperm.xlane v6, v3;
	(xrf0) =	vadd.scan.msk.s32 $0xffff, v4;
	v20, _, _ =	vpop (xrf0);
	(v2sf) =	vpush v16, $0xF  }
0x461: {  	v14 =	vsub.s32 s24, v14;
	v12 =	vld [tilespmem:s22+$0x10080];
	(v2sf) =	vpush v20, $0xF  }
0x462: {  	(xrf0) =	vadd.scan.msk.s32 $0xffff, v6;
	v17 =	vadd.s32 v17, v14;
	v14 =	vld [tilespmem:s22+$0x10180]  }
0x463: {  	v10 =	vsub.s32 s24, v10;
	(xrf0) =	vadd.scan.msk.s32 $0xffff, v9;
	v13 =	vld [tilespmem:s22+$0xFE80]  }
0x464: {  	(xrf0) =	vadd.scan.msk.s32 $0xffff, v8  }
0x465: {  	s17 =	simm.s32 $0xB00;
	v15 =	vsub.s32 s24, v15;
	(xrf0) =	vadd.scan.msk.s32 $0xffff, v11;
	v16 =	vadd.s32 v18, v10  }
0x466: {  	s1 =	simm.s32 $0x0;
	s16 =	simm.s32 $0x0;
	s0 =	simm.s32 $0x0;
	v15 =	vadd.s32 v19, v15;
	(xrf0) =	vadd.scan.msk.s32 $0xffff, v12;
	v10, _, _ =	vpop (xrf0);
	v16 =	vperm.xlane v16, v3  }
.LBB2_107:
0x467: {  	(xrf0) =	vadd.scan.msk.s32 $0xffff, v14;
	v18 =	vsub.s32 s24, v5;
	v24 =	vperm.xlane v17, v3;
	v19 =	vmovc v4;
	v4 =	vperm.xlane v14, v3  }
0x468: {  	s18 =	sshra.s32 s17, $0x2;
	p0 =	sne.s32 s17, $0x800;
	s17 =	sadd.s32 $0xFFFFFFC0, s17;
	v14 =	vmovc v13;
	v20 =	vmovc v11;
	v5 =	vmov v6;
	v21 =	vmov v12;
	v22 =	vmov v9  }
0x469: {  	v15 =	vperm.xlane v15, v3;
	v13 =	vld [tilespmem:s18+$0xFE80];
	(xrf0) =	vadd.scan.msk.s32 $0xffff, v14;
	v18 =	vadd.s32 v7, v18;
	v7, _, _ =	vpop (xrf0);
	v23 =	vadd.s32 $0x630, v16  }
0x46a: {  	v17 =	vmov v8;
	v6 =	vperm.xlane v14, v3;
	v11 =	vld [tilespmem:s18+$0xFF80];
	(xrf0) =	vadd.scan.msk.s32 $0xffff, v4;
	v16, _, _ =	vpop (xrf0);
	v14 =	vadd.s32 $0x210, v24;
	s5 =	spop (v2sf)  }
0x46b: {  	v9 =	vperm.xlane v20, v3;
	v18 =	vperm.xlane v18, v3;
	v24 =	vadd.s32 $0x420, v15;
	v12 =	vld [tilespmem:s18+$0x10080];
	v20, _, _ =	vpop (xrf0);
	[tilespmem:s23+$0x10780] =	vst v14;
	s1 =	sadd.s32 s1, s5;
	s5 =	spop (v2sf)  }
.Ltmp74:
0x46c: {  	v8 =	vperm.xlane v21, v3;
	v14 =	vld [tilespmem:s18+$0x10180];
	(xrf0) =	vadd.scan.msk.s32 $0xffff, v6;
	v21, _, _ =	vpop (xrf0);
	v22 =	vsub.s32 s1, v22;
	[tilespmem:s23+$0x10880] =	vst v24;
	s16 =	sadd.s32 s16, s5;
	s5 =	spop (v2sf);
	(pc) =	sbr.rel @p0 .LBB2_107-.Ltmp74, $4  }
0x46d: {  	(xrf0) =	vadd.scan.msk.s32 $0xffff, v9;
	(v2sf) =	vpush v21, $0xF;
	v15, _, _ =	vpop (xrf0);
	v21 =	vsub.s32 s16, v17;
	[tilespmem:s23+$0x10680] =	vst v18;
	s0 =	sadd.s32 s0, s5;
	s5 =	spop (v2sf)  }
0x46e: {  	v17 =	vadd.s32 v16, v22;
	(xrf0) =	vadd.scan.msk.s32 $0xffff, v8;
	(v2sf) =	vpush v15, $0xF;
	v15, _, _ =	vpop (xrf0);
	v16 =	vsub.s32 s0, v19;
	s24 =	sadd.s32 s24, s5  }
0x46f: {  	(xrf0) =	vadd.scan.msk.s32 $0xffff, v11;
	v18, _, _ =	vpop (xrf0);
	(v2sf) =	vpush v15, $0xF;
	v15 =	vadd.s32 v20, v21;
	v16 =	vadd.s32 v10, v16  }
0x470: {  	(xrf0) =	vadd.scan.msk.s32 $0xffff, v12;
	(v2sf) =	vpush v18, $0xF;
	v10, _, _ =	vpop (xrf0);
	v16 =	vperm.xlane v16, v3;
	[tilespmem:s23+$0x10980] =	vst v23;
	s23 =	smov.u32 s21;
	s21 =	smov.u32 s22;
	s22 =	smov.u32 s18  }
0x471: {  	(xrf0) =	vadd.scan.msk.s32 $0xffff, v14  }
0x472: {  	(xrf0) =	vadd.scan.msk.s32 $0xffff, v13;
	v18, _, _ =	vpop (xrf0)  }
0x473: {  	v19, _, _ =	vpop (xrf0)  }
0x474: {  	v20, _, _ =	vpop (xrf0)  }
0x475: {  	v21, _, _ =	vpop (xrf0)  }
0x476: {  	v49 =	vperm.xlane v14, v3;
	(v2sf) =	vpush v21, $0xF;
	v48, _, _ =	vpop (xrf0)  }
0x477: {  	v51 =	vperm.xlane v13, v3;
	(v2sf) =	vpush v48, $0xF;
	v50, _, _ =	vpop (xrf0)  }
0x478: {  	v11 =	vperm.xlane v11, v3;
	v5 =	vsub.s32 s24, v5;
	(xrf0) =	vadd.scan.msk.s32 $0xffff, v49;
	(v2sf) =	vpush v50, $0xF;
	v52, _, _ =	vpop (xrf0)  }
0x479: {  	s5 =	spop (v2sf);
	v17 =	vperm.xlane v17, v3;
	v12 =	vperm.xlane v12, v3;
	(xrf0) =	vadd.scan.msk.s32 $0xffff, v51;
	(v2sf) =	vpush v52, $0xF  }
0x47a: {  	v53 =	vperm.xlane v15, v3;
	v5 =	vadd.s32 v7, v5;
	s6 =	spop (v2sf);
	(xrf0) =	vadd.scan.msk.s32 $0xffff, v11  }
0x47b: {  	s1 =	sadd.s32 s1, s5;
	v54 =	vadd.s32 $0x630, v16;
	s16 =	sadd.s32 s16, s6;
	s17 =	spop (v2sf);
	v55 =	vadd.s32 $0x210, v17;
	v5 =	vperm.xlane v5, v3;
	(xrf0) =	vadd.scan.msk.s32 $0xffff, v12  }
0x47c: {  	v7 =	vadd.s32 $0x420, v53;
	v9 =	vsub.s32 s1, v9;
	s0 =	sadd.s32 s0, s17;
	s18 =	spop (v2sf);
	v8 =	vsub.s32 s16, v8  }
0x47d: {  	[tilespmem:s23+$0x10980] =	vst v54;
	v9 =	vadd.s32 v19, v9;
	v4 =	vsub.s32 s0, v4;
	s6 =	sadd.s32 s24, s18;
	v8 =	vadd.s32 v20, v8  }
0x47e: {  	[tilespmem:s23+$0x10780] =	vst v55;
	v9 =	vperm.xlane v9, v3;
	v4 =	vadd.s32 v10, v4;
	v6 =	vsub.s32 s6, v6;
	v56, _, _ =	vpop (xrf0);
	s7 =	spop (v2sf)  }
0x47f: {  	[tilespmem:s23+$0x10680] =	vst v5;
	v8 =	vperm.xlane v8, v3;
	v4 =	vperm.xlane v4, v3;
	v6 =	vadd.s32 v18, v6;
	v5, _, _ =	vpop (xrf0);
	s1 =	sadd.s32 s1, s7;
	s19 =	spop (v2sf)  }
0x480: {  	[tilespmem:s23+$0x10880] =	vst v7;
	v9 =	vadd.s32 $0x210, v9;
	v6 =	vperm.xlane v6, v3;
	v57, _, _ =	vpop (xrf0);
	v11 =	vsub.s32 s1, v11;
	s24 =	sadd.s32 s16, s19;
	s25 =	spop (v2sf)  }
0x481: {  	[tilespmem:s21+$0x10780] =	vst v9;
	v8 =	vadd.s32 $0x420, v8;
	v58, _, _ =	vpop (xrf0);
	v59 =	vsub.s32 s24, v12;
	s26 =	spop (v2sf);
	v10 =	vadd.s32 v57, v11  }
0x482: {  	v4 =	vadd.s32 $0x630, v4;
	[tilespmem:s21+$0x10880] =	vst v8;
	s0 =	sadd.s32 s0, s25;
	s1 =	sadd.s32 s6, s26;
	v60 =	vadd.s32 v58, v59;
	v61 =	vperm.xlane v10, v3  }
0x483: {  	[tilespmem:s21+$0x10680] =	vst v6;
	v62 =	vsub.s32 s0, v49;
	v63 =	vsub.s32 s1, v51;
	v8 =	vperm.xlane v60, v3  }
0x484: {  	[tilespmem:s21+$0x10980] =	vst v4;
	v6 =	vadd.s32 v56, v62;
	v4 =	vadd.s32 v5, v63;
	v5 =	vadd.s32 $0x210, v61  }
0x485: {  	v6 =	vperm.xlane v6, v3;
	v4 =	vperm.xlane v4, v3;
	[tilespmem:s22+$0x10780] =	vst v5;
	v5 =	vadd.s32 $0x420, v8;
	s28 =	spop (v2sf)  }
0x486: {  	[tilespmem:s22+$0x10880] =	vst v5;
	s29 =	spop (v2sf)  }
0x487: {  	v5 =	vadd.s32 $0x630, v6;
	[tilespmem:s22+$0x10680] =	vst v4;
	s30 =	spop (v2sf)  }
0x488: {  	s0 =	simm.s32 $0xFFFFFFFE;
	s1 =	simm.s32 $0x110A0;
	[tilespmem:s22+$0x10980] =	vst v5;
	s31 =	spop (v2sf)  }
.LBB2_109:
0x489: {  	v4 =	vld [tilespmem:s1+$0xFFFFFBE0];
	_ =	sdelay $0x4  }
0x48a: {  	v5 =	vand.u32 $0xFF, v4  }
0x48b: {  	(xrf1) =	vunique.msk.u32 $0xffff, v5;
	_ =	sdelay $0x9  }
0x48c: {  	v6 =	vld.idx.msk [tilespmem:v5+s13+$0x0], $0xffff;
	_ =	sdelay $0x3  }
0x48d: {  	_, v7, vm0 =	vpop (xrf1)  }
0x48e: {  	v6 =	vadd.s32 v7, v6  }
0x48f: {  	v6 =	vadd.s32 $0xFFFFFFFF, v6;
	_ =	sdelay $0x4  }
0x490: {  	[tilespmem:v6+s14+$0x0] =	vst.idx.msk $0xffff, v4  }
0x491: {  	[tilespmem:v5+s13+$0x0] =	vst.idx.add.s32.msk vm0, v7  }
0x492: {  	v4 =	vld [tilespmem:s1+$0xFFFFFDF0];
	_ =	sdelay $0x4  }
0x493: {  	v5 =	vand.u32 $0xFF, v4  }
0x494: {  	v5 =	vor.u32 $0x100, v5  }
0x495: {  	(xrf1) =	vunique.msk.u32 $0xffff, v5;
	_ =	sdelay $0x3  }
0x496: {  	v58 =	vand.u32 $0x7F, v4;
	v5 =	vand.u32 $0x180, v5  }
0x497: {  	v5 =	vor.u32 v58, v5;
	_ =	sdelay $0x4  }
0x498: {  	v6 =	vld.idx.msk [tilespmem:v5+s13+$0x0], $0xffff;
	_ =	sdelay $0x3  }
0x499: {  	_, v7, vm0 =	vpop (xrf1)  }
0x49a: {  	v6 =	vadd.s32 v7, v6  }
0x49b: {  	v6 =	vadd.s32 $0xFFFFFFFF, v6;
	_ =	sdelay $0x4  }
0x49c: {  	[tilespmem:v6+s14+$0x0] =	vst.idx.msk $0xffff, v4  }
0x49d: {  	[tilespmem:v5+s13+$0x0] =	vst.idx.add.s32.msk vm0, v7  }
0x49e: {  	v4 =	vld [tilespmem:s1+$0x0];
	_ =	sdelay $0x4  }
0x49f: {  	v5 =	vand.u32 $0xFF, v4  }
0x4a0: {  	v5 =	vor.u32 $0x200, v5  }
0x4a1: {  	(xrf1) =	vunique.msk.u32 $0xffff, v5;
	_ =	sdelay $0x3  }
0x4a2: {  	v59 =	vand.u32 $0x7F, v4;
	v5 =	vand.u32 $0x280, v5  }
0x4a3: {  	v5 =	vor.u32 v59, v5;
	_ =	sdelay $0x4  }
0x4a4: {  	v6 =	vld.idx.msk [tilespmem:v5+s13+$0x0], $0xffff;
	_ =	sdelay $0x3  }
0x4a5: {  	_, v7, vm0 =	vpop (xrf1)  }
0x4a6: {  	v6 =	vadd.s32 v7, v6  }
0x4a7: {  	v6 =	vadd.s32 $0xFFFFFFFF, v6;
	_ =	sdelay $0x4  }
0x4a8: {  	[tilespmem:v6+s14+$0x0] =	vst.idx.msk $0xffff, v4  }
0x4a9: {  	[tilespmem:v5+s13+$0x0] =	vst.idx.add.s32.msk vm0, v7  }
0x4aa: {  	v4 =	vld [tilespmem:s1+$0x210];
	_ =	sdelay $0x4  }
0x4ab: {  	v5 =	vand.u32 $0xFF, v4  }
0x4ac: {  	v5 =	vor.u32 $0x300, v5  }
0x4ad: {  	(xrf1) =	vunique.msk.u32 $0xffff, v5;
	_ =	sdelay $0x3  }
0x4ae: {  	v60 =	vand.u32 $0x7F, v4;
	v5 =	vand.u32 $0x380, v5  }
0x4af: {  	v5 =	vor.u32 v60, v5;
	_ =	sdelay $0x4  }
0x4b0: {  	v6 =	vld.idx.msk [tilespmem:v5+s13+$0x0], $0xffff;
	_ =	sdelay $0x3  }
0x4b1: {  	_, v7, vm0 =	vpop (xrf1)  }
0x4b2: {  	v6 =	vadd.s32 v7, v6  }
0x4b3: {  	v6 =	vadd.s32 $0xFFFFFFFF, v6;
	_ =	sdelay $0x4  }
0x4b4: {  	[tilespmem:v6+s14+$0x0] =	vst.idx.msk $0xffff, v4  }
0x4b5: {  	[tilespmem:v5+s13+$0x0] =	vst.idx.add.s32.msk vm0, v7  }
0x4b6: {  	v4 =	vld [tilespmem:s1+$0xFFFFFBF0];
	_ =	sdelay $0x4  }
0x4b7: {  	v5 =	vand.u32 $0xFF, v4  }
0x4b8: {  	(xrf1) =	vunique.msk.u32 $0xffff, v5;
	_ =	sdelay $0x9  }
0x4b9: {  	v6 =	vld.idx.msk [tilespmem:v5+s13+$0x0], $0xffff;
	_ =	sdelay $0x3  }
0x4ba: {  	_, v7, vm0 =	vpop (xrf1)  }
0x4bb: {  	v6 =	vadd.s32 v7, v6  }
0x4bc: {  	v6 =	vadd.s32 $0xFFFFFFFF, v6;
	_ =	sdelay $0x4  }
0x4bd: {  	[tilespmem:v6+s14+$0x0] =	vst.idx.msk $0xffff, v4  }
0x4be: {  	[tilespmem:v5+s13+$0x0] =	vst.idx.add.s32.msk vm0, v7  }
0x4bf: {  	v4 =	vld [tilespmem:s1+$0xFFFFFE00];
	_ =	sdelay $0x4  }
0x4c0: {  	v5 =	vand.u32 $0xFF, v4  }
0x4c1: {  	v5 =	vor.u32 $0x100, v5  }
0x4c2: {  	(xrf1) =	vunique.msk.u32 $0xffff, v5;
	_ =	sdelay $0x3  }
0x4c3: {  	v61 =	vand.u32 $0x7F, v4;
	v5 =	vand.u32 $0x180, v5  }
0x4c4: {  	v5 =	vor.u32 v61, v5;
	_ =	sdelay $0x4  }
0x4c5: {  	v6 =	vld.idx.msk [tilespmem:v5+s13+$0x0], $0xffff;
	_ =	sdelay $0x3  }
0x4c6: {  	_, v7, vm0 =	vpop (xrf1)  }
0x4c7: {  	v6 =	vadd.s32 v7, v6  }
0x4c8: {  	v6 =	vadd.s32 $0xFFFFFFFF, v6;
	_ =	sdelay $0x4  }
0x4c9: {  	[tilespmem:v6+s14+$0x0] =	vst.idx.msk $0xffff, v4  }
0x4ca: {  	[tilespmem:v5+s13+$0x0] =	vst.idx.add.s32.msk vm0, v7  }
0x4cb: {  	v4 =	vld [tilespmem:s1+$0x10];
	_ =	sdelay $0x4  }
0x4cc: {  	v5 =	vand.u32 $0xFF, v4  }
0x4cd: {  	v5 =	vor.u32 $0x200, v5  }
0x4ce: {  	(xrf1) =	vunique.msk.u32 $0xffff, v5;
	_ =	sdelay $0x3  }
0x4cf: {  	v62 =	vand.u32 $0x7F, v4;
	v5 =	vand.u32 $0x280, v5  }
0x4d0: {  	v5 =	vor.u32 v62, v5;
	_ =	sdelay $0x4  }
0x4d1: {  	v6 =	vld.idx.msk [tilespmem:v5+s13+$0x0], $0xffff;
	_ =	sdelay $0x3  }
0x4d2: {  	_, v7, vm0 =	vpop (xrf1)  }
0x4d3: {  	v6 =	vadd.s32 v7, v6  }
0x4d4: {  	v6 =	vadd.s32 $0xFFFFFFFF, v6;
	_ =	sdelay $0x4  }
0x4d5: {  	[tilespmem:v6+s14+$0x0] =	vst.idx.msk $0xffff, v4  }
0x4d6: {  	[tilespmem:v5+s13+$0x0] =	vst.idx.add.s32.msk vm0, v7  }
0x4d7: {  	v4 =	vld [tilespmem:s1+$0x220];
	_ =	sdelay $0x4  }
0x4d8: {  	v5 =	vand.u32 $0xFF, v4  }
0x4d9: {  	v5 =	vor.u32 $0x300, v5  }
0x4da: {  	(xrf1) =	vunique.msk.u32 $0xffff, v5;
	_ =	sdelay $0x3  }
0x4db: {  	v63 =	vand.u32 $0x7F, v4;
	v5 =	vand.u32 $0x380, v5  }
0x4dc: {  	v5 =	vor.u32 v63, v5;
	_ =	sdelay $0x4  }
0x4dd: {  	v6 =	vld.idx.msk [tilespmem:v5+s13+$0x0], $0xffff;
	_ =	sdelay $0x3  }
0x4de: {  	_, v7, vm0 =	vpop (xrf1)  }
0x4df: {  	v6 =	vadd.s32 v7, v6  }
0x4e0: {  	s0 =	sadd.s32 $0x2, s0;
	v6 =	vadd.s32 $0xFFFFFFFF, v6  }
0x4e1: {  	p0 =	slt.u32 s0, $0x1E  }
.Ltmp75:
0x4e2: {  	_ = 	snop;
	(pc) =	sbr.rel @p0 .LBB2_109-.Ltmp75, $3  }
0x4e3: {  	_ =	sdelay $0x1  }
0x4e4: {  	[tilespmem:v6+s14+$0x0] =	vst.idx.msk $0xffff, v4  }
0x4e5: {  	s17 =	simm.s32 $0xFFFFFFF8;
	s16 =	simm.s32 $0x100C0;
	s1 =	sadd.s32 $0x20, s1;
	[tilespmem:v5+s13+$0x0] =	vst.idx.add.s32.msk vm0, v7  }
0x4e6: {  	[tilespmem:s16+$0xFFFFFFC0] =	vst v2  }
0x4e7: {  	[tilespmem:s16+$0x30] =	vst v2  }
0x4e8: {  	[tilespmem:s16+$0x20] =	vst v2  }
0x4e9: {  	[tilespmem:s16+$0x10] =	vst v2  }
0x4ea: {  	[tilespmem:s16+$0x0] =	vst v2  }
0x4eb: {  	[tilespmem:s16+$0xFFFFFFF0] =	vst v2  }
0x4ec: {  	s1 =	sadd.s32 $0x8, s17;
	[tilespmem:s16+$0xFFFFFFE0] =	vst v2;
	s0 =	simm.s32 $0x11920  }
.LBB2_111:
0x4ed: {  	s1 =	sadd.s32 $0x8, s1;
	[tilespmem:s16+$0xFFFFFFD0] =	vst v2;
	s16 =	sadd.s32 $0x80, s16  }
0x4ee: {  	[tilespmem:s16+$0xFFFFFFC0] =	vst v2;
	p0 =	slt.u32 s1, $0x38  }
0x4ef: {  	[tilespmem:s16+$0x30] =	vst v2  }
.Ltmp76:
0x4f0: {  	[tilespmem:s16+$0x20] =	vst v2;
	(pc) =	sbr.rel @p0 .LBB2_111-.Ltmp76, $4  }
0x4f1: {  	[tilespmem:s16+$0x10] =	vst v2  }
0x4f2: {  	[tilespmem:s16+$0x0] =	vst v2  }
0x4f3: {  	[tilespmem:s16+$0xFFFFFFF0] =	vst v2  }
0x4f4: {  	[tilespmem:s16+$0xFFFFFFE0] =	vst v2  }
0x4f5: {  	[tilespmem:s16+$0xFFFFFFD0] =	vst v2;
	s1 =	simm.s32 $0xFFFFFFFE  }
.LBB2_113:
0x4f6: {  	v4 =	vld [tilespmem:s0+$0xFFFFFBE0];
	_ =	sdelay $0x4  }
0x4f7: {  	v4 =	vshrl.u32 v4, $0x8  }
0x4f8: {  	v4 =	vand.u32 $0xFF, v4  }
0x4f9: {  	(xrf1) =	vunique.msk.u32 $0xffff, v4;
	_ =	sdelay $0xd  }
0x4fa: {  	_, v5, vm0 =	vpop (xrf1);
	_ =	sdelay $0x5  }
0x4fb: {  	[tilespmem:v4+s12+$0x0] =	vst.idx.add.s32.msk vm0, v5  }
0x4fc: {  	v4 =	vld [tilespmem:s0+$0xFFFFFDF0];
	_ =	sdelay $0x4  }
0x4fd: {  	v4 =	vshrl.u32 v4, $0x8  }
0x4fe: {  	v5 =	vand.u32 $0xFF, v4  }
0x4ff: {  	v5 =	vor.u32 $0x100, v5  }
0x500: {  	(xrf1) =	vunique.msk.u32 $0xffff, v5;
	_ =	sdelay $0xd  }
0x501: {  	v4 =	vand.u32 $0x7F, v4;
	v5 =	vand.u32 $0x180, v5;
	_, v6, vm13 =	vpop (xrf1)  }
0x502: {  	v4 =	vor.u32 v4, v5;
	_ =	sdelay $0x4  }
0x503: {  	[tilespmem:v4+s12+$0x0] =	vst.idx.add.s32.msk vm13, v6  }
0x504: {  	v4 =	vld [tilespmem:s0+$0x0];
	_ =	sdelay $0x4  }
0x505: {  	v4 =	vshrl.u32 v4, $0x8  }
0x506: {  	v5 =	vand.u32 $0xFF, v4  }
0x507: {  	v5 =	vor.u32 $0x200, v5  }
0x508: {  	(xrf1) =	vunique.msk.u32 $0xffff, v5;
	_ =	sdelay $0xd  }
0x509: {  	v4 =	vand.u32 $0x7F, v4;
	v5 =	vand.u32 $0x280, v5;
	_, v6, vm0 =	vpop (xrf1)  }
0x50a: {  	v4 =	vor.u32 v4, v5;
	_ =	sdelay $0x4  }
0x50b: {  	[tilespmem:v4+s12+$0x0] =	vst.idx.add.s32.msk vm0, v6  }
0x50c: {  	v4 =	vld [tilespmem:s0+$0x210];
	_ =	sdelay $0x4  }
0x50d: {  	v4 =	vshrl.u32 v4, $0x8  }
0x50e: {  	v5 =	vand.u32 $0xFF, v4  }
0x50f: {  	v5 =	vor.u32 $0x300, v5  }
0x510: {  	(xrf1) =	vunique.msk.u32 $0xffff, v5;
	_ =	sdelay $0xd  }
0x511: {  	v4 =	vand.u32 $0x7F, v4;
	v5 =	vand.u32 $0x380, v5;
	_, v6, vm0 =	vpop (xrf1)  }
0x512: {  	v4 =	vor.u32 v4, v5;
	_ =	sdelay $0x4  }
0x513: {  	[tilespmem:v4+s12+$0x0] =	vst.idx.add.s32.msk vm0, v6  }
0x514: {  	v4 =	vld [tilespmem:s0+$0xFFFFFBF0];
	_ =	sdelay $0x4  }
0x515: {  	v4 =	vshrl.u32 v4, $0x8  }
0x516: {  	v4 =	vand.u32 $0xFF, v4  }
0x517: {  	(xrf1) =	vunique.msk.u32 $0xffff, v4;
	_ =	sdelay $0xd  }
0x518: {  	_, v5, vm14 =	vpop (xrf1);
	_ =	sdelay $0x5  }
0x519: {  	[tilespmem:v4+s12+$0x0] =	vst.idx.add.s32.msk vm14, v5  }
0x51a: {  	v4 =	vld [tilespmem:s0+$0xFFFFFE00];
	_ =	sdelay $0x4  }
0x51b: {  	v4 =	vshrl.u32 v4, $0x8  }
0x51c: {  	v5 =	vand.u32 $0xFF, v4  }
0x51d: {  	v5 =	vor.u32 $0x100, v5  }
0x51e: {  	(xrf1) =	vunique.msk.u32 $0xffff, v5;
	_ =	sdelay $0xd  }
0x51f: {  	v4 =	vand.u32 $0x7F, v4;
	v5 =	vand.u32 $0x180, v5;
	_, v63, vm15 =	vpop (xrf1)  }
0x520: {  	v4 =	vor.u32 v4, v5;
	_ =	sdelay $0x4  }
0x521: {  	[tilespmem:v4+s12+$0x0] =	vst.idx.add.s32.msk vm15, v63  }
0x522: {  	v4 =	vld [tilespmem:s0+$0x10];
	_ =	sdelay $0x4  }
0x523: {  	v4 =	vshrl.u32 v4, $0x8  }
0x524: {  	v5 =	vand.u32 $0xFF, v4  }
0x525: {  	v5 =	vor.u32 $0x200, v5  }
0x526: {  	(xrf1) =	vunique.msk.u32 $0xffff, v5;
	_ =	sdelay $0xd  }
0x527: {  	v4 =	vand.u32 $0x7F, v4;
	v5 =	vand.u32 $0x280, v5;
	_, v6, vm0 =	vpop (xrf1)  }
0x528: {  	v4 =	vor.u32 v4, v5;
	_ =	sdelay $0x4  }
0x529: {  	[tilespmem:v4+s12+$0x0] =	vst.idx.add.s32.msk vm0, v6  }
0x52a: {  	v4 =	vld [tilespmem:s0+$0x220];
	_ =	sdelay $0x4  }
0x52b: {  	v4 =	vshrl.u32 v4, $0x8  }
0x52c: {  	v5 =	vand.u32 $0xFF, v4  }
0x52d: {  	v5 =	vor.u32 $0x300, v5  }
0x52e: {  	(xrf1) =	vunique.msk.u32 $0xffff, v5;
	_ =	sdelay $0xd  }
0x52f: {  	s1 =	sadd.s32 $0x2, s1;
	v4 =	vand.u32 $0x7F, v4;
	v5 =	vand.u32 $0x380, v5;
	_, v6, vm0 =	vpop (xrf1)  }
0x530: {  	p0 =	slt.u32 s1, $0x1E;
	v4 =	vor.u32 v4, v5  }
.Ltmp77:
0x531: {  	_ = 	snop;
	(pc) =	sbr.rel @p0 .LBB2_113-.Ltmp77, $2  }
0x532: {  	_ =	sdelay $0x2  }
0x533: {  	s24 =	simm.s32 $0x0;
	s0 =	sadd.s32 $0x20, s0;
	[tilespmem:v4+s12+$0x0] =	vst.idx.add.s32.msk vm0, v6  }
0x534: {  	s23 =	simm.s32 $0x2F0  }
0x535: {  	v4 =	vld [tilespmem:s23+$0xFF80]  }
0x536: {  	v6 =	vld [tilespmem:s23+$0x10080]  }
0x537: {  	v5 =	vld [tilespmem:s23+$0x10180]  }
0x538: {  	v7 =	vld [tilespmem:s23+$0xFE80];
	_ =	sdelay $0x1  }
0x539: {  	(xrf0) =	vadd.scan.msk.s32 $0xffff, v4  }
0x53a: {  	(xrf0) =	vadd.scan.msk.s32 $0xffff, v6  }
0x53b: {  	s21 =	simm.s32 $0x2E0;
	v10 =	vperm.xlane v5, v3;
	(xrf0) =	vadd.scan.msk.s32 $0xffff, v5  }
0x53c: {  	v8 =	vld [tilespmem:s21+$0xFF80];
	v5 =	vperm.xlane v7, v3;
	(xrf0) =	vadd.scan.msk.s32 $0xffff, v7  }
0x53d: {  	v13 =	vld [tilespmem:s21+$0x10080];
	v14 =	vperm.xlane v4, v3;
	(xrf0) =	vadd.scan.msk.s32 $0xffff, v10  }
0x53e: {  	v15 =	vperm.xlane v6, v3;
	v7 =	vld [tilespmem:s21+$0x10180];
	(xrf0) =	vadd.scan.msk.s32 $0xffff, v5  }
0x53f: {  	v6 =	vld [tilespmem:s21+$0xFE80];
	v9, _, _ =	vpop (xrf0);
	(xrf0) =	vadd.scan.msk.s32 $0xffff, v14  }
0x540: {  	v11, _, _ =	vpop (xrf0);
	(xrf0) =	vadd.scan.msk.s32 $0xffff, v15  }
0x541: {  	v12, _, _ =	vpop (xrf0);
	(xrf0) =	vadd.scan.msk.s32 $0xffff, v8  }
0x542: {  	v16, _, _ =	vpop (xrf0);
	(xrf0) =	vadd.scan.msk.s32 $0xffff, v13  }
0x543: {  	v18, _, _ =	vpop (xrf0);
	(xrf0) =	vadd.scan.msk.s32 $0xffff, v7  }
0x544: {  	(v2sf) =	vpush v9, $0xF;
	v4 =	vperm.xlane v7, v3;
	(xrf0) =	vadd.scan.msk.s32 $0xffff, v6;
	v7, _, _ =	vpop (xrf0)  }
0x545: {  	(v2sf) =	vpush v11, $0xF;
	v17, _, _ =	vpop (xrf0)  }
0x546: {  	(v2sf) =	vpush v12, $0xF;
	v19, _, _ =	vpop (xrf0)  }
0x547: {  	v9 =	vperm.xlane v8, v3;
	v8 =	vperm.xlane v13, v3;
	(v2sf) =	vpush v16, $0xF;
	v13, _, _ =	vpop (xrf0)  }
0x548: {  	(v2sf) =	vpush v13, $0xF;
	v13, _, _ =	vpop (xrf0)  }
0x549: {  	s22 =	simm.s32 $0x2D0;
	(v2sf) =	vpush v13, $0xF;
	v16, _, _ =	vpop (xrf0)  }
0x54a: {  	v11 =	vld [tilespmem:s22+$0xFF80];
	v6 =	vperm.xlane v6, v3;
	(xrf0) =	vadd.scan.msk.s32 $0xffff, v4;
	v20, _, _ =	vpop (xrf0);
	(v2sf) =	vpush v16, $0xF  }
0x54b: {  	v14 =	vsub.s32 s24, v14;
	v12 =	vld [tilespmem:s22+$0x10080];
	(v2sf) =	vpush v20, $0xF  }
0x54c: {  	(xrf0) =	vadd.scan.msk.s32 $0xffff, v6;
	v17 =	vadd.s32 v17, v14;
	v14 =	vld [tilespmem:s22+$0x10180]  }
0x54d: {  	v10 =	vsub.s32 s24, v10;
	(xrf0) =	vadd.scan.msk.s32 $0xffff, v9;
	v13 =	vld [tilespmem:s22+$0xFE80]  }
0x54e: {  	(xrf0) =	vadd.scan.msk.s32 $0xffff, v8  }
0x54f: {  	s17 =	simm.s32 $0xB00;
	v15 =	vsub.s32 s24, v15;
	(xrf0) =	vadd.scan.msk.s32 $0xffff, v11;
	v16 =	vadd.s32 v18, v10  }
0x550: {  	s1 =	simm.s32 $0x0;
	s16 =	simm.s32 $0x0;
	s0 =	simm.s32 $0x0;
	v15 =	vadd.s32 v19, v15;
	(xrf0) =	vadd.scan.msk.s32 $0xffff, v12;
	v10, _, _ =	vpop (xrf0);
	v16 =	vperm.xlane v16, v3  }
.LBB2_115:
0x551: {  	(xrf0) =	vadd.scan.msk.s32 $0xffff, v14;
	v18 =	vsub.s32 s24, v5;
	v24 =	vperm.xlane v17, v3;
	v19 =	vmovc v4;
	v4 =	vperm.xlane v14, v3  }
0x552: {  	s18 =	sshra.s32 s17, $0x2;
	p0 =	sne.s32 s17, $0x800;
	s17 =	sadd.s32 $0xFFFFFFC0, s17;
	v14 =	vmovc v13;
	v20 =	vmovc v11;
	v5 =	vmov v6;
	v21 =	vmov v12;
	v22 =	vmov v9  }
0x553: {  	v15 =	vperm.xlane v15, v3;
	v13 =	vld [tilespmem:s18+$0xFE80];
	(xrf0) =	vadd.scan.msk.s32 $0xffff, v14;
	v18 =	vadd.s32 v7, v18;
	v7, _, _ =	vpop (xrf0);
	v23 =	vadd.s32 $0x630, v16  }
0x554: {  	v17 =	vmov v8;
	v6 =	vperm.xlane v14, v3;
	v11 =	vld [tilespmem:s18+$0xFF80];
	(xrf0) =	vadd.scan.msk.s32 $0xffff, v4;
	v16, _, _ =	vpop (xrf0);
	v14 =	vadd.s32 $0x210, v24;
	s5 =	spop (v2sf)  }
0x555: {  	v9 =	vperm.xlane v20, v3;
	v18 =	vperm.xlane v18, v3;
	v24 =	vadd.s32 $0x420, v15;
	v12 =	vld [tilespmem:s18+$0x10080];
	v20, _, _ =	vpop (xrf0);
	[tilespmem:s23+$0x10780] =	vst v14;
	s1 =	sadd.s32 s1, s5;
	s5 =	spop (v2sf)  }
.Ltmp78:
0x556: {  	v8 =	vperm.xlane v21, v3;
	v14 =	vld [tilespmem:s18+$0x10180];
	(xrf0) =	vadd.scan.msk.s32 $0xffff, v6;
	v21, _, _ =	vpop (xrf0);
	v22 =	vsub.s32 s1, v22;
	[tilespmem:s23+$0x10880] =	vst v24;
	s16 =	sadd.s32 s16, s5;
	s5 =	spop (v2sf);
	(pc) =	sbr.rel @p0 .LBB2_115-.Ltmp78, $4  }
0x557: {  	(xrf0) =	vadd.scan.msk.s32 $0xffff, v9;
	(v2sf) =	vpush v21, $0xF;
	v15, _, _ =	vpop (xrf0);
	v21 =	vsub.s32 s16, v17;
	[tilespmem:s23+$0x10680] =	vst v18;
	s0 =	sadd.s32 s0, s5;
	s5 =	spop (v2sf)  }
0x558: {  	v17 =	vadd.s32 v16, v22;
	(xrf0) =	vadd.scan.msk.s32 $0xffff, v8;
	(v2sf) =	vpush v15, $0xF;
	v15, _, _ =	vpop (xrf0);
	v16 =	vsub.s32 s0, v19;
	s24 =	sadd.s32 s24, s5  }
0x559: {  	(xrf0) =	vadd.scan.msk.s32 $0xffff, v11;
	v18, _, _ =	vpop (xrf0);
	(v2sf) =	vpush v15, $0xF;
	v15 =	vadd.s32 v20, v21;
	v16 =	vadd.s32 v10, v16  }
0x55a: {  	(xrf0) =	vadd.scan.msk.s32 $0xffff, v12;
	(v2sf) =	vpush v18, $0xF;
	v10, _, _ =	vpop (xrf0);
	v16 =	vperm.xlane v16, v3;
	[tilespmem:s23+$0x10980] =	vst v23;
	s23 =	smov.u32 s21;
	s21 =	smov.u32 s22;
	s22 =	smov.u32 s18  }
0x55b: {  	(xrf0) =	vadd.scan.msk.s32 $0xffff, v14  }
0x55c: {  	(xrf0) =	vadd.scan.msk.s32 $0xffff, v13;
	v18, _, _ =	vpop (xrf0)  }
0x55d: {  	v19, _, _ =	vpop (xrf0)  }
0x55e: {  	v20, _, _ =	vpop (xrf0)  }
0x55f: {  	v21, _, _ =	vpop (xrf0)  }
0x560: {  	v49 =	vperm.xlane v14, v3;
	(v2sf) =	vpush v21, $0xF;
	v48, _, _ =	vpop (xrf0)  }
0x561: {  	v51 =	vperm.xlane v13, v3;
	(v2sf) =	vpush v48, $0xF;
	v50, _, _ =	vpop (xrf0)  }
0x562: {  	v11 =	vperm.xlane v11, v3;
	v5 =	vsub.s32 s24, v5;
	(xrf0) =	vadd.scan.msk.s32 $0xffff, v49;
	(v2sf) =	vpush v50, $0xF;
	v52, _, _ =	vpop (xrf0)  }
0x563: {  	s5 =	spop (v2sf);
	v17 =	vperm.xlane v17, v3;
	v12 =	vperm.xlane v12, v3;
	(xrf0) =	vadd.scan.msk.s32 $0xffff, v51;
	(v2sf) =	vpush v52, $0xF  }
0x564: {  	v53 =	vperm.xlane v15, v3;
	v5 =	vadd.s32 v7, v5;
	s6 =	spop (v2sf);
	(xrf0) =	vadd.scan.msk.s32 $0xffff, v11  }
0x565: {  	s1 =	sadd.s32 s1, s5;
	v54 =	vadd.s32 $0x630, v16;
	s16 =	sadd.s32 s16, s6;
	s17 =	spop (v2sf);
	v55 =	vadd.s32 $0x210, v17;
	v5 =	vperm.xlane v5, v3;
	(xrf0) =	vadd.scan.msk.s32 $0xffff, v12  }
0x566: {  	v7 =	vadd.s32 $0x420, v53;
	v9 =	vsub.s32 s1, v9;
	s0 =	sadd.s32 s0, s17;
	s18 =	spop (v2sf);
	v8 =	vsub.s32 s16, v8  }
0x567: {  	[tilespmem:s23+$0x10980] =	vst v54;
	v9 =	vadd.s32 v19, v9;
	v4 =	vsub.s32 s0, v4;
	s6 =	sadd.s32 s24, s18;
	v8 =	vadd.s32 v20, v8  }
0x568: {  	[tilespmem:s23+$0x10780] =	vst v55;
	v9 =	vperm.xlane v9, v3;
	v4 =	vadd.s32 v10, v4;
	v6 =	vsub.s32 s6, v6;
	v56, _, _ =	vpop (xrf0);
	s7 =	spop (v2sf)  }
0x569: {  	[tilespmem:s23+$0x10680] =	vst v5;
	v8 =	vperm.xlane v8, v3;
	v4 =	vperm.xlane v4, v3;
	v6 =	vadd.s32 v18, v6;
	v5, _, _ =	vpop (xrf0);
	s1 =	sadd.s32 s1, s7;
	s19 =	spop (v2sf)  }
0x56a: {  	[tilespmem:s23+$0x10880] =	vst v7;
	v9 =	vadd.s32 $0x210, v9;
	v6 =	vperm.xlane v6, v3;
	v57, _, _ =	vpop (xrf0);
	v11 =	vsub.s32 s1, v11;
	s24 =	sadd.s32 s16, s19;
	s25 =	spop (v2sf)  }
0x56b: {  	[tilespmem:s21+$0x10780] =	vst v9;
	v8 =	vadd.s32 $0x420, v8;
	v58, _, _ =	vpop (xrf0);
	v59 =	vsub.s32 s24, v12;
	s26 =	spop (v2sf);
	v10 =	vadd.s32 v57, v11  }
0x56c: {  	v4 =	vadd.s32 $0x630, v4;
	[tilespmem:s21+$0x10880] =	vst v8;
	s0 =	sadd.s32 s0, s25;
	s1 =	sadd.s32 s6, s26;
	v60 =	vadd.s32 v58, v59;
	v61 =	vperm.xlane v10, v3  }
0x56d: {  	[tilespmem:s21+$0x10680] =	vst v6;
	v62 =	vsub.s32 s0, v49;
	v63 =	vsub.s32 s1, v51;
	v8 =	vperm.xlane v60, v3  }
0x56e: {  	[tilespmem:s21+$0x10980] =	vst v4;
	v6 =	vadd.s32 v56, v62;
	v4 =	vadd.s32 v5, v63;
	v5 =	vadd.s32 $0x210, v61  }
0x56f: {  	v6 =	vperm.xlane v6, v3;
	v4 =	vperm.xlane v4, v3;
	[tilespmem:s22+$0x10780] =	vst v5;
	v5 =	vadd.s32 $0x420, v8;
	s28 =	spop (v2sf)  }
0x570: {  	[tilespmem:s22+$0x10880] =	vst v5;
	s29 =	spop (v2sf)  }
0x571: {  	v5 =	vadd.s32 $0x630, v6;
	[tilespmem:s22+$0x10680] =	vst v4;
	s30 =	spop (v2sf)  }
0x572: {  	s0 =	simm.s32 $0xFFFFFFFE;
	s1 =	simm.s32 $0x11920;
	[tilespmem:s22+$0x10980] =	vst v5;
	s31 =	spop (v2sf)  }
.LBB2_117:
0x573: {  	v4 =	vld [tilespmem:s1+$0xFFFFFBE0];
	_ =	sdelay $0x4  }
0x574: {  	v5 =	vshrl.u32 v4, $0x8  }
0x575: {  	v5 =	vand.u32 $0xFF, v5  }
0x576: {  	(xrf1) =	vunique.msk.u32 $0xffff, v5;
	_ =	sdelay $0x9  }
0x577: {  	v6 =	vld.idx.msk [tilespmem:v5+s13+$0x0], $0xffff;
	_ =	sdelay $0x3  }
0x578: {  	_, v7, vm0 =	vpop (xrf1)  }
0x579: {  	v6 =	vadd.s32 v7, v6  }
0x57a: {  	v6 =	vadd.s32 $0xFFFFFFFF, v6;
	_ =	sdelay $0x4  }
0x57b: {  	[tilespmem:v6+s15+$0x0] =	vst.idx.msk $0xffff, v4  }
0x57c: {  	[tilespmem:v5+s13+$0x0] =	vst.idx.add.s32.msk vm0, v7  }
0x57d: {  	v4 =	vld [tilespmem:s1+$0xFFFFFDF0];
	_ =	sdelay $0x4  }
0x57e: {  	v5 =	vshrl.u32 v4, $0x8  }
0x57f: {  	v58 =	vand.u32 $0xFF, v5  }
0x580: {  	v6 =	vor.u32 $0x100, v58  }
0x581: {  	(xrf1) =	vunique.msk.u32 $0xffff, v6;
	_ =	sdelay $0x3  }
0x582: {  	v5 =	vand.u32 $0x7F, v5;
	v6 =	vand.u32 $0x180, v6  }
0x583: {  	v5 =	vor.u32 v5, v6;
	_ =	sdelay $0x4  }
0x584: {  	v6 =	vld.idx.msk [tilespmem:v5+s13+$0x0], $0xffff;
	_ =	sdelay $0x3  }
0x585: {  	_, v7, vm0 =	vpop (xrf1)  }
0x586: {  	v6 =	vadd.s32 v7, v6  }
0x587: {  	v6 =	vadd.s32 $0xFFFFFFFF, v6;
	_ =	sdelay $0x4  }
0x588: {  	[tilespmem:v6+s15+$0x0] =	vst.idx.msk $0xffff, v4  }
0x589: {  	[tilespmem:v5+s13+$0x0] =	vst.idx.add.s32.msk vm0, v7  }
0x58a: {  	v4 =	vld [tilespmem:s1+$0x0];
	_ =	sdelay $0x4  }
0x58b: {  	v5 =	vshrl.u32 v4, $0x8  }
0x58c: {  	v59 =	vand.u32 $0xFF, v5  }
0x58d: {  	v6 =	vor.u32 $0x200, v59  }
0x58e: {  	(xrf1) =	vunique.msk.u32 $0xffff, v6;
	_ =	sdelay $0x3  }
0x58f: {  	v5 =	vand.u32 $0x7F, v5;
	v6 =	vand.u32 $0x280, v6  }
0x590: {  	v5 =	vor.u32 v5, v6;
	_ =	sdelay $0x4  }
0x591: {  	v6 =	vld.idx.msk [tilespmem:v5+s13+$0x0], $0xffff;
	_ =	sdelay $0x3  }
0x592: {  	_, v7, vm0 =	vpop (xrf1)  }
0x593: {  	v6 =	vadd.s32 v7, v6  }
0x594: {  	v6 =	vadd.s32 $0xFFFFFFFF, v6;
	_ =	sdelay $0x4  }
0x595: {  	[tilespmem:v6+s15+$0x0] =	vst.idx.msk $0xffff, v4  }
0x596: {  	[tilespmem:v5+s13+$0x0] =	vst.idx.add.s32.msk vm0, v7  }
0x597: {  	v4 =	vld [tilespmem:s1+$0x210];
	_ =	sdelay $0x4  }
0x598: {  	v5 =	vshrl.u32 v4, $0x8  }
0x599: {  	v60 =	vand.u32 $0xFF, v5  }
0x59a: {  	v6 =	vor.u32 $0x300, v60  }
0x59b: {  	(xrf1) =	vunique.msk.u32 $0xffff, v6;
	_ =	sdelay $0x3  }
0x59c: {  	v5 =	vand.u32 $0x7F, v5;
	v6 =	vand.u32 $0x380, v6  }
0x59d: {  	v5 =	vor.u32 v5, v6;
	_ =	sdelay $0x4  }
0x59e: {  	v6 =	vld.idx.msk [tilespmem:v5+s13+$0x0], $0xffff;
	_ =	sdelay $0x3  }
0x59f: {  	_, v7, vm0 =	vpop (xrf1)  }
0x5a0: {  	v6 =	vadd.s32 v7, v6  }
0x5a1: {  	v6 =	vadd.s32 $0xFFFFFFFF, v6;
	_ =	sdelay $0x4  }
0x5a2: {  	[tilespmem:v6+s15+$0x0] =	vst.idx.msk $0xffff, v4  }
0x5a3: {  	[tilespmem:v5+s13+$0x0] =	vst.idx.add.s32.msk vm0, v7  }
0x5a4: {  	v4 =	vld [tilespmem:s1+$0xFFFFFBF0];
	_ =	sdelay $0x4  }
0x5a5: {  	v5 =	vshrl.u32 v4, $0x8  }
0x5a6: {  	v5 =	vand.u32 $0xFF, v5  }
0x5a7: {  	(xrf1) =	vunique.msk.u32 $0xffff, v5;
	_ =	sdelay $0x9  }
0x5a8: {  	v6 =	vld.idx.msk [tilespmem:v5+s13+$0x0], $0xffff;
	_ =	sdelay $0x3  }
0x5a9: {  	_, v7, vm0 =	vpop (xrf1)  }
0x5aa: {  	v6 =	vadd.s32 v7, v6  }
0x5ab: {  	v6 =	vadd.s32 $0xFFFFFFFF, v6;
	_ =	sdelay $0x4  }
0x5ac: {  	[tilespmem:v6+s15+$0x0] =	vst.idx.msk $0xffff, v4  }
0x5ad: {  	[tilespmem:v5+s13+$0x0] =	vst.idx.add.s32.msk vm0, v7  }
0x5ae: {  	v4 =	vld [tilespmem:s1+$0xFFFFFE00];
	_ =	sdelay $0x4  }
0x5af: {  	v5 =	vshrl.u32 v4, $0x8  }
0x5b0: {  	v61 =	vand.u32 $0xFF, v5  }
0x5b1: {  	v6 =	vor.u32 $0x100, v61  }
0x5b2: {  	(xrf1) =	vunique.msk.u32 $0xffff, v6;
	_ =	sdelay $0x3  }
0x5b3: {  	v5 =	vand.u32 $0x7F, v5;
	v6 =	vand.u32 $0x180, v6  }
0x5b4: {  	v5 =	vor.u32 v5, v6;
	_ =	sdelay $0x4  }
0x5b5: {  	v6 =	vld.idx.msk [tilespmem:v5+s13+$0x0], $0xffff;
	_ =	sdelay $0x3  }
0x5b6: {  	_, v7, vm0 =	vpop (xrf1)  }
0x5b7: {  	v6 =	vadd.s32 v7, v6  }
0x5b8: {  	v6 =	vadd.s32 $0xFFFFFFFF, v6;
	_ =	sdelay $0x4  }
0x5b9: {  	[tilespmem:v6+s15+$0x0] =	vst.idx.msk $0xffff, v4  }
0x5ba: {  	[tilespmem:v5+s13+$0x0] =	vst.idx.add.s32.msk vm0, v7  }
0x5bb: {  	v4 =	vld [tilespmem:s1+$0x10];
	_ =	sdelay $0x4  }
0x5bc: {  	v5 =	vshrl.u32 v4, $0x8  }
0x5bd: {  	v62 =	vand.u32 $0xFF, v5  }
0x5be: {  	v6 =	vor.u32 $0x200, v62  }
0x5bf: {  	(xrf1) =	vunique.msk.u32 $0xffff, v6;
	_ =	sdelay $0x3  }
0x5c0: {  	v5 =	vand.u32 $0x7F, v5;
	v6 =	vand.u32 $0x280, v6  }
0x5c1: {  	v5 =	vor.u32 v5, v6;
	_ =	sdelay $0x4  }
0x5c2: {  	v6 =	vld.idx.msk [tilespmem:v5+s13+$0x0], $0xffff;
	_ =	sdelay $0x3  }
0x5c3: {  	_, v7, vm0 =	vpop (xrf1)  }
0x5c4: {  	v6 =	vadd.s32 v7, v6  }
0x5c5: {  	v6 =	vadd.s32 $0xFFFFFFFF, v6;
	_ =	sdelay $0x4  }
0x5c6: {  	[tilespmem:v6+s15+$0x0] =	vst.idx.msk $0xffff, v4  }
0x5c7: {  	[tilespmem:v5+s13+$0x0] =	vst.idx.add.s32.msk vm0, v7  }
0x5c8: {  	v4 =	vld [tilespmem:s1+$0x220];
	_ =	sdelay $0x4  }
0x5c9: {  	v5 =	vshrl.u32 v4, $0x8  }
0x5ca: {  	v63 =	vand.u32 $0xFF, v5  }
0x5cb: {  	v6 =	vor.u32 $0x300, v63  }
0x5cc: {  	(xrf1) =	vunique.msk.u32 $0xffff, v6;
	_ =	sdelay $0x3  }
0x5cd: {  	v5 =	vand.u32 $0x7F, v5;
	v6 =	vand.u32 $0x380, v6  }
0x5ce: {  	v5 =	vor.u32 v5, v6;
	_ =	sdelay $0x4  }
0x5cf: {  	v6 =	vld.idx.msk [tilespmem:v5+s13+$0x0], $0xffff;
	_ =	sdelay $0x3  }
0x5d0: {  	_, v7, vm0 =	vpop (xrf1)  }
0x5d1: {  	v6 =	vadd.s32 v7, v6  }
0x5d2: {  	s0 =	sadd.s32 $0x2, s0;
	v6 =	vadd.s32 $0xFFFFFFFF, v6  }
0x5d3: {  	p0 =	slt.u32 s0, $0x1E  }
.Ltmp79:
0x5d4: {  	_ = 	snop;
	(pc) =	sbr.rel @p0 .LBB2_117-.Ltmp79, $3  }
0x5d5: {  	_ =	sdelay $0x1  }
0x5d6: {  	[tilespmem:v6+s15+$0x0] =	vst.idx.msk $0xffff, v4  }
0x5d7: {  	s17 =	simm.s32 $0xFFFFFFF8;
	s16 =	simm.s32 $0x100C0;
	s1 =	sadd.s32 $0x20, s1;
	[tilespmem:v5+s13+$0x0] =	vst.idx.add.s32.msk vm0, v7  }
0x5d8: {  	[tilespmem:s16+$0xFFFFFFC0] =	vst v2  }
0x5d9: {  	[tilespmem:s16+$0x30] =	vst v2  }
0x5da: {  	[tilespmem:s16+$0x20] =	vst v2  }
0x5db: {  	[tilespmem:s16+$0x10] =	vst v2  }
0x5dc: {  	[tilespmem:s16+$0x0] =	vst v2  }
0x5dd: {  	[tilespmem:s16+$0xFFFFFFF0] =	vst v2  }
0x5de: {  	s1 =	sadd.s32 $0x8, s17;
	[tilespmem:s16+$0xFFFFFFE0] =	vst v2  }
.LBB2_119:
0x5df: {  	s1 =	sadd.s32 $0x8, s1;
	[tilespmem:s16+$0xFFFFFFD0] =	vst v2;
	s16 =	sadd.s32 $0x80, s16  }
0x5e0: {  	[tilespmem:s16+$0xFFFFFFC0] =	vst v2;
	p0 =	slt.u32 s1, $0x38  }
0x5e1: {  	[tilespmem:s16+$0x30] =	vst v2  }
.Ltmp80:
0x5e2: {  	[tilespmem:s16+$0x20] =	vst v2;
	(pc) =	sbr.rel @p0 .LBB2_119-.Ltmp80, $4  }
0x5e3: {  	[tilespmem:s16+$0x10] =	vst v2  }
0x5e4: {  	[tilespmem:s16+$0x0] =	vst v2  }
0x5e5: {  	[tilespmem:s16+$0xFFFFFFF0] =	vst v2  }
0x5e6: {  	s0 =	simm.s32 $0x110A0;
	[tilespmem:s16+$0xFFFFFFE0] =	vst v2  }
0x5e7: {  	[tilespmem:s16+$0xFFFFFFD0] =	vst v2;
	s1 =	simm.s32 $0xFFFFFFFE  }
.LBB2_121:
0x5e8: {  	v4 =	vld [tilespmem:s0+$0xFFFFFBE0];
	_ =	sdelay $0x4  }
0x5e9: {  	v4 =	vshrl.u32 v4, $0x10  }
0x5ea: {  	v4 =	vand.u32 $0xFF, v4  }
0x5eb: {  	(xrf1) =	vunique.msk.u32 $0xffff, v4;
	_ =	sdelay $0xd  }
0x5ec: {  	_, v5, vm0 =	vpop (xrf1);
	_ =	sdelay $0x5  }
0x5ed: {  	[tilespmem:v4+s12+$0x0] =	vst.idx.add.s32.msk vm0, v5  }
0x5ee: {  	v4 =	vld [tilespmem:s0+$0xFFFFFDF0];
	_ =	sdelay $0x4  }
0x5ef: {  	v4 =	vshrl.u32 v4, $0x10  }
0x5f0: {  	v5 =	vand.u32 $0xFF, v4  }
0x5f1: {  	v5 =	vor.u32 $0x100, v5  }
0x5f2: {  	(xrf1) =	vunique.msk.u32 $0xffff, v5;
	_ =	sdelay $0xd  }
0x5f3: {  	v4 =	vand.u32 $0x7F, v4;
	v5 =	vand.u32 $0x180, v5;
	_, v6, vm13 =	vpop (xrf1)  }
0x5f4: {  	v4 =	vor.u32 v4, v5;
	_ =	sdelay $0x4  }
0x5f5: {  	[tilespmem:v4+s12+$0x0] =	vst.idx.add.s32.msk vm13, v6  }
0x5f6: {  	v4 =	vld [tilespmem:s0+$0x0];
	_ =	sdelay $0x4  }
0x5f7: {  	v4 =	vshrl.u32 v4, $0x10  }
0x5f8: {  	v5 =	vand.u32 $0xFF, v4  }
0x5f9: {  	v5 =	vor.u32 $0x200, v5  }
0x5fa: {  	(xrf1) =	vunique.msk.u32 $0xffff, v5;
	_ =	sdelay $0xd  }
0x5fb: {  	v4 =	vand.u32 $0x7F, v4;
	v5 =	vand.u32 $0x280, v5;
	_, v6, vm0 =	vpop (xrf1)  }
0x5fc: {  	v4 =	vor.u32 v4, v5;
	_ =	sdelay $0x4  }
0x5fd: {  	[tilespmem:v4+s12+$0x0] =	vst.idx.add.s32.msk vm0, v6  }
0x5fe: {  	v4 =	vld [tilespmem:s0+$0x210];
	_ =	sdelay $0x4  }
0x5ff: {  	v4 =	vshrl.u32 v4, $0x10  }
0x600: {  	v5 =	vand.u32 $0xFF, v4  }
0x601: {  	v5 =	vor.u32 $0x300, v5  }
0x602: {  	(xrf1) =	vunique.msk.u32 $0xffff, v5;
	_ =	sdelay $0xd  }
0x603: {  	v4 =	vand.u32 $0x7F, v4;
	v5 =	vand.u32 $0x380, v5;
	_, v6, vm0 =	vpop (xrf1)  }
0x604: {  	v4 =	vor.u32 v4, v5;
	_ =	sdelay $0x4  }
0x605: {  	[tilespmem:v4+s12+$0x0] =	vst.idx.add.s32.msk vm0, v6  }
0x606: {  	v4 =	vld [tilespmem:s0+$0xFFFFFBF0];
	_ =	sdelay $0x4  }
0x607: {  	v4 =	vshrl.u32 v4, $0x10  }
0x608: {  	v4 =	vand.u32 $0xFF, v4  }
0x609: {  	(xrf1) =	vunique.msk.u32 $0xffff, v4;
	_ =	sdelay $0xd  }
0x60a: {  	_, v5, vm14 =	vpop (xrf1);
	_ =	sdelay $0x5  }
0x60b: {  	[tilespmem:v4+s12+$0x0] =	vst.idx.add.s32.msk vm14, v5  }
0x60c: {  	v4 =	vld [tilespmem:s0+$0xFFFFFE00];
	_ =	sdelay $0x4  }
0x60d: {  	v4 =	vshrl.u32 v4, $0x10  }
0x60e: {  	v5 =	vand.u32 $0xFF, v4  }
0x60f: {  	v5 =	vor.u32 $0x100, v5  }
0x610: {  	(xrf1) =	vunique.msk.u32 $0xffff, v5;
	_ =	sdelay $0xd  }
0x611: {  	v4 =	vand.u32 $0x7F, v4;
	v5 =	vand.u32 $0x180, v5;
	_, v63, vm15 =	vpop (xrf1)  }
0x612: {  	v4 =	vor.u32 v4, v5;
	_ =	sdelay $0x4  }
0x613: {  	[tilespmem:v4+s12+$0x0] =	vst.idx.add.s32.msk vm15, v63  }
0x614: {  	v4 =	vld [tilespmem:s0+$0x10];
	_ =	sdelay $0x4  }
0x615: {  	v4 =	vshrl.u32 v4, $0x10  }
0x616: {  	v5 =	vand.u32 $0xFF, v4  }
0x617: {  	v5 =	vor.u32 $0x200, v5  }
0x618: {  	(xrf1) =	vunique.msk.u32 $0xffff, v5;
	_ =	sdelay $0xd  }
0x619: {  	v4 =	vand.u32 $0x7F, v4;
	v5 =	vand.u32 $0x280, v5;
	_, v6, vm0 =	vpop (xrf1)  }
0x61a: {  	v4 =	vor.u32 v4, v5;
	_ =	sdelay $0x4  }
0x61b: {  	[tilespmem:v4+s12+$0x0] =	vst.idx.add.s32.msk vm0, v6  }
0x61c: {  	v4 =	vld [tilespmem:s0+$0x220];
	_ =	sdelay $0x4  }
0x61d: {  	v4 =	vshrl.u32 v4, $0x10  }
0x61e: {  	v5 =	vand.u32 $0xFF, v4  }
0x61f: {  	v5 =	vor.u32 $0x300, v5  }
0x620: {  	(xrf1) =	vunique.msk.u32 $0xffff, v5;
	_ =	sdelay $0xd  }
0x621: {  	s1 =	sadd.s32 $0x2, s1;
	v4 =	vand.u32 $0x7F, v4;
	v5 =	vand.u32 $0x380, v5;
	_, v6, vm0 =	vpop (xrf1)  }
0x622: {  	p0 =	slt.u32 s1, $0x1E;
	v4 =	vor.u32 v4, v5  }
.Ltmp81:
0x623: {  	_ = 	snop;
	(pc) =	sbr.rel @p0 .LBB2_121-.Ltmp81, $2  }
0x624: {  	_ =	sdelay $0x2  }
0x625: {  	s24 =	simm.s32 $0x0;
	s0 =	sadd.s32 $0x20, s0;
	[tilespmem:v4+s12+$0x0] =	vst.idx.add.s32.msk vm0, v6  }
0x626: {  	s23 =	simm.s32 $0x2F0  }
0x627: {  	v4 =	vld [tilespmem:s23+$0xFF80]  }
0x628: {  	v6 =	vld [tilespmem:s23+$0x10080]  }
0x629: {  	v5 =	vld [tilespmem:s23+$0x10180]  }
0x62a: {  	v7 =	vld [tilespmem:s23+$0xFE80];
	_ =	sdelay $0x1  }
0x62b: {  	(xrf0) =	vadd.scan.msk.s32 $0xffff, v4  }
0x62c: {  	(xrf0) =	vadd.scan.msk.s32 $0xffff, v6  }
0x62d: {  	s21 =	simm.s32 $0x2E0;
	v10 =	vperm.xlane v5, v3;
	(xrf0) =	vadd.scan.msk.s32 $0xffff, v5  }
0x62e: {  	v8 =	vld [tilespmem:s21+$0xFF80];
	v5 =	vperm.xlane v7, v3;
	(xrf0) =	vadd.scan.msk.s32 $0xffff, v7  }
0x62f: {  	v13 =	vld [tilespmem:s21+$0x10080];
	v14 =	vperm.xlane v4, v3;
	(xrf0) =	vadd.scan.msk.s32 $0xffff, v10  }
0x630: {  	v15 =	vperm.xlane v6, v3;
	v7 =	vld [tilespmem:s21+$0x10180];
	(xrf0) =	vadd.scan.msk.s32 $0xffff, v5  }
0x631: {  	v6 =	vld [tilespmem:s21+$0xFE80];
	v9, _, _ =	vpop (xrf0);
	(xrf0) =	vadd.scan.msk.s32 $0xffff, v14  }
0x632: {  	v11, _, _ =	vpop (xrf0);
	(xrf0) =	vadd.scan.msk.s32 $0xffff, v15  }
0x633: {  	v12, _, _ =	vpop (xrf0);
	(xrf0) =	vadd.scan.msk.s32 $0xffff, v8  }
0x634: {  	v16, _, _ =	vpop (xrf0);
	(xrf0) =	vadd.scan.msk.s32 $0xffff, v13  }
0x635: {  	v18, _, _ =	vpop (xrf0);
	(xrf0) =	vadd.scan.msk.s32 $0xffff, v7  }
0x636: {  	(v2sf) =	vpush v9, $0xF;
	v4 =	vperm.xlane v7, v3;
	(xrf0) =	vadd.scan.msk.s32 $0xffff, v6;
	v7, _, _ =	vpop (xrf0)  }
0x637: {  	(v2sf) =	vpush v11, $0xF;
	v17, _, _ =	vpop (xrf0)  }
0x638: {  	(v2sf) =	vpush v12, $0xF;
	v19, _, _ =	vpop (xrf0)  }
0x639: {  	v9 =	vperm.xlane v8, v3;
	v8 =	vperm.xlane v13, v3;
	(v2sf) =	vpush v16, $0xF;
	v13, _, _ =	vpop (xrf0)  }
0x63a: {  	(v2sf) =	vpush v13, $0xF;
	v13, _, _ =	vpop (xrf0)  }
0x63b: {  	s22 =	simm.s32 $0x2D0;
	(v2sf) =	vpush v13, $0xF;
	v16, _, _ =	vpop (xrf0)  }
0x63c: {  	v11 =	vld [tilespmem:s22+$0xFF80];
	v6 =	vperm.xlane v6, v3;
	(xrf0) =	vadd.scan.msk.s32 $0xffff, v4;
	v20, _, _ =	vpop (xrf0);
	(v2sf) =	vpush v16, $0xF  }
0x63d: {  	v14 =	vsub.s32 s24, v14;
	v12 =	vld [tilespmem:s22+$0x10080];
	(v2sf) =	vpush v20, $0xF  }
0x63e: {  	(xrf0) =	vadd.scan.msk.s32 $0xffff, v6;
	v17 =	vadd.s32 v17, v14;
	v14 =	vld [tilespmem:s22+$0x10180]  }
0x63f: {  	v10 =	vsub.s32 s24, v10;
	(xrf0) =	vadd.scan.msk.s32 $0xffff, v9;
	v13 =	vld [tilespmem:s22+$0xFE80]  }
0x640: {  	(xrf0) =	vadd.scan.msk.s32 $0xffff, v8  }
0x641: {  	s17 =	simm.s32 $0xB00;
	v15 =	vsub.s32 s24, v15;
	(xrf0) =	vadd.scan.msk.s32 $0xffff, v11;
	v16 =	vadd.s32 v18, v10  }
0x642: {  	s1 =	simm.s32 $0x0;
	s16 =	simm.s32 $0x0;
	s0 =	simm.s32 $0x0;
	v15 =	vadd.s32 v19, v15;
	(xrf0) =	vadd.scan.msk.s32 $0xffff, v12;
	v10, _, _ =	vpop (xrf0);
	v16 =	vperm.xlane v16, v3  }
.LBB2_123:
0x643: {  	(xrf0) =	vadd.scan.msk.s32 $0xffff, v14;
	v18 =	vsub.s32 s24, v5;
	v24 =	vperm.xlane v17, v3;
	v19 =	vmovc v4;
	v4 =	vperm.xlane v14, v3  }
0x644: {  	s18 =	sshra.s32 s17, $0x2;
	p0 =	sne.s32 s17, $0x800;
	s17 =	sadd.s32 $0xFFFFFFC0, s17;
	v14 =	vmovc v13;
	v20 =	vmovc v11;
	v5 =	vmov v6;
	v21 =	vmov v12;
	v22 =	vmov v9  }
0x645: {  	v15 =	vperm.xlane v15, v3;
	v13 =	vld [tilespmem:s18+$0xFE80];
	(xrf0) =	vadd.scan.msk.s32 $0xffff, v14;
	v18 =	vadd.s32 v7, v18;
	v7, _, _ =	vpop (xrf0);
	v23 =	vadd.s32 $0x630, v16  }
0x646: {  	v17 =	vmov v8;
	v6 =	vperm.xlane v14, v3;
	v11 =	vld [tilespmem:s18+$0xFF80];
	(xrf0) =	vadd.scan.msk.s32 $0xffff, v4;
	v16, _, _ =	vpop (xrf0);
	v14 =	vadd.s32 $0x210, v24;
	s5 =	spop (v2sf)  }
0x647: {  	v9 =	vperm.xlane v20, v3;
	v18 =	vperm.xlane v18, v3;
	v24 =	vadd.s32 $0x420, v15;
	v12 =	vld [tilespmem:s18+$0x10080];
	v20, _, _ =	vpop (xrf0);
	[tilespmem:s23+$0x10780] =	vst v14;
	s1 =	sadd.s32 s1, s5;
	s5 =	spop (v2sf)  }
.Ltmp82:
0x648: {  	v8 =	vperm.xlane v21, v3;
	v14 =	vld [tilespmem:s18+$0x10180];
	(xrf0) =	vadd.scan.msk.s32 $0xffff, v6;
	v21, _, _ =	vpop (xrf0);
	v22 =	vsub.s32 s1, v22;
	[tilespmem:s23+$0x10880] =	vst v24;
	s16 =	sadd.s32 s16, s5;
	s5 =	spop (v2sf);
	(pc) =	sbr.rel @p0 .LBB2_123-.Ltmp82, $4  }
0x649: {  	(xrf0) =	vadd.scan.msk.s32 $0xffff, v9;
	(v2sf) =	vpush v21, $0xF;
	v15, _, _ =	vpop (xrf0);
	v21 =	vsub.s32 s16, v17;
	[tilespmem:s23+$0x10680] =	vst v18;
	s0 =	sadd.s32 s0, s5;
	s5 =	spop (v2sf)  }
0x64a: {  	v17 =	vadd.s32 v16, v22;
	(xrf0) =	vadd.scan.msk.s32 $0xffff, v8;
	(v2sf) =	vpush v15, $0xF;
	v15, _, _ =	vpop (xrf0);
	v16 =	vsub.s32 s0, v19;
	s24 =	sadd.s32 s24, s5  }
0x64b: {  	(xrf0) =	vadd.scan.msk.s32 $0xffff, v11;
	v18, _, _ =	vpop (xrf0);
	(v2sf) =	vpush v15, $0xF;
	v15 =	vadd.s32 v20, v21;
	v16 =	vadd.s32 v10, v16  }
0x64c: {  	(xrf0) =	vadd.scan.msk.s32 $0xffff, v12;
	(v2sf) =	vpush v18, $0xF;
	v10, _, _ =	vpop (xrf0);
	v16 =	vperm.xlane v16, v3;
	[tilespmem:s23+$0x10980] =	vst v23;
	s23 =	smov.u32 s21;
	s21 =	smov.u32 s22;
	s22 =	smov.u32 s18  }
0x64d: {  	(xrf0) =	vadd.scan.msk.s32 $0xffff, v14  }
0x64e: {  	(xrf0) =	vadd.scan.msk.s32 $0xffff, v13;
	v18, _, _ =	vpop (xrf0)  }
0x64f: {  	v19, _, _ =	vpop (xrf0)  }
0x650: {  	v20, _, _ =	vpop (xrf0)  }
0x651: {  	v21, _, _ =	vpop (xrf0)  }
0x652: {  	v49 =	vperm.xlane v14, v3;
	(v2sf) =	vpush v21, $0xF;
	v48, _, _ =	vpop (xrf0)  }
0x653: {  	v51 =	vperm.xlane v13, v3;
	(v2sf) =	vpush v48, $0xF;
	v50, _, _ =	vpop (xrf0)  }
0x654: {  	v11 =	vperm.xlane v11, v3;
	v5 =	vsub.s32 s24, v5;
	(xrf0) =	vadd.scan.msk.s32 $0xffff, v49;
	(v2sf) =	vpush v50, $0xF;
	v52, _, _ =	vpop (xrf0)  }
0x655: {  	s5 =	spop (v2sf);
	v17 =	vperm.xlane v17, v3;
	v12 =	vperm.xlane v12, v3;
	(xrf0) =	vadd.scan.msk.s32 $0xffff, v51;
	(v2sf) =	vpush v52, $0xF  }
0x656: {  	v53 =	vperm.xlane v15, v3;
	v5 =	vadd.s32 v7, v5;
	s6 =	spop (v2sf);
	(xrf0) =	vadd.scan.msk.s32 $0xffff, v11  }
0x657: {  	s1 =	sadd.s32 s1, s5;
	v54 =	vadd.s32 $0x630, v16;
	s16 =	sadd.s32 s16, s6;
	s17 =	spop (v2sf);
	v55 =	vadd.s32 $0x210, v17;
	v5 =	vperm.xlane v5, v3;
	(xrf0) =	vadd.scan.msk.s32 $0xffff, v12  }
0x658: {  	v7 =	vadd.s32 $0x420, v53;
	v9 =	vsub.s32 s1, v9;
	s0 =	sadd.s32 s0, s17;
	s18 =	spop (v2sf);
	v8 =	vsub.s32 s16, v8  }
0x659: {  	[tilespmem:s23+$0x10980] =	vst v54;
	v9 =	vadd.s32 v19, v9;
	v4 =	vsub.s32 s0, v4;
	s6 =	sadd.s32 s24, s18;
	v8 =	vadd.s32 v20, v8  }
0x65a: {  	[tilespmem:s23+$0x10780] =	vst v55;
	v9 =	vperm.xlane v9, v3;
	v4 =	vadd.s32 v10, v4;
	v6 =	vsub.s32 s6, v6;
	v56, _, _ =	vpop (xrf0);
	s7 =	spop (v2sf)  }
0x65b: {  	[tilespmem:s23+$0x10680] =	vst v5;
	v8 =	vperm.xlane v8, v3;
	v4 =	vperm.xlane v4, v3;
	v6 =	vadd.s32 v18, v6;
	v5, _, _ =	vpop (xrf0);
	s1 =	sadd.s32 s1, s7;
	s19 =	spop (v2sf)  }
0x65c: {  	[tilespmem:s23+$0x10880] =	vst v7;
	v9 =	vadd.s32 $0x210, v9;
	v6 =	vperm.xlane v6, v3;
	v57, _, _ =	vpop (xrf0);
	v11 =	vsub.s32 s1, v11;
	s24 =	sadd.s32 s16, s19;
	s25 =	spop (v2sf)  }
0x65d: {  	[tilespmem:s21+$0x10780] =	vst v9;
	v8 =	vadd.s32 $0x420, v8;
	v58, _, _ =	vpop (xrf0);
	v59 =	vsub.s32 s24, v12;
	s26 =	spop (v2sf);
	v10 =	vadd.s32 v57, v11  }
0x65e: {  	v4 =	vadd.s32 $0x630, v4;
	[tilespmem:s21+$0x10880] =	vst v8;
	s0 =	sadd.s32 s0, s25;
	s1 =	sadd.s32 s6, s26;
	v60 =	vadd.s32 v58, v59;
	v61 =	vperm.xlane v10, v3  }
0x65f: {  	[tilespmem:s21+$0x10680] =	vst v6;
	v62 =	vsub.s32 s0, v49;
	v63 =	vsub.s32 s1, v51;
	v8 =	vperm.xlane v60, v3  }
0x660: {  	[tilespmem:s21+$0x10980] =	vst v4;
	v6 =	vadd.s32 v56, v62;
	v4 =	vadd.s32 v5, v63;
	v5 =	vadd.s32 $0x210, v61  }
0x661: {  	v6 =	vperm.xlane v6, v3;
	v4 =	vperm.xlane v4, v3;
	[tilespmem:s22+$0x10780] =	vst v5;
	v5 =	vadd.s32 $0x420, v8;
	s28 =	spop (v2sf)  }
0x662: {  	[tilespmem:s22+$0x10880] =	vst v5;
	s29 =	spop (v2sf)  }
0x663: {  	v5 =	vadd.s32 $0x630, v6;
	[tilespmem:s22+$0x10680] =	vst v4;
	s30 =	spop (v2sf)  }
0x664: {  	s0 =	simm.s32 $0xFFFFFFFE;
	s1 =	simm.s32 $0x110A0;
	[tilespmem:s22+$0x10980] =	vst v5;
	s31 =	spop (v2sf)  }
.LBB2_125:
0x665: {  	v4 =	vld [tilespmem:s1+$0xFFFFFBE0];
	_ =	sdelay $0x4  }
0x666: {  	v5 =	vshrl.u32 v4, $0x10  }
0x667: {  	v5 =	vand.u32 $0xFF, v5  }
0x668: {  	(xrf1) =	vunique.msk.u32 $0xffff, v5;
	_ =	sdelay $0x9  }
0x669: {  	v6 =	vld.idx.msk [tilespmem:v5+s13+$0x0], $0xffff;
	_ =	sdelay $0x3  }
0x66a: {  	_, v7, vm0 =	vpop (xrf1)  }
0x66b: {  	v6 =	vadd.s32 v7, v6  }
0x66c: {  	v6 =	vadd.s32 $0xFFFFFFFF, v6;
	_ =	sdelay $0x4  }
0x66d: {  	[tilespmem:v6+s14+$0x0] =	vst.idx.msk $0xffff, v4  }
0x66e: {  	[tilespmem:v5+s13+$0x0] =	vst.idx.add.s32.msk vm0, v7  }
0x66f: {  	v4 =	vld [tilespmem:s1+$0xFFFFFDF0];
	_ =	sdelay $0x4  }
0x670: {  	v5 =	vshrl.u32 v4, $0x10  }
0x671: {  	v58 =	vand.u32 $0xFF, v5  }
0x672: {  	v6 =	vor.u32 $0x100, v58  }
0x673: {  	(xrf1) =	vunique.msk.u32 $0xffff, v6;
	_ =	sdelay $0x3  }
0x674: {  	v5 =	vand.u32 $0x7F, v5;
	v6 =	vand.u32 $0x180, v6  }
0x675: {  	v5 =	vor.u32 v5, v6;
	_ =	sdelay $0x4  }
0x676: {  	v6 =	vld.idx.msk [tilespmem:v5+s13+$0x0], $0xffff;
	_ =	sdelay $0x3  }
0x677: {  	_, v7, vm0 =	vpop (xrf1)  }
0x678: {  	v6 =	vadd.s32 v7, v6  }
0x679: {  	v6 =	vadd.s32 $0xFFFFFFFF, v6;
	_ =	sdelay $0x4  }
0x67a: {  	[tilespmem:v6+s14+$0x0] =	vst.idx.msk $0xffff, v4  }
0x67b: {  	[tilespmem:v5+s13+$0x0] =	vst.idx.add.s32.msk vm0, v7  }
0x67c: {  	v4 =	vld [tilespmem:s1+$0x0];
	_ =	sdelay $0x4  }
0x67d: {  	v5 =	vshrl.u32 v4, $0x10  }
0x67e: {  	v59 =	vand.u32 $0xFF, v5  }
0x67f: {  	v6 =	vor.u32 $0x200, v59  }
0x680: {  	(xrf1) =	vunique.msk.u32 $0xffff, v6;
	_ =	sdelay $0x3  }
0x681: {  	v5 =	vand.u32 $0x7F, v5;
	v6 =	vand.u32 $0x280, v6  }
0x682: {  	v5 =	vor.u32 v5, v6;
	_ =	sdelay $0x4  }
0x683: {  	v6 =	vld.idx.msk [tilespmem:v5+s13+$0x0], $0xffff;
	_ =	sdelay $0x3  }
0x684: {  	_, v7, vm0 =	vpop (xrf1)  }
0x685: {  	v6 =	vadd.s32 v7, v6  }
0x686: {  	v6 =	vadd.s32 $0xFFFFFFFF, v6;
	_ =	sdelay $0x4  }
0x687: {  	[tilespmem:v6+s14+$0x0] =	vst.idx.msk $0xffff, v4  }
0x688: {  	[tilespmem:v5+s13+$0x0] =	vst.idx.add.s32.msk vm0, v7  }
0x689: {  	v4 =	vld [tilespmem:s1+$0x210];
	_ =	sdelay $0x4  }
0x68a: {  	v5 =	vshrl.u32 v4, $0x10  }
0x68b: {  	v60 =	vand.u32 $0xFF, v5  }
0x68c: {  	v6 =	vor.u32 $0x300, v60  }
0x68d: {  	(xrf1) =	vunique.msk.u32 $0xffff, v6;
	_ =	sdelay $0x3  }
0x68e: {  	v5 =	vand.u32 $0x7F, v5;
	v6 =	vand.u32 $0x380, v6  }
0x68f: {  	v5 =	vor.u32 v5, v6;
	_ =	sdelay $0x4  }
0x690: {  	v6 =	vld.idx.msk [tilespmem:v5+s13+$0x0], $0xffff;
	_ =	sdelay $0x3  }
0x691: {  	_, v7, vm0 =	vpop (xrf1)  }
0x692: {  	v6 =	vadd.s32 v7, v6  }
0x693: {  	v6 =	vadd.s32 $0xFFFFFFFF, v6;
	_ =	sdelay $0x4  }
0x694: {  	[tilespmem:v6+s14+$0x0] =	vst.idx.msk $0xffff, v4  }
0x695: {  	[tilespmem:v5+s13+$0x0] =	vst.idx.add.s32.msk vm0, v7  }
0x696: {  	v4 =	vld [tilespmem:s1+$0xFFFFFBF0];
	_ =	sdelay $0x4  }
0x697: {  	v5 =	vshrl.u32 v4, $0x10  }
0x698: {  	v5 =	vand.u32 $0xFF, v5  }
0x699: {  	(xrf1) =	vunique.msk.u32 $0xffff, v5;
	_ =	sdelay $0x9  }
0x69a: {  	v6 =	vld.idx.msk [tilespmem:v5+s13+$0x0], $0xffff;
	_ =	sdelay $0x3  }
0x69b: {  	_, v7, vm0 =	vpop (xrf1)  }
0x69c: {  	v6 =	vadd.s32 v7, v6  }
0x69d: {  	v6 =	vadd.s32 $0xFFFFFFFF, v6;
	_ =	sdelay $0x4  }
0x69e: {  	[tilespmem:v6+s14+$0x0] =	vst.idx.msk $0xffff, v4  }
0x69f: {  	[tilespmem:v5+s13+$0x0] =	vst.idx.add.s32.msk vm0, v7  }
0x6a0: {  	v4 =	vld [tilespmem:s1+$0xFFFFFE00];
	_ =	sdelay $0x4  }
0x6a1: {  	v5 =	vshrl.u32 v4, $0x10  }
0x6a2: {  	v61 =	vand.u32 $0xFF, v5  }
0x6a3: {  	v6 =	vor.u32 $0x100, v61  }
0x6a4: {  	(xrf1) =	vunique.msk.u32 $0xffff, v6;
	_ =	sdelay $0x3  }
0x6a5: {  	v5 =	vand.u32 $0x7F, v5;
	v6 =	vand.u32 $0x180, v6  }
0x6a6: {  	v5 =	vor.u32 v5, v6;
	_ =	sdelay $0x4  }
0x6a7: {  	v6 =	vld.idx.msk [tilespmem:v5+s13+$0x0], $0xffff;
	_ =	sdelay $0x3  }
0x6a8: {  	_, v7, vm0 =	vpop (xrf1)  }
0x6a9: {  	v6 =	vadd.s32 v7, v6  }
0x6aa: {  	v6 =	vadd.s32 $0xFFFFFFFF, v6;
	_ =	sdelay $0x4  }
0x6ab: {  	[tilespmem:v6+s14+$0x0] =	vst.idx.msk $0xffff, v4  }
0x6ac: {  	[tilespmem:v5+s13+$0x0] =	vst.idx.add.s32.msk vm0, v7  }
0x6ad: {  	v4 =	vld [tilespmem:s1+$0x10];
	_ =	sdelay $0x4  }
0x6ae: {  	v5 =	vshrl.u32 v4, $0x10  }
0x6af: {  	v62 =	vand.u32 $0xFF, v5  }
0x6b0: {  	v6 =	vor.u32 $0x200, v62  }
0x6b1: {  	(xrf1) =	vunique.msk.u32 $0xffff, v6;
	_ =	sdelay $0x3  }
0x6b2: {  	v5 =	vand.u32 $0x7F, v5;
	v6 =	vand.u32 $0x280, v6  }
0x6b3: {  	v5 =	vor.u32 v5, v6;
	_ =	sdelay $0x4  }
0x6b4: {  	v6 =	vld.idx.msk [tilespmem:v5+s13+$0x0], $0xffff;
	_ =	sdelay $0x3  }
0x6b5: {  	_, v7, vm0 =	vpop (xrf1)  }
0x6b6: {  	v6 =	vadd.s32 v7, v6  }
0x6b7: {  	v6 =	vadd.s32 $0xFFFFFFFF, v6;
	_ =	sdelay $0x4  }
0x6b8: {  	[tilespmem:v6+s14+$0x0] =	vst.idx.msk $0xffff, v4  }
0x6b9: {  	[tilespmem:v5+s13+$0x0] =	vst.idx.add.s32.msk vm0, v7  }
0x6ba: {  	v4 =	vld [tilespmem:s1+$0x220];
	_ =	sdelay $0x4  }
0x6bb: {  	v5 =	vshrl.u32 v4, $0x10  }
0x6bc: {  	v63 =	vand.u32 $0xFF, v5  }
0x6bd: {  	v6 =	vor.u32 $0x300, v63  }
0x6be: {  	(xrf1) =	vunique.msk.u32 $0xffff, v6;
	_ =	sdelay $0x3  }
0x6bf: {  	v5 =	vand.u32 $0x7F, v5;
	v6 =	vand.u32 $0x380, v6  }
0x6c0: {  	v5 =	vor.u32 v5, v6;
	_ =	sdelay $0x4  }
0x6c1: {  	v6 =	vld.idx.msk [tilespmem:v5+s13+$0x0], $0xffff;
	_ =	sdelay $0x3  }
0x6c2: {  	_, v7, vm0 =	vpop (xrf1)  }
0x6c3: {  	v6 =	vadd.s32 v7, v6  }
0x6c4: {  	s0 =	sadd.s32 $0x2, s0;
	v6 =	vadd.s32 $0xFFFFFFFF, v6  }
0x6c5: {  	p0 =	slt.u32 s0, $0x1E  }
.Ltmp83:
0x6c6: {  	_ = 	snop;
	(pc) =	sbr.rel @p0 .LBB2_125-.Ltmp83, $3  }
0x6c7: {  	_ =	sdelay $0x1  }
0x6c8: {  	[tilespmem:v6+s14+$0x0] =	vst.idx.msk $0xffff, v4  }
0x6c9: {  	s17 =	simm.s32 $0xFFFFFFF8;
	s16 =	simm.s32 $0x100C0;
	s1 =	sadd.s32 $0x20, s1;
	[tilespmem:v5+s13+$0x0] =	vst.idx.add.s32.msk vm0, v7  }
0x6ca: {  	[tilespmem:s16+$0xFFFFFFC0] =	vst v2  }
0x6cb: {  	[tilespmem:s16+$0x30] =	vst v2  }
0x6cc: {  	[tilespmem:s16+$0x20] =	vst v2  }
0x6cd: {  	[tilespmem:s16+$0x10] =	vst v2  }
0x6ce: {  	[tilespmem:s16+$0x0] =	vst v2  }
0x6cf: {  	[tilespmem:s16+$0xFFFFFFF0] =	vst v2  }
0x6d0: {  	s1 =	sadd.s32 $0x8, s17;
	[tilespmem:s16+$0xFFFFFFE0] =	vst v2  }
.LBB2_127:
0x6d1: {  	s1 =	sadd.s32 $0x8, s1;
	[tilespmem:s16+$0xFFFFFFD0] =	vst v2;
	s16 =	sadd.s32 $0x80, s16  }
0x6d2: {  	[tilespmem:s16+$0xFFFFFFC0] =	vst v2;
	p0 =	slt.u32 s1, $0x38  }
0x6d3: {  	[tilespmem:s16+$0x30] =	vst v2  }
.Ltmp84:
0x6d4: {  	[tilespmem:s16+$0x20] =	vst v2;
	(pc) =	sbr.rel @p0 .LBB2_127-.Ltmp84, $4  }
0x6d5: {  	[tilespmem:s16+$0x10] =	vst v2  }
0x6d6: {  	[tilespmem:s16+$0x0] =	vst v2  }
0x6d7: {  	[tilespmem:s16+$0xFFFFFFF0] =	vst v2  }
0x6d8: {  	s0 =	simm.s32 $0x11920;
	[tilespmem:s16+$0xFFFFFFE0] =	vst v2  }
0x6d9: {  	[tilespmem:s16+$0xFFFFFFD0] =	vst v2;
	s1 =	simm.s32 $0xFFFFFFFE  }
.LBB2_129:
0x6da: {  	v4 =	vld [tilespmem:s0+$0xFFFFFBE0];
	_ =	sdelay $0x4  }
0x6db: {  	v4 =	vshra.s32 v4, $0x18  }
0x6dc: {  	v4 =	vadd.s32 $0x80, v4  }
0x6dd: {  	(xrf1) =	vunique.msk.u32 $0xffff, v4;
	_ =	sdelay $0xd  }
0x6de: {  	_, v5, vm0 =	vpop (xrf1);
	_ =	sdelay $0x5  }
0x6df: {  	[tilespmem:v4+s12+$0x0] =	vst.idx.add.s32.msk vm0, v5  }
0x6e0: {  	v4 =	vld [tilespmem:s0+$0xFFFFFDF0];
	_ =	sdelay $0x4  }
0x6e1: {  	v4 =	vshra.s32 v4, $0x18  }
0x6e2: {  	v4 =	vadd.s32 $0x180, v4  }
0x6e3: {  	(xrf1) =	vunique.msk.u32 $0xffff, v4;
	_ =	sdelay $0xd  }
0x6e4: {  	_, v5, vm0 =	vpop (xrf1);
	_ =	sdelay $0x5  }
0x6e5: {  	[tilespmem:v4+s12+$0x0] =	vst.idx.add.s32.msk vm0, v5  }
0x6e6: {  	v4 =	vld [tilespmem:s0+$0x0];
	_ =	sdelay $0x4  }
0x6e7: {  	v4 =	vshra.s32 v4, $0x18  }
0x6e8: {  	v4 =	vadd.s32 $0x280, v4  }
0x6e9: {  	(xrf1) =	vunique.msk.u32 $0xffff, v4;
	_ =	sdelay $0xd  }
0x6ea: {  	_, v5, vm0 =	vpop (xrf1);
	_ =	sdelay $0x5  }
0x6eb: {  	[tilespmem:v4+s12+$0x0] =	vst.idx.add.s32.msk vm0, v5  }
0x6ec: {  	v4 =	vld [tilespmem:s0+$0x210];
	_ =	sdelay $0x4  }
0x6ed: {  	v4 =	vshra.s32 v4, $0x18  }
0x6ee: {  	v4 =	vadd.s32 $0x380, v4  }
0x6ef: {  	(xrf1) =	vunique.msk.u32 $0xffff, v4;
	_ =	sdelay $0xd  }
0x6f0: {  	_, v5, vm0 =	vpop (xrf1);
	_ =	sdelay $0x5  }
0x6f1: {  	[tilespmem:v4+s12+$0x0] =	vst.idx.add.s32.msk vm0, v5  }
0x6f2: {  	v4 =	vld [tilespmem:s0+$0xFFFFFBF0];
	_ =	sdelay $0x4  }
0x6f3: {  	v4 =	vshra.s32 v4, $0x18  }
0x6f4: {  	v4 =	vadd.s32 $0x80, v4  }
0x6f5: {  	(xrf1) =	vunique.msk.u32 $0xffff, v4;
	_ =	sdelay $0xd  }
0x6f6: {  	_, v5, vm0 =	vpop (xrf1);
	_ =	sdelay $0x5  }
0x6f7: {  	[tilespmem:v4+s12+$0x0] =	vst.idx.add.s32.msk vm0, v5  }
0x6f8: {  	v4 =	vld [tilespmem:s0+$0xFFFFFE00];
	_ =	sdelay $0x4  }
0x6f9: {  	v4 =	vshra.s32 v4, $0x18  }
0x6fa: {  	v4 =	vadd.s32 $0x180, v4  }
0x6fb: {  	(xrf1) =	vunique.msk.u32 $0xffff, v4;
	_ =	sdelay $0xd  }
0x6fc: {  	_, v5, vm0 =	vpop (xrf1);
	_ =	sdelay $0x5  }
0x6fd: {  	[tilespmem:v4+s12+$0x0] =	vst.idx.add.s32.msk vm0, v5  }
0x6fe: {  	v4 =	vld [tilespmem:s0+$0x10];
	_ =	sdelay $0x4  }
0x6ff: {  	v4 =	vshra.s32 v4, $0x18  }
0x700: {  	v4 =	vadd.s32 $0x280, v4  }
0x701: {  	(xrf1) =	vunique.msk.u32 $0xffff, v4;
	_ =	sdelay $0xd  }
0x702: {  	_, v5, vm0 =	vpop (xrf1);
	_ =	sdelay $0x5  }
0x703: {  	[tilespmem:v4+s12+$0x0] =	vst.idx.add.s32.msk vm0, v5  }
0x704: {  	v4 =	vld [tilespmem:s0+$0x220];
	_ =	sdelay $0x4  }
0x705: {  	v4 =	vshra.s32 v4, $0x18  }
0x706: {  	v4 =	vadd.s32 $0x380, v4  }
0x707: {  	(xrf1) =	vunique.msk.u32 $0xffff, v4;
	_ =	sdelay $0xd  }
0x708: {  	s1 =	sadd.s32 $0x2, s1;
	_, v5, vm0 =	vpop (xrf1)  }
0x709: {  	p0 =	slt.u32 s1, $0x1E  }
.Ltmp85:
0x70a: {  	_ = 	snop;
	(pc) =	sbr.rel @p0 .LBB2_129-.Ltmp85, $2  }
0x70b: {  	_ =	sdelay $0x2  }
0x70c: {  	s24 =	simm.s32 $0x0;
	s0 =	sadd.s32 $0x20, s0;
	[tilespmem:v4+s12+$0x0] =	vst.idx.add.s32.msk vm0, v5  }
0x70d: {  	s23 =	simm.s32 $0x2F0  }
0x70e: {  	v4 =	vld [tilespmem:s23+$0xFF80]  }
0x70f: {  	v6 =	vld [tilespmem:s23+$0x10080]  }
0x710: {  	v5 =	vld [tilespmem:s23+$0x10180]  }
0x711: {  	v7 =	vld [tilespmem:s23+$0xFE80];
	_ =	sdelay $0x1  }
0x712: {  	(xrf0) =	vadd.scan.msk.s32 $0xffff, v4  }
0x713: {  	(xrf0) =	vadd.scan.msk.s32 $0xffff, v6  }
0x714: {  	s21 =	simm.s32 $0x2E0;
	v10 =	vperm.xlane v5, v3;
	(xrf0) =	vadd.scan.msk.s32 $0xffff, v5  }
0x715: {  	v8 =	vld [tilespmem:s21+$0xFF80];
	v5 =	vperm.xlane v7, v3;
	(xrf0) =	vadd.scan.msk.s32 $0xffff, v7  }
0x716: {  	v13 =	vld [tilespmem:s21+$0x10080];
	v14 =	vperm.xlane v4, v3;
	(xrf0) =	vadd.scan.msk.s32 $0xffff, v10  }
0x717: {  	v15 =	vperm.xlane v6, v3;
	v7 =	vld [tilespmem:s21+$0x10180];
	(xrf0) =	vadd.scan.msk.s32 $0xffff, v5  }
0x718: {  	v6 =	vld [tilespmem:s21+$0xFE80];
	v9, _, _ =	vpop (xrf0);
	(xrf0) =	vadd.scan.msk.s32 $0xffff, v14  }
0x719: {  	v11, _, _ =	vpop (xrf0);
	(xrf0) =	vadd.scan.msk.s32 $0xffff, v15  }
0x71a: {  	v12, _, _ =	vpop (xrf0);
	(xrf0) =	vadd.scan.msk.s32 $0xffff, v8  }
0x71b: {  	v16, _, _ =	vpop (xrf0);
	(xrf0) =	vadd.scan.msk.s32 $0xffff, v13  }
0x71c: {  	v18, _, _ =	vpop (xrf0);
	(xrf0) =	vadd.scan.msk.s32 $0xffff, v7  }
0x71d: {  	(v2sf) =	vpush v9, $0xF;
	v4 =	vperm.xlane v7, v3;
	(xrf0) =	vadd.scan.msk.s32 $0xffff, v6;
	v7, _, _ =	vpop (xrf0)  }
0x71e: {  	(v2sf) =	vpush v11, $0xF;
	v17, _, _ =	vpop (xrf0)  }
0x71f: {  	(v2sf) =	vpush v12, $0xF;
	v19, _, _ =	vpop (xrf0)  }
0x720: {  	v9 =	vperm.xlane v8, v3;
	v8 =	vperm.xlane v13, v3;
	(v2sf) =	vpush v16, $0xF;
	v13, _, _ =	vpop (xrf0)  }
0x721: {  	(v2sf) =	vpush v13, $0xF;
	v13, _, _ =	vpop (xrf0)  }
0x722: {  	s22 =	simm.s32 $0x2D0;
	(v2sf) =	vpush v13, $0xF;
	v16, _, _ =	vpop (xrf0)  }
0x723: {  	v11 =	vld [tilespmem:s22+$0xFF80];
	v6 =	vperm.xlane v6, v3;
	(xrf0) =	vadd.scan.msk.s32 $0xffff, v4;
	v20, _, _ =	vpop (xrf0);
	(v2sf) =	vpush v16, $0xF  }
0x724: {  	v14 =	vsub.s32 s24, v14;
	v12 =	vld [tilespmem:s22+$0x10080];
	(v2sf) =	vpush v20, $0xF  }
0x725: {  	(xrf0) =	vadd.scan.msk.s32 $0xffff, v6;
	v17 =	vadd.s32 v17, v14;
	v14 =	vld [tilespmem:s22+$0x10180]  }
0x726: {  	v10 =	vsub.s32 s24, v10;
	(xrf0) =	vadd.scan.msk.s32 $0xffff, v9;
	v13 =	vld [tilespmem:s22+$0xFE80]  }
0x727: {  	(xrf0) =	vadd.scan.msk.s32 $0xffff, v8  }
0x728: {  	s17 =	simm.s32 $0xB00;
	v15 =	vsub.s32 s24, v15;
	(xrf0) =	vadd.scan.msk.s32 $0xffff, v11;
	v16 =	vadd.s32 v18, v10  }
0x729: {  	s1 =	simm.s32 $0x0;
	s16 =	simm.s32 $0x0;
	s0 =	simm.s32 $0x0;
	v15 =	vadd.s32 v19, v15;
	(xrf0) =	vadd.scan.msk.s32 $0xffff, v12;
	v10, _, _ =	vpop (xrf0);
	v16 =	vperm.xlane v16, v3  }
.LBB2_131:
0x72a: {  	(xrf0) =	vadd.scan.msk.s32 $0xffff, v14;
	v18 =	vsub.s32 s24, v5;
	v24 =	vperm.xlane v17, v3;
	v19 =	vmovc v4;
	v4 =	vperm.xlane v14, v3  }
0x72b: {  	s18 =	sshra.s32 s17, $0x2;
	p0 =	sne.s32 s17, $0x800;
	s17 =	sadd.s32 $0xFFFFFFC0, s17;
	v14 =	vmovc v13;
	v20 =	vmovc v11;
	v5 =	vmov v6;
	v21 =	vmov v12;
	v22 =	vmov v9  }
0x72c: {  	v15 =	vperm.xlane v15, v3;
	v13 =	vld [tilespmem:s18+$0xFE80];
	(xrf0) =	vadd.scan.msk.s32 $0xffff, v14;
	v18 =	vadd.s32 v7, v18;
	v7, _, _ =	vpop (xrf0);
	v23 =	vadd.s32 $0x630, v16  }
0x72d: {  	v17 =	vmov v8;
	v6 =	vperm.xlane v14, v3;
	v11 =	vld [tilespmem:s18+$0xFF80];
	(xrf0) =	vadd.scan.msk.s32 $0xffff, v4;
	v16, _, _ =	vpop (xrf0);
	v14 =	vadd.s32 $0x210, v24;
	s5 =	spop (v2sf)  }
0x72e: {  	v9 =	vperm.xlane v20, v3;
	v18 =	vperm.xlane v18, v3;
	v24 =	vadd.s32 $0x420, v15;
	v12 =	vld [tilespmem:s18+$0x10080];
	v20, _, _ =	vpop (xrf0);
	[tilespmem:s23+$0x10780] =	vst v14;
	s1 =	sadd.s32 s1, s5;
	s5 =	spop (v2sf)  }
.Ltmp86:
0x72f: {  	v8 =	vperm.xlane v21, v3;
	v14 =	vld [tilespmem:s18+$0x10180];
	(xrf0) =	vadd.scan.msk.s32 $0xffff, v6;
	v21, _, _ =	vpop (xrf0);
	v22 =	vsub.s32 s1, v22;
	[tilespmem:s23+$0x10880] =	vst v24;
	s16 =	sadd.s32 s16, s5;
	s5 =	spop (v2sf);
	(pc) =	sbr.rel @p0 .LBB2_131-.Ltmp86, $4  }
0x730: {  	(xrf0) =	vadd.scan.msk.s32 $0xffff, v9;
	(v2sf) =	vpush v21, $0xF;
	v15, _, _ =	vpop (xrf0);
	v21 =	vsub.s32 s16, v17;
	[tilespmem:s23+$0x10680] =	vst v18;
	s0 =	sadd.s32 s0, s5;
	s5 =	spop (v2sf)  }
0x731: {  	v17 =	vadd.s32 v16, v22;
	(xrf0) =	vadd.scan.msk.s32 $0xffff, v8;
	(v2sf) =	vpush v15, $0xF;
	v15, _, _ =	vpop (xrf0);
	v16 =	vsub.s32 s0, v19;
	s24 =	sadd.s32 s24, s5  }
0x732: {  	(xrf0) =	vadd.scan.msk.s32 $0xffff, v11;
	v18, _, _ =	vpop (xrf0);
	(v2sf) =	vpush v15, $0xF;
	v15 =	vadd.s32 v20, v21;
	v16 =	vadd.s32 v10, v16  }
0x733: {  	(xrf0) =	vadd.scan.msk.s32 $0xffff, v12;
	(v2sf) =	vpush v18, $0xF;
	v10, _, _ =	vpop (xrf0);
	v16 =	vperm.xlane v16, v3;
	[tilespmem:s23+$0x10980] =	vst v23;
	s23 =	smov.u32 s21;
	s21 =	smov.u32 s22;
	s22 =	smov.u32 s18  }
0x734: {  	(xrf0) =	vadd.scan.msk.s32 $0xffff, v14  }
0x735: {  	(xrf0) =	vadd.scan.msk.s32 $0xffff, v13;
	v18, _, _ =	vpop (xrf0)  }
0x736: {  	v19, _, _ =	vpop (xrf0)  }
0x737: {  	v20, _, _ =	vpop (xrf0)  }
0x738: {  	v21, _, _ =	vpop (xrf0)  }
0x739: {  	v49 =	vperm.xlane v14, v3;
	(v2sf) =	vpush v21, $0xF;
	v48, _, _ =	vpop (xrf0)  }
0x73a: {  	v51 =	vperm.xlane v13, v3;
	(v2sf) =	vpush v48, $0xF;
	v50, _, _ =	vpop (xrf0)  }
0x73b: {  	v11 =	vperm.xlane v11, v3;
	v5 =	vsub.s32 s24, v5;
	(xrf0) =	vadd.scan.msk.s32 $0xffff, v49;
	(v2sf) =	vpush v50, $0xF;
	v52, _, _ =	vpop (xrf0)  }
0x73c: {  	s5 =	spop (v2sf);
	v17 =	vperm.xlane v17, v3;
	v12 =	vperm.xlane v12, v3;
	(xrf0) =	vadd.scan.msk.s32 $0xffff, v51;
	(v2sf) =	vpush v52, $0xF  }
0x73d: {  	v53 =	vperm.xlane v15, v3;
	v5 =	vadd.s32 v7, v5;
	s6 =	spop (v2sf);
	(xrf0) =	vadd.scan.msk.s32 $0xffff, v11  }
0x73e: {  	s1 =	sadd.s32 s1, s5;
	v54 =	vadd.s32 $0x630, v16;
	s16 =	sadd.s32 s16, s6;
	s17 =	spop (v2sf);
	v55 =	vadd.s32 $0x210, v17;
	v5 =	vperm.xlane v5, v3;
	(xrf0) =	vadd.scan.msk.s32 $0xffff, v12  }
0x73f: {  	v7 =	vadd.s32 $0x420, v53;
	v9 =	vsub.s32 s1, v9;
	s0 =	sadd.s32 s0, s17;
	s18 =	spop (v2sf);
	v8 =	vsub.s32 s16, v8  }
0x740: {  	[tilespmem:s23+$0x10980] =	vst v54;
	v9 =	vadd.s32 v19, v9;
	v4 =	vsub.s32 s0, v4;
	s6 =	sadd.s32 s24, s18;
	v8 =	vadd.s32 v20, v8  }
0x741: {  	[tilespmem:s23+$0x10780] =	vst v55;
	v9 =	vperm.xlane v9, v3;
	v4 =	vadd.s32 v10, v4;
	v6 =	vsub.s32 s6, v6;
	v56, _, _ =	vpop (xrf0);
	s7 =	spop (v2sf)  }
0x742: {  	[tilespmem:s23+$0x10680] =	vst v5;
	v8 =	vperm.xlane v8, v3;
	v4 =	vperm.xlane v4, v3;
	v6 =	vadd.s32 v18, v6;
	v5, _, _ =	vpop (xrf0);
	s1 =	sadd.s32 s1, s7;
	s19 =	spop (v2sf)  }
0x743: {  	[tilespmem:s23+$0x10880] =	vst v7;
	v9 =	vadd.s32 $0x210, v9;
	v6 =	vperm.xlane v6, v3;
	v57, _, _ =	vpop (xrf0);
	v11 =	vsub.s32 s1, v11;
	s24 =	sadd.s32 s16, s19;
	s25 =	spop (v2sf)  }
0x744: {  	[tilespmem:s21+$0x10780] =	vst v9;
	v8 =	vadd.s32 $0x420, v8;
	v58, _, _ =	vpop (xrf0);
	v59 =	vsub.s32 s24, v12;
	s26 =	spop (v2sf);
	v10 =	vadd.s32 v57, v11  }
0x745: {  	v4 =	vadd.s32 $0x630, v4;
	[tilespmem:s21+$0x10880] =	vst v8;
	s0 =	sadd.s32 s0, s25;
	s1 =	sadd.s32 s6, s26;
	v60 =	vadd.s32 v58, v59;
	v61 =	vperm.xlane v10, v3  }
0x746: {  	[tilespmem:s21+$0x10680] =	vst v6;
	v62 =	vsub.s32 s0, v49;
	v63 =	vsub.s32 s1, v51;
	v8 =	vperm.xlane v60, v3  }
0x747: {  	[tilespmem:s21+$0x10980] =	vst v4;
	v6 =	vadd.s32 v56, v62;
	v4 =	vadd.s32 v5, v63;
	v5 =	vadd.s32 $0x210, v61  }
0x748: {  	v6 =	vperm.xlane v6, v3;
	v4 =	vperm.xlane v4, v3;
	[tilespmem:s22+$0x10780] =	vst v5;
	v5 =	vadd.s32 $0x420, v8;
	s28 =	spop (v2sf)  }
0x749: {  	[tilespmem:s22+$0x10880] =	vst v5;
	s29 =	spop (v2sf)  }
0x74a: {  	v5 =	vadd.s32 $0x630, v6;
	[tilespmem:s22+$0x10680] =	vst v4;
	s30 =	spop (v2sf)  }
0x74b: {  	s0 =	simm.s32 $0xFFFFFFFE;
	s1 =	simm.s32 $0x11920;
	[tilespmem:s22+$0x10980] =	vst v5;
	s31 =	spop (v2sf)  }
.LBB2_133:
0x74c: {  	v4 =	vld [tilespmem:s1+$0xFFFFFBE0];
	_ =	sdelay $0x4  }
0x74d: {  	v5 =	vshra.s32 v4, $0x18  }
0x74e: {  	v5 =	vadd.s32 $0x80, v5  }
0x74f: {  	(xrf1) =	vunique.msk.u32 $0xffff, v5;
	_ =	sdelay $0x9  }
0x750: {  	v6 =	vld.idx.msk [tilespmem:v5+s13+$0x0], $0xffff;
	_ =	sdelay $0x3  }
0x751: {  	_, v7, vm0 =	vpop (xrf1)  }
0x752: {  	v6 =	vadd.s32 v7, v6  }
0x753: {  	v6 =	vadd.s32 $0xFFFFFFFF, v6;
	_ =	sdelay $0x4  }
0x754: {  	[tilespmem:v6+s15+$0x0] =	vst.idx.msk $0xffff, v4  }
0x755: {  	[tilespmem:v5+s13+$0x0] =	vst.idx.add.s32.msk vm0, v7  }
0x756: {  	v4 =	vld [tilespmem:s1+$0xFFFFFDF0];
	_ =	sdelay $0x4  }
0x757: {  	v5 =	vshra.s32 v4, $0x18  }
0x758: {  	v5 =	vadd.s32 $0x180, v5  }
0x759: {  	(xrf1) =	vunique.msk.u32 $0xffff, v5;
	_ =	sdelay $0x9  }
0x75a: {  	v6 =	vld.idx.msk [tilespmem:v5+s13+$0x0], $0xffff;
	_ =	sdelay $0x3  }
0x75b: {  	_, v7, vm0 =	vpop (xrf1)  }
0x75c: {  	v6 =	vadd.s32 v7, v6  }
0x75d: {  	v6 =	vadd.s32 $0xFFFFFFFF, v6;
	_ =	sdelay $0x4  }
0x75e: {  	[tilespmem:v6+s15+$0x0] =	vst.idx.msk $0xffff, v4  }
0x75f: {  	[tilespmem:v5+s13+$0x0] =	vst.idx.add.s32.msk vm0, v7  }
0x760: {  	v4 =	vld [tilespmem:s1+$0x0];
	_ =	sdelay $0x4  }
0x761: {  	v5 =	vshra.s32 v4, $0x18  }
0x762: {  	v5 =	vadd.s32 $0x280, v5  }
0x763: {  	(xrf1) =	vunique.msk.u32 $0xffff, v5;
	_ =	sdelay $0x9  }
0x764: {  	v6 =	vld.idx.msk [tilespmem:v5+s13+$0x0], $0xffff;
	_ =	sdelay $0x3  }
0x765: {  	_, v7, vm0 =	vpop (xrf1)  }
0x766: {  	v6 =	vadd.s32 v7, v6  }
0x767: {  	v6 =	vadd.s32 $0xFFFFFFFF, v6;
	_ =	sdelay $0x4  }
0x768: {  	[tilespmem:v6+s15+$0x0] =	vst.idx.msk $0xffff, v4  }
0x769: {  	[tilespmem:v5+s13+$0x0] =	vst.idx.add.s32.msk vm0, v7  }
0x76a: {  	v4 =	vld [tilespmem:s1+$0x210];
	_ =	sdelay $0x4  }
0x76b: {  	v5 =	vshra.s32 v4, $0x18  }
0x76c: {  	v5 =	vadd.s32 $0x380, v5  }
0x76d: {  	(xrf1) =	vunique.msk.u32 $0xffff, v5;
	_ =	sdelay $0x9  }
0x76e: {  	v6 =	vld.idx.msk [tilespmem:v5+s13+$0x0], $0xffff;
	_ =	sdelay $0x3  }
0x76f: {  	_, v7, vm0 =	vpop (xrf1)  }
0x770: {  	v6 =	vadd.s32 v7, v6  }
0x771: {  	v6 =	vadd.s32 $0xFFFFFFFF, v6;
	_ =	sdelay $0x4  }
0x772: {  	[tilespmem:v6+s15+$0x0] =	vst.idx.msk $0xffff, v4  }
0x773: {  	[tilespmem:v5+s13+$0x0] =	vst.idx.add.s32.msk vm0, v7  }
0x774: {  	v4 =	vld [tilespmem:s1+$0xFFFFFBF0];
	_ =	sdelay $0x4  }
0x775: {  	v5 =	vshra.s32 v4, $0x18  }
0x776: {  	v5 =	vadd.s32 $0x80, v5  }
0x777: {  	(xrf1) =	vunique.msk.u32 $0xffff, v5;
	_ =	sdelay $0x9  }
0x778: {  	v6 =	vld.idx.msk [tilespmem:v5+s13+$0x0], $0xffff;
	_ =	sdelay $0x3  }
0x779: {  	_, v7, vm0 =	vpop (xrf1)  }
0x77a: {  	v6 =	vadd.s32 v7, v6  }
0x77b: {  	v6 =	vadd.s32 $0xFFFFFFFF, v6;
	_ =	sdelay $0x4  }
0x77c: {  	[tilespmem:v6+s15+$0x0] =	vst.idx.msk $0xffff, v4  }
0x77d: {  	[tilespmem:v5+s13+$0x0] =	vst.idx.add.s32.msk vm0, v7  }
0x77e: {  	v4 =	vld [tilespmem:s1+$0xFFFFFE00];
	_ =	sdelay $0x4  }
0x77f: {  	v5 =	vshra.s32 v4, $0x18  }
0x780: {  	v5 =	vadd.s32 $0x180, v5  }
0x781: {  	(xrf1) =	vunique.msk.u32 $0xffff, v5;
	_ =	sdelay $0x9  }
0x782: {  	v6 =	vld.idx.msk [tilespmem:v5+s13+$0x0], $0xffff;
	_ =	sdelay $0x3  }
0x783: {  	_, v7, vm0 =	vpop (xrf1)  }
0x784: {  	v6 =	vadd.s32 v7, v6  }
0x785: {  	v6 =	vadd.s32 $0xFFFFFFFF, v6;
	_ =	sdelay $0x4  }
0x786: {  	[tilespmem:v6+s15+$0x0] =	vst.idx.msk $0xffff, v4  }
0x787: {  	[tilespmem:v5+s13+$0x0] =	vst.idx.add.s32.msk vm0, v7  }
0x788: {  	v4 =	vld [tilespmem:s1+$0x10];
	_ =	sdelay $0x4  }
0x789: {  	v5 =	vshra.s32 v4, $0x18  }
0x78a: {  	v5 =	vadd.s32 $0x280, v5  }
0x78b: {  	(xrf1) =	vunique.msk.u32 $0xffff, v5;
	_ =	sdelay $0x9  }
0x78c: {  	v6 =	vld.idx.msk [tilespmem:v5+s13+$0x0], $0xffff;
	_ =	sdelay $0x3  }
0x78d: {  	_, v7, vm0 =	vpop (xrf1)  }
0x78e: {  	v6 =	vadd.s32 v7, v6  }
0x78f: {  	v6 =	vadd.s32 $0xFFFFFFFF, v6;
	_ =	sdelay $0x4  }
0x790: {  	[tilespmem:v6+s15+$0x0] =	vst.idx.msk $0xffff, v4  }
0x791: {  	[tilespmem:v5+s13+$0x0] =	vst.idx.add.s32.msk vm0, v7  }
0x792: {  	v4 =	vld [tilespmem:s1+$0x220];
	_ =	sdelay $0x4  }
0x793: {  	v5 =	vshra.s32 v4, $0x18  }
0x794: {  	v5 =	vadd.s32 $0x380, v5  }
0x795: {  	(xrf1) =	vunique.msk.u32 $0xffff, v5;
	_ =	sdelay $0x9  }
0x796: {  	v6 =	vld.idx.msk [tilespmem:v5+s13+$0x0], $0xffff;
	_ =	sdelay $0x3  }
0x797: {  	_, v7, vm0 =	vpop (xrf1)  }
0x798: {  	v6 =	vadd.s32 v7, v6  }
0x799: {  	s0 =	sadd.s32 $0x2, s0;
	v6 =	vadd.s32 $0xFFFFFFFF, v6  }
0x79a: {  	p0 =	slt.u32 s0, $0x1E  }
.Ltmp87:
0x79b: {  	_ = 	snop;
	(pc) =	sbr.rel @p0 .LBB2_133-.Ltmp87, $3  }
0x79c: {  	_ =	sdelay $0x1  }
0x79d: {  	[tilespmem:v6+s15+$0x0] =	vst.idx.msk $0xffff, v4  }
0x79e: {  	s21 =	simm.s32 $0x11DC0;
	s1 =	sadd.s32 $0x20, s1;
	[tilespmem:v5+s13+$0x0] =	vst.idx.add.s32.msk vm0, v7  }
0x79f: {  	s0 =	simm.s32 $0x70  }
0x7a0: {  	s1 =	simm.s32 $0x10;
	s0 =	sand.u32 $0x3FFFFFF0, s0  }
0x7a1: {  	s5 =	simm.s32 $0x20;
	s1 =	sand.u32 $0x3FFFFFF0, s1;
	v7 =	vld [tilespmem:s0+$0x10C80]  }
0x7a2: {  	s23 =	simm.s32 $0x50;
	s22 =	sand.u32 $0x3FFFFFF0, s5;
	v8 =	vld [tilespmem:s1+$0x10C80]  }
0x7a3: {  	s19 =	simm.s32 $0x30;
	s5 =	sand.u32 $0x3FFFFFF0, s23;
	v9 =	vld [tilespmem:s22+$0x10C80]  }
0x7a4: {  	s0 =	sand.u32 $0x3FFFFFF0, s19;
	v6 =	vld [tilespmem:s5+$0x10C80]  }
0x7a5: {  	s24 =	simm.s32 $0x60;
	v12 =	vld [tilespmem:s0+$0x10C80]  }
0x7a6: {  	s25 =	simm.s32 $0x0;
	s1 =	sand.u32 $0x3FFFFFF0, s24  }
0x7a7: {  	s26 =	simm.s32 $0x90;
	s28 =	simm.s32 $0xF0;
	s0 =	sand.u32 $0x3FFFFFF0, s25;
	v4 =	vld [tilespmem:s1+$0x10C80];
	vm0 =	vlt.s32 v7, $0x0  }
0x7a8: {  	s6 =	simm.s32 $0xA0;
	s7 =	simm.s32 $0xB0;
	s30 =	simm.s32 $0xD0;
	v5 =	vld [tilespmem:s0+$0x10C80];
	v10 =	vxor.u32 $0x7FFFFFFF, v7;
	vm1 =	vlt.s32 v8, $0x0;
	v11 =	vxor.u32 $0x7FFFFFFF, v8  }
0x7a9: {  	s29 =	sand.u32 $0x3FFFFFF0, s26;
	s5 =	sand.u32 $0x3FFFFFF0, s28;
	v13 =	vxor.u32 $0x7FFFFFFF, v9;
	v10 =	vsel vm0, v10, v7;
	vm0 =	vlt.s32 v9, $0x0;
	v7 =	vld [tilespmem:s0+$0x10CC0]  }
0x7aa: {  	s31 =	sand.u32 $0x3FFFFFF0, s6;
	s18 =	sand.u32 $0x3FFFFFF0, s7;
	s16 =	sand.u32 $0x3FFFFFF0, s30;
	v8 =	vsel vm1, v11, v8;
	vm1 =	vlt.s32 v12, $0x0;
	v11 =	vxor.u32 $0x7FFFFFFF, v6;
	[tilespmem:s21+$0x30] =	vst v10;
	v10 =	vld [tilespmem:s5+$0x10C80]  }
0x7ab: {  	s17 =	simm.s32 $0x80;
	s19 =	simm.s32 $0xE0;
	v9 =	vsel vm0, v13, v9;
	[tilespmem:s21+$0xFFFFFFD0] =	vst v8;
	v8 =	vld [tilespmem:s29+$0x10C80];
	v13 =	vxor.u32 $0x7FFFFFFF, v12;
	vm0 =	vlt.s32 v6, $0x0  }
0x7ac: {  	s1 =	simm.s32 $0x10;
	s0 =	sand.u32 $0x3FFFFFF0, s17;
	s17 =	sand.u32 $0x3FFFFFF0, s19;
	[tilespmem:s21+$0xFFFFFFE0] =	vst v9;
	v9 =	vld [tilespmem:s31+$0x10C80];
	v13 =	vsel vm1, v13, v12;
	vm1 =	vlt.s32 v4, $0x0;
	v12 =	vxor.u32 $0x7FFFFFFF, v4  }
.LBB2_135:
0x7ad: {  	s5 =	sshrl.u32 s1, $0x5;
	p0 =	slt.u32 s1, $0x78;
	v14 =	vld [tilespmem:s18+$0x10C80];
	vm2 =	vlt.s32 v5, $0x0;
	v15 =	vxor.u32 $0x7FFFFFFF, v5;
	[tilespmem:s21+$0xFFFFFFF0] =	vst v13;
	v11 =	vsel vm0, v11, v6;
	s6 =	smov.u32 s21  }
0x7ae: {  	s5 =	sadd.s32 s5, s1;
	v6 =	vld [tilespmem:s16+$0x10C80];
	vm0 =	vlt.s32 v7, $0x0;
	v13 =	vxor.u32 $0x7FFFFFFF, v7;
	[tilespmem:s21+$0x10] =	vst v11;
	v11 =	vsel vm1, v12, v4;
	v12 =	vmovc v7  }
0x7af: {  	v15 =	vsel vm2, v15, v5;
	s5 =	sshll.u32 s5, $0x4;
	v4 =	vld [tilespmem:s17+$0x10C80];
	vm1 =	vlt.s32 v10, $0x0;
	v7 =	vxor.u32 $0x7FFFFFFF, v10;
	[tilespmem:s21+$0x20] =	vst v11;
	s21 =	sadd.s32 $0x80, s21  }
.Ltmp88:
0x7b0: {  	s7 =	sadd.s32 $0x10, s5;
	s16 =	sadd.s32 $0x70, s5;
	v5 =	vld [tilespmem:s0+$0x10C80];
	vm2 =	vlt.s32 v8, $0x0;
	v11 =	vxor.u32 $0x7FFFFFFF, v8;
	v10 =	vsel vm1, v7, v10;
	[tilespmem:s6+$0xFFFFFFC0] =	vst v15;
	(pc) =	sbr.rel @p0 .LBB2_135-.Ltmp88, $4  }
0x7b1: {  	s17 =	sadd.s32 $0x20, s5;
	s18 =	sadd.s32 $0x30, s5;
	s16 =	sand.u32 $0x3FFFFFF0, s16;
	v8 =	vsel vm2, v11, v8;
	vm1 =	vlt.s32 v9, $0x0;
	v11 =	vxor.u32 $0x7FFFFFFF, v9;
	v7 =	vld [tilespmem:s0+$0x10CC0];
	[tilespmem:s21+$0x30] =	vst v10  }
0x7b2: {  	s19 =	sadd.s32 $0x60, s5;
	v15 =	vsel vm0, v13, v12;
	s0 =	sand.u32 $0x3FFFFFF0, s7;
	s7 =	sadd.s32 $0x50, s5;
	v10 =	vld [tilespmem:s16+$0x10C80];
	[tilespmem:s21+$0xFFFFFFD0] =	vst v8;
	v9 =	vsel vm1, v11, v9;
	vm1 =	vlt.s32 v14, $0x0  }
0x7b3: {  	s17 =	sand.u32 $0x3FFFFFF0, s17;
	s18 =	sand.u32 $0x3FFFFFF0, s18;
	s16 =	sand.u32 $0x3FFFFFF0, s7;
	v12 =	vxor.u32 $0x7FFFFFFF, v14;
	v8 =	vld [tilespmem:s0+$0x10C80];
	[tilespmem:s21+$0xFFFFFFE0] =	vst v9;
	vm0 =	vlt.s32 v6, $0x0;
	v11 =	vxor.u32 $0x7FFFFFFF, v6  }
0x7b4: {  	s1 =	sadd.s32 $0x8, s1;
	s0 =	sand.u32 $0x3FFFFFF0, s5;
	v13 =	vsel vm1, v12, v14;
	v9 =	vld [tilespmem:s17+$0x10C80];
	s17 =	sand.u32 $0x3FFFFFF0, s19;
	vm1 =	vlt.s32 v4, $0x0;
	v12 =	vxor.u32 $0x7FFFFFFF, v4;
	[tilespmem:s6+$0x0] =	vst v15  }
0x7b5: {  	[tilespmem:s21+$0xFFFFFFF0] =	vst v13;
	v6 =	vsel vm0, v11, v6  }
0x7b6: {  	v50 =	vld [tilespmem:s18+$0x10C80];
	vm6 =	vlt.s32 v5, $0x0;
	v51 =	vxor.u32 $0x7FFFFFFF, v5;
	v4 =	vsel vm1, v12, v4;
	[tilespmem:s21+$0x10] =	vst v6  }
0x7b7: {  	v52 =	vld [tilespmem:s16+$0x10C80];
	v5 =	vsel vm6, v51, v5;
	[tilespmem:s21+$0x20] =	vst v4;
	vm10 =	vlt.s32 v7, $0x0;
	v56 =	vxor.u32 $0x7FFFFFFF, v7  }
0x7b8: {  	v4 =	vld [tilespmem:s17+$0x10C80];
	vm7 =	vlt.s32 v10, $0x0;
	v53 =	vxor.u32 $0x7FFFFFFF, v10;
	[tilespmem:s21+$0xFFFFFFC0] =	vst v5;
	v7 =	vsel vm10, v56, v7  }
0x7b9: {  	s1 =	sadd.s32 $0x80, s21;
	v5 =	vld [tilespmem:s0+$0x10C80];
	vm8 =	vlt.s32 v8, $0x0;
	v54 =	vxor.u32 $0x7FFFFFFF, v8;
	v10 =	vsel vm7, v53, v10;
	[tilespmem:s21+$0x0] =	vst v7  }
0x7ba: {  	v57 =	vld [tilespmem:s0+$0x10CC0];
	v8 =	vsel vm8, v54, v8;
	vm9 =	vlt.s32 v9, $0x0;
	v55 =	vxor.u32 $0x7FFFFFFF, v9;
	[tilespmem:s1+$0x30] =	vst v10  }
0x7bb: {  	[tilespmem:s1+$0xFFFFFFD0] =	vst v8;
	v58 =	vsel vm9, v55, v9;
	vm11 =	vlt.s32 v50, $0x0;
	v59 =	vxor.u32 $0x7FFFFFFF, v50  }
0x7bc: {  	vm12 =	vlt.s32 v52, $0x0;
	v60 =	vxor.u32 $0x7FFFFFFF, v52;
	[tilespmem:s1+$0xFFFFFFE0] =	vst v58;
	v8 =	vsel vm11, v59, v50  }
0x7bd: {  	vm13 =	vlt.s32 v4, $0x0;
	v61 =	vxor.u32 $0x7FFFFFFF, v4;
	v6 =	vsel vm12, v60, v52;
	[tilespmem:s1+$0xFFFFFFF0] =	vst v8  }
0x7be: {  	vm14 =	vlt.s32 v5, $0x0;
	v62 =	vxor.u32 $0x7FFFFFFF, v5;
	[tilespmem:s1+$0x10] =	vst v6;
	v4 =	vsel vm13, v61, v4  }
0x7bf: {  	vm15 =	vlt.s32 v57, $0x0;
	v63 =	vxor.u32 $0x7FFFFFFF, v57;
	v5 =	vsel vm14, v62, v5;
	[tilespmem:s1+$0x20] =	vst v4  }
0x7c0: {  	v4 =	vsel vm15, v63, v57;
	[tilespmem:s1+$0xFFFFFFC0] =	vst v5  }
0x7c1: {  	s24 =	simm.s32 $0x11D80;
	[tilespmem:s1+$0x0] =	vst v4  }
0x7c2: {  	[hbm4b:s3+s9] =	stream.strided.scatter [tilespmem:s24], [sflag:$0x1], $0x200, s10, s9, $0x38;
	[tilespmem:$0x12580] =	vst v63  }
0x7c3: {  	_ =	swait.ge [sflag:s11], $0x200  }
0x7c4: {  	[sflag:s11] =	ssyncset.done $0x0  }
0x7c5: {  	s26 =	simm.s32 $0x11F80;
	s25 =	rddreg [dreg:$0x3];
	[sflag:s11] =	ssyncadd.s32 $0xFFFFFE00  }
0x7c6: {  	[hbm4b:s25+s9] =	stream.strided.scatter [tilespmem:s26], [sflag:$0x1], $0x200, s10, s9, $0x38;
	[tilespmem:$0x12580] =	vst v63  }
0x7c7: {  	_ =	swait.ge [sflag:s11], $0x200  }
0x7c8: {  	[sflag:s11] =	ssyncset.done $0x0  }
0x7c9: {  	s29 =	simm.s32 $0x12180;
	s28 =	rddreg [dreg:$0x4];
	[sflag:s11] =	ssyncadd.s32 $0xFFFFFE00  }
0x7ca: {  	[hbm4b:s28+s9] =	stream.strided.scatter [tilespmem:s29], [sflag:$0x1], $0x200, s10, s9, $0x38;
	[tilespmem:$0x12580] =	vst v63  }
0x7cb: {  	s20 =	sadd.s32 $0x1, s20;
	_ =	swait.ge [sflag:s11], $0x200  }
0x7cc: {  	s31 =	simm.s32 $0x12380;
	p0 =	sne.s32 s20, s8;
	[sflag:s11] =	ssyncset.done $0x0  }
.Ltmp89:
0x7cd: {  	s30 =	rddreg [dreg:$0x5];
	[sflag:s11] =	ssyncadd.s32 $0xFFFFFE00;
	(pc) =	sbr.rel @p0 .LBB2_1-.Ltmp89, $4  }
0x7ce: {  	[hbm4b:s30+s9] =	stream.strided.scatter [tilespmem:s31], [sflag:$0x1], $0x200, s10, s9, $0x38;
	[tilespmem:$0x12580] =	vst v63  }
0x7cf: {  	_ =	swait.ge [sflag:s11], $0x200  }
0x7d0: {  	[sflag:s11] =	ssyncset.done $0x0  }
0x7d1: {  	[sflag:s11] =	ssyncadd.s32 $0xFFFFFE00  }
0x7d2: {  	_ =	sfence.sel $0x180000  }
0x7d3: {  	[bflag:$0x0] =	sbarrier.arrive $0xFFFF  }
0x7d4: {  	_ =	strace $0x90000047  }
0x7d5: {  	s0 =	stileid.u32;
	[bflag:$0x2] =	sbarrier.arrive $0xFFFF  }
0x7d6: {  	p0 =	sne.s32 s0, $0x0;
	s0 =	rddreg [dreg:$0x2]  }
0x7d7: {  	s0 =	sadd.s32 @!p0 $0x100000, s0  }
0x7d8: {  	[sflag:s0] =	ssyncadd.tile.s32 @!p0 $0x1;
	_ =	shalt  }
.Lfunc_end2:
_tile_overlayer_lowered:
.L_overlay_start_2:
0x7d9: {  	(tag) =	ssettag $0x2  }
0x7da: {  	s0 =	rddreg [dreg:$0x0];
	s2 =	stileid.u32  }
0x7db: {  	s1 =	rddreg [dreg:$0x1];
	p0 =	sne.s32 s2, $0x0  }
0x7dc: {  	s3 =	rddreg [dreg:$0x2];
	[bflag:$0x3] =	sbarrier.arrive $0xFFFF;
	s2 =	simm.s32 @!p0 $0x1C01  }
0x7dd: {  	[timem:s3], [sflag:s2] =	dma.local @!p0 [hbm:s0], s1  }
0x7de: {  	s0 =	simm.s32 @!p0 $0x1  }
0x7df: {  	_ =	swait.ge @!p0 [sflag:s0], s1  }
0x7e0: {  	s1 =	ssub.s32 @!p0 $0x0, s1;
	[sflag:s0] =	ssyncset.done @!p0 $0x0  }
0x7e1: {  	[sflag:s0] =	ssyncadd.s32 @!p0 s1  }
0x7e2: {  	[bflag:$0x3] =	sbarrier.arrive $0xFFFF  }
0x7e3: {  	_ =	shalt  }

</sc_bundles>
